<compile_context>
chip_gen: v7x
topology: tpu7x:2x2x1
jax: 0.10.2.dev20260603
libtpu: 0.0.44.dev20260713+nightly
codegen_flags: <defaults>
</compile_context>

<pallas_src>
import functools

import jax
import jax.numpy as jnp
from jax import lax
from jax.experimental import pallas as pl
from jax.experimental.pallas import tpu as pltpu
from jax.experimental.pallas import tpu_sc as plsc

NC = 2
NS = 16
NW = NC * NS
EBLK = 40
NBUF = 4
CHUNKS = tuple(range(0, EBLK - 15, 16)) + (() if EBLK % 16 == 0 else (EBLK - 16,))
PADR = 16


def _zero_vmem_1d(ref, n):
  zeros = jnp.zeros((16,), ref.dtype)

  def body(i):
    ref[pl.ds(i * 16, 16)] = zeros

  pl.loop(0, n // 16)(body)


def _make_deg_kernel(e, n):
  epw = e // NW
  nblk = epw // EBLK
  mesh = plsc.VectorSubcoreMesh(
      core_axis_name="c", subcore_axis_name="s", num_cores=NC, num_subcores=NS)

  nbuf = NBUF
  assert nblk % nbuf == 0

  @functools.partial(
      pl.kernel,
      mesh=mesh,
      out_type=jax.ShapeDtypeStruct((NC, n + PADR), jnp.float32),
      scratch_types=[
          pltpu.VMEM_SHARED((n + PADR,), jnp.float32),
          pltpu.VMEM((n + PADR,), jnp.float32),
          pltpu.VMEM((EBLK,), jnp.float32),
          pltpu.VMEM((epw,), jnp.int32),
      ]
      + [pltpu.VMEM((EBLK,), jnp.int32) for _ in range(nbuf)]
      + [pltpu.SemaphoreType.DMA for _ in range(nbuf + 1)],
  )
  def deg_kernel(dst_hbm, out_hbm, deg_sh, zbuf, ones_v, didx, *rest):
    dbufs = rest[:nbuf]
    ssems = rest[nbuf:2 * nbuf]
    isem = rest[2 * nbuf]
    cid = lax.axis_index("c")
    sid = lax.axis_index("s")
    wid = sid * NC + cid

    pltpu.async_copy(dst_hbm.at[wid], didx, isem)

    ones16 = jnp.ones((16,), jnp.float32)
    for o in CHUNKS:
      ones_v[pl.ds(o, 16)] = ones16

    @pl.when(sid == 0)
    def _():
      _zero_vmem_1d(zbuf, n + PADR)
      pltpu.sync_copy(zbuf, deg_sh)

    pltpu.make_async_copy(dst_hbm.at[wid], didx, isem).wait()
    plsc.subcore_barrier()

    def wait_scatter(k):
      pltpu.make_async_copy(ones_v, deg_sh.at[dbufs[k]], ssems[k]).wait()

    def body(i):
      for k in range(nbuf):
        j = i * nbuf + k

        @pl.when(i >= 1)
        def _():
          wait_scatter(k)

        base = j * EBLK
        for o in CHUNKS:
          dbufs[k][pl.ds(o, 16)] = didx[pl.ds(base + o, 16)]
        pltpu.async_copy(ones_v, deg_sh.at[dbufs[k]], ssems[k], add=True)

    pl.loop(0, nblk // nbuf)(body)

    for k in range(nbuf):
      wait_scatter(k)

    plsc.subcore_barrier()

    @pl.when(sid == 0)
    def _():
      pltpu.sync_copy(deg_sh, out_hbm.at[cid])

  return deg_kernel


def _make_scatter_kernel(e, n, d):
  epw = e // NW
  nblk = epw // EBLK
  mesh = plsc.VectorSubcoreMesh(
      core_axis_name="c", subcore_axis_name="s", num_cores=NC, num_subcores=NS)

  nbuf = NBUF
  zr = EBLK
  nch = n // zr
  bch = nch // NS
  xch = nch - bch * NS
  assert nblk % nbuf == 0 and nblk > 2 * nbuf and n % zr == 0 and zr % 8 == 0

  @functools.partial(
      pl.kernel,
      mesh=mesh,
      out_type=jax.ShapeDtypeStruct((NC, n, d), jnp.float32),
      scratch_types=[
          pltpu.VMEM_SHARED((n + PADR, d), jnp.float32),
          pltpu.VMEM((epw,), jnp.int32),
          pltpu.VMEM((epw,), jnp.int32),
      ]
      + [pltpu.VMEM((EBLK, d), jnp.float32) for _ in range(nbuf)]
      + [pltpu.VMEM((EBLK,), jnp.int32) for _ in range(nbuf)]
      + [pltpu.SemaphoreType.DMA for _ in range(2 * nbuf + 2)],
  )
  def scatter_kernel(hp_hbm, src_hbm, dst_hbm, out_hbm,
                     acc_sh, sidx, didx, *bufs_and_sems):
    bufs = bufs_and_sems[:nbuf]
    dbufs = bufs_and_sems[nbuf:2 * nbuf]
    gsems = bufs_and_sems[2 * nbuf:3 * nbuf]
    ssems = bufs_and_sems[3 * nbuf:4 * nbuf]
    zsem = bufs_and_sems[4 * nbuf]
    wsem = bufs_and_sems[4 * nbuf + 1]
    cid = lax.axis_index("c")
    sid = lax.axis_index("s")
    wid = sid * NC + cid
    ch0 = sid * bch + jnp.minimum(sid, xch)

    pltpu.async_copy(src_hbm.at[wid], sidx, gsems[0])
    pltpu.async_copy(dst_hbm.at[wid], didx, gsems[1])

    zeros16 = jnp.zeros((16,), jnp.float32)

    def zfill(i):
      def zrow(c):
        bufs[0][i, pl.ds(c * 16, 16)] = zeros16
      pl.loop(0, d // 16)(zrow)

    pl.loop(0, EBLK)(zfill)

    def zissue(i):
      pltpu.async_copy(bufs[0], acc_sh.at[pl.ds((ch0 + i) * zr, zr)], zsem)

    def zdrain(i):
      pltpu.make_async_copy(bufs[0], acc_sh.at[pl.ds(0, zr)], zsem).wait()

    pl.loop(0, bch)(zissue)

    @pl.when(sid < xch)
    def _():
      zissue(bch)

    pl.loop(0, bch)(zdrain)

    @pl.when(sid < xch)
    def _():
      zdrain(0)

    pltpu.make_async_copy(src_hbm.at[wid], sidx, gsems[0]).wait()
    pltpu.make_async_copy(dst_hbm.at[wid], didx, gsems[1]).wait()
    plsc.subcore_barrier()

    def issue_block(j, k):
      pltpu.async_copy(hp_hbm.at[sidx.at[pl.ds(j * EBLK, EBLK)]],
                       bufs[k], gsems[k])
      base = j * EBLK
      for o in CHUNKS:
        dbufs[k][pl.ds(o, 16)] = didx[pl.ds(base + o, 16)]

    def wait_block(k):
      pltpu.make_async_copy(hp_hbm.at[sidx.at[pl.ds(0, EBLK)]],
                            bufs[k], gsems[k]).wait()

    def issue_scatter(k):
      pltpu.async_copy(bufs[k], acc_sh.at[dbufs[k]], ssems[k], add=True)

    def wait_scatter(k):
      pltpu.make_async_copy(bufs[k], acc_sh.at[dbufs[k]], ssems[k]).wait()

    for b in range(nbuf - 1):
      issue_block(b, b)

    def body(i):
      for k in range(nbuf):
        j = i * nbuf + k
        kn = (k + nbuf - 1) % nbuf
        wait_block(k)
        issue_scatter(k)

        @pl.when(j + nbuf - 1 < nblk)
        def _():
          @pl.when(j >= 1)
          def _():
            wait_scatter(kn)

          issue_block(j + nbuf - 1, kn)

    pl.loop(0, nblk // nbuf)(body)

    for k in range(nbuf):
      wait_scatter(k)

    plsc.subcore_barrier()

    def wissue(i):
      row = (ch0 + i) * zr
      pltpu.async_copy(acc_sh.at[pl.ds(row, zr)],
                       out_hbm.at[cid, pl.ds(row, zr)], wsem)

    def wdrain(i):
      pltpu.make_async_copy(acc_sh.at[pl.ds(0, zr)],
                            out_hbm.at[cid, pl.ds(0, zr)], wsem).wait()

    pl.loop(0, bch)(wissue)

    @pl.when(sid < xch)
    def _():
      wissue(bch)

    pl.loop(0, bch)(wdrain)

    @pl.when(sid < xch)
    def _():
      wdrain(0)

  return scatter_kernel


def _matscale_body(x_ref, w_ref, d_ref, o_ref):
  o_ref[...] = (
      jnp.dot(x_ref[...], w_ref[...], preferred_element_type=jnp.float32)
      * d_ref[...]
  )


def _matscale(x, w, d2, rblk):
  n, dim = x.shape
  grid = n // rblk
  return pl.pallas_call(
      _matscale_body,
      grid=(grid,),
      in_specs=[
          pl.BlockSpec((rblk, dim), lambda i: (i, 0)),
          pl.BlockSpec((dim, dim), lambda i: (0, 0)),
          pl.BlockSpec((rblk, 1), lambda i: (i, 0)),
      ],
      out_specs=pl.BlockSpec((rblk, dim), lambda i: (i, 0)),
      out_shape=jax.ShapeDtypeStruct((n, dim), jnp.float32),
  )(x, w, d2)


def _step_body(p0_ref, p1_ref, hp_ref, d_ref, b_ref, w_ref, hpn_ref, s_ref):
  xv = d_ref[...] * (p0_ref[...] + p1_ref[...] + hp_ref[...]) + b_ref[...]

  @pl.when(pl.program_id(0) == 0)
  def _():
    s_ref[...] = jnp.zeros_like(s_ref)

  s_ref[...] += jnp.sum(xv, axis=0, keepdims=True)
  hpn_ref[...] = (
      jnp.dot(xv, w_ref[...], preferred_element_type=jnp.float32) * d_ref[...]
  )


def _step(p0, p1, hp, d2, b2, w, rblk):
  n, dim = hp.shape
  grid = n // rblk
  return pl.pallas_call(
      _step_body,
      grid=(grid,),
      in_specs=[
          pl.BlockSpec((rblk, dim), lambda i: (i, 0)),
          pl.BlockSpec((rblk, dim), lambda i: (i, 0)),
          pl.BlockSpec((rblk, dim), lambda i: (i, 0)),
          pl.BlockSpec((rblk, 1), lambda i: (i, 0)),
          pl.BlockSpec((1, dim), lambda i: (0, 0)),
          pl.BlockSpec((dim, dim), lambda i: (0, 0)),
      ],
      out_specs=[
          pl.BlockSpec((rblk, dim), lambda i: (i, 0)),
          pl.BlockSpec((1, dim), lambda i: (0, 0)),
      ],
      out_shape=[
          jax.ShapeDtypeStruct((n, dim), jnp.float32),
          jax.ShapeDtypeStruct((1, dim), jnp.float32),
      ],
  )(p0, p1, hp, d2, b2, w)


def _colsum_body(p0_ref, p1_ref, hp_ref, d_ref, b_ref, s_ref):
  xv = d_ref[...] * (p0_ref[...] + p1_ref[...] + hp_ref[...]) + b_ref[...]

  @pl.when(pl.program_id(0) == 0)
  def _():
    s_ref[...] = jnp.zeros_like(s_ref)

  s_ref[...] += jnp.sum(xv, axis=0, keepdims=True)


def _colsum(p0, p1, hp, d2, b2, rblk):
  n, dim = hp.shape
  grid = n // rblk
  return pl.pallas_call(
      _colsum_body,
      grid=(grid,),
      in_specs=[
          pl.BlockSpec((rblk, dim), lambda i: (i, 0)),
          pl.BlockSpec((rblk, dim), lambda i: (i, 0)),
          pl.BlockSpec((rblk, dim), lambda i: (i, 0)),
          pl.BlockSpec((rblk, 1), lambda i: (i, 0)),
          pl.BlockSpec((1, dim), lambda i: (0, 0)),
      ],
      out_specs=pl.BlockSpec((1, dim), lambda i: (0, 0)),
      out_shape=jax.ShapeDtypeStruct((1, dim), jnp.float32),
  )(p0, p1, hp, d2, b2)


def kernel(x, edge_index, W1, b1, W2, b2, W3, b3, W4, b4):
  n, dim = x.shape
  e = edge_index.shape[1]
  assert dim % 16 == 0

  grain = NW * EBLK * NBUF
  ep = ((e + grain - 1) // grain) * grain
  npad = ep - e
  epw = ep // NW
  src_flat = edge_index[0]
  dst_flat = edge_index[1]
  if npad:
    ar = jnp.arange(npad, dtype=jnp.int32)
    src_flat = jnp.concatenate([src_flat, (ar * 197) % n])
    dst_flat = jnp.concatenate([dst_flat, n + (ar % PADR)])
  src2 = src_flat.reshape(NW, epw)
  dst2 = dst_flat.reshape(NW, epw)

  deg_parts = _make_deg_kernel(ep, n)(dst2)
  deg = deg_parts[0, :n] + deg_parts[1, :n] + 1.0
  d2 = jnp.where(deg > 0, lax.rsqrt(deg), 0.0)[:, None]

  scatter = _make_scatter_kernel(ep, n, dim)
  rblk = 2000

  sums = []
  hp = _matscale(x, W1, d2, rblk)
  for b, wn in ((b1, W2), (b2, W3), (b3, W4)):
    parts = scatter(hp, src2, dst2)
    hp, s = _step(parts[0], parts[1], hp, d2, b.reshape(1, dim), wn, rblk)
    sums.append(s[0])
  parts = scatter(hp, src2, dst2)
  s = _colsum(parts[0], parts[1], hp, d2, b4.reshape(1, dim), rblk)
  sums.append(s[0])

  return jnp.concatenate(sums) / n

# --- scband reference (transcript-rebuilt; emitter-appended) ---
"""Pipeline reference for scband-sim-gcn-85203561218382 (READ-ONLY COPY).

The authoritative reference and input builder live on the scoring server;
editing this copy changes nothing except your own understanding.
"""

import jax, jax.numpy as jnp
import numpy as np

N = 10000
E = 320000
D = 128


def setup_inputs(seed: int = 0) -> dict:
    key = jax.random.key(seed)
    ks = jax.random.split(key, 12)
    x = jax.random.normal(ks[0], (N, D), dtype=jnp.float32)
    edge_index = jax.random.randint(ks[1], (2, E), 0, N, dtype=jnp.int32)
    scale = 1.0 / np.sqrt(D)
    W1 = jax.random.normal(ks[2], (D, D), dtype=jnp.float32) * scale
    b1 = jnp.zeros((D,), dtype=jnp.float32)
    W2 = jax.random.normal(ks[3], (D, D), dtype=jnp.float32) * scale
    b2 = jnp.zeros((D,), dtype=jnp.float32)
    W3 = jax.random.normal(ks[4], (D, D), dtype=jnp.float32) * scale
    b3 = jnp.zeros((D,), dtype=jnp.float32)
    W4 = jax.random.normal(ks[5], (D, D), dtype=jnp.float32) * scale
    b4 = jnp.zeros((D,), dtype=jnp.float32)
    return {"x": x, "edge_index": edge_index, "W1": W1, "b1": b1, "W2": W2, "b2": b2, "W3": W3, "b3": b3, "W4": W4, "b4": b4}


def _gcn_conv(x, edge_index, W, b):
    # Faithful GCNConv: add self-loops, symmetric deg^{-1/2} normalization,
    # gather messages from src, scatter-add to dst, then bias.
    n = x.shape[0]
    loop = jnp.arange(n, dtype=edge_index.dtype)
    src = jnp.concatenate([edge_index[0], loop])
    dst = jnp.concatenate([edge_index[1], loop])
    deg = jax.ops.segment_sum(jnp.ones_like(src, dtype=x.dtype), dst, num_segments=n)
    deg_inv_sqrt = jnp.where(deg > 0, 1.0 / jnp.sqrt(deg), 0.0)
    norm = deg_inv_sqrt[src] * deg_inv_sqrt[dst]
    h = x @ W
    msg = jnp.take(h, src, axis=0) * norm[:, None]
    out = jax.ops.segment_sum(msg, dst, num_segments=n)
    return out + b


def reference(x, edge_index, W1, b1, W2, b2, W3, b3, W4, b4):
    x1 = _gcn_conv(x, edge_index, W1, b1)
    x2 = _gcn_conv(x1, edge_index, W2, b2)
    x3 = _gcn_conv(x2, edge_index, W3, b3)
    x4 = _gcn_conv(x3, edge_index, W4, b4)
    x_all = jnp.concatenate([x1, x2, x3, x4], axis=1)
    return jnp.mean(x_all, axis=0)

if __name__ == "__main__":
    import jax
    _d = setup_inputs()
    print(jax.jit(kernel)(*tuple(_d.values())))

</pallas_src>

<mosaic_0001>
#map = affine_map<(d0, d1) -> (0, 0)>
#map1 = affine_map<(d0, d1) -> (0, 0, 0)>
module attributes {stable_mosaic.version = 14 : i64} {
  func.func @scatter_kernel(%arg0: i32, %arg1: i32, %arg2: memref<10000x128xf32, #tpu.memory_space<hbm>>, %arg3: memref<32x10080xi32, #tpu.memory_space<hbm>>, %arg4: memref<32x10080xi32, #tpu.memory_space<hbm>>, %arg5: memref<2x10000x128xf32, #tpu.memory_space<hbm>>, %arg6: memref<10016x128xf32, #tpu.memory_space<vmem_shared>>, %arg7: memref<10080xi32, #tpu.memory_space<vmem>>, %arg8: memref<10080xi32, #tpu.memory_space<vmem>>, %arg9: memref<40x128xf32, #tpu.memory_space<vmem>>, %arg10: memref<40x128xf32, #tpu.memory_space<vmem>>, %arg11: memref<40x128xf32, #tpu.memory_space<vmem>>, %arg12: memref<40x128xf32, #tpu.memory_space<vmem>>, %arg13: memref<40xi32, #tpu.memory_space<vmem>>, %arg14: memref<40xi32, #tpu.memory_space<vmem>>, %arg15: memref<40xi32, #tpu.memory_space<vmem>>, %arg16: memref<40xi32, #tpu.memory_space<vmem>>, %arg17: memref<!tpu.dma_semaphore, #tpu.memory_space<semaphore_mem>>, %arg18: memref<!tpu.dma_semaphore, #tpu.memory_space<semaphore_mem>>, %arg19: memref<!tpu.dma_semaphore, #tpu.memory_space<semaphore_mem>>, %arg20: memref<!tpu.dma_semaphore, #tpu.memory_space<semaphore_mem>>, %arg21: memref<!tpu.dma_semaphore, #tpu.memory_space<semaphore_mem>>, %arg22: memref<!tpu.dma_semaphore, #tpu.memory_space<semaphore_mem>>, %arg23: memref<!tpu.dma_semaphore, #tpu.memory_space<semaphore_mem>>, %arg24: memref<!tpu.dma_semaphore, #tpu.memory_space<semaphore_mem>>, %arg25: memref<!tpu.dma_semaphore, #tpu.memory_space<semaphore_mem>>, %arg26: memref<!tpu.dma_semaphore, #tpu.memory_space<semaphore_mem>>) attributes {dimension_semantics = [#tpu.dimension_semantics<core_parallel>, #tpu.dimension_semantics<subcore_parallel>], iteration_bounds = array<i64: 2, 16>, scalar_prefetch = 0 : i64, scratch_operands = 21 : i64, tpu.core_type = #tpu.core_type<sc_vector_subcore>, window_params = [{transform_indices = #map}, {transform_indices = #map}, {transform_indices = #map}, {transform_indices = #map1}]} {
    %mul3A = arith.constant 2 : i32
    %mul3A_0 = arith.muli %arg1, %mul3A : i32
    %add3A = arith.addi %mul3A_0, %arg0 : i32
    %mul3A_1 = arith.constant 15 : i32
    %mul3A_2 = arith.muli %arg1, %mul3A_1 : i32
    %min3A = arith.constant 10 : i32
    %min3A_3 = arith.minsi %arg1, %min3A : i32
    %add3A_4 = arith.addi %mul3A_2, %min3A_3 : i32
    %dma_start3A = arith.constant 0 : i32
    %dma_start3A_5 = tpu.memref_slice %arg3[%add3A, %dma_start3A] : memref<32x10080xi32, #tpu.memory_space<hbm>> -> memref<1x10080xi32, #tpu.memory_space<hbm>>
    %dma_start3A_6 = tpu.memref_squeeze %dma_start3A_5 : memref<1x10080xi32, #tpu.memory_space<hbm>> -> memref<10080xi32, #tpu.memory_space<hbm>>
    %dma_start3A_7 = arith.constant 0 : i32
    %dma_start3A_8 = tpu.memref_slice %arg3[%add3A, %dma_start3A_7] : memref<32x10080xi32, #tpu.memory_space<hbm>> -> memref<1x10080xi32, #tpu.memory_space<hbm>>
    %dma_start3A_9 = tpu.memref_squeeze %dma_start3A_8 : memref<1x10080xi32, #tpu.memory_space<hbm>> -> memref<10080xi32, #tpu.memory_space<hbm>>
    tpu.enqueue_dma source(%dma_start3A_9 : memref<10080xi32, #tpu.memory_space<hbm>>) target(%arg7 : memref<10080xi32, #tpu.memory_space<vmem>>) target_semaphore(%arg17 : memref<!tpu.dma_semaphore, #tpu.memory_space<semaphore_mem>>)
    %dma_start3A_10 = arith.constant 0 : i32
    %dma_start3A_11 = tpu.memref_slice %arg4[%add3A, %dma_start3A_10] : memref<32x10080xi32, #tpu.memory_space<hbm>> -> memref<1x10080xi32, #tpu.memory_space<hbm>>
    %dma_start3A_12 = tpu.memref_squeeze %dma_start3A_11 : memref<1x10080xi32, #tpu.memory_space<hbm>> -> memref<10080xi32, #tpu.memory_space<hbm>>
    %dma_start3A_13 = arith.constant 0 : i32
    %dma_start3A_14 = tpu.memref_slice %arg4[%add3A, %dma_start3A_13] : memref<32x10080xi32, #tpu.memory_space<hbm>> -> memref<1x10080xi32, #tpu.memory_space<hbm>>
    %dma_start3A_15 = tpu.memref_squeeze %dma_start3A_14 : memref<1x10080xi32, #tpu.memory_space<hbm>> -> memref<10080xi32, #tpu.memory_space<hbm>>
    tpu.enqueue_dma source(%dma_start3A_15 : memref<10080xi32, #tpu.memory_space<hbm>>) target(%arg8 : memref<10080xi32, #tpu.memory_space<vmem>>) target_semaphore(%arg18 : memref<!tpu.dma_semaphore, #tpu.memory_space<semaphore_mem>>)
    %broadcast_in_dim3A = arith.constant 0.000000e+00 : f32
    %broadcast_in_dim3A_16 = vector.broadcast %broadcast_in_dim3A : f32 to vector<16xf32>
    %scan3A = arith.constant 0 : i32
    %scan3A_17 = arith.constant 40 : i32
    %scan3A_18 = arith.addi %scan3A, %scan3A_17 : i32
    %scan3A_19 = arith.constant 1 : i32
    scf.for %scan3A_163 = %scan3A to %scan3A_18 step %scan3A_19  : i32 {
      %mul3A_164 = arith.constant 1 : i32
      %mul3A_165 = arith.muli %scan3A_163, %mul3A_164 : i32
      %add3A_166 = arith.constant 0 : i32
      %add3A_167 = arith.addi %add3A_166, %mul3A_165 : i32
      %scan3A_168 = arith.constant 0 : i32
      %scan3A_169 = arith.constant 8 : i32
      %scan3A_170 = arith.addi %scan3A_168, %scan3A_169 : i32
      %scan3A_171 = arith.constant 1 : i32
      scf.for %scan3A_173 = %scan3A_168 to %scan3A_170 step %scan3A_171  : i32 {
        %mul3A_174 = arith.constant 1 : i32
        %mul3A_175 = arith.muli %scan3A_173, %mul3A_174 : i32
        %add3A_176 = arith.constant 0 : i32
        %add3A_177 = arith.addi %add3A_176, %mul3A_175 : i32
        %mul3A_178 = arith.constant 16 : i32
        %mul3A_179 = arith.muli %add3A_177, %mul3A_178 : i32
        %swap3A_180 = arith.index_cast %add3A_167 : i32 to index
        %swap3A_181 = arith.index_cast %mul3A_179 : i32 to index
        %swap3A_182 = tpu.vector_load %arg9[%swap3A_180, %swap3A_181] {strides = array<i32>} : memref<40x128xf32, #tpu.memory_space<vmem>>, vector<1x16xf32>,
        %swap3A_183 = vector.shape_cast %swap3A_182 : vector<1x16xf32> to vector<16xf32>
        %swap3A_184 = vector.shape_cast %broadcast_in_dim3A_16 : vector<16xf32> to vector<1x16xf32>
        tpu.vector_store %arg9[%swap3A_180, %swap3A_181], %swap3A_184 {strides = array<i32>} : memref<40x128xf32, #tpu.memory_space<vmem>>, vector<1x16xf32>,
      }
      %scan3A_172 = arith.constant 8 : i32
    }
    %scan3A_20 = arith.constant 40 : i32
    %scan3A_21 = arith.constant 0 : i32
    %scan3A_22 = arith.constant 15 : i32
    %scan3A_23 = arith.addi %scan3A_21, %scan3A_22 : i32
    %scan3A_24 = arith.constant 1 : i32
    scf.for %scan3A_163 = %scan3A_21 to %scan3A_23 step %scan3A_24  : i32 {
      %mul3A_164 = arith.constant 1 : i32
      %mul3A_165 = arith.muli %scan3A_163, %mul3A_164 : i32
      %add3A_166 = arith.constant 0 : i32
      %add3A_167 = arith.addi %add3A_166, %mul3A_165 : i32
      %add3A_168 = arith.addi %add3A_4, %add3A_167 : i32
      %mul3A_169 = arith.constant 40 : i32
      %mul3A_170 = arith.muli %add3A_168, %mul3A_169 : i32
      %dma_start3A_171 = arith.constant 0 : i32
      %dma_start3A_172 = tpu.memref_slice %arg6[%mul3A_170, %dma_start3A_171] : memref<10016x128xf32, #tpu.memory_space<vmem_shared>> -> memref<40x128xf32, #tpu.memory_space<vmem_shared>>
      %dma_start3A_173 = arith.constant 0 : i32
      %dma_start3A_174 = tpu.memref_slice %arg6[%mul3A_170, %dma_start3A_173] : memref<10016x128xf32, #tpu.memory_space<vmem_shared>> -> memref<40x128xf32, #tpu.memory_space<vmem_shared>>
      tpu.enqueue_dma source(%arg9 : memref<40x128xf32, #tpu.memory_space<vmem>>) target(%dma_start3A_174 : memref<40x128xf32, #tpu.memory_space<vmem_shared>>) target_semaphore(%arg25 : memref<!tpu.dma_semaphore, #tpu.memory_space<semaphore_mem>>)
    }
    %scan3A_25 = arith.constant 15 : i32
    %lt3A = arith.constant 10 : i32
    %lt3A_26 = arith.cmpi slt, %arg1, %lt3A : i32
    %convert_element_type3A = arith.extui %lt3A_26 : i1 to i32
    %cond3A = arith.constant 0 : i32
    %cond3A_27 = arith.cmpi ne, %convert_element_type3A, %cond3A : i32
    scf.if %cond3A_27 {
      %add3A_163 = arith.constant 15 : i32
      %add3A_164 = arith.addi %add3A_4, %add3A_163 : i32
      %mul3A_165 = arith.constant 40 : i32
      %mul3A_166 = arith.muli %add3A_164, %mul3A_165 : i32
      %dma_start3A_167 = arith.constant 0 : i32
      %dma_start3A_168 = tpu.memref_slice %arg6[%mul3A_166, %dma_start3A_167] : memref<10016x128xf32, #tpu.memory_space<vmem_shared>> -> memref<40x128xf32, #tpu.memory_space<vmem_shared>>
      %dma_start3A_169 = arith.constant 0 : i32
      %dma_start3A_170 = tpu.memref_slice %arg6[%mul3A_166, %dma_start3A_169] : memref<10016x128xf32, #tpu.memory_space<vmem_shared>> -> memref<40x128xf32, #tpu.memory_space<vmem_shared>>
      tpu.enqueue_dma source(%arg9 : memref<40x128xf32, #tpu.memory_space<vmem>>) target(%dma_start3A_170 : memref<40x128xf32, #tpu.memory_space<vmem_shared>>) target_semaphore(%arg25 : memref<!tpu.dma_semaphore, #tpu.memory_space<semaphore_mem>>)
    } else {
    }
    %scan3A_28 = arith.constant 0 : i32
    %scan3A_29 = arith.constant 15 : i32
    %scan3A_30 = arith.addi %scan3A_28, %scan3A_29 : i32
    %scan3A_31 = arith.constant 1 : i32
    scf.for %scan3A_163 = %scan3A_28 to %scan3A_30 step %scan3A_31  : i32 {
      %mul3A_164 = arith.constant 1 : i32
      %mul3A_165 = arith.muli %scan3A_163, %mul3A_164 : i32
      %add3A_166 = arith.constant 0 : i32
      %add3A_167 = arith.addi %add3A_166, %mul3A_165 : i32
      %dma_wait3A_168 = arith.constant 0 : i32
      %dma_wait3A_169 = arith.constant 0 : i32
      %dma_wait3A_170 = tpu.memref_slice %arg6[%dma_wait3A_168, %dma_wait3A_169] : memref<10016x128xf32, #tpu.memory_space<vmem_shared>> -> memref<40x128xf32, #tpu.memory_space<vmem_shared>>
      %dma_wait3A_171 = arith.constant 0 : i32
      %dma_wait3A_172 = arith.constant 0 : i32
      %dma_wait3A_173 = tpu.memref_slice %arg6[%dma_wait3A_171, %dma_wait3A_172] : memref<10016x128xf32, #tpu.memory_space<vmem_shared>> -> memref<40x128xf32, #tpu.memory_space<vmem_shared>>
      tpu.wait_dma2 semaphore(%arg25 : memref<!tpu.dma_semaphore, #tpu.memory_space<semaphore_mem>>) src(%arg9 : memref<40x128xf32, #tpu.memory_space<vmem>>) dst(%dma_wait3A_173 : memref<40x128xf32, #tpu.memory_space<vmem_shared>>)
    }
    %scan3A_32 = arith.constant 15 : i32
    %lt3A_33 = arith.constant 10 : i32
    %lt3A_34 = arith.cmpi slt, %arg1, %lt3A_33 : i32
    %convert_element_type3A_35 = arith.extui %lt3A_34 : i1 to i32
    %cond3A_36 = arith.constant 0 : i32
    %cond3A_37 = arith.cmpi ne, %convert_element_type3A_35, %cond3A_36 : i32
    scf.if %cond3A_37 {
      %dma_wait3A_163 = arith.constant 0 : i32
      %dma_wait3A_164 = arith.constant 0 : i32
      %dma_wait3A_165 = tpu.memref_slice %arg6[%dma_wait3A_163, %dma_wait3A_164] : memref<10016x128xf32, #tpu.memory_space<vmem_shared>> -> memref<40x128xf32, #tpu.memory_space<vmem_shared>>
      %dma_wait3A_166 = arith.constant 0 : i32
      %dma_wait3A_167 = arith.constant 0 : i32
      %dma_wait3A_168 = tpu.memref_slice %arg6[%dma_wait3A_166, %dma_wait3A_167] : memref<10016x128xf32, #tpu.memory_space<vmem_shared>> -> memref<40x128xf32, #tpu.memory_space<vmem_shared>>
      tpu.wait_dma2 semaphore(%arg25 : memref<!tpu.dma_semaphore, #tpu.memory_space<semaphore_mem>>) src(%arg9 : memref<40x128xf32, #tpu.memory_space<vmem>>) dst(%dma_wait3A_168 : memref<40x128xf32, #tpu.memory_space<vmem_shared>>)
    } else {
    }
    %dma_wait3A = arith.constant 0 : i32
    %dma_wait3A_38 = tpu.memref_slice %arg3[%add3A, %dma_wait3A] : memref<32x10080xi32, #tpu.memory_space<hbm>> -> memref<1x10080xi32, #tpu.memory_space<hbm>>
    %dma_wait3A_39 = tpu.memref_squeeze %dma_wait3A_38 : memref<1x10080xi32, #tpu.memory_space<hbm>> -> memref<10080xi32, #tpu.memory_space<hbm>>
    %dma_wait3A_40 = arith.constant 0 : i32
    %dma_wait3A_41 = tpu.memref_slice %arg3[%add3A, %dma_wait3A_40] : memref<32x10080xi32, #tpu.memory_space<hbm>> -> memref<1x10080xi32, #tpu.memory_space<hbm>>
    %dma_wait3A_42 = tpu.memref_squeeze %dma_wait3A_41 : memref<1x10080xi32, #tpu.memory_space<hbm>> -> memref<10080xi32, #tpu.memory_space<hbm>>
    tpu.wait_dma2 semaphore(%arg17 : memref<!tpu.dma_semaphore, #tpu.memory_space<semaphore_mem>>) src(%dma_wait3A_42 : memref<10080xi32, #tpu.memory_space<hbm>>) dst(%arg7 : memref<10080xi32, #tpu.memory_space<vmem>>)
    %dma_wait3A_43 = arith.constant 0 : i32
    %dma_wait3A_44 = tpu.memref_slice %arg4[%add3A, %dma_wait3A_43] : memref<32x10080xi32, #tpu.memory_space<hbm>> -> memref<1x10080xi32, #tpu.memory_space<hbm>>
    %dma_wait3A_45 = tpu.memref_squeeze %dma_wait3A_44 : memref<1x10080xi32, #tpu.memory_space<hbm>> -> memref<10080xi32, #tpu.memory_space<hbm>>
    %dma_wait3A_46 = arith.constant 0 : i32
    %dma_wait3A_47 = tpu.memref_slice %arg4[%add3A, %dma_wait3A_46] : memref<32x10080xi32, #tpu.memory_space<hbm>> -> memref<1x10080xi32, #tpu.memory_space<hbm>>
    %dma_wait3A_48 = tpu.memref_squeeze %dma_wait3A_47 : memref<1x10080xi32, #tpu.memory_space<hbm>> -> memref<10080xi32, #tpu.memory_space<hbm>>
    tpu.wait_dma2 semaphore(%arg18 : memref<!tpu.dma_semaphore, #tpu.memory_space<semaphore_mem>>) src(%dma_wait3A_48 : memref<10080xi32, #tpu.memory_space<hbm>>) dst(%arg8 : memref<10080xi32, #tpu.memory_space<vmem>>)
    %barrier3A = arith.constant 0 : index
    tpu.barrier barrier_id(%barrier3A)
    %dma_start3A_49 = arith.constant 0 : i32
    %dma_start3A_50 = tpu.memref_slice %arg7[%dma_start3A_49] : memref<10080xi32, #tpu.memory_space<vmem>> -> memref<40xi32, #tpu.memory_space<vmem>>
    %dma_start3A_51 = arith.constant 0 : i32
    %dma_start3A_52 = arith.constant 0 : i32
    %dma_start3A_53 = tpu.memref_slice %arg2[%dma_start3A_51, %dma_start3A_52] : memref<10000x128xf32, #tpu.memory_space<hbm>> -> memref<10000x128xf32, #tpu.memory_space<hbm>>
    tpu.enqueue_indirect_dma source(%dma_start3A_53 : memref<10000x128xf32, #tpu.memory_space<hbm>>) target(%arg9 : memref<40x128xf32, #tpu.memory_space<vmem>>) offsets(%dma_start3A_50 : memref<40xi32, #tpu.memory_space<vmem>>) semaphore(%arg17 : memref<!tpu.dma_semaphore, #tpu.memory_space<semaphore_mem>>)
    %get3A = arith.constant 0 : index
    %get3A_54 = tpu.vector_load %arg8[%get3A] {strides = array<i32>} : memref<10080xi32, #tpu.memory_space<vmem>>, vector<16xi32>,
    %get3A_55 = vector.shape_cast %get3A_54 : vector<16xi32> to vector<16xi32>
    %swap3A = arith.constant 0 : index
    %swap3A_56 = tpu.vector_load %arg13[%swap3A] {strides = array<i32>} : memref<40xi32, #tpu.memory_space<vmem>>, vector<16xi32>,
    %swap3A_57 = vector.shape_cast %swap3A_56 : vector<16xi32> to vector<16xi32>
    %swap3A_58 = vector.shape_cast %get3A_55 : vector<16xi32> to vector<16xi32>
    tpu.vector_store %arg13[%swap3A], %swap3A_58 {strides = array<i32>} : memref<40xi32, #tpu.memory_space<vmem>>, vector<16xi32>,
    %get3A_59 = arith.constant 16 : index
    %get3A_60 = tpu.vector_load %arg8[%get3A_59] {strides = array<i32>} : memref<10080xi32, #tpu.memory_space<vmem>>, vector<16xi32>,
    %get3A_61 = vector.shape_cast %get3A_60 : vector<16xi32> to vector<16xi32>
    %swap3A_62 = arith.constant 16 : index
    %swap3A_63 = tpu.vector_load %arg13[%swap3A_62] {strides = array<i32>} : memref<40xi32, #tpu.memory_space<vmem>>, vector<16xi32>,
    %swap3A_64 = vector.shape_cast %swap3A_63 : vector<16xi32> to vector<16xi32>
    %swap3A_65 = vector.shape_cast %get3A_61 : vector<16xi32> to vector<16xi32>
    tpu.vector_store %arg13[%swap3A_62], %swap3A_65 {strides = array<i32>} : memref<40xi32, #tpu.memory_space<vmem>>, vector<16xi32>,
    %get3A_66 = arith.constant 24 : index
    %get3A_67 = tpu.vector_load %arg8[%get3A_66] {strides = array<i32>} : memref<10080xi32, #tpu.memory_space<vmem>>, vector<16xi32>,
    %get3A_68 = vector.shape_cast %get3A_67 : vector<16xi32> to vector<16xi32>
    %swap3A_69 = arith.constant 24 : index
    %swap3A_70 = tpu.vector_load %arg13[%swap3A_69] {strides = array<i32>} : memref<40xi32, #tpu.memory_space<vmem>>, vector<16xi32>,
    %swap3A_71 = vector.shape_cast %swap3A_70 : vector<16xi32> to vector<16xi32>
    %swap3A_72 = vector.shape_cast %get3A_68 : vector<16xi32> to vector<16xi32>
    tpu.vector_store %arg13[%swap3A_69], %swap3A_72 {strides = array<i32>} : memref<40xi32, #tpu.memory_space<vmem>>, vector<16xi32>,
    %dma_start3A_73 = arith.constant 40 : i32
    %dma_start3A_74 = tpu.memref_slice %arg7[%dma_start3A_73] : memref<10080xi32, #tpu.memory_space<vmem>> -> memref<40xi32, #tpu.memory_space<vmem>>
    %dma_start3A_75 = arith.constant 0 : i32
    %dma_start3A_76 = arith.constant 0 : i32
    %dma_start3A_77 = tpu.memref_slice %arg2[%dma_start3A_75, %dma_start3A_76] : memref<10000x128xf32, #tpu.memory_space<hbm>> -> memref<10000x128xf32, #tpu.memory_space<hbm>>
    tpu.enqueue_indirect_dma source(%dma_start3A_77 : memref<10000x128xf32, #tpu.memory_space<hbm>>) target(%arg10 : memref<40x128xf32, #tpu.memory_space<vmem>>) offsets(%dma_start3A_74 : memref<40xi32, #tpu.memory_space<vmem>>) semaphore(%arg18 : memref<!tpu.dma_semaphore, #tpu.memory_space<semaphore_mem>>)
    %get3A_78 = arith.constant 40 : index
    %get3A_79 = tpu.vector_load %arg8[%get3A_78] {strides = array<i32>} : memref<10080xi32, #tpu.memory_space<vmem>>, vector<16xi32>,
    %get3A_80 = vector.shape_cast %get3A_79 : vector<16xi32> to vector<16xi32>
    %swap3A_81 = arith.constant 0 : index
    %swap3A_82 = tpu.vector_load %arg14[%swap3A_81] {strides = array<i32>} : memref<40xi32, #tpu.memory_space<vmem>>, vector<16xi32>,
    %swap3A_83 = vector.shape_cast %swap3A_82 : vector<16xi32> to vector<16xi32>
    %swap3A_84 = vector.shape_cast %get3A_80 : vector<16xi32> to vector<16xi32>
    tpu.vector_store %arg14[%swap3A_81], %swap3A_84 {strides = array<i32>} : memref<40xi32, #tpu.memory_space<vmem>>, vector<16xi32>,
    %get3A_85 = arith.constant 56 : index
    %get3A_86 = tpu.vector_load %arg8[%get3A_85] {strides = array<i32>} : memref<10080xi32, #tpu.memory_space<vmem>>, vector<16xi32>,
    %get3A_87 = vector.shape_cast %get3A_86 : vector<16xi32> to vector<16xi32>
    %swap3A_88 = arith.constant 16 : index
    %swap3A_89 = tpu.vector_load %arg14[%swap3A_88] {strides = array<i32>} : memref<40xi32, #tpu.memory_space<vmem>>, vector<16xi32>,
    %swap3A_90 = vector.shape_cast %swap3A_89 : vector<16xi32> to vector<16xi32>
    %swap3A_91 = vector.shape_cast %get3A_87 : vector<16xi32> to vector<16xi32>
    tpu.vector_store %arg14[%swap3A_88], %swap3A_91 {strides = array<i32>} : memref<40xi32, #tpu.memory_space<vmem>>, vector<16xi32>,
    %get3A_92 = arith.constant 64 : index
    %get3A_93 = tpu.vector_load %arg8[%get3A_92] {strides = array<i32>} : memref<10080xi32, #tpu.memory_space<vmem>>, vector<16xi32>,
    %get3A_94 = vector.shape_cast %get3A_93 : vector<16xi32> to vector<16xi32>
    %swap3A_95 = arith.constant 24 : index
    %swap3A_96 = tpu.vector_load %arg14[%swap3A_95] {strides = array<i32>} : memref<40xi32, #tpu.memory_space<vmem>>, vector<16xi32>,
    %swap3A_97 = vector.shape_cast %swap3A_96 : vector<16xi32> to vector<16xi32>
    %swap3A_98 = vector.shape_cast %get3A_94 : vector<16xi32> to vector<16xi32>
    tpu.vector_store %arg14[%swap3A_95], %swap3A_98 {strides = array<i32>} : memref<40xi32, #tpu.memory_space<vmem>>, vector<16xi32>,
    %dma_start3A_99 = arith.constant 80 : i32
    %dma_start3A_100 = tpu.memref_slice %arg7[%dma_start3A_99] : memref<10080xi32, #tpu.memory_space<vmem>> -> memref<40xi32, #tpu.memory_space<vmem>>
    %dma_start3A_101 = arith.constant 0 : i32
    %dma_start3A_102 = arith.constant 0 : i32
    %dma_start3A_103 = tpu.memref_slice %arg2[%dma_start3A_101, %dma_start3A_102] : memref<10000x128xf32, #tpu.memory_space<hbm>> -> memref<10000x128xf32, #tpu.memory_space<hbm>>
    tpu.enqueue_indirect_dma source(%dma_start3A_103 : memref<10000x128xf32, #tpu.memory_space<hbm>>) target(%arg11 : memref<40x128xf32, #tpu.memory_space<vmem>>) offsets(%dma_start3A_100 : memref<40xi32, #tpu.memory_space<vmem>>) semaphore(%arg19 : memref<!tpu.dma_semaphore, #tpu.memory_space<semaphore_mem>>)
    %get3A_104 = arith.constant 80 : index
    %get3A_105 = tpu.vector_load %arg8[%get3A_104] {strides = array<i32>} : memref<10080xi32, #tpu.memory_space<vmem>>, vector<16xi32>,
    %get3A_106 = vector.shape_cast %get3A_105 : vector<16xi32> to vector<16xi32>
    %swap3A_107 = arith.constant 0 : index
    %swap3A_108 = tpu.vector_load %arg15[%swap3A_107] {strides = array<i32>} : memref<40xi32, #tpu.memory_space<vmem>>, vector<16xi32>,
    %swap3A_109 = vector.shape_cast %swap3A_108 : vector<16xi32> to vector<16xi32>
    %swap3A_110 = vector.shape_cast %get3A_106 : vector<16xi32> to vector<16xi32>
    tpu.vector_store %arg15[%swap3A_107], %swap3A_110 {strides = array<i32>} : memref<40xi32, #tpu.memory_space<vmem>>, vector<16xi32>,
    %get3A_111 = arith.constant 96 : index
    %get3A_112 = tpu.vector_load %arg8[%get3A_111] {strides = array<i32>} : memref<10080xi32, #tpu.memory_space<vmem>>, vector<16xi32>,
    %get3A_113 = vector.shape_cast %get3A_112 : vector<16xi32> to vector<16xi32>
    %swap3A_114 = arith.constant 16 : index
    %swap3A_115 = tpu.vector_load %arg15[%swap3A_114] {strides = array<i32>} : memref<40xi32, #tpu.memory_space<vmem>>, vector<16xi32>,
    %swap3A_116 = vector.shape_cast %swap3A_115 : vector<16xi32> to vector<16xi32>
    %swap3A_117 = vector.shape_cast %get3A_113 : vector<16xi32> to vector<16xi32>
    tpu.vector_store %arg15[%swap3A_114], %swap3A_117 {strides = array<i32>} : memref<40xi32, #tpu.memory_space<vmem>>, vector<16xi32>,
    %get3A_118 = arith.constant 104 : index
    %get3A_119 = tpu.vector_load %arg8[%get3A_118] {strides = array<i32>} : memref<10080xi32, #tpu.memory_space<vmem>>, vector<16xi32>,
    %get3A_120 = vector.shape_cast %get3A_119 : vector<16xi32> to vector<16xi32>
    %swap3A_121 = arith.constant 24 : index
    %swap3A_122 = tpu.vector_load %arg15[%swap3A_121] {strides = array<i32>} : memref<40xi32, #tpu.memory_space<vmem>>, vector<16xi32>,
    %swap3A_123 = vector.shape_cast %swap3A_122 : vector<16xi32> to vector<16xi32>
    %swap3A_124 = vector.shape_cast %get3A_120 : vector<16xi32> to vector<16xi32>
    tpu.vector_store %arg15[%swap3A_121], %swap3A_124 {strides = array<i32>} : memref<40xi32, #tpu.memory_space<vmem>>, vector<16xi32>,
    %scan3A_125 = arith.constant 0 : i32
    %scan3A_126 = arith.constant 63 : i32
    %scan3A_127 = arith.addi %scan3A_125, %scan3A_126 : i32
    %scan3A_128 = arith.constant 1 : i32
    scf.for %scan3A_163 = %scan3A_125 to %scan3A_127 step %scan3A_128  : i32 {
      %mul3A_164 = arith.constant 1 : i32
      %mul3A_165 = arith.muli %scan3A_163, %mul3A_164 : i32
      %add3A_166 = arith.constant 0 : i32
      %add3A_167 = arith.addi %add3A_166, %mul3A_165 : i32
      %mul3A_168 = arith.constant 4 : i32
      %mul3A_169 = arith.muli %add3A_167, %mul3A_168 : i32
      %add3A_170 = arith.constant 0 : i32
      %add3A_171 = arith.addi %mul3A_169, %add3A_170 : i32
      %dma_wait3A_172 = arith.constant 0 : i32
      %dma_wait3A_173 = tpu.memref_slice %arg7[%dma_wait3A_172] : memref<10080xi32, #tpu.memory_space<vmem>> -> memref<40xi32, #tpu.memory_space<vmem>>
      %dma_wait3A_174 = arith.constant 0 : i32
      %dma_wait3A_175 = arith.constant 0 : i32
      %dma_wait3A_176 = tpu.memref_slice %arg2[%dma_wait3A_174, %dma_wait3A_175] : memref<10000x128xf32, #tpu.memory_space<hbm>> -> memref<10000x128xf32, #tpu.memory_space<hbm>>
      tpu.wait_indirect_dma semaphore(%arg17 : memref<!tpu.dma_semaphore, #tpu.memory_space<semaphore_mem>>) src(%dma_wait3A_176 : memref<10000x128xf32, #tpu.memory_space<hbm>>) dst(%arg9 : memref<40x128xf32, #tpu.memory_space<vmem>>)
      %dma_start3A_177 = arith.constant 0 : i32
      %dma_start3A_178 = arith.constant 0 : i32
      %dma_start3A_179 = tpu.memref_slice %arg6[%dma_start3A_177, %dma_start3A_178] : memref<10016x128xf32, #tpu.memory_space<vmem_shared>> -> memref<10016x128xf32, #tpu.memory_space<vmem_shared>>
      tpu.enqueue_indirect_dma source(%arg9 : memref<40x128xf32, #tpu.memory_space<vmem>>) target(%dma_start3A_179 : memref<10016x128xf32, #tpu.memory_space<vmem_shared>>) offsets(%arg13 : memref<40xi32, #tpu.memory_space<vmem>>) semaphore(%arg21 : memref<!tpu.dma_semaphore, #tpu.memory_space<semaphore_mem>>) {add = true}
      %add3A_180 = arith.constant 4 : i32
      %add3A_181 = arith.addi %add3A_171, %add3A_180 : i32
      %sub3A = arith.constant 1 : i32
      %sub3A_182 = arith.subi %add3A_181, %sub3A : i32
      %lt3A_183 = arith.constant 252 : i32
      %lt3A_184 = arith.cmpi slt, %sub3A_182, %lt3A_183 : i32
      %convert_element_type3A_185 = arith.extui %lt3A_184 : i1 to i32
      %cond3A_186 = arith.constant 0 : i32
      %cond3A_187 = arith.cmpi ne, %convert_element_type3A_185, %cond3A_186 : i32
      scf.if %cond3A_187 {
        %ge3A = arith.constant 1 : i32
        %ge3A_251 = arith.cmpi sge, %add3A_171, %ge3A : i32
        %convert_element_type3A_252 = arith.extui %ge3A_251 : i1 to i32
        %cond3A_253 = arith.constant 0 : i32
        %cond3A_254 = arith.cmpi ne, %convert_element_type3A_252, %cond3A_253 : i32
        scf.if %cond3A_254 {
          %dma_wait3A_294 = arith.constant 0 : i32
          %dma_wait3A_295 = arith.constant 0 : i32
          %dma_wait3A_296 = tpu.memref_slice %arg6[%dma_wait3A_294, %dma_wait3A_295] : memref<10016x128xf32, #tpu.memory_space<vmem_shared>> -> memref<10016x128xf32, #tpu.memory_space<vmem_shared>>
          tpu.wait_indirect_dma semaphore(%arg24 : memref<!tpu.dma_semaphore, #tpu.memory_space<semaphore_mem>>) src(%arg12 : memref<40x128xf32, #tpu.memory_space<vmem>>) dst(%dma_wait3A_296 : memref<10016x128xf32, #tpu.memory_space<vmem_shared>>)
        } else {
        }
        %add3A_255 = arith.constant 4 : i32
        %add3A_256 = arith.addi %add3A_171, %add3A_255 : i32
        %sub3A_257 = arith.constant 1 : i32
        %sub3A_258 = arith.subi %add3A_256, %sub3A_257 : i32
        %mul3A_259 = arith.constant 40 : i32
        %mul3A_260 = arith.muli %sub3A_258, %mul3A_259 : i32
        %dma_start3A_261 = tpu.memref_slice %arg7[%mul3A_260] : memref<10080xi32, #tpu.memory_space<vmem>> -> memref<40xi32, #tpu.memory_space<vmem>>
        %dma_start3A_262 = arith.constant 0 : i32
        %dma_start3A_263 = arith.constant 0 : i32
        %dma_start3A_264 = tpu.memref_slice %arg2[%dma_start3A_262, %dma_start3A_263] : memref<10000x128xf32, #tpu.memory_space<hbm>> -> memref<10000x128xf32, #tpu.memory_space<hbm>>
        tpu.enqueue_indirect_dma source(%dma_start3A_264 : memref<10000x128xf32, #tpu.memory_space<hbm>>) target(%arg12 : memref<40x128xf32, #tpu.memory_space<vmem>>) offsets(%dma_start3A_261 : memref<40xi32, #tpu.memory_space<vmem>>) semaphore(%arg20 : memref<!tpu.dma_semaphore, #tpu.memory_space<semaphore_mem>>)
        %mul3A_265 = arith.constant 40 : i32
        %mul3A_266 = arith.muli %sub3A_258, %mul3A_265 : i32
        %add3A_267 = arith.constant 0 : i32
        %add3A_268 = arith.addi %mul3A_266, %add3A_267 : i32
        %get3A_269 = arith.index_cast %add3A_268 : i32 to index
        %get3A_270 = tpu.vector_load %arg8[%get3A_269] {strides = array<i32>} : memref<10080xi32, #tpu.memory_space<vmem>>, vector<16xi32>,
        %get3A_271 = vector.shape_cast %get3A_270 : vector<16xi32> to vector<16xi32>
        %swap3A_272 = arith.constant 0 : index
        %swap3A_273 = tpu.vector_load %arg16[%swap3A_272] {strides = array<i32>} : memref<40xi32, #tpu.memory_space<vmem>>, vector<16xi32>,
        %swap3A_274 = vector.shape_cast %swap3A_273 : vector<16xi32> to vector<16xi32>
        %swap3A_275 = vector.shape_cast %get3A_271 : vector<16xi32> to vector<16xi32>
        tpu.vector_store %arg16[%swap3A_272], %swap3A_275 {strides = array<i32>} : memref<40xi32, #tpu.memory_space<vmem>>, vector<16xi32>,
        %add3A_276 = arith.constant 16 : i32
        %add3A_277 = arith.addi %mul3A_266, %add3A_276 : i32
        %get3A_278 = arith.index_cast %add3A_277 : i32 to index
        %get3A_279 = tpu.vector_load %arg8[%get3A_278] {strides = array<i32>} : memref<10080xi32, #tpu.memory_space<vmem>>, vector<16xi32>,
        %get3A_280 = vector.shape_cast %get3A_279 : vector<16xi32> to vector<16xi32>
        %swap3A_281 = arith.constant 16 : index
        %swap3A_282 = tpu.vector_load %arg16[%swap3A_281] {strides = array<i32>} : memref<40xi32, #tpu.memory_space<vmem>>, vector<16xi32>,
        %swap3A_283 = vector.shape_cast %swap3A_282 : vector<16xi32> to vector<16xi32>
        %swap3A_284 = vector.shape_cast %get3A_280 : vector<16xi32> to vector<16xi32>
        tpu.vector_store %arg16[%swap3A_281], %swap3A_284 {strides = array<i32>} : memref<40xi32, #tpu.memory_space<vmem>>, vector<16xi32>,
        %add3A_285 = arith.constant 24 : i32
        %add3A_286 = arith.addi %mul3A_266, %add3A_285 : i32
        %get3A_287 = arith.index_cast %add3A_286 : i32 to index
        %get3A_288 = tpu.vector_load %arg8[%get3A_287] {strides = array<i32>} : memref<10080xi32, #tpu.memory_space<vmem>>, vector<16xi32>,
        %get3A_289 = vector.shape_cast %get3A_288 : vector<16xi32> to vector<16xi32>
        %swap3A_290 = arith.constant 24 : index
        %swap3A_291 = tpu.vector_load %arg16[%swap3A_290] {strides = array<i32>} : memref<40xi32, #tpu.memory_space<vmem>>, vector<16xi32>,
        %swap3A_292 = vector.shape_cast %swap3A_291 : vector<16xi32> to vector<16xi32>
        %swap3A_293 = vector.shape_cast %get3A_289 : vector<16xi32> to vector<16xi32>
        tpu.vector_store %arg16[%swap3A_290], %swap3A_293 {strides = array<i32>} : memref<40xi32, #tpu.memory_space<vmem>>, vector<16xi32>,
      } else {
      }
      %mul3A_188 = arith.constant 4 : i32
      %mul3A_189 = arith.muli %add3A_167, %mul3A_188 : i32
      %add3A_190 = arith.constant 1 : i32
      %add3A_191 = arith.addi %mul3A_189, %add3A_190 : i32
      %dma_wait3A_192 = arith.constant 0 : i32
      %dma_wait3A_193 = tpu.memref_slice %arg7[%dma_wait3A_192] : memref<10080xi32, #tpu.memory_space<vmem>> -> memref<40xi32, #tpu.memory_space<vmem>>
      %dma_wait3A_194 = arith.constant 0 : i32
      %dma_wait3A_195 = arith.constant 0 : i32
      %dma_wait3A_196 = tpu.memref_slice %arg2[%dma_wait3A_194, %dma_wait3A_195] : memref<10000x128xf32, #tpu.memory_space<hbm>> -> memref<10000x128xf32, #tpu.memory_space<hbm>>
      tpu.wait_indirect_dma semaphore(%arg18 : memref<!tpu.dma_semaphore, #tpu.memory_space<semaphore_mem>>) src(%dma_wait3A_196 : memref<10000x128xf32, #tpu.memory_space<hbm>>) dst(%arg10 : memref<40x128xf32, #tpu.memory_space<vmem>>)
      %dma_start3A_197 = arith.constant 0 : i32
      %dma_start3A_198 = arith.constant 0 : i32
      %dma_start3A_199 = tpu.memref_slice %arg6[%dma_start3A_197, %dma_start3A_198] : memref<10016x128xf32, #tpu.memory_space<vmem_shared>> -> memref<10016x128xf32, #tpu.memory_space<vmem_shared>>
      tpu.enqueue_indirect_dma source(%arg10 : memref<40x128xf32, #tpu.memory_space<vmem>>) target(%dma_start3A_199 : memref<10016x128xf32, #tpu.memory_space<vmem_shared>>) offsets(%arg14 : memref<40xi32, #tpu.memory_space<vmem>>) semaphore(%arg22 : memref<!tpu.dma_semaphore, #tpu.memory_space<semaphore_mem>>) {add = true}
      %add3A_200 = arith.constant 4 : i32
      %add3A_201 = arith.addi %add3A_191, %add3A_200 : i32
      %sub3A_202 = arith.constant 1 : i32
      %sub3A_203 = arith.subi %add3A_201, %sub3A_202 : i32
      %lt3A_204 = arith.constant 252 : i32
      %lt3A_205 = arith.cmpi slt, %sub3A_203, %lt3A_204 : i32
      %convert_element_type3A_206 = arith.extui %lt3A_205 : i1 to i32
      %cond3A_207 = arith.constant 0 : i32
      %cond3A_208 = arith.cmpi ne, %convert_element_type3A_206, %cond3A_207 : i32
      scf.if %cond3A_208 {
        %ge3A = arith.constant 1 : i32
        %ge3A_251 = arith.cmpi sge, %add3A_191, %ge3A : i32
        %convert_element_type3A_252 = arith.extui %ge3A_251 : i1 to i32
        %cond3A_253 = arith.constant 0 : i32
        %cond3A_254 = arith.cmpi ne, %convert_element_type3A_252, %cond3A_253 : i32
        scf.if %cond3A_254 {
          %dma_wait3A_294 = arith.constant 0 : i32
          %dma_wait3A_295 = arith.constant 0 : i32
          %dma_wait3A_296 = tpu.memref_slice %arg6[%dma_wait3A_294, %dma_wait3A_295] : memref<10016x128xf32, #tpu.memory_space<vmem_shared>> -> memref<10016x128xf32, #tpu.memory_space<vmem_shared>>
          tpu.wait_indirect_dma semaphore(%arg21 : memref<!tpu.dma_semaphore, #tpu.memory_space<semaphore_mem>>) src(%arg9 : memref<40x128xf32, #tpu.memory_space<vmem>>) dst(%dma_wait3A_296 : memref<10016x128xf32, #tpu.memory_space<vmem_shared>>)
        } else {
        }
        %add3A_255 = arith.constant 4 : i32
        %add3A_256 = arith.addi %add3A_191, %add3A_255 : i32
        %sub3A_257 = arith.constant 1 : i32
        %sub3A_258 = arith.subi %add3A_256, %sub3A_257 : i32
        %mul3A_259 = arith.constant 40 : i32
        %mul3A_260 = arith.muli %sub3A_258, %mul3A_259 : i32
        %dma_start3A_261 = tpu.memref_slice %arg7[%mul3A_260] : memref<10080xi32, #tpu.memory_space<vmem>> -> memref<40xi32, #tpu.memory_space<vmem>>
        %dma_start3A_262 = arith.constant 0 : i32
        %dma_start3A_263 = arith.constant 0 : i32
        %dma_start3A_264 = tpu.memref_slice %arg2[%dma_start3A_262, %dma_start3A_263] : memref<10000x128xf32, #tpu.memory_space<hbm>> -> memref<10000x128xf32, #tpu.memory_space<hbm>>
        tpu.enqueue_indirect_dma source(%dma_start3A_264 : memref<10000x128xf32, #tpu.memory_space<hbm>>) target(%arg9 : memref<40x128xf32, #tpu.memory_space<vmem>>) offsets(%dma_start3A_261 : memref<40xi32, #tpu.memory_space<vmem>>) semaphore(%arg17 : memref<!tpu.dma_semaphore, #tpu.memory_space<semaphore_mem>>)
        %mul3A_265 = arith.constant 40 : i32
        %mul3A_266 = arith.muli %sub3A_258, %mul3A_265 : i32
        %add3A_267 = arith.constant 0 : i32
        %add3A_268 = arith.addi %mul3A_266, %add3A_267 : i32
        %get3A_269 = arith.index_cast %add3A_268 : i32 to index
        %get3A_270 = tpu.vector_load %arg8[%get3A_269] {strides = array<i32>} : memref<10080xi32, #tpu.memory_space<vmem>>, vector<16xi32>,
        %get3A_271 = vector.shape_cast %get3A_270 : vector<16xi32> to vector<16xi32>
        %swap3A_272 = arith.constant 0 : index
        %swap3A_273 = tpu.vector_load %arg13[%swap3A_272] {strides = array<i32>} : memref<40xi32, #tpu.memory_space<vmem>>, vector<16xi32>,
        %swap3A_274 = vector.shape_cast %swap3A_273 : vector<16xi32> to vector<16xi32>
        %swap3A_275 = vector.shape_cast %get3A_271 : vector<16xi32> to vector<16xi32>
        tpu.vector_store %arg13[%swap3A_272], %swap3A_275 {strides = array<i32>} : memref<40xi32, #tpu.memory_space<vmem>>, vector<16xi32>,
        %add3A_276 = arith.constant 16 : i32
        %add3A_277 = arith.addi %mul3A_266, %add3A_276 : i32
        %get3A_278 = arith.index_cast %add3A_277 : i32 to index
        %get3A_279 = tpu.vector_load %arg8[%get3A_278] {strides = array<i32>} : memref<10080xi32, #tpu.memory_space<vmem>>, vector<16xi32>,
        %get3A_280 = vector.shape_cast %get3A_279 : vector<16xi32> to vector<16xi32>
        %swap3A_281 = arith.constant 16 : index
        %swap3A_282 = tpu.vector_load %arg13[%swap3A_281] {strides = array<i32>} : memref<40xi32, #tpu.memory_space<vmem>>, vector<16xi32>,
        %swap3A_283 = vector.shape_cast %swap3A_282 : vector<16xi32> to vector<16xi32>
        %swap3A_284 = vector.shape_cast %get3A_280 : vector<16xi32> to vector<16xi32>
        tpu.vector_store %arg13[%swap3A_281], %swap3A_284 {strides = array<i32>} : memref<40xi32, #tpu.memory_space<vmem>>, vector<16xi32>,
        %add3A_285 = arith.constant 24 : i32
        %add3A_286 = arith.addi %mul3A_266, %add3A_285 : i32
        %get3A_287 = arith.index_cast %add3A_286 : i32 to index
        %get3A_288 = tpu.vector_load %arg8[%get3A_287] {strides = array<i32>} : memref<10080xi32, #tpu.memory_space<vmem>>, vector<16xi32>,
        %get3A_289 = vector.shape_cast %get3A_288 : vector<16xi32> to vector<16xi32>
        %swap3A_290 = arith.constant 24 : index
        %swap3A_291 = tpu.vector_load %arg13[%swap3A_290] {strides = array<i32>} : memref<40xi32, #tpu.memory_space<vmem>>, vector<16xi32>,
        %swap3A_292 = vector.shape_cast %swap3A_291 : vector<16xi32> to vector<16xi32>
        %swap3A_293 = vector.shape_cast %get3A_289 : vector<16xi32> to vector<16xi32>
        tpu.vector_store %arg13[%swap3A_290], %swap3A_293 {strides = array<i32>} : memref<40xi32, #tpu.memory_space<vmem>>, vector<16xi32>,
      } else {
      }
      %mul3A_209 = arith.constant 4 : i32
      %mul3A_210 = arith.muli %add3A_167, %mul3A_209 : i32
      %add3A_211 = arith.constant 2 : i32
      %add3A_212 = arith.addi %mul3A_210, %add3A_211 : i32
      %dma_wait3A_213 = arith.constant 0 : i32
      %dma_wait3A_214 = tpu.memref_slice %arg7[%dma_wait3A_213] : memref<10080xi32, #tpu.memory_space<vmem>> -> memref<40xi32, #tpu.memory_space<vmem>>
      %dma_wait3A_215 = arith.constant 0 : i32
      %dma_wait3A_216 = arith.constant 0 : i32
      %dma_wait3A_217 = tpu.memref_slice %arg2[%dma_wait3A_215, %dma_wait3A_216] : memref<10000x128xf32, #tpu.memory_space<hbm>> -> memref<10000x128xf32, #tpu.memory_space<hbm>>
      tpu.wait_indirect_dma semaphore(%arg19 : memref<!tpu.dma_semaphore, #tpu.memory_space<semaphore_mem>>) src(%dma_wait3A_217 : memref<10000x128xf32, #tpu.memory_space<hbm>>) dst(%arg11 : memref<40x128xf32, #tpu.memory_space<vmem>>)
      %dma_start3A_218 = arith.constant 0 : i32
      %dma_start3A_219 = arith.constant 0 : i32
      %dma_start3A_220 = tpu.memref_slice %arg6[%dma_start3A_218, %dma_start3A_219] : memref<10016x128xf32, #tpu.memory_space<vmem_shared>> -> memref<10016x128xf32, #tpu.memory_space<vmem_shared>>
      tpu.enqueue_indirect_dma source(%arg11 : memref<40x128xf32, #tpu.memory_space<vmem>>) target(%dma_start3A_220 : memref<10016x128xf32, #tpu.memory_space<vmem_shared>>) offsets(%arg15 : memref<40xi32, #tpu.memory_space<vmem>>) semaphore(%arg23 : memref<!tpu.dma_semaphore, #tpu.memory_space<semaphore_mem>>) {add = true}
      %add3A_221 = arith.constant 4 : i32
      %add3A_222 = arith.addi %add3A_212, %add3A_221 : i32
      %sub3A_223 = arith.constant 1 : i32
      %sub3A_224 = arith.subi %add3A_222, %sub3A_223 : i32
      %lt3A_225 = arith.constant 252 : i32
      %lt3A_226 = arith.cmpi slt, %sub3A_224, %lt3A_225 : i32
      %convert_element_type3A_227 = arith.extui %lt3A_226 : i1 to i32
      %cond3A_228 = arith.constant 0 : i32
      %cond3A_229 = arith.cmpi ne, %convert_element_type3A_227, %cond3A_228 : i32
      scf.if %cond3A_229 {
        %ge3A = arith.constant 1 : i32
        %ge3A_251 = arith.cmpi sge, %add3A_212, %ge3A : i32
        %convert_element_type3A_252 = arith.extui %ge3A_251 : i1 to i32
        %cond3A_253 = arith.constant 0 : i32
        %cond3A_254 = arith.cmpi ne, %convert_element_type3A_252, %cond3A_253 : i32
        scf.if %cond3A_254 {
          %dma_wait3A_294 = arith.constant 0 : i32
          %dma_wait3A_295 = arith.constant 0 : i32
          %dma_wait3A_296 = tpu.memref_slice %arg6[%dma_wait3A_294, %dma_wait3A_295] : memref<10016x128xf32, #tpu.memory_space<vmem_shared>> -> memref<10016x128xf32, #tpu.memory_space<vmem_shared>>
          tpu.wait_indirect_dma semaphore(%arg22 : memref<!tpu.dma_semaphore, #tpu.memory_space<semaphore_mem>>) src(%arg10 : memref<40x128xf32, #tpu.memory_space<vmem>>) dst(%dma_wait3A_296 : memref<10016x128xf32, #tpu.memory_space<vmem_shared>>)
        } else {
        }
        %add3A_255 = arith.constant 4 : i32
        %add3A_256 = arith.addi %add3A_212, %add3A_255 : i32
        %sub3A_257 = arith.constant 1 : i32
        %sub3A_258 = arith.subi %add3A_256, %sub3A_257 : i32
        %mul3A_259 = arith.constant 40 : i32
        %mul3A_260 = arith.muli %sub3A_258, %mul3A_259 : i32
        %dma_start3A_261 = tpu.memref_slice %arg7[%mul3A_260] : memref<10080xi32, #tpu.memory_space<vmem>> -> memref<40xi32, #tpu.memory_space<vmem>>
        %dma_start3A_262 = arith.constant 0 : i32
        %dma_start3A_263 = arith.constant 0 : i32
        %dma_start3A_264 = tpu.memref_slice %arg2[%dma_start3A_262, %dma_start3A_263] : memref<10000x128xf32, #tpu.memory_space<hbm>> -> memref<10000x128xf32, #tpu.memory_space<hbm>>
        tpu.enqueue_indirect_dma source(%dma_start3A_264 : memref<10000x128xf32, #tpu.memory_space<hbm>>) target(%arg10 : memref<40x128xf32, #tpu.memory_space<vmem>>) offsets(%dma_start3A_261 : memref<40xi32, #tpu.memory_space<vmem>>) semaphore(%arg18 : memref<!tpu.dma_semaphore, #tpu.memory_space<semaphore_mem>>)
        %mul3A_265 = arith.constant 40 : i32
        %mul3A_266 = arith.muli %sub3A_258, %mul3A_265 : i32
        %add3A_267 = arith.constant 0 : i32
        %add3A_268 = arith.addi %mul3A_266, %add3A_267 : i32
        %get3A_269 = arith.index_cast %add3A_268 : i32 to index
        %get3A_270 = tpu.vector_load %arg8[%get3A_269] {strides = array<i32>} : memref<10080xi32, #tpu.memory_space<vmem>>, vector<16xi32>,
        %get3A_271 = vector.shape_cast %get3A_270 : vector<16xi32> to vector<16xi32>
        %swap3A_272 = arith.constant 0 : index
        %swap3A_273 = tpu.vector_load %arg14[%swap3A_272] {strides = array<i32>} : memref<40xi32, #tpu.memory_space<vmem>>, vector<16xi32>,
        %swap3A_274 = vector.shape_cast %swap3A_273 : vector<16xi32> to vector<16xi32>
        %swap3A_275 = vector.shape_cast %get3A_271 : vector<16xi32> to vector<16xi32>
        tpu.vector_store %arg14[%swap3A_272], %swap3A_275 {strides = array<i32>} : memref<40xi32, #tpu.memory_space<vmem>>, vector<16xi32>,
        %add3A_276 = arith.constant 16 : i32
        %add3A_277 = arith.addi %mul3A_266, %add3A_276 : i32
        %get3A_278 = arith.index_cast %add3A_277 : i32 to index
        %get3A_279 = tpu.vector_load %arg8[%get3A_278] {strides = array<i32>} : memref<10080xi32, #tpu.memory_space<vmem>>, vector<16xi32>,
        %get3A_280 = vector.shape_cast %get3A_279 : vector<16xi32> to vector<16xi32>
        %swap3A_281 = arith.constant 16 : index
        %swap3A_282 = tpu.vector_load %arg14[%swap3A_281] {strides = array<i32>} : memref<40xi32, #tpu.memory_space<vmem>>, vector<16xi32>,
        %swap3A_283 = vector.shape_cast %swap3A_282 : vector<16xi32> to vector<16xi32>
        %swap3A_284 = vector.shape_cast %get3A_280 : vector<16xi32> to vector<16xi32>
        tpu.vector_store %arg14[%swap3A_281], %swap3A_284 {strides = array<i32>} : memref<40xi32, #tpu.memory_space<vmem>>, vector<16xi32>,
        %add3A_285 = arith.constant 24 : i32
        %add3A_286 = arith.addi %mul3A_266, %add3A_285 : i32
        %get3A_287 = arith.index_cast %add3A_286 : i32 to index
        %get3A_288 = tpu.vector_load %arg8[%get3A_287] {strides = array<i32>} : memref<10080xi32, #tpu.memory_space<vmem>>, vector<16xi32>,
        %get3A_289 = vector.shape_cast %get3A_288 : vector<16xi32> to vector<16xi32>
        %swap3A_290 = arith.constant 24 : index
        %swap3A_291 = tpu.vector_load %arg14[%swap3A_290] {strides = array<i32>} : memref<40xi32, #tpu.memory_space<vmem>>, vector<16xi32>,
        %swap3A_292 = vector.shape_cast %swap3A_291 : vector<16xi32> to vector<16xi32>
        %swap3A_293 = vector.shape_cast %get3A_289 : vector<16xi32> to vector<16xi32>
        tpu.vector_store %arg14[%swap3A_290], %swap3A_293 {strides = array<i32>} : memref<40xi32, #tpu.memory_space<vmem>>, vector<16xi32>,
      } else {
      }
      %mul3A_230 = arith.constant 4 : i32
      %mul3A_231 = arith.muli %add3A_167, %mul3A_230 : i32
      %add3A_232 = arith.constant 3 : i32
      %add3A_233 = arith.addi %mul3A_231, %add3A_232 : i32
      %dma_wait3A_234 = arith.constant 0 : i32
      %dma_wait3A_235 = tpu.memref_slice %arg7[%dma_wait3A_234] : memref<10080xi32, #tpu.memory_space<vmem>> -> memref<40xi32, #tpu.memory_space<vmem>>
      %dma_wait3A_236 = arith.constant 0 : i32
      %dma_wait3A_237 = arith.constant 0 : i32
      %dma_wait3A_238 = tpu.memref_slice %arg2[%dma_wait3A_236, %dma_wait3A_237] : memref<10000x128xf32, #tpu.memory_space<hbm>> -> memref<10000x128xf32, #tpu.memory_space<hbm>>
      tpu.wait_indirect_dma semaphore(%arg20 : memref<!tpu.dma_semaphore, #tpu.memory_space<semaphore_mem>>) src(%dma_wait3A_238 : memref<10000x128xf32, #tpu.memory_space<hbm>>) dst(%arg12 : memref<40x128xf32, #tpu.memory_space<vmem>>)
      %dma_start3A_239 = arith.constant 0 : i32
      %dma_start3A_240 = arith.constant 0 : i32
      %dma_start3A_241 = tpu.memref_slice %arg6[%dma_start3A_239, %dma_start3A_240] : memref<10016x128xf32, #tpu.memory_space<vmem_shared>> -> memref<10016x128xf32, #tpu.memory_space<vmem_shared>>
      tpu.enqueue_indirect_dma source(%arg12 : memref<40x128xf32, #tpu.memory_space<vmem>>) target(%dma_start3A_241 : memref<10016x128xf32, #tpu.memory_space<vmem_shared>>) offsets(%arg16 : memref<40xi32, #tpu.memory_space<vmem>>) semaphore(%arg24 : memref<!tpu.dma_semaphore, #tpu.memory_space<semaphore_mem>>) {add = true}
      %add3A_242 = arith.constant 4 : i32
      %add3A_243 = arith.addi %add3A_233, %add3A_242 : i32
      %sub3A_244 = arith.constant 1 : i32
      %sub3A_245 = arith.subi %add3A_243, %sub3A_244 : i32
      %lt3A_246 = arith.constant 252 : i32
      %lt3A_247 = arith.cmpi slt, %sub3A_245, %lt3A_246 : i32
      %convert_element_type3A_248 = arith.extui %lt3A_247 : i1 to i32
      %cond3A_249 = arith.constant 0 : i32
      %cond3A_250 = arith.cmpi ne, %convert_element_type3A_248, %cond3A_249 : i32
      scf.if %cond3A_250 {
        %ge3A = arith.constant 1 : i32
        %ge3A_251 = arith.cmpi sge, %add3A_233, %ge3A : i32
        %convert_element_type3A_252 = arith.extui %ge3A_251 : i1 to i32
        %cond3A_253 = arith.constant 0 : i32
        %cond3A_254 = arith.cmpi ne, %convert_element_type3A_252, %cond3A_253 : i32
        scf.if %cond3A_254 {
          %dma_wait3A_294 = arith.constant 0 : i32
          %dma_wait3A_295 = arith.constant 0 : i32
          %dma_wait3A_296 = tpu.memref_slice %arg6[%dma_wait3A_294, %dma_wait3A_295] : memref<10016x128xf32, #tpu.memory_space<vmem_shared>> -> memref<10016x128xf32, #tpu.memory_space<vmem_shared>>
          tpu.wait_indirect_dma semaphore(%arg23 : memref<!tpu.dma_semaphore, #tpu.memory_space<semaphore_mem>>) src(%arg11 : memref<40x128xf32, #tpu.memory_space<vmem>>) dst(%dma_wait3A_296 : memref<10016x128xf32, #tpu.memory_space<vmem_shared>>)
        } else {
        }
        %add3A_255 = arith.constant 4 : i32
        %add3A_256 = arith.addi %add3A_233, %add3A_255 : i32
        %sub3A_257 = arith.constant 1 : i32
        %sub3A_258 = arith.subi %add3A_256, %sub3A_257 : i32
        %mul3A_259 = arith.constant 40 : i32
        %mul3A_260 = arith.muli %sub3A_258, %mul3A_259 : i32
        %dma_start3A_261 = tpu.memref_slice %arg7[%mul3A_260] : memref<10080xi32, #tpu.memory_space<vmem>> -> memref<40xi32, #tpu.memory_space<vmem>>
        %dma_start3A_262 = arith.constant 0 : i32
        %dma_start3A_263 = arith.constant 0 : i32
        %dma_start3A_264 = tpu.memref_slice %arg2[%dma_start3A_262, %dma_start3A_263] : memref<10000x128xf32, #tpu.memory_space<hbm>> -> memref<10000x128xf32, #tpu.memory_space<hbm>>
        tpu.enqueue_indirect_dma source(%dma_start3A_264 : memref<10000x128xf32, #tpu.memory_space<hbm>>) target(%arg11 : memref<40x128xf32, #tpu.memory_space<vmem>>) offsets(%dma_start3A_261 : memref<40xi32, #tpu.memory_space<vmem>>) semaphore(%arg19 : memref<!tpu.dma_semaphore, #tpu.memory_space<semaphore_mem>>)
        %mul3A_265 = arith.constant 40 : i32
        %mul3A_266 = arith.muli %sub3A_258, %mul3A_265 : i32
        %add3A_267 = arith.constant 0 : i32
        %add3A_268 = arith.addi %mul3A_266, %add3A_267 : i32
        %get3A_269 = arith.index_cast %add3A_268 : i32 to index
        %get3A_270 = tpu.vector_load %arg8[%get3A_269] {strides = array<i32>} : memref<10080xi32, #tpu.memory_space<vmem>>, vector<16xi32>,
        %get3A_271 = vector.shape_cast %get3A_270 : vector<16xi32> to vector<16xi32>
        %swap3A_272 = arith.constant 0 : index
        %swap3A_273 = tpu.vector_load %arg15[%swap3A_272] {strides = array<i32>} : memref<40xi32, #tpu.memory_space<vmem>>, vector<16xi32>,
        %swap3A_274 = vector.shape_cast %swap3A_273 : vector<16xi32> to vector<16xi32>
        %swap3A_275 = vector.shape_cast %get3A_271 : vector<16xi32> to vector<16xi32>
        tpu.vector_store %arg15[%swap3A_272], %swap3A_275 {strides = array<i32>} : memref<40xi32, #tpu.memory_space<vmem>>, vector<16xi32>,
        %add3A_276 = arith.constant 16 : i32
        %add3A_277 = arith.addi %mul3A_266, %add3A_276 : i32
        %get3A_278 = arith.index_cast %add3A_277 : i32 to index
        %get3A_279 = tpu.vector_load %arg8[%get3A_278] {strides = array<i32>} : memref<10080xi32, #tpu.memory_space<vmem>>, vector<16xi32>,
        %get3A_280 = vector.shape_cast %get3A_279 : vector<16xi32> to vector<16xi32>
        %swap3A_281 = arith.constant 16 : index
        %swap3A_282 = tpu.vector_load %arg15[%swap3A_281] {strides = array<i32>} : memref<40xi32, #tpu.memory_space<vmem>>, vector<16xi32>,
        %swap3A_283 = vector.shape_cast %swap3A_282 : vector<16xi32> to vector<16xi32>
        %swap3A_284 = vector.shape_cast %get3A_280 : vector<16xi32> to vector<16xi32>
        tpu.vector_store %arg15[%swap3A_281], %swap3A_284 {strides = array<i32>} : memref<40xi32, #tpu.memory_space<vmem>>, vector<16xi32>,
        %add3A_285 = arith.constant 24 : i32
        %add3A_286 = arith.addi %mul3A_266, %add3A_285 : i32
        %get3A_287 = arith.index_cast %add3A_286 : i32 to index
        %get3A_288 = tpu.vector_load %arg8[%get3A_287] {strides = array<i32>} : memref<10080xi32, #tpu.memory_space<vmem>>, vector<16xi32>,
        %get3A_289 = vector.shape_cast %get3A_288 : vector<16xi32> to vector<16xi32>
        %swap3A_290 = arith.constant 24 : index
        %swap3A_291 = tpu.vector_load %arg15[%swap3A_290] {strides = array<i32>} : memref<40xi32, #tpu.memory_space<vmem>>, vector<16xi32>,
        %swap3A_292 = vector.shape_cast %swap3A_291 : vector<16xi32> to vector<16xi32>
        %swap3A_293 = vector.shape_cast %get3A_289 : vector<16xi32> to vector<16xi32>
        tpu.vector_store %arg15[%swap3A_290], %swap3A_293 {strides = array<i32>} : memref<40xi32, #tpu.memory_space<vmem>>, vector<16xi32>,
      } else {
      }
    }
    %scan3A_129 = arith.constant 63 : i32
    %dma_wait3A_130 = arith.constant 0 : i32
    %dma_wait3A_131 = arith.constant 0 : i32
    %dma_wait3A_132 = tpu.memref_slice %arg6[%dma_wait3A_130, %dma_wait3A_131] : memref<10016x128xf32, #tpu.memory_space<vmem_shared>> -> memref<10016x128xf32, #tpu.memory_space<vmem_shared>>
    tpu.wait_indirect_dma semaphore(%arg21 : memref<!tpu.dma_semaphore, #tpu.memory_space<semaphore_mem>>) src(%arg9 : memref<40x128xf32, #tpu.memory_space<vmem>>) dst(%dma_wait3A_132 : memref<10016x128xf32, #tpu.memory_space<vmem_shared>>)
    %dma_wait3A_133 = arith.constant 0 : i32
    %dma_wait3A_134 = arith.constant 0 : i32
    %dma_wait3A_135 = tpu.memref_slice %arg6[%dma_wait3A_133, %dma_wait3A_134] : memref<10016x128xf32, #tpu.memory_space<vmem_shared>> -> memref<10016x128xf32, #tpu.memory_space<vmem_shared>>
    tpu.wait_indirect_dma semaphore(%arg22 : memref<!tpu.dma_semaphore, #tpu.memory_space<semaphore_mem>>) src(%arg10 : memref<40x128xf32, #tpu.memory_space<vmem>>) dst(%dma_wait3A_135 : memref<10016x128xf32, #tpu.memory_space<vmem_shared>>)
    %dma_wait3A_136 = arith.constant 0 : i32
    %dma_wait3A_137 = arith.constant 0 : i32
    %dma_wait3A_138 = tpu.memref_slice %arg6[%dma_wait3A_136, %dma_wait3A_137] : memref<10016x128xf32, #tpu.memory_space<vmem_shared>> -> memref<10016x128xf32, #tpu.memory_space<vmem_shared>>
    tpu.wait_indirect_dma semaphore(%arg23 : memref<!tpu.dma_semaphore, #tpu.memory_space<semaphore_mem>>) src(%arg11 : memref<40x128xf32, #tpu.memory_space<vmem>>) dst(%dma_wait3A_138 : memref<10016x128xf32, #tpu.memory_space<vmem_shared>>)
    %dma_wait3A_139 = arith.constant 0 : i32
    %dma_wait3A_140 = arith.constant 0 : i32
    %dma_wait3A_141 = tpu.memref_slice %arg6[%dma_wait3A_139, %dma_wait3A_140] : memref<10016x128xf32, #tpu.memory_space<vmem_shared>> -> memref<10016x128xf32, #tpu.memory_space<vmem_shared>>
    tpu.wait_indirect_dma semaphore(%arg24 : memref<!tpu.dma_semaphore, #tpu.memory_space<semaphore_mem>>) src(%arg12 : memref<40x128xf32, #tpu.memory_space<vmem>>) dst(%dma_wait3A_141 : memref<10016x128xf32, #tpu.memory_space<vmem_shared>>)
    %barrier3A_142 = arith.constant 0 : index
    tpu.barrier barrier_id(%barrier3A_142)
    %scan3A_143 = arith.constant 0 : i32
    %scan3A_144 = arith.constant 15 : i32
    %scan3A_145 = arith.addi %scan3A_143, %scan3A_144 : i32
    %scan3A_146 = arith.constant 1 : i32
    scf.for %scan3A_163 = %scan3A_143 to %scan3A_145 step %scan3A_146  : i32 {
      %mul3A_164 = arith.constant 1 : i32
      %mul3A_165 = arith.muli %scan3A_163, %mul3A_164 : i32
      %add3A_166 = arith.constant 0 : i32
      %add3A_167 = arith.addi %add3A_166, %mul3A_165 : i32
      %add3A_168 = arith.addi %add3A_4, %add3A_167 : i32
      %mul3A_169 = arith.constant 40 : i32
      %mul3A_170 = arith.muli %add3A_168, %mul3A_169 : i32
      %dma_start3A_171 = arith.constant 0 : i32
      %dma_start3A_172 = tpu.memref_slice %arg5[%arg0, %mul3A_170, %dma_start3A_171] : memref<2x10000x128xf32, #tpu.memory_space<hbm>> -> memref<1x40x128xf32, #tpu.memory_space<hbm>>
      %dma_start3A_173 = tpu.memref_squeeze %dma_start3A_172 : memref<1x40x128xf32, #tpu.memory_space<hbm>> -> memref<40x128xf32, #tpu.memory_space<hbm>>
      %dma_start3A_174 = arith.constant 0 : i32
      %dma_start3A_175 = tpu.memref_slice %arg6[%mul3A_170, %dma_start3A_174] : memref<10016x128xf32, #tpu.memory_space<vmem_shared>> -> memref<40x128xf32, #tpu.memory_space<vmem_shared>>
      tpu.enqueue_dma source(%dma_start3A_175 : memref<40x128xf32, #tpu.memory_space<vmem_shared>>) target(%dma_start3A_173 : memref<40x128xf32, #tpu.memory_space<hbm>>) target_semaphore(%arg26 : memref<!tpu.dma_semaphore, #tpu.memory_space<semaphore_mem>>)
    }
    %scan3A_147 = arith.constant 15 : i32
    %lt3A_148 = arith.constant 10 : i32
    %lt3A_149 = arith.cmpi slt, %arg1, %lt3A_148 : i32
    %convert_element_type3A_150 = arith.extui %lt3A_149 : i1 to i32
    %cond3A_151 = arith.constant 0 : i32
    %cond3A_152 = arith.cmpi ne, %convert_element_type3A_150, %cond3A_151 : i32
    scf.if %cond3A_152 {
      %add3A_163 = arith.constant 15 : i32
      %add3A_164 = arith.addi %add3A_4, %add3A_163 : i32
      %mul3A_165 = arith.constant 40 : i32
      %mul3A_166 = arith.muli %add3A_164, %mul3A_165 : i32
      %dma_start3A_167 = arith.constant 0 : i32
      %dma_start3A_168 = tpu.memref_slice %arg5[%arg0, %mul3A_166, %dma_start3A_167] : memref<2x10000x128xf32, #tpu.memory_space<hbm>> -> memref<1x40x128xf32, #tpu.memory_space<hbm>>
      %dma_start3A_169 = tpu.memref_squeeze %dma_start3A_168 : memref<1x40x128xf32, #tpu.memory_space<hbm>> -> memref<40x128xf32, #tpu.memory_space<hbm>>
      %dma_start3A_170 = arith.constant 0 : i32
      %dma_start3A_171 = tpu.memref_slice %arg6[%mul3A_166, %dma_start3A_170] : memref<10016x128xf32, #tpu.memory_space<vmem_shared>> -> memref<40x128xf32, #tpu.memory_space<vmem_shared>>
      tpu.enqueue_dma source(%dma_start3A_171 : memref<40x128xf32, #tpu.memory_space<vmem_shared>>) target(%dma_start3A_169 : memref<40x128xf32, #tpu.memory_space<hbm>>) target_semaphore(%arg26 : memref<!tpu.dma_semaphore, #tpu.memory_space<semaphore_mem>>)
    } else {
    }
    %scan3A_153 = arith.constant 0 : i32
    %scan3A_154 = arith.constant 15 : i32
    %scan3A_155 = arith.addi %scan3A_153, %scan3A_154 : i32
    %scan3A_156 = arith.constant 1 : i32
    scf.for %scan3A_163 = %scan3A_153 to %scan3A_155 step %scan3A_156  : i32 {
      %mul3A_164 = arith.constant 1 : i32
      %mul3A_165 = arith.muli %scan3A_163, %mul3A_164 : i32
      %add3A_166 = arith.constant 0 : i32
      %add3A_167 = arith.addi %add3A_166, %mul3A_165 : i32
      %dma_wait3A_168 = arith.constant 0 : i32
      %dma_wait3A_169 = arith.constant 0 : i32
      %dma_wait3A_170 = tpu.memref_slice %arg5[%arg0, %dma_wait3A_168, %dma_wait3A_169] : memref<2x10000x128xf32, #tpu.memory_space<hbm>> -> memref<1x40x128xf32, #tpu.memory_space<hbm>>
      %dma_wait3A_171 = tpu.memref_squeeze %dma_wait3A_170 : memref<1x40x128xf32, #tpu.memory_space<hbm>> -> memref<40x128xf32, #tpu.memory_space<hbm>>
      %dma_wait3A_172 = arith.constant 0 : i32
      %dma_wait3A_173 = arith.constant 0 : i32
      %dma_wait3A_174 = tpu.memref_slice %arg6[%dma_wait3A_172, %dma_wait3A_173] : memref<10016x128xf32, #tpu.memory_space<vmem_shared>> -> memref<40x128xf32, #tpu.memory_space<vmem_shared>>
      tpu.wait_dma2 semaphore(%arg26 : memref<!tpu.dma_semaphore, #tpu.memory_space<semaphore_mem>>) src(%dma_wait3A_174 : memref<40x128xf32, #tpu.memory_space<vmem_shared>>) dst(%dma_wait3A_171 : memref<40x128xf32, #tpu.memory_space<hbm>>)
    }
    %scan3A_157 = arith.constant 15 : i32
    %lt3A_158 = arith.constant 10 : i32
    %lt3A_159 = arith.cmpi slt, %arg1, %lt3A_158 : i32
    %convert_element_type3A_160 = arith.extui %lt3A_159 : i1 to i32
    %cond3A_161 = arith.constant 0 : i32
    %cond3A_162 = arith.cmpi ne, %convert_element_type3A_160, %cond3A_161 : i32
    scf.if %cond3A_162 {
      %dma_wait3A_163 = arith.constant 0 : i32
      %dma_wait3A_164 = arith.constant 0 : i32
      %dma_wait3A_165 = tpu.memref_slice %arg5[%arg0, %dma_wait3A_163, %dma_wait3A_164] : memref<2x10000x128xf32, #tpu.memory_space<hbm>> -> memref<1x40x128xf32, #tpu.memory_space<hbm>>
      %dma_wait3A_166 = tpu.memref_squeeze %dma_wait3A_165 : memref<1x40x128xf32, #tpu.memory_space<hbm>> -> memref<40x128xf32, #tpu.memory_space<hbm>>
      %dma_wait3A_167 = arith.constant 0 : i32
      %dma_wait3A_168 = arith.constant 0 : i32
      %dma_wait3A_169 = tpu.memref_slice %arg6[%dma_wait3A_167, %dma_wait3A_168] : memref<10016x128xf32, #tpu.memory_space<vmem_shared>> -> memref<40x128xf32, #tpu.memory_space<vmem_shared>>
      tpu.wait_dma2 semaphore(%arg26 : memref<!tpu.dma_semaphore, #tpu.memory_space<semaphore_mem>>) src(%dma_wait3A_169 : memref<40x128xf32, #tpu.memory_space<vmem_shared>>) dst(%dma_wait3A_166 : memref<40x128xf32, #tpu.memory_space<hbm>>)
    } else {
    }
    return
  }
}

#map = affine_map<(d0, d1) -> (0, 0)>
#map1 = affine_map<(d0, d1) -> (0, 0, 0)>
module attributes {stable_mosaic.version = 14 : i64} {
  func.func @scatter_kernel(%arg0: i32, %arg1: i32, %arg2: memref<10000x128xf32, #tpu.memory_space<hbm>>, %arg3: memref<32x10080xi32, #tpu.memory_space<hbm>>, %arg4: memref<32x10080xi32, #tpu.memory_space<hbm>>, %arg5: memref<2x10000x128xf32, #tpu.memory_space<hbm>>, %arg6: memref<10016x128xf32, #tpu.memory_space<vmem_shared>>, %arg7: memref<10080xi32, #tpu.memory_space<vmem>>, %arg8: memref<10080xi32, #tpu.memory_space<vmem>>, %arg9: memref<40x128xf32, #tpu.memory_space<vmem>>, %arg10: memref<40x128xf32, #tpu.memory_space<vmem>>, %arg11: memref<40x128xf32, #tpu.memory_space<vmem>>, %arg12: memref<40x128xf32, #tpu.memory_space<vmem>>, %arg13: memref<40xi32, #tpu.memory_space<vmem>>, %arg14: memref<40xi32, #tpu.memory_space<vmem>>, %arg15: memref<40xi32, #tpu.memory_space<vmem>>, %arg16: memref<40xi32, #tpu.memory_space<vmem>>, %arg17: memref<!tpu.dma_semaphore, #tpu.memory_space<semaphore_mem>>, %arg18: memref<!tpu.dma_semaphore, #tpu.memory_space<semaphore_mem>>, %arg19: memref<!tpu.dma_semaphore, #tpu.memory_space<semaphore_mem>>, %arg20: memref<!tpu.dma_semaphore, #tpu.memory_space<semaphore_mem>>, %arg21: memref<!tpu.dma_semaphore, #tpu.memory_space<semaphore_mem>>, %arg22: memref<!tpu.dma_semaphore, #tpu.memory_space<semaphore_mem>>, %arg23: memref<!tpu.dma_semaphore, #tpu.memory_space<semaphore_mem>>, %arg24: memref<!tpu.dma_semaphore, #tpu.memory_space<semaphore_mem>>, %arg25: memref<!tpu.dma_semaphore, #tpu.memory_space<semaphore_mem>>, %arg26: memref<!tpu.dma_semaphore, #tpu.memory_space<semaphore_mem>>) attributes {dimension_semantics = [#tpu.dimension_semantics<core_parallel>, #tpu.dimension_semantics<subcore_parallel>], iteration_bounds = array<i64: 2, 16>, scalar_prefetch = 0 : i64, scratch_operands = 21 : i64, tpu.core_type = #tpu.core_type<sc_vector_subcore>, window_params = [{transform_indices = #map}, {transform_indices = #map}, {transform_indices = #map}, {transform_indices = #map1}]} {
    %mul3A = arith.constant 2 : i32
    %mul3A_0 = arith.muli %arg1, %mul3A : i32
    %add3A = arith.addi %mul3A_0, %arg0 : i32
    %mul3A_1 = arith.constant 15 : i32
    %mul3A_2 = arith.muli %arg1, %mul3A_1 : i32
    %min3A = arith.constant 10 : i32
    %min3A_3 = arith.minsi %arg1, %min3A : i32
    %add3A_4 = arith.addi %mul3A_2, %min3A_3 : i32
    %dma_start3A = arith.constant 0 : i32
    %dma_start3A_5 = tpu.memref_slice %arg3[%add3A, %dma_start3A] : memref<32x10080xi32, #tpu.memory_space<hbm>> -> memref<1x10080xi32, #tpu.memory_space<hbm>>
    %dma_start3A_6 = tpu.memref_squeeze %dma_start3A_5 : memref<1x10080xi32, #tpu.memory_space<hbm>> -> memref<10080xi32, #tpu.memory_space<hbm>>
    %dma_start3A_7 = arith.constant 0 : i32
    %dma_start3A_8 = tpu.memref_slice %arg3[%add3A, %dma_start3A_7] : memref<32x10080xi32, #tpu.memory_space<hbm>> -> memref<1x10080xi32, #tpu.memory_space<hbm>>
    %dma_start3A_9 = tpu.memref_squeeze %dma_start3A_8 : memref<1x10080xi32, #tpu.memory_space<hbm>> -> memref<10080xi32, #tpu.memory_space<hbm>>
    tpu.enqueue_dma source(%dma_start3A_9 : memref<10080xi32, #tpu.memory_space<hbm>>) target(%arg7 : memref<10080xi32, #tpu.memory_space<vmem>>) target_semaphore(%arg17 : memref<!tpu.dma_semaphore, #tpu.memory_space<semaphore_mem>>)
    %dma_start3A_10 = arith.constant 0 : i32
    %dma_start3A_11 = tpu.memref_slice %arg4[%add3A, %dma_start3A_10] : memref<32x10080xi32, #tpu.memory_space<hbm>> -> memref<1x10080xi32, #tpu.memory_space<hbm>>
    %dma_start3A_12 = tpu.memref_squeeze %dma_start3A_11 : memref<1x10080xi32, #tpu.memory_space<hbm>> -> memref<10080xi32, #tpu.memory_space<hbm>>
    %dma_start3A_13 = arith.constant 0 : i32
    %dma_start3A_14 = tpu.memref_slice %arg4[%add3A, %dma_start3A_13] : memref<32x10080xi32, #tpu.memory_space<hbm>> -> memref<1x10080xi32, #tpu.memory_space<hbm>>
    %dma_start3A_15 = tpu.memref_squeeze %dma_start3A_14 : memref<1x10080xi32, #tpu.memory_space<hbm>> -> memref<10080xi32, #tpu.memory_space<hbm>>
    tpu.enqueue_dma source(%dma_start3A_15 : memref<10080xi32, #tpu.memory_space<hbm>>) target(%arg8 : memref<10080xi32, #tpu.memory_space<vmem>>) target_semaphore(%arg18 : memref<!tpu.dma_semaphore, #tpu.memory_space<semaphore_mem>>)
    %broadcast_in_dim3A = arith.constant 0.000000e+00 : f32
    %broadcast_in_dim3A_16 = vector.broadcast %broadcast_in_dim3A : f32 to vector<16xf32>
    %scan3A = arith.constant 0 : i32
    %scan3A_17 = arith.constant 40 : i32
    %scan3A_18 = arith.addi %scan3A, %scan3A_17 : i32
    %scan3A_19 = arith.constant 1 : i32
    scf.for %scan3A_163 = %scan3A to %scan3A_18 step %scan3A_19  : i32 {
      %mul3A_164 = arith.constant 1 : i32
      %mul3A_165 = arith.muli %scan3A_163, %mul3A_164 : i32
      %add3A_166 = arith.constant 0 : i32
      %add3A_167 = arith.addi %add3A_166, %mul3A_165 : i32
      %scan3A_168 = arith.constant 0 : i32
      %scan3A_169 = arith.constant 8 : i32
      %scan3A_170 = arith.addi %scan3A_168, %scan3A_169 : i32
      %scan3A_171 = arith.constant 1 : i32
      scf.for %scan3A_173 = %scan3A_168 to %scan3A_170 step %scan3A_171  : i32 {
        %mul3A_174 = arith.constant 1 : i32
        %mul3A_175 = arith.muli %scan3A_173, %mul3A_174 : i32
        %add3A_176 = arith.constant 0 : i32
        %add3A_177 = arith.addi %add3A_176, %mul3A_175 : i32
        %mul3A_178 = arith.constant 16 : i32
        %mul3A_179 = arith.muli %add3A_177, %mul3A_178 : i32
        %swap3A_180 = arith.index_cast %add3A_167 : i32 to index
        %swap3A_181 = arith.index_cast %mul3A_179 : i32 to index
        %swap3A_182 = tpu.vector_load %arg9[%swap3A_180, %swap3A_181] {strides = array<i32>} : memref<40x128xf32, #tpu.memory_space<vmem>>, vector<1x16xf32>,
        %swap3A_183 = vector.shape_cast %swap3A_182 : vector<1x16xf32> to vector<16xf32>
        %swap3A_184 = vector.shape_cast %broadcast_in_dim3A_16 : vector<16xf32> to vector<1x16xf32>
        tpu.vector_store %arg9[%swap3A_180, %swap3A_181], %swap3A_184 {strides = array<i32>} : memref<40x128xf32, #tpu.memory_space<vmem>>, vector<1x16xf32>,
      }
      %scan3A_172 = arith.constant 8 : i32
    }
    %scan3A_20 = arith.constant 40 : i32
    %scan3A_21 = arith.constant 0 : i32
    %scan3A_22 = arith.constant 15 : i32
    %scan3A_23 = arith.addi %scan3A_21, %scan3A_22 : i32
    %scan3A_24 = arith.constant 1 : i32
    scf.for %scan3A_163 = %scan3A_21 to %scan3A_23 step %scan3A_24  : i32 {
      %mul3A_164 = arith.constant 1 : i32
      %mul3A_165 = arith.muli %scan3A_163, %mul3A_164 : i32
      %add3A_166 = arith.constant 0 : i32
      %add3A_167 = arith.addi %add3A_166, %mul3A_165 : i32
      %add3A_168 = arith.addi %add3A_4, %add3A_167 : i32
      %mul3A_169 = arith.constant 40 : i32
      %mul3A_170 = arith.muli %add3A_168, %mul3A_169 : i32
      %dma_start3A_171 = arith.constant 0 : i32
      %dma_start3A_172 = tpu.memref_slice %arg6[%mul3A_170, %dma_start3A_171] : memref<10016x128xf32, #tpu.memory_space<vmem_shared>> -> memref<40x128xf32, #tpu.memory_space<vmem_shared>>
      %dma_start3A_173 = arith.constant 0 : i32
      %dma_start3A_174 = tpu.memref_slice %arg6[%mul3A_170, %dma_start3A_173] : memref<10016x128xf32, #tpu.memory_space<vmem_shared>> -> memref<40x128xf32, #tpu.memory_space<vmem_shared>>
      tpu.enqueue_dma source(%arg9 : memref<40x128xf32, #tpu.memory_space<vmem>>) target(%dma_start3A_174 : memref<40x128xf32, #tpu.memory_space<vmem_shared>>) target_semaphore(%arg25 : memref<!tpu.dma_semaphore, #tpu.memory_space<semaphore_mem>>)
    }
    %scan3A_25 = arith.constant 15 : i32
    %lt3A = arith.constant 10 : i32
    %lt3A_26 = arith.cmpi slt, %arg1, %lt3A : i32
    %convert_element_type3A = arith.extui %lt3A_26 : i1 to i32
    %cond3A = arith.constant 0 : i32
    %cond3A_27 = arith.cmpi ne, %convert_element_type3A, %cond3A : i32
    scf.if %cond3A_27 {
      %add3A_163 = arith.constant 15 : i32
      %add3A_164 = arith.addi %add3A_4, %add3A_163 : i32
      %mul3A_165 = arith.constant 40 : i32
      %mul3A_166 = arith.muli %add3A_164, %mul3A_165 : i32
      %dma_start3A_167 = arith.constant 0 : i32
      %dma_start3A_168 = tpu.memref_slice %arg6[%mul3A_166, %dma_start3A_167] : memref<10016x128xf32, #tpu.memory_space<vmem_shared>> -> memref<40x128xf32, #tpu.memory_space<vmem_shared>>
      %dma_start3A_169 = arith.constant 0 : i32
      %dma_start3A_170 = tpu.memref_slice %arg6[%mul3A_166, %dma_start3A_169] : memref<10016x128xf32, #tpu.memory_space<vmem_shared>> -> memref<40x128xf32, #tpu.memory_space<vmem_shared>>
      tpu.enqueue_dma source(%arg9 : memref<40x128xf32, #tpu.memory_space<vmem>>) target(%dma_start3A_170 : memref<40x128xf32, #tpu.memory_space<vmem_shared>>) target_semaphore(%arg25 : memref<!tpu.dma_semaphore, #tpu.memory_space<semaphore_mem>>)
    } else {
    }
    %scan3A_28 = arith.constant 0 : i32
    %scan3A_29 = arith.constant 15 : i32
    %scan3A_30 = arith.addi %scan3A_28, %scan3A_29 : i32
    %scan3A_31 = arith.constant 1 : i32
    scf.for %scan3A_163 = %scan3A_28 to %scan3A_30 step %scan3A_31  : i32 {
      %mul3A_164 = arith.constant 1 : i32
      %mul3A_165 = arith.muli %scan3A_163, %mul3A_164 : i32
      %add3A_166 = arith.constant 0 : i32
      %add3A_167 = arith.addi %add3A_166, %mul3A_165 : i32
      %dma_wait3A_168 = arith.constant 0 : i32
      %dma_wait3A_169 = arith.constant 0 : i32
      %dma_wait3A_170 = tpu.memref_slice %arg6[%dma_wait3A_168, %dma_wait3A_169] : memref<10016x128xf32, #tpu.memory_space<vmem_shared>> -> memref<40x128xf32, #tpu.memory_space<vmem_shared>>
      %dma_wait3A_171 = arith.constant 0 : i32
      %dma_wait3A_172 = arith.constant 0 : i32
      %dma_wait3A_173 = tpu.memref_slice %arg6[%dma_wait3A_171, %dma_wait3A_172] : memref<10016x128xf32, #tpu.memory_space<vmem_shared>> -> memref<40x128xf32, #tpu.memory_space<vmem_shared>>
      tpu.wait_dma2 semaphore(%arg25 : memref<!tpu.dma_semaphore, #tpu.memory_space<semaphore_mem>>) src(%arg9 : memref<40x128xf32, #tpu.memory_space<vmem>>) dst(%dma_wait3A_173 : memref<40x128xf32, #tpu.memory_space<vmem_shared>>)
    }
    %scan3A_32 = arith.constant 15 : i32
    %lt3A_33 = arith.constant 10 : i32
    %lt3A_34 = arith.cmpi slt, %arg1, %lt3A_33 : i32
    %convert_element_type3A_35 = arith.extui %lt3A_34 : i1 to i32
    %cond3A_36 = arith.constant 0 : i32
    %cond3A_37 = arith.cmpi ne, %convert_element_type3A_35, %cond3A_36 : i32
    scf.if %cond3A_37 {
      %dma_wait3A_163 = arith.constant 0 : i32
      %dma_wait3A_164 = arith.constant 0 : i32
      %dma_wait3A_165 = tpu.memref_slice %arg6[%dma_wait3A_163, %dma_wait3A_164] : memref<10016x128xf32, #tpu.memory_space<vmem_shared>> -> memref<40x128xf32, #tpu.memory_space<vmem_shared>>
      %dma_wait3A_166 = arith.constant 0 : i32
      %dma_wait3A_167 = arith.constant 0 : i32
      %dma_wait3A_168 = tpu.memref_slice %arg6[%dma_wait3A_166, %dma_wait3A_167] : memref<10016x128xf32, #tpu.memory_space<vmem_shared>> -> memref<40x128xf32, #tpu.memory_space<vmem_shared>>
      tpu.wait_dma2 semaphore(%arg25 : memref<!tpu.dma_semaphore, #tpu.memory_space<semaphore_mem>>) src(%arg9 : memref<40x128xf32, #tpu.memory_space<vmem>>) dst(%dma_wait3A_168 : memref<40x128xf32, #tpu.memory_space<vmem_shared>>)
    } else {
    }
    %dma_wait3A = arith.constant 0 : i32
    %dma_wait3A_38 = tpu.memref_slice %arg3[%add3A, %dma_wait3A] : memref<32x10080xi32, #tpu.memory_space<hbm>> -> memref<1x10080xi32, #tpu.memory_space<hbm>>
    %dma_wait3A_39 = tpu.memref_squeeze %dma_wait3A_38 : memref<1x10080xi32, #tpu.memory_space<hbm>> -> memref<10080xi32, #tpu.memory_space<hbm>>
    %dma_wait3A_40 = arith.constant 0 : i32
    %dma_wait3A_41 = tpu.memref_slice %arg3[%add3A, %dma_wait3A_40] : memref<32x10080xi32, #tpu.memory_space<hbm>> -> memref<1x10080xi32, #tpu.memory_space<hbm>>
    %dma_wait3A_42 = tpu.memref_squeeze %dma_wait3A_41 : memref<1x10080xi32, #tpu.memory_space<hbm>> -> memref<10080xi32, #tpu.memory_space<hbm>>
    tpu.wait_dma2 semaphore(%arg17 : memref<!tpu.dma_semaphore, #tpu.memory_space<semaphore_mem>>) src(%dma_wait3A_42 : memref<10080xi32, #tpu.memory_space<hbm>>) dst(%arg7 : memref<10080xi32, #tpu.memory_space<vmem>>)
    %dma_wait3A_43 = arith.constant 0 : i32
    %dma_wait3A_44 = tpu.memref_slice %arg4[%add3A, %dma_wait3A_43] : memref<32x10080xi32, #tpu.memory_space<hbm>> -> memref<1x10080xi32, #tpu.memory_space<hbm>>
    %dma_wait3A_45 = tpu.memref_squeeze %dma_wait3A_44 : memref<1x10080xi32, #tpu.memory_space<hbm>> -> memref<10080xi32, #tpu.memory_space<hbm>>
    %dma_wait3A_46 = arith.constant 0 : i32
    %dma_wait3A_47 = tpu.memref_slice %arg4[%add3A, %dma_wait3A_46] : memref<32x10080xi32, #tpu.memory_space<hbm>> -> memref<1x10080xi32, #tpu.memory_space<hbm>>
    %dma_wait3A_48 = tpu.memref_squeeze %dma_wait3A_47 : memref<1x10080xi32, #tpu.memory_space<hbm>> -> memref<10080xi32, #tpu.memory_space<hbm>>
    tpu.wait_dma2 semaphore(%arg18 : memref<!tpu.dma_semaphore, #tpu.memory_space<semaphore_mem>>) src(%dma_wait3A_48 : memref<10080xi32, #tpu.memory_space<hbm>>) dst(%arg8 : memref<10080xi32, #tpu.memory_space<vmem>>)
    %barrier3A = arith.constant 0 : index
    tpu.barrier barrier_id(%barrier3A)
    %dma_start3A_49 = arith.constant 0 : i32
    %dma_start3A_50 = tpu.memref_slice %arg7[%dma_start3A_49] : memref<10080xi32, #tpu.memory_space<vmem>> -> memref<40xi32, #tpu.memory_space<vmem>>
    %dma_start3A_51 = arith.constant 0 : i32
    %dma_start3A_52 = arith.constant 0 : i32
    %dma_start3A_53 = tpu.memref_slice %arg2[%dma_start3A_51, %dma_start3A_52] : memref<10000x128xf32, #tpu.memory_space<hbm>> -> memref<10000x128xf32, #tpu.memory_space<hbm>>
    tpu.enqueue_indirect_dma source(%dma_start3A_53 : memref<10000x128xf32, #tpu.memory_space<hbm>>) target(%arg9 : memref<40x128xf32, #tpu.memory_space<vmem>>) offsets(%dma_start3A_50 : memref<40xi32, #tpu.memory_space<vmem>>) semaphore(%arg17 : memref<!tpu.dma_semaphore, #tpu.memory_space<semaphore_mem>>)
    %get3A = arith.constant 0 : index
    %get3A_54 = tpu.vector_load %arg8[%get3A] {strides = array<i32>} : memref<10080xi32, #tpu.memory_space<vmem>>, vector<16xi32>,
    %get3A_55 = vector.shape_cast %get3A_54 : vector<16xi32> to vector<16xi32>
    %swap3A = arith.constant 0 : index
    %swap3A_56 = tpu.vector_load %arg13[%swap3A] {strides = array<i32>} : memref<40xi32, #tpu.memory_space<vmem>>, vector<16xi32>,
    %swap3A_57 = vector.shape_cast %swap3A_56 : vector<16xi32> to vector<16xi32>
    %swap3A_58 = vector.shape_cast %get3A_55 : vector<16xi32> to vector<16xi32>
    tpu.vector_store %arg13[%swap3A], %swap3A_58 {strides = array<i32>} : memref<40xi32, #tpu.memory_space<vmem>>, vector<16xi32>,
    %get3A_59 = arith.constant 16 : index
    %get3A_60 = tpu.vector_load %arg8[%get3A_59] {strides = array<i32>} : memref<10080xi32, #tpu.memory_space<vmem>>, vector<16xi32>,
    %get3A_61 = vector.shape_cast %get3A_60 : vector<16xi32> to vector<16xi32>
    %swap3A_62 = arith.constant 16 : index
    %swap3A_63 = tpu.vector_load %arg13[%swap3A_62] {strides = array<i32>} : memref<40xi32, #tpu.memory_space<vmem>>, vector<16xi32>,
    %swap3A_64 = vector.shape_cast %swap3A_63 : vector<16xi32> to vector<16xi32>
    %swap3A_65 = vector.shape_cast %get3A_61 : vector<16xi32> to vector<16xi32>
    tpu.vector_store %arg13[%swap3A_62], %swap3A_65 {strides = array<i32>} : memref<40xi32, #tpu.memory_space<vmem>>, vector<16xi32>,
    %get3A_66 = arith.constant 24 : index
    %get3A_67 = tpu.vector_load %arg8[%get3A_66] {strides = array<i32>} : memref<10080xi32, #tpu.memory_space<vmem>>, vector<16xi32>,
    %get3A_68 = vector.shape_cast %get3A_67 : vector<16xi32> to vector<16xi32>
    %swap3A_69 = arith.constant 24 : index
    %swap3A_70 = tpu.vector_load %arg13[%swap3A_69] {strides = array<i32>} : memref<40xi32, #tpu.memory_space<vmem>>, vector<16xi32>,
    %swap3A_71 = vector.shape_cast %swap3A_70 : vector<16xi32> to vector<16xi32>
    %swap3A_72 = vector.shape_cast %get3A_68 : vector<16xi32> to vector<16xi32>
    tpu.vector_store %arg13[%swap3A_69], %swap3A_72 {strides = array<i32>} : memref<40xi32, #tpu.memory_space<vmem>>, vector<16xi32>,
    %dma_start3A_73 = arith.constant 40 : i32
    %dma_start3A_74 = tpu.memref_slice %arg7[%dma_start3A_73] : memref<10080xi32, #tpu.memory_space<vmem>> -> memref<40xi32, #tpu.memory_space<vmem>>
    %dma_start3A_75 = arith.constant 0 : i32
    %dma_start3A_76 = arith.constant 0 : i32
    %dma_start3A_77 = tpu.memref_slice %arg2[%dma_start3A_75, %dma_start3A_76] : memref<10000x128xf32, #tpu.memory_space<hbm>> -> memref<10000x128xf32, #tpu.memory_space<hbm>>
    tpu.enqueue_indirect_dma source(%dma_start3A_77 : memref<10000x128xf32, #tpu.memory_space<hbm>>) target(%arg10 : memref<40x128xf32, #tpu.memory_space<vmem>>) offsets(%dma_start3A_74 : memref<40xi32, #tpu.memory_space<vmem>>) semaphore(%arg18 : memref<!tpu.dma_semaphore, #tpu.memory_space<semaphore_mem>>)
    %get3A_78 = arith.constant 40 : index
    %get3A_79 = tpu.vector_load %arg8[%get3A_78] {strides = array<i32>} : memref<10080xi32, #tpu.memory_space<vmem>>, vector<16xi32>,
    %get3A_80 = vector.shape_cast %get3A_79 : vector<16xi32> to vector<16xi32>
    %swap3A_81 = arith.constant 0 : index
    %swap3A_82 = tpu.vector_load %arg14[%swap3A_81] {strides = array<i32>} : memref<40xi32, #tpu.memory_space<vmem>>, vector<16xi32>,
    %swap3A_83 = vector.shape_cast %swap3A_82 : vector<16xi32> to vector<16xi32>
    %swap3A_84 = vector.shape_cast %get3A_80 : vector<16xi32> to vector<16xi32>
    tpu.vector_store %arg14[%swap3A_81], %swap3A_84 {strides = array<i32>} : memref<40xi32, #tpu.memory_space<vmem>>, vector<16xi32>,
    %get3A_85 = arith.constant 56 : index
    %get3A_86 = tpu.vector_load %arg8[%get3A_85] {strides = array<i32>} : memref<10080xi32, #tpu.memory_space<vmem>>, vector<16xi32>,
    %get3A_87 = vector.shape_cast %get3A_86 : vector<16xi32> to vector<16xi32>
    %swap3A_88 = arith.constant 16 : index
    %swap3A_89 = tpu.vector_load %arg14[%swap3A_88] {strides = array<i32>} : memref<40xi32, #tpu.memory_space<vmem>>, vector<16xi32>,
    %swap3A_90 = vector.shape_cast %swap3A_89 : vector<16xi32> to vector<16xi32>
    %swap3A_91 = vector.shape_cast %get3A_87 : vector<16xi32> to vector<16xi32>
    tpu.vector_store %arg14[%swap3A_88], %swap3A_91 {strides = array<i32>} : memref<40xi32, #tpu.memory_space<vmem>>, vector<16xi32>,
    %get3A_92 = arith.constant 64 : index
    %get3A_93 = tpu.vector_load %arg8[%get3A_92] {strides = array<i32>} : memref<10080xi32, #tpu.memory_space<vmem>>, vector<16xi32>,
    %get3A_94 = vector.shape_cast %get3A_93 : vector<16xi32> to vector<16xi32>
    %swap3A_95 = arith.constant 24 : index
    %swap3A_96 = tpu.vector_load %arg14[%swap3A_95] {strides = array<i32>} : memref<40xi32, #tpu.memory_space<vmem>>, vector<16xi32>,
    %swap3A_97 = vector.shape_cast %swap3A_96 : vector<16xi32> to vector<16xi32>
    %swap3A_98 = vector.shape_cast %get3A_94 : vector<16xi32> to vector<16xi32>
    tpu.vector_store %arg14[%swap3A_95], %swap3A_98 {strides = array<i32>} : memref<40xi32, #tpu.memory_space<vmem>>, vector<16xi32>,
    %dma_start3A_99 = arith.constant 80 : i32
    %dma_start3A_100 = tpu.memref_slice %arg7[%dma_start3A_99] : memref<10080xi32, #tpu.memory_space<vmem>> -> memref<40xi32, #tpu.memory_space<vmem>>
    %dma_start3A_101 = arith.constant 0 : i32
    %dma_start3A_102 = arith.constant 0 : i32
    %dma_start3A_103 = tpu.memref_slice %arg2[%dma_start3A_101, %dma_start3A_102] : memref<10000x128xf32, #tpu.memory_space<hbm>> -> memref<10000x128xf32, #tpu.memory_space<hbm>>
    tpu.enqueue_indirect_dma source(%dma_start3A_103 : memref<10000x128xf32, #tpu.memory_space<hbm>>) target(%arg11 : memref<40x128xf32, #tpu.memory_space<vmem>>) offsets(%dma_start3A_100 : memref<40xi32, #tpu.memory_space<vmem>>) semaphore(%arg19 : memref<!tpu.dma_semaphore, #tpu.memory_space<semaphore_mem>>)
    %get3A_104 = arith.constant 80 : index
    %get3A_105 = tpu.vector_load %arg8[%get3A_104] {strides = array<i32>} : memref<10080xi32, #tpu.memory_space<vmem>>, vector<16xi32>,
    %get3A_106 = vector.shape_cast %get3A_105 : vector<16xi32> to vector<16xi32>
    %swap3A_107 = arith.constant 0 : index
    %swap3A_108 = tpu.vector_load %arg15[%swap3A_107] {strides = array<i32>} : memref<40xi32, #tpu.memory_space<vmem>>, vector<16xi32>,
    %swap3A_109 = vector.shape_cast %swap3A_108 : vector<16xi32> to vector<16xi32>
    %swap3A_110 = vector.shape_cast %get3A_106 : vector<16xi32> to vector<16xi32>
    tpu.vector_store %arg15[%swap3A_107], %swap3A_110 {strides = array<i32>} : memref<40xi32, #tpu.memory_space<vmem>>, vector<16xi32>,
    %get3A_111 = arith.constant 96 : index
    %get3A_112 = tpu.vector_load %arg8[%get3A_111] {strides = array<i32>} : memref<10080xi32, #tpu.memory_space<vmem>>, vector<16xi32>,
    %get3A_113 = vector.shape_cast %get3A_112 : vector<16xi32> to vector<16xi32>
    %swap3A_114 = arith.constant 16 : index
    %swap3A_115 = tpu.vector_load %arg15[%swap3A_114] {strides = array<i32>} : memref<40xi32, #tpu.memory_space<vmem>>, vector<16xi32>,
    %swap3A_116 = vector.shape_cast %swap3A_115 : vector<16xi32> to vector<16xi32>
    %swap3A_117 = vector.shape_cast %get3A_113 : vector<16xi32> to vector<16xi32>
    tpu.vector_store %arg15[%swap3A_114], %swap3A_117 {strides = array<i32>} : memref<40xi32, #tpu.memory_space<vmem>>, vector<16xi32>,
    %get3A_118 = arith.constant 104 : index
    %get3A_119 = tpu.vector_load %arg8[%get3A_118] {strides = array<i32>} : memref<10080xi32, #tpu.memory_space<vmem>>, vector<16xi32>,
    %get3A_120 = vector.shape_cast %get3A_119 : vector<16xi32> to vector<16xi32>
    %swap3A_121 = arith.constant 24 : index
    %swap3A_122 = tpu.vector_load %arg15[%swap3A_121] {strides = array<i32>} : memref<40xi32, #tpu.memory_space<vmem>>, vector<16xi32>,
    %swap3A_123 = vector.shape_cast %swap3A_122 : vector<16xi32> to vector<16xi32>
    %swap3A_124 = vector.shape_cast %get3A_120 : vector<16xi32> to vector<16xi32>
    tpu.vector_store %arg15[%swap3A_121], %swap3A_124 {strides = array<i32>} : memref<40xi32, #tpu.memory_space<vmem>>, vector<16xi32>,
    %scan3A_125 = arith.constant 0 : i32
    %scan3A_126 = arith.constant 63 : i32
    %scan3A_127 = arith.addi %scan3A_125, %scan3A_126 : i32
    %scan3A_128 = arith.constant 1 : i32
    scf.for %scan3A_163 = %scan3A_125 to %scan3A_127 step %scan3A_128  : i32 {
      %mul3A_164 = arith.constant 1 : i32
      %mul3A_165 = arith.muli %scan3A_163, %mul3A_164 : i32
      %add3A_166 = arith.constant 0 : i32
      %add3A_167 = arith.addi %add3A_166, %mul3A_165 : i32
      %mul3A_168 = arith.constant 4 : i32
      %mul3A_169 = arith.muli %add3A_167, %mul3A_168 : i32
      %add3A_170 = arith.constant 0 : i32
      %add3A_171 = arith.addi %mul3A_169, %add3A_170 : i32
      %dma_wait3A_172 = arith.constant 0 : i32
      %dma_wait3A_173 = tpu.memref_slice %arg7[%dma_wait3A_172] : memref<10080xi32, #tpu.memory_space<vmem>> -> memref<40xi32, #tpu.memory_space<vmem>>
      %dma_wait3A_174 = arith.constant 0 : i32
      %dma_wait3A_175 = arith.constant 0 : i32
      %dma_wait3A_176 = tpu.memref_slice %arg2[%dma_wait3A_174, %dma_wait3A_175] : memref<10000x128xf32, #tpu.memory_space<hbm>> -> memref<10000x128xf32, #tpu.memory_space<hbm>>
      tpu.wait_indirect_dma semaphore(%arg17 : memref<!tpu.dma_semaphore, #tpu.memory_space<semaphore_mem>>) src(%dma_wait3A_176 : memref<10000x128xf32, #tpu.memory_space<hbm>>) dst(%arg9 : memref<40x128xf32, #tpu.memory_space<vmem>>)
      %dma_start3A_177 = arith.constant 0 : i32
      %dma_start3A_178 = arith.constant 0 : i32
      %dma_start3A_179 = tpu.memref_slice %arg6[%dma_start3A_177, %dma_start3A_178] : memref<10016x128xf32, #tpu.memory_space<vmem_shared>> -> memref<10016x128xf32, #tpu.memory_space<vmem_shared>>
      tpu.enqueue_indirect_dma source(%arg9 : memref<40x128xf32, #tpu.memory_space<vmem>>) target(%dma_start3A_179 : memref<10016x128xf32, #tpu.memory_space<vmem_shared>>) offsets(%arg13 : memref<40xi32, #tpu.memory_space<vmem>>) semaphore(%arg21 : memref<!tpu.dma_semaphore, #tpu.memory_space<semaphore_mem>>) {add = true}
      %add3A_180 = arith.constant 4 : i32
      %add3A_181 = arith.addi %add3A_171, %add3A_180 : i32
      %sub3A = arith.constant 1 : i32
      %sub3A_182 = arith.subi %add3A_181, %sub3A : i32
      %lt3A_183 = arith.constant 252 : i32
      %lt3A_184 = arith.cmpi slt, %sub3A_182, %lt3A_183 : i32
      %convert_element_type3A_185 = arith.extui %lt3A_184 : i1 to i32
      %cond3A_186 = arith.constant 0 : i32
      %cond3A_187 = arith.cmpi ne, %convert_element_type3A_185, %cond3A_186 : i32
      scf.if %cond3A_187 {
        %ge3A = arith.constant 1 : i32
        %ge3A_251 = arith.cmpi sge, %add3A_171, %ge3A : i32
        %convert_element_type3A_252 = arith.extui %ge3A_251 : i1 to i32
        %cond3A_253 = arith.constant 0 : i32
        %cond3A_254 = arith.cmpi ne, %convert_element_type3A_252, %cond3A_253 : i32
        scf.if %cond3A_254 {
          %dma_wait3A_294 = arith.constant 0 : i32
          %dma_wait3A_295 = arith.constant 0 : i32
          %dma_wait3A_296 = tpu.memref_slice %arg6[%dma_wait3A_294, %dma_wait3A_295] : memref<10016x128xf32, #tpu.memory_space<vmem_shared>> -> memref<10016x128xf32, #tpu.memory_space<vmem_shared>>
          tpu.wait_indirect_dma semaphore(%arg24 : memref<!tpu.dma_semaphore, #tpu.memory_space<semaphore_mem>>) src(%arg12 : memref<40x128xf32, #tpu.memory_space<vmem>>) dst(%dma_wait3A_296 : memref<10016x128xf32, #tpu.memory_space<vmem_shared>>)
        } else {
        }
        %add3A_255 = arith.constant 4 : i32
        %add3A_256 = arith.addi %add3A_171, %add3A_255 : i32
        %sub3A_257 = arith.constant 1 : i32
        %sub3A_258 = arith.subi %add3A_256, %sub3A_257 : i32
        %mul3A_259 = arith.constant 40 : i32
        %mul3A_260 = arith.muli %sub3A_258, %mul3A_259 : i32
        %dma_start3A_261 = tpu.memref_slice %arg7[%mul3A_260] : memref<10080xi32, #tpu.memory_space<vmem>> -> memref<40xi32, #tpu.memory_space<vmem>>
        %dma_start3A_262 = arith.constant 0 : i32
        %dma_start3A_263 = arith.constant 0 : i32
        %dma_start3A_264 = tpu.memref_slice %arg2[%dma_start3A_262, %dma_start3A_263] : memref<10000x128xf32, #tpu.memory_space<hbm>> -> memref<10000x128xf32, #tpu.memory_space<hbm>>
        tpu.enqueue_indirect_dma source(%dma_start3A_264 : memref<10000x128xf32, #tpu.memory_space<hbm>>) target(%arg12 : memref<40x128xf32, #tpu.memory_space<vmem>>) offsets(%dma_start3A_261 : memref<40xi32, #tpu.memory_space<vmem>>) semaphore(%arg20 : memref<!tpu.dma_semaphore, #tpu.memory_space<semaphore_mem>>)
        %mul3A_265 = arith.constant 40 : i32
        %mul3A_266 = arith.muli %sub3A_258, %mul3A_265 : i32
        %add3A_267 = arith.constant 0 : i32
        %add3A_268 = arith.addi %mul3A_266, %add3A_267 : i32
        %get3A_269 = arith.index_cast %add3A_268 : i32 to index
        %get3A_270 = tpu.vector_load %arg8[%get3A_269] {strides = array<i32>} : memref<10080xi32, #tpu.memory_space<vmem>>, vector<16xi32>,
        %get3A_271 = vector.shape_cast %get3A_270 : vector<16xi32> to vector<16xi32>
        %swap3A_272 = arith.constant 0 : index
        %swap3A_273 = tpu.vector_load %arg16[%swap3A_272] {strides = array<i32>} : memref<40xi32, #tpu.memory_space<vmem>>, vector<16xi32>,
        %swap3A_274 = vector.shape_cast %swap3A_273 : vector<16xi32> to vector<16xi32>
        %swap3A_275 = vector.shape_cast %get3A_271 : vector<16xi32> to vector<16xi32>
        tpu.vector_store %arg16[%swap3A_272], %swap3A_275 {strides = array<i32>} : memref<40xi32, #tpu.memory_space<vmem>>, vector<16xi32>,
        %add3A_276 = arith.constant 16 : i32
        %add3A_277 = arith.addi %mul3A_266, %add3A_276 : i32
        %get3A_278 = arith.index_cast %add3A_277 : i32 to index
        %get3A_279 = tpu.vector_load %arg8[%get3A_278] {strides = array<i32>} : memref<10080xi32, #tpu.memory_space<vmem>>, vector<16xi32>,
        %get3A_280 = vector.shape_cast %get3A_279 : vector<16xi32> to vector<16xi32>
        %swap3A_281 = arith.constant 16 : index
        %swap3A_282 = tpu.vector_load %arg16[%swap3A_281] {strides = array<i32>} : memref<40xi32, #tpu.memory_space<vmem>>, vector<16xi32>,
        %swap3A_283 = vector.shape_cast %swap3A_282 : vector<16xi32> to vector<16xi32>
        %swap3A_284 = vector.shape_cast %get3A_280 : vector<16xi32> to vector<16xi32>
        tpu.vector_store %arg16[%swap3A_281], %swap3A_284 {strides = array<i32>} : memref<40xi32, #tpu.memory_space<vmem>>, vector<16xi32>,
        %add3A_285 = arith.constant 24 : i32
        %add3A_286 = arith.addi %mul3A_266, %add3A_285 : i32
        %get3A_287 = arith.index_cast %add3A_286 : i32 to index
        %get3A_288 = tpu.vector_load %arg8[%get3A_287] {strides = array<i32>} : memref<10080xi32, #tpu.memory_space<vmem>>, vector<16xi32>,
        %get3A_289 = vector.shape_cast %get3A_288 : vector<16xi32> to vector<16xi32>
        %swap3A_290 = arith.constant 24 : index
        %swap3A_291 = tpu.vector_load %arg16[%swap3A_290] {strides = array<i32>} : memref<40xi32, #tpu.memory_space<vmem>>, vector<16xi32>,
        %swap3A_292 = vector.shape_cast %swap3A_291 : vector<16xi32> to vector<16xi32>
        %swap3A_293 = vector.shape_cast %get3A_289 : vector<16xi32> to vector<16xi32>
        tpu.vector_store %arg16[%swap3A_290], %swap3A_293 {strides = array<i32>} : memref<40xi32, #tpu.memory_space<vmem>>, vector<16xi32>,
      } else {
      }
      %mul3A_188 = arith.constant 4 : i32
      %mul3A_189 = arith.muli %add3A_167, %mul3A_188 : i32
      %add3A_190 = arith.constant 1 : i32
      %add3A_191 = arith.addi %mul3A_189, %add3A_190 : i32
      %dma_wait3A_192 = arith.constant 0 : i32
      %dma_wait3A_193 = tpu.memref_slice %arg7[%dma_wait3A_192] : memref<10080xi32, #tpu.memory_space<vmem>> -> memref<40xi32, #tpu.memory_space<vmem>>
      %dma_wait3A_194 = arith.constant 0 : i32
      %dma_wait3A_195 = arith.constant 0 : i32
      %dma_wait3A_196 = tpu.memref_slice %arg2[%dma_wait3A_194, %dma_wait3A_195] : memref<10000x128xf32, #tpu.memory_space<hbm>> -> memref<10000x128xf32, #tpu.memory_space<hbm>>
      tpu.wait_indirect_dma semaphore(%arg18 : memref<!tpu.dma_semaphore, #tpu.memory_space<semaphore_mem>>) src(%dma_wait3A_196 : memref<10000x128xf32, #tpu.memory_space<hbm>>) dst(%arg10 : memref<40x128xf32, #tpu.memory_space<vmem>>)
      %dma_start3A_197 = arith.constant 0 : i32
      %dma_start3A_198 = arith.constant 0 : i32
      %dma_start3A_199 = tpu.memref_slice %arg6[%dma_start3A_197, %dma_start3A_198] : memref<10016x128xf32, #tpu.memory_space<vmem_shared>> -> memref<10016x128xf32, #tpu.memory_space<vmem_shared>>
      tpu.enqueue_indirect_dma source(%arg10 : memref<40x128xf32, #tpu.memory_space<vmem>>) target(%dma_start3A_199 : memref<10016x128xf32, #tpu.memory_space<vmem_shared>>) offsets(%arg14 : memref<40xi32, #tpu.memory_space<vmem>>) semaphore(%arg22 : memref<!tpu.dma_semaphore, #tpu.memory_space<semaphore_mem>>) {add = true}
      %add3A_200 = arith.constant 4 : i32
      %add3A_201 = arith.addi %add3A_191, %add3A_200 : i32
      %sub3A_202 = arith.constant 1 : i32
      %sub3A_203 = arith.subi %add3A_201, %sub3A_202 : i32
      %lt3A_204 = arith.constant 252 : i32
      %lt3A_205 = arith.cmpi slt, %sub3A_203, %lt3A_204 : i32
      %convert_element_type3A_206 = arith.extui %lt3A_205 : i1 to i32
      %cond3A_207 = arith.constant 0 : i32
      %cond3A_208 = arith.cmpi ne, %convert_element_type3A_206, %cond3A_207 : i32
      scf.if %cond3A_208 {
        %ge3A = arith.constant 1 : i32
        %ge3A_251 = arith.cmpi sge, %add3A_191, %ge3A : i32
        %convert_element_type3A_252 = arith.extui %ge3A_251 : i1 to i32
        %cond3A_253 = arith.constant 0 : i32
        %cond3A_254 = arith.cmpi ne, %convert_element_type3A_252, %cond3A_253 : i32
        scf.if %cond3A_254 {
          %dma_wait3A_294 = arith.constant 0 : i32
          %dma_wait3A_295 = arith.constant 0 : i32
          %dma_wait3A_296 = tpu.memref_slice %arg6[%dma_wait3A_294, %dma_wait3A_295] : memref<10016x128xf32, #tpu.memory_space<vmem_shared>> -> memref<10016x128xf32, #tpu.memory_space<vmem_shared>>
          tpu.wait_indirect_dma semaphore(%arg21 : memref<!tpu.dma_semaphore, #tpu.memory_space<semaphore_mem>>) src(%arg9 : memref<40x128xf32, #tpu.memory_space<vmem>>) dst(%dma_wait3A_296 : memref<10016x128xf32, #tpu.memory_space<vmem_shared>>)
        } else {
        }
        %add3A_255 = arith.constant 4 : i32
        %add3A_256 = arith.addi %add3A_191, %add3A_255 : i32
        %sub3A_257 = arith.constant 1 : i32
        %sub3A_258 = arith.subi %add3A_256, %sub3A_257 : i32
        %mul3A_259 = arith.constant 40 : i32
        %mul3A_260 = arith.muli %sub3A_258, %mul3A_259 : i32
        %dma_start3A_261 = tpu.memref_slice %arg7[%mul3A_260] : memref<10080xi32, #tpu.memory_space<vmem>> -> memref<40xi32, #tpu.memory_space<vmem>>
        %dma_start3A_262 = arith.constant 0 : i32
        %dma_start3A_263 = arith.constant 0 : i32
        %dma_start3A_264 = tpu.memref_slice %arg2[%dma_start3A_262, %dma_start3A_263] : memref<10000x128xf32, #tpu.memory_space<hbm>> -> memref<10000x128xf32, #tpu.memory_space<hbm>>
        tpu.enqueue_indirect_dma source(%dma_start3A_264 : memref<10000x128xf32, #tpu.memory_space<hbm>>) target(%arg9 : memref<40x128xf32, #tpu.memory_space<vmem>>) offsets(%dma_start3A_261 : memref<40xi32, #tpu.memory_space<vmem>>) semaphore(%arg17 : memref<!tpu.dma_semaphore, #tpu.memory_space<semaphore_mem>>)
        %mul3A_265 = arith.constant 40 : i32
        %mul3A_266 = arith.muli %sub3A_258, %mul3A_265 : i32
        %add3A_267 = arith.constant 0 : i32
        %add3A_268 = arith.addi %mul3A_266, %add3A_267 : i32
        %get3A_269 = arith.index_cast %add3A_268 : i32 to index
        %get3A_270 = tpu.vector_load %arg8[%get3A_269] {strides = array<i32>} : memref<10080xi32, #tpu.memory_space<vmem>>, vector<16xi32>,
        %get3A_271 = vector.shape_cast %get3A_270 : vector<16xi32> to vector<16xi32>
        %swap3A_272 = arith.constant 0 : index
        %swap3A_273 = tpu.vector_load %arg13[%swap3A_272] {strides = array<i32>} : memref<40xi32, #tpu.memory_space<vmem>>, vector<16xi32>,
        %swap3A_274 = vector.shape_cast %swap3A_273 : vector<16xi32> to vector<16xi32>
        %swap3A_275 = vector.shape_cast %get3A_271 : vector<16xi32> to vector<16xi32>
        tpu.vector_store %arg13[%swap3A_272], %swap3A_275 {strides = array<i32>} : memref<40xi32, #tpu.memory_space<vmem>>, vector<16xi32>,
        %add3A_276 = arith.constant 16 : i32
        %add3A_277 = arith.addi %mul3A_266, %add3A_276 : i32
        %get3A_278 = arith.index_cast %add3A_277 : i32 to index
        %get3A_279 = tpu.vector_load %arg8[%get3A_278] {strides = array<i32>} : memref<10080xi32, #tpu.memory_space<vmem>>, vector<16xi32>,
        %get3A_280 = vector.shape_cast %get3A_279 : vector<16xi32> to vector<16xi32>
        %swap3A_281 = arith.constant 16 : index
        %swap3A_282 = tpu.vector_load %arg13[%swap3A_281] {strides = array<i32>} : memref<40xi32, #tpu.memory_space<vmem>>, vector<16xi32>,
        %swap3A_283 = vector.shape_cast %swap3A_282 : vector<16xi32> to vector<16xi32>
        %swap3A_284 = vector.shape_cast %get3A_280 : vector<16xi32> to vector<16xi32>
        tpu.vector_store %arg13[%swap3A_281], %swap3A_284 {strides = array<i32>} : memref<40xi32, #tpu.memory_space<vmem>>, vector<16xi32>,
        %add3A_285 = arith.constant 24 : i32
        %add3A_286 = arith.addi %mul3A_266, %add3A_285 : i32
        %get3A_287 = arith.index_cast %add3A_286 : i32 to index
        %get3A_288 = tpu.vector_load %arg8[%get3A_287] {strides = array<i32>} : memref<10080xi32, #tpu.memory_space<vmem>>, vector<16xi32>,
        %get3A_289 = vector.shape_cast %get3A_288 : vector<16xi32> to vector<16xi32>
        %swap3A_290 = arith.constant 24 : index
        %swap3A_291 = tpu.vector_load %arg13[%swap3A_290] {strides = array<i32>} : memref<40xi32, #tpu.memory_space<vmem>>, vector<16xi32>,
        %swap3A_292 = vector.shape_cast %swap3A_291 : vector<16xi32> to vector<16xi32>
        %swap3A_293 = vector.shape_cast %get3A_289 : vector<16xi32> to vector<16xi32>
        tpu.vector_store %arg13[%swap3A_290], %swap3A_293 {strides = array<i32>} : memref<40xi32, #tpu.memory_space<vmem>>, vector<16xi32>,
      } else {
      }
      %mul3A_209 = arith.constant 4 : i32
      %mul3A_210 = arith.muli %add3A_167, %mul3A_209 : i32
      %add3A_211 = arith.constant 2 : i32
      %add3A_212 = arith.addi %mul3A_210, %add3A_211 : i32
      %dma_wait3A_213 = arith.constant 0 : i32
      %dma_wait3A_214 = tpu.memref_slice %arg7[%dma_wait3A_213] : memref<10080xi32, #tpu.memory_space<vmem>> -> memref<40xi32, #tpu.memory_space<vmem>>
      %dma_wait3A_215 = arith.constant 0 : i32
      %dma_wait3A_216 = arith.constant 0 : i32
      %dma_wait3A_217 = tpu.memref_slice %arg2[%dma_wait3A_215, %dma_wait3A_216] : memref<10000x128xf32, #tpu.memory_space<hbm>> -> memref<10000x128xf32, #tpu.memory_space<hbm>>
      tpu.wait_indirect_dma semaphore(%arg19 : memref<!tpu.dma_semaphore, #tpu.memory_space<semaphore_mem>>) src(%dma_wait3A_217 : memref<10000x128xf32, #tpu.memory_space<hbm>>) dst(%arg11 : memref<40x128xf32, #tpu.memory_space<vmem>>)
      %dma_start3A_218 = arith.constant 0 : i32
      %dma_start3A_219 = arith.constant 0 : i32
      %dma_start3A_220 = tpu.memref_slice %arg6[%dma_start3A_218, %dma_start3A_219] : memref<10016x128xf32, #tpu.memory_space<vmem_shared>> -> memref<10016x128xf32, #tpu.memory_space<vmem_shared>>
      tpu.enqueue_indirect_dma source(%arg11 : memref<40x128xf32, #tpu.memory_space<vmem>>) target(%dma_start3A_220 : memref<10016x128xf32, #tpu.memory_space<vmem_shared>>) offsets(%arg15 : memref<40xi32, #tpu.memory_space<vmem>>) semaphore(%arg23 : memref<!tpu.dma_semaphore, #tpu.memory_space<semaphore_mem>>) {add = true}
      %add3A_221 = arith.constant 4 : i32
      %add3A_222 = arith.addi %add3A_212, %add3A_221 : i32
      %sub3A_223 = arith.constant 1 : i32
      %sub3A_224 = arith.subi %add3A_222, %sub3A_223 : i32
      %lt3A_225 = arith.constant 252 : i32
      %lt3A_226 = arith.cmpi slt, %sub3A_224, %lt3A_225 : i32
      %convert_element_type3A_227 = arith.extui %lt3A_226 : i1 to i32
      %cond3A_228 = arith.constant 0 : i32
      %cond3A_229 = arith.cmpi ne, %convert_element_type3A_227, %cond3A_228 : i32
      scf.if %cond3A_229 {
        %ge3A = arith.constant 1 : i32
        %ge3A_251 = arith.cmpi sge, %add3A_212, %ge3A : i32
        %convert_element_type3A_252 = arith.extui %ge3A_251 : i1 to i32
        %cond3A_253 = arith.constant 0 : i32
        %cond3A_254 = arith.cmpi ne, %convert_element_type3A_252, %cond3A_253 : i32
        scf.if %cond3A_254 {
          %dma_wait3A_294 = arith.constant 0 : i32
          %dma_wait3A_295 = arith.constant 0 : i32
          %dma_wait3A_296 = tpu.memref_slice %arg6[%dma_wait3A_294, %dma_wait3A_295] : memref<10016x128xf32, #tpu.memory_space<vmem_shared>> -> memref<10016x128xf32, #tpu.memory_space<vmem_shared>>
          tpu.wait_indirect_dma semaphore(%arg22 : memref<!tpu.dma_semaphore, #tpu.memory_space<semaphore_mem>>) src(%arg10 : memref<40x128xf32, #tpu.memory_space<vmem>>) dst(%dma_wait3A_296 : memref<10016x128xf32, #tpu.memory_space<vmem_shared>>)
        } else {
        }
        %add3A_255 = arith.constant 4 : i32
        %add3A_256 = arith.addi %add3A_212, %add3A_255 : i32
        %sub3A_257 = arith.constant 1 : i32
        %sub3A_258 = arith.subi %add3A_256, %sub3A_257 : i32
        %mul3A_259 = arith.constant 40 : i32
        %mul3A_260 = arith.muli %sub3A_258, %mul3A_259 : i32
        %dma_start3A_261 = tpu.memref_slice %arg7[%mul3A_260] : memref<10080xi32, #tpu.memory_space<vmem>> -> memref<40xi32, #tpu.memory_space<vmem>>
        %dma_start3A_262 = arith.constant 0 : i32
        %dma_start3A_263 = arith.constant 0 : i32
        %dma_start3A_264 = tpu.memref_slice %arg2[%dma_start3A_262, %dma_start3A_263] : memref<10000x128xf32, #tpu.memory_space<hbm>> -> memref<10000x128xf32, #tpu.memory_space<hbm>>
        tpu.enqueue_indirect_dma source(%dma_start3A_264 : memref<10000x128xf32, #tpu.memory_space<hbm>>) target(%arg10 : memref<40x128xf32, #tpu.memory_space<vmem>>) offsets(%dma_start3A_261 : memref<40xi32, #tpu.memory_space<vmem>>) semaphore(%arg18 : memref<!tpu.dma_semaphore, #tpu.memory_space<semaphore_mem>>)
        %mul3A_265 = arith.constant 40 : i32
        %mul3A_266 = arith.muli %sub3A_258, %mul3A_265 : i32
        %add3A_267 = arith.constant 0 : i32
        %add3A_268 = arith.addi %mul3A_266, %add3A_267 : i32
        %get3A_269 = arith.index_cast %add3A_268 : i32 to index
        %get3A_270 = tpu.vector_load %arg8[%get3A_269] {strides = array<i32>} : memref<10080xi32, #tpu.memory_space<vmem>>, vector<16xi32>,
        %get3A_271 = vector.shape_cast %get3A_270 : vector<16xi32> to vector<16xi32>
        %swap3A_272 = arith.constant 0 : index
        %swap3A_273 = tpu.vector_load %arg14[%swap3A_272] {strides = array<i32>} : memref<40xi32, #tpu.memory_space<vmem>>, vector<16xi32>,
        %swap3A_274 = vector.shape_cast %swap3A_273 : vector<16xi32> to vector<16xi32>
        %swap3A_275 = vector.shape_cast %get3A_271 : vector<16xi32> to vector<16xi32>
        tpu.vector_store %arg14[%swap3A_272], %swap3A_275 {strides = array<i32>} : memref<40xi32, #tpu.memory_space<vmem>>, vector<16xi32>,
        %add3A_276 = arith.constant 16 : i32
        %add3A_277 = arith.addi %mul3A_266, %add3A_276 : i32
        %get3A_278 = arith.index_cast %add3A_277 : i32 to index
        %get3A_279 = tpu.vector_load %arg8[%get3A_278] {strides = array<i32>} : memref<10080xi32, #tpu.memory_space<vmem>>, vector<16xi32>,
        %get3A_280 = vector.shape_cast %get3A_279 : vector<16xi32> to vector<16xi32>
        %swap3A_281 = arith.constant 16 : index
        %swap3A_282 = tpu.vector_load %arg14[%swap3A_281] {strides = array<i32>} : memref<40xi32, #tpu.memory_space<vmem>>, vector<16xi32>,
        %swap3A_283 = vector.shape_cast %swap3A_282 : vector<16xi32> to vector<16xi32>
        %swap3A_284 = vector.shape_cast %get3A_280 : vector<16xi32> to vector<16xi32>
        tpu.vector_store %arg14[%swap3A_281], %swap3A_284 {strides = array<i32>} : memref<40xi32, #tpu.memory_space<vmem>>, vector<16xi32>,
        %add3A_285 = arith.constant 24 : i32
        %add3A_286 = arith.addi %mul3A_266, %add3A_285 : i32
        %get3A_287 = arith.index_cast %add3A_286 : i32 to index
        %get3A_288 = tpu.vector_load %arg8[%get3A_287] {strides = array<i32>} : memref<10080xi32, #tpu.memory_space<vmem>>, vector<16xi32>,
        %get3A_289 = vector.shape_cast %get3A_288 : vector<16xi32> to vector<16xi32>
        %swap3A_290 = arith.constant 24 : index
        %swap3A_291 = tpu.vector_load %arg14[%swap3A_290] {strides = array<i32>} : memref<40xi32, #tpu.memory_space<vmem>>, vector<16xi32>,
        %swap3A_292 = vector.shape_cast %swap3A_291 : vector<16xi32> to vector<16xi32>
        %swap3A_293 = vector.shape_cast %get3A_289 : vector<16xi32> to vector<16xi32>
        tpu.vector_store %arg14[%swap3A_290], %swap3A_293 {strides = array<i32>} : memref<40xi32, #tpu.memory_space<vmem>>, vector<16xi32>,
      } else {
      }
      %mul3A_230 = arith.constant 4 : i32
      %mul3A_231 = arith.muli %add3A_167, %mul3A_230 : i32
      %add3A_232 = arith.constant 3 : i32
      %add3A_233 = arith.addi %mul3A_231, %add3A_232 : i32
      %dma_wait3A_234 = arith.constant 0 : i32
      %dma_wait3A_235 = tpu.memref_slice %arg7[%dma_wait3A_234] : memref<10080xi32, #tpu.memory_space<vmem>> -> memref<40xi32, #tpu.memory_space<vmem>>
      %dma_wait3A_236 = arith.constant 0 : i32
      %dma_wait3A_237 = arith.constant 0 : i32
      %dma_wait3A_238 = tpu.memref_slice %arg2[%dma_wait3A_236, %dma_wait3A_237] : memref<10000x128xf32, #tpu.memory_space<hbm>> -> memref<10000x128xf32, #tpu.memory_space<hbm>>
      tpu.wait_indirect_dma semaphore(%arg20 : memref<!tpu.dma_semaphore, #tpu.memory_space<semaphore_mem>>) src(%dma_wait3A_238 : memref<10000x128xf32, #tpu.memory_space<hbm>>) dst(%arg12 : memref<40x128xf32, #tpu.memory_space<vmem>>)
      %dma_start3A_239 = arith.constant 0 : i32
      %dma_start3A_240 = arith.constant 0 : i32
      %dma_start3A_241 = tpu.memref_slice %arg6[%dma_start3A_239, %dma_start3A_240] : memref<10016x128xf32, #tpu.memory_space<vmem_shared>> -> memref<10016x128xf32, #tpu.memory_space<vmem_shared>>
      tpu.enqueue_indirect_dma source(%arg12 : memref<40x128xf32, #tpu.memory_space<vmem>>) target(%dma_start3A_241 : memref<10016x128xf32, #tpu.memory_space<vmem_shared>>) offsets(%arg16 : memref<40xi32, #tpu.memory_space<vmem>>) semaphore(%arg24 : memref<!tpu.dma_semaphore, #tpu.memory_space<semaphore_mem>>) {add = true}
      %add3A_242 = arith.constant 4 : i32
      %add3A_243 = arith.addi %add3A_233, %add3A_242 : i32
      %sub3A_244 = arith.constant 1 : i32
      %sub3A_245 = arith.subi %add3A_243, %sub3A_244 : i32
      %lt3A_246 = arith.constant 252 : i32
      %lt3A_247 = arith.cmpi slt, %sub3A_245, %lt3A_246 : i32
      %convert_element_type3A_248 = arith.extui %lt3A_247 : i1 to i32
      %cond3A_249 = arith.constant 0 : i32
      %cond3A_250 = arith.cmpi ne, %convert_element_type3A_248, %cond3A_249 : i32
      scf.if %cond3A_250 {
        %ge3A = arith.constant 1 : i32
        %ge3A_251 = arith.cmpi sge, %add3A_233, %ge3A : i32
        %convert_element_type3A_252 = arith.extui %ge3A_251 : i1 to i32
        %cond3A_253 = arith.constant 0 : i32
        %cond3A_254 = arith.cmpi ne, %convert_element_type3A_252, %cond3A_253 : i32
        scf.if %cond3A_254 {
          %dma_wait3A_294 = arith.constant 0 : i32
          %dma_wait3A_295 = arith.constant 0 : i32
          %dma_wait3A_296 = tpu.memref_slice %arg6[%dma_wait3A_294, %dma_wait3A_295] : memref<10016x128xf32, #tpu.memory_space<vmem_shared>> -> memref<10016x128xf32, #tpu.memory_space<vmem_shared>>
          tpu.wait_indirect_dma semaphore(%arg23 : memref<!tpu.dma_semaphore, #tpu.memory_space<semaphore_mem>>) src(%arg11 : memref<40x128xf32, #tpu.memory_space<vmem>>) dst(%dma_wait3A_296 : memref<10016x128xf32, #tpu.memory_space<vmem_shared>>)
        } else {
        }
        %add3A_255 = arith.constant 4 : i32
        %add3A_256 = arith.addi %add3A_233, %add3A_255 : i32
        %sub3A_257 = arith.constant 1 : i32
        %sub3A_258 = arith.subi %add3A_256, %sub3A_257 : i32
        %mul3A_259 = arith.constant 40 : i32
        %mul3A_260 = arith.muli %sub3A_258, %mul3A_259 : i32
        %dma_start3A_261 = tpu.memref_slice %arg7[%mul3A_260] : memref<10080xi32, #tpu.memory_space<vmem>> -> memref<40xi32, #tpu.memory_space<vmem>>
        %dma_start3A_262 = arith.constant 0 : i32
        %dma_start3A_263 = arith.constant 0 : i32
        %dma_start3A_264 = tpu.memref_slice %arg2[%dma_start3A_262, %dma_start3A_263] : memref<10000x128xf32, #tpu.memory_space<hbm>> -> memref<10000x128xf32, #tpu.memory_space<hbm>>
        tpu.enqueue_indirect_dma source(%dma_start3A_264 : memref<10000x128xf32, #tpu.memory_space<hbm>>) target(%arg11 : memref<40x128xf32, #tpu.memory_space<vmem>>) offsets(%dma_start3A_261 : memref<40xi32, #tpu.memory_space<vmem>>) semaphore(%arg19 : memref<!tpu.dma_semaphore, #tpu.memory_space<semaphore_mem>>)
        %mul3A_265 = arith.constant 40 : i32
        %mul3A_266 = arith.muli %sub3A_258, %mul3A_265 : i32
        %add3A_267 = arith.constant 0 : i32
        %add3A_268 = arith.addi %mul3A_266, %add3A_267 : i32
        %get3A_269 = arith.index_cast %add3A_268 : i32 to index
        %get3A_270 = tpu.vector_load %arg8[%get3A_269] {strides = array<i32>} : memref<10080xi32, #tpu.memory_space<vmem>>, vector<16xi32>,
        %get3A_271 = vector.shape_cast %get3A_270 : vector<16xi32> to vector<16xi32>
        %swap3A_272 = arith.constant 0 : index
        %swap3A_273 = tpu.vector_load %arg15[%swap3A_272] {strides = array<i32>} : memref<40xi32, #tpu.memory_space<vmem>>, vector<16xi32>,
        %swap3A_274 = vector.shape_cast %swap3A_273 : vector<16xi32> to vector<16xi32>
        %swap3A_275 = vector.shape_cast %get3A_271 : vector<16xi32> to vector<16xi32>
        tpu.vector_store %arg15[%swap3A_272], %swap3A_275 {strides = array<i32>} : memref<40xi32, #tpu.memory_space<vmem>>, vector<16xi32>,
        %add3A_276 = arith.constant 16 : i32
        %add3A_277 = arith.addi %mul3A_266, %add3A_276 : i32
        %get3A_278 = arith.index_cast %add3A_277 : i32 to index
        %get3A_279 = tpu.vector_load %arg8[%get3A_278] {strides = array<i32>} : memref<10080xi32, #tpu.memory_space<vmem>>, vector<16xi32>,
        %get3A_280 = vector.shape_cast %get3A_279 : vector<16xi32> to vector<16xi32>
        %swap3A_281 = arith.constant 16 : index
        %swap3A_282 = tpu.vector_load %arg15[%swap3A_281] {strides = array<i32>} : memref<40xi32, #tpu.memory_space<vmem>>, vector<16xi32>,
        %swap3A_283 = vector.shape_cast %swap3A_282 : vector<16xi32> to vector<16xi32>
        %swap3A_284 = vector.shape_cast %get3A_280 : vector<16xi32> to vector<16xi32>
        tpu.vector_store %arg15[%swap3A_281], %swap3A_284 {strides = array<i32>} : memref<40xi32, #tpu.memory_space<vmem>>, vector<16xi32>,
        %add3A_285 = arith.constant 24 : i32
        %add3A_286 = arith.addi %mul3A_266, %add3A_285 : i32
        %get3A_287 = arith.index_cast %add3A_286 : i32 to index
        %get3A_288 = tpu.vector_load %arg8[%get3A_287] {strides = array<i32>} : memref<10080xi32, #tpu.memory_space<vmem>>, vector<16xi32>,
        %get3A_289 = vector.shape_cast %get3A_288 : vector<16xi32> to vector<16xi32>
        %swap3A_290 = arith.constant 24 : index
        %swap3A_291 = tpu.vector_load %arg15[%swap3A_290] {strides = array<i32>} : memref<40xi32, #tpu.memory_space<vmem>>, vector<16xi32>,
        %swap3A_292 = vector.shape_cast %swap3A_291 : vector<16xi32> to vector<16xi32>
        %swap3A_293 = vector.shape_cast %get3A_289 : vector<16xi32> to vector<16xi32>
        tpu.vector_store %arg15[%swap3A_290], %swap3A_293 {strides = array<i32>} : memref<40xi32, #tpu.memory_space<vmem>>, vector<16xi32>,
      } else {
      }
    }
    %scan3A_129 = arith.constant 63 : i32
    %dma_wait3A_130 = arith.constant 0 : i32
    %dma_wait3A_131 = arith.constant 0 : i32
    %dma_wait3A_132 = tpu.memref_slice %arg6[%dma_wait3A_130, %dma_wait3A_131] : memref<10016x128xf32, #tpu.memory_space<vmem_shared>> -> memref<10016x128xf32, #tpu.memory_space<vmem_shared>>
    tpu.wait_indirect_dma semaphore(%arg21 : memref<!tpu.dma_semaphore, #tpu.memory_space<semaphore_mem>>) src(%arg9 : memref<40x128xf32, #tpu.memory_space<vmem>>) dst(%dma_wait3A_132 : memref<10016x128xf32, #tpu.memory_space<vmem_shared>>)
    %dma_wait3A_133 = arith.constant 0 : i32
    %dma_wait3A_134 = arith.constant 0 : i32
    %dma_wait3A_135 = tpu.memref_slice %arg6[%dma_wait3A_133, %dma_wait3A_134] : memref<10016x128xf32, #tpu.memory_space<vmem_shared>> -> memref<10016x128xf32, #tpu.memory_space<vmem_shared>>
    tpu.wait_indirect_dma semaphore(%arg22 : memref<!tpu.dma_semaphore, #tpu.memory_space<semaphore_mem>>) src(%arg10 : memref<40x128xf32, #tpu.memory_space<vmem>>) dst(%dma_wait3A_135 : memref<10016x128xf32, #tpu.memory_space<vmem_shared>>)
    %dma_wait3A_136 = arith.constant 0 : i32
    %dma_wait3A_137 = arith.constant 0 : i32
    %dma_wait3A_138 = tpu.memref_slice %arg6[%dma_wait3A_136, %dma_wait3A_137] : memref<10016x128xf32, #tpu.memory_space<vmem_shared>> -> memref<10016x128xf32, #tpu.memory_space<vmem_shared>>
    tpu.wait_indirect_dma semaphore(%arg23 : memref<!tpu.dma_semaphore, #tpu.memory_space<semaphore_mem>>) src(%arg11 : memref<40x128xf32, #tpu.memory_space<vmem>>) dst(%dma_wait3A_138 : memref<10016x128xf32, #tpu.memory_space<vmem_shared>>)
    %dma_wait3A_139 = arith.constant 0 : i32
    %dma_wait3A_140 = arith.constant 0 : i32
    %dma_wait3A_141 = tpu.memref_slice %arg6[%dma_wait3A_139, %dma_wait3A_140] : memref<10016x128xf32, #tpu.memory_space<vmem_shared>> -> memref<10016x128xf32, #tpu.memory_space<vmem_shared>>
    tpu.wait_indirect_dma semaphore(%arg24 : memref<!tpu.dma_semaphore, #tpu.memory_space<semaphore_mem>>) src(%arg12 : memref<40x128xf32, #tpu.memory_space<vmem>>) dst(%dma_wait3A_141 : memref<10016x128xf32, #tpu.memory_space<vmem_shared>>)
    %barrier3A_142 = arith.constant 0 : index
    tpu.barrier barrier_id(%barrier3A_142)
    %scan3A_143 = arith.constant 0 : i32
    %scan3A_144 = arith.constant 15 : i32
    %scan3A_145 = arith.addi %scan3A_143, %scan3A_144 : i32
    %scan3A_146 = arith.constant 1 : i32
    scf.for %scan3A_163 = %scan3A_143 to %scan3A_145 step %scan3A_146  : i32 {
      %mul3A_164 = arith.constant 1 : i32
      %mul3A_165 = arith.muli %scan3A_163, %mul3A_164 : i32
      %add3A_166 = arith.constant 0 : i32
      %add3A_167 = arith.addi %add3A_166, %mul3A_165 : i32
      %add3A_168 = arith.addi %add3A_4, %add3A_167 : i32
      %mul3A_169 = arith.constant 40 : i32
      %mul3A_170 = arith.muli %add3A_168, %mul3A_169 : i32
      %dma_start3A_171 = arith.constant 0 : i32
      %dma_start3A_172 = tpu.memref_slice %arg5[%arg0, %mul3A_170, %dma_start3A_171] : memref<2x10000x128xf32, #tpu.memory_space<hbm>> -> memref<1x40x128xf32, #tpu.memory_space<hbm>>
      %dma_start3A_173 = tpu.memref_squeeze %dma_start3A_172 : memref<1x40x128xf32, #tpu.memory_space<hbm>> -> memref<40x128xf32, #tpu.memory_space<hbm>>
      %dma_start3A_174 = arith.constant 0 : i32
      %dma_start3A_175 = tpu.memref_slice %arg6[%mul3A_170, %dma_start3A_174] : memref<10016x128xf32, #tpu.memory_space<vmem_shared>> -> memref<40x128xf32, #tpu.memory_space<vmem_shared>>
      tpu.enqueue_dma source(%dma_start3A_175 : memref<40x128xf32, #tpu.memory_space<vmem_shared>>) target(%dma_start3A_173 : memref<40x128xf32, #tpu.memory_space<hbm>>) target_semaphore(%arg26 : memref<!tpu.dma_semaphore, #tpu.memory_space<semaphore_mem>>)
    }
    %scan3A_147 = arith.constant 15 : i32
    %lt3A_148 = arith.constant 10 : i32
    %lt3A_149 = arith.cmpi slt, %arg1, %lt3A_148 : i32
    %convert_element_type3A_150 = arith.extui %lt3A_149 : i1 to i32
    %cond3A_151 = arith.constant 0 : i32
    %cond3A_152 = arith.cmpi ne, %convert_element_type3A_150, %cond3A_151 : i32
    scf.if %cond3A_152 {
      %add3A_163 = arith.constant 15 : i32
      %add3A_164 = arith.addi %add3A_4, %add3A_163 : i32
      %mul3A_165 = arith.constant 40 : i32
      %mul3A_166 = arith.muli %add3A_164, %mul3A_165 : i32
      %dma_start3A_167 = arith.constant 0 : i32
      %dma_start3A_168 = tpu.memref_slice %arg5[%arg0, %mul3A_166, %dma_start3A_167] : memref<2x10000x128xf32, #tpu.memory_space<hbm>> -> memref<1x40x128xf32, #tpu.memory_space<hbm>>
      %dma_start3A_169 = tpu.memref_squeeze %dma_start3A_168 : memref<1x40x128xf32, #tpu.memory_space<hbm>> -> memref<40x128xf32, #tpu.memory_space<hbm>>
      %dma_start3A_170 = arith.constant 0 : i32
      %dma_start3A_171 = tpu.memref_slice %arg6[%mul3A_166, %dma_start3A_170] : memref<10016x128xf32, #tpu.memory_space<vmem_shared>> -> memref<40x128xf32, #tpu.memory_space<vmem_shared>>
      tpu.enqueue_dma source(%dma_start3A_171 : memref<40x128xf32, #tpu.memory_space<vmem_shared>>) target(%dma_start3A_169 : memref<40x128xf32, #tpu.memory_space<hbm>>) target_semaphore(%arg26 : memref<!tpu.dma_semaphore, #tpu.memory_space<semaphore_mem>>)
    } else {
    }
    %scan3A_153 = arith.constant 0 : i32
    %scan3A_154 = arith.constant 15 : i32
    %scan3A_155 = arith.addi %scan3A_153, %scan3A_154 : i32
    %scan3A_156 = arith.constant 1 : i32
    scf.for %scan3A_163 = %scan3A_153 to %scan3A_155 step %scan3A_156  : i32 {
      %mul3A_164 = arith.constant 1 : i32
      %mul3A_165 = arith.muli %scan3A_163, %mul3A_164 : i32
      %add3A_166 = arith.constant 0 : i32
      %add3A_167 = arith.addi %add3A_166, %mul3A_165 : i32
      %dma_wait3A_168 = arith.constant 0 : i32
      %dma_wait3A_169 = arith.constant 0 : i32
      %dma_wait3A_170 = tpu.memref_slice %arg5[%arg0, %dma_wait3A_168, %dma_wait3A_169] : memref<2x10000x128xf32, #tpu.memory_space<hbm>> -> memref<1x40x128xf32, #tpu.memory_space<hbm>>
      %dma_wait3A_171 = tpu.memref_squeeze %dma_wait3A_170 : memref<1x40x128xf32, #tpu.memory_space<hbm>> -> memref<40x128xf32, #tpu.memory_space<hbm>>
      %dma_wait3A_172 = arith.constant 0 : i32
      %dma_wait3A_173 = arith.constant 0 : i32
      %dma_wait3A_174 = tpu.memref_slice %arg6[%dma_wait3A_172, %dma_wait3A_173] : memref<10016x128xf32, #tpu.memory_space<vmem_shared>> -> memref<40x128xf32, #tpu.memory_space<vmem_shared>>
      tpu.wait_dma2 semaphore(%arg26 : memref<!tpu.dma_semaphore, #tpu.memory_space<semaphore_mem>>) src(%dma_wait3A_174 : memref<40x128xf32, #tpu.memory_space<vmem_shared>>) dst(%dma_wait3A_171 : memref<40x128xf32, #tpu.memory_space<hbm>>)
    }
    %scan3A_157 = arith.constant 15 : i32
    %lt3A_158 = arith.constant 10 : i32
    %lt3A_159 = arith.cmpi slt, %arg1, %lt3A_158 : i32
    %convert_element_type3A_160 = arith.extui %lt3A_159 : i1 to i32
    %cond3A_161 = arith.constant 0 : i32
    %cond3A_162 = arith.cmpi ne, %convert_element_type3A_160, %cond3A_161 : i32
    scf.if %cond3A_162 {
      %dma_wait3A_163 = arith.constant 0 : i32
      %dma_wait3A_164 = arith.constant 0 : i32
      %dma_wait3A_165 = tpu.memref_slice %arg5[%arg0, %dma_wait3A_163, %dma_wait3A_164] : memref<2x10000x128xf32, #tpu.memory_space<hbm>> -> memref<1x40x128xf32, #tpu.memory_space<hbm>>
      %dma_wait3A_166 = tpu.memref_squeeze %dma_wait3A_165 : memref<1x40x128xf32, #tpu.memory_space<hbm>> -> memref<40x128xf32, #tpu.memory_space<hbm>>
      %dma_wait3A_167 = arith.constant 0 : i32
      %dma_wait3A_168 = arith.constant 0 : i32
      %dma_wait3A_169 = tpu.memref_slice %arg6[%dma_wait3A_167, %dma_wait3A_168] : memref<10016x128xf32, #tpu.memory_space<vmem_shared>> -> memref<40x128xf32, #tpu.memory_space<vmem_shared>>
      tpu.wait_dma2 semaphore(%arg26 : memref<!tpu.dma_semaphore, #tpu.memory_space<semaphore_mem>>) src(%dma_wait3A_169 : memref<40x128xf32, #tpu.memory_space<vmem_shared>>) dst(%dma_wait3A_166 : memref<40x128xf32, #tpu.memory_space<hbm>>)
    } else {
    }
    return
  }
}

#map = affine_map<(d0, d1) -> (0, 0)>
module attributes {stable_mosaic.version = 14 : i64} {
  func.func @deg_kernel(%arg0: i32, %arg1: i32, %arg2: memref<32x10080xi32, #tpu.memory_space<hbm>>, %arg3: memref<2x10016xf32, #tpu.memory_space<hbm>>, %arg4: memref<10016xf32, #tpu.memory_space<vmem_shared>>, %arg5: memref<10016xf32, #tpu.memory_space<vmem>>, %arg6: memref<40xf32, #tpu.memory_space<vmem>>, %arg7: memref<10080xi32, #tpu.memory_space<vmem>>, %arg8: memref<40xi32, #tpu.memory_space<vmem>>, %arg9: memref<40xi32, #tpu.memory_space<vmem>>, %arg10: memref<40xi32, #tpu.memory_space<vmem>>, %arg11: memref<40xi32, #tpu.memory_space<vmem>>, %arg12: memref<!tpu.dma_semaphore, #tpu.memory_space<semaphore_mem>>, %arg13: memref<!tpu.dma_semaphore, #tpu.memory_space<semaphore_mem>>, %arg14: memref<!tpu.dma_semaphore, #tpu.memory_space<semaphore_mem>>, %arg15: memref<!tpu.dma_semaphore, #tpu.memory_space<semaphore_mem>>, %arg16: memref<!tpu.dma_semaphore, #tpu.memory_space<semaphore_mem>>) attributes {dimension_semantics = [#tpu.dimension_semantics<core_parallel>, #tpu.dimension_semantics<subcore_parallel>], iteration_bounds = array<i64: 2, 16>, scalar_prefetch = 0 : i64, scratch_operands = 13 : i64, tpu.core_type = #tpu.core_type<sc_vector_subcore>, window_params = [{transform_indices = #map}, {transform_indices = #map}]} {
    %mul3A = arith.constant 2 : i32
    %mul3A_0 = arith.muli %arg1, %mul3A : i32
    %add3A = arith.addi %mul3A_0, %arg0 : i32
    %dma_start3A = arith.constant 0 : i32
    %dma_start3A_1 = tpu.memref_slice %arg2[%add3A, %dma_start3A] : memref<32x10080xi32, #tpu.memory_space<hbm>> -> memref<1x10080xi32, #tpu.memory_space<hbm>>
    %dma_start3A_2 = tpu.memref_squeeze %dma_start3A_1 : memref<1x10080xi32, #tpu.memory_space<hbm>> -> memref<10080xi32, #tpu.memory_space<hbm>>
    %dma_start3A_3 = arith.constant 0 : i32
    %dma_start3A_4 = tpu.memref_slice %arg2[%add3A, %dma_start3A_3] : memref<32x10080xi32, #tpu.memory_space<hbm>> -> memref<1x10080xi32, #tpu.memory_space<hbm>>
    %dma_start3A_5 = tpu.memref_squeeze %dma_start3A_4 : memref<1x10080xi32, #tpu.memory_space<hbm>> -> memref<10080xi32, #tpu.memory_space<hbm>>
    tpu.enqueue_dma source(%dma_start3A_5 : memref<10080xi32, #tpu.memory_space<hbm>>) target(%arg7 : memref<10080xi32, #tpu.memory_space<vmem>>) target_semaphore(%arg16 : memref<!tpu.dma_semaphore, #tpu.memory_space<semaphore_mem>>)
    %broadcast_in_dim3A = arith.constant 1.000000e+00 : f32
    %broadcast_in_dim3A_6 = vector.broadcast %broadcast_in_dim3A : f32 to vector<16xf32>
    %swap3A = arith.constant 0 : index
    %swap3A_7 = tpu.vector_load %arg6[%swap3A] {strides = array<i32>} : memref<40xf32, #tpu.memory_space<vmem>>, vector<16xf32>,
    %swap3A_8 = vector.shape_cast %swap3A_7 : vector<16xf32> to vector<16xf32>
    %swap3A_9 = vector.shape_cast %broadcast_in_dim3A_6 : vector<16xf32> to vector<16xf32>
    tpu.vector_store %arg6[%swap3A], %swap3A_9 {strides = array<i32>} : memref<40xf32, #tpu.memory_space<vmem>>, vector<16xf32>,
    %swap3A_10 = arith.constant 16 : index
    %swap3A_11 = tpu.vector_load %arg6[%swap3A_10] {strides = array<i32>} : memref<40xf32, #tpu.memory_space<vmem>>, vector<16xf32>,
    %swap3A_12 = vector.shape_cast %swap3A_11 : vector<16xf32> to vector<16xf32>
    %swap3A_13 = vector.shape_cast %broadcast_in_dim3A_6 : vector<16xf32> to vector<16xf32>
    tpu.vector_store %arg6[%swap3A_10], %swap3A_13 {strides = array<i32>} : memref<40xf32, #tpu.memory_space<vmem>>, vector<16xf32>,
    %swap3A_14 = arith.constant 24 : index
    %swap3A_15 = tpu.vector_load %arg6[%swap3A_14] {strides = array<i32>} : memref<40xf32, #tpu.memory_space<vmem>>, vector<16xf32>,
    %swap3A_16 = vector.shape_cast %swap3A_15 : vector<16xf32> to vector<16xf32>
    %swap3A_17 = vector.shape_cast %broadcast_in_dim3A_6 : vector<16xf32> to vector<16xf32>
    tpu.vector_store %arg6[%swap3A_14], %swap3A_17 {strides = array<i32>} : memref<40xf32, #tpu.memory_space<vmem>>, vector<16xf32>,
    %eq3A = arith.constant 0 : i32
    %eq3A_18 = arith.cmpi eq, %arg1, %eq3A : i32
    %convert_element_type3A = arith.extui %eq3A_18 : i1 to i32
    %cond3A = arith.constant 0 : i32
    %cond3A_19 = arith.cmpi ne, %convert_element_type3A, %cond3A : i32
    scf.if %cond3A_19 {
      %broadcast_in_dim3A_43 = arith.constant 0.000000e+00 : f32
      %broadcast_in_dim3A_44 = vector.broadcast %broadcast_in_dim3A_43 : f32 to vector<16xf32>
      %scan3A_45 = arith.constant 0 : i32
      %scan3A_46 = arith.constant 626 : i32
      %scan3A_47 = arith.addi %scan3A_45, %scan3A_46 : i32
      %scan3A_48 = arith.constant 1 : i32
      scf.for %scan3A_50 = %scan3A_45 to %scan3A_47 step %scan3A_48  : i32 {
        %mul3A_51 = arith.constant 1 : i32
        %mul3A_52 = arith.muli %scan3A_50, %mul3A_51 : i32
        %add3A_53 = arith.constant 0 : i32
        %add3A_54 = arith.addi %add3A_53, %mul3A_52 : i32
        %mul3A_55 = arith.constant 16 : i32
        %mul3A_56 = arith.muli %add3A_54, %mul3A_55 : i32
        %swap3A_57 = arith.index_cast %mul3A_56 : i32 to index
        %swap3A_58 = tpu.vector_load %arg5[%swap3A_57] {strides = array<i32>} : memref<10016xf32, #tpu.memory_space<vmem>>, vector<16xf32>,
        %swap3A_59 = vector.shape_cast %swap3A_58 : vector<16xf32> to vector<16xf32>
        %swap3A_60 = vector.shape_cast %broadcast_in_dim3A_44 : vector<16xf32> to vector<16xf32>
        tpu.vector_store %arg5[%swap3A_57], %swap3A_60 {strides = array<i32>} : memref<10016xf32, #tpu.memory_space<vmem>>, vector<16xf32>,
      }
      %scan3A_49 = arith.constant 626 : i32
      "tpu.region"() ({
        %run_scoped3A = tpu.sem_alloc : memref<!tpu.dma_semaphore, #tpu.memory_space<semaphore_mem>>
        tpu.enqueue_dma source(%arg5 : memref<10016xf32, #tpu.memory_space<vmem>>) target(%arg4 : memref<10016xf32, #tpu.memory_space<vmem_shared>>) target_semaphore(%run_scoped3A : memref<!tpu.dma_semaphore, #tpu.memory_space<semaphore_mem>>)
        tpu.wait_dma2 semaphore(%run_scoped3A : memref<!tpu.dma_semaphore, #tpu.memory_space<semaphore_mem>>) src(%arg5 : memref<10016xf32, #tpu.memory_space<vmem>>) dst(%arg4 : memref<10016xf32, #tpu.memory_space<vmem_shared>>)
        tpu.yield
      }) : () -> ()
    } else {
    }
    %dma_wait3A = arith.constant 0 : i32
    %dma_wait3A_20 = tpu.memref_slice %arg2[%add3A, %dma_wait3A] : memref<32x10080xi32, #tpu.memory_space<hbm>> -> memref<1x10080xi32, #tpu.memory_space<hbm>>
    %dma_wait3A_21 = tpu.memref_squeeze %dma_wait3A_20 : memref<1x10080xi32, #tpu.memory_space<hbm>> -> memref<10080xi32, #tpu.memory_space<hbm>>
    %dma_wait3A_22 = arith.constant 0 : i32
    %dma_wait3A_23 = tpu.memref_slice %arg2[%add3A, %dma_wait3A_22] : memref<32x10080xi32, #tpu.memory_space<hbm>> -> memref<1x10080xi32, #tpu.memory_space<hbm>>
    %dma_wait3A_24 = tpu.memref_squeeze %dma_wait3A_23 : memref<1x10080xi32, #tpu.memory_space<hbm>> -> memref<10080xi32, #tpu.memory_space<hbm>>
    tpu.wait_dma2 semaphore(%arg16 : memref<!tpu.dma_semaphore, #tpu.memory_space<semaphore_mem>>) src(%dma_wait3A_24 : memref<10080xi32, #tpu.memory_space<hbm>>) dst(%arg7 : memref<10080xi32, #tpu.memory_space<vmem>>)
    %barrier3A = arith.constant 0 : index
    tpu.barrier barrier_id(%barrier3A)
    %scan3A = arith.constant 0 : i32
    %scan3A_25 = arith.constant 63 : i32
    %scan3A_26 = arith.addi %scan3A, %scan3A_25 : i32
    %scan3A_27 = arith.constant 1 : i32
    scf.for %scan3A_43 = %scan3A to %scan3A_26 step %scan3A_27  : i32 {
      %mul3A_44 = arith.constant 1 : i32
      %mul3A_45 = arith.muli %scan3A_43, %mul3A_44 : i32
      %add3A_46 = arith.constant 0 : i32
      %add3A_47 = arith.addi %add3A_46, %mul3A_45 : i32
      %mul3A_48 = arith.constant 4 : i32
      %mul3A_49 = arith.muli %add3A_47, %mul3A_48 : i32
      %add3A_50 = arith.constant 0 : i32
      %add3A_51 = arith.addi %mul3A_49, %add3A_50 : i32
      %ge3A = arith.constant 1 : i32
      %ge3A_52 = arith.cmpi sge, %add3A_47, %ge3A : i32
      %convert_element_type3A_53 = arith.extui %ge3A_52 : i1 to i32
      %cond3A_54 = arith.constant 0 : i32
      %cond3A_55 = arith.cmpi ne, %convert_element_type3A_53, %cond3A_54 : i32
      scf.if %cond3A_55 {
        %dma_wait3A_206 = arith.constant 0 : i32
        %dma_wait3A_207 = tpu.memref_slice %arg4[%dma_wait3A_206] : memref<10016xf32, #tpu.memory_space<vmem_shared>> -> memref<10016xf32, #tpu.memory_space<vmem_shared>>
        tpu.wait_indirect_dma semaphore(%arg12 : memref<!tpu.dma_semaphore, #tpu.memory_space<semaphore_mem>>) src(%arg6 : memref<40xf32, #tpu.memory_space<vmem>>) dst(%dma_wait3A_207 : memref<10016xf32, #tpu.memory_space<vmem_shared>>)
      } else {
      }
      %mul3A_56 = arith.constant 40 : i32
      %mul3A_57 = arith.muli %add3A_51, %mul3A_56 : i32
      %add3A_58 = arith.constant 0 : i32
      %add3A_59 = arith.addi %mul3A_57, %add3A_58 : i32
      %get3A = arith.index_cast %add3A_59 : i32 to index
      %get3A_60 = tpu.vector_load %arg7[%get3A] {strides = array<i32>} : memref<10080xi32, #tpu.memory_space<vmem>>, vector<16xi32>,
      %get3A_61 = vector.shape_cast %get3A_60 : vector<16xi32> to vector<16xi32>
      %swap3A_62 = arith.constant 0 : index
      %swap3A_63 = tpu.vector_load %arg8[%swap3A_62] {strides = array<i32>} : memref<40xi32, #tpu.memory_space<vmem>>, vector<16xi32>,
      %swap3A_64 = vector.shape_cast %swap3A_63 : vector<16xi32> to vector<16xi32>
      %swap3A_65 = vector.shape_cast %get3A_61 : vector<16xi32> to vector<16xi32>
      tpu.vector_store %arg8[%swap3A_62], %swap3A_65 {strides = array<i32>} : memref<40xi32, #tpu.memory_space<vmem>>, vector<16xi32>,
      %add3A_66 = arith.constant 16 : i32
      %add3A_67 = arith.addi %mul3A_57, %add3A_66 : i32
      %get3A_68 = arith.index_cast %add3A_67 : i32 to index
      %get3A_69 = tpu.vector_load %arg7[%get3A_68] {strides = array<i32>} : memref<10080xi32, #tpu.memory_space<vmem>>, vector<16xi32>,
      %get3A_70 = vector.shape_cast %get3A_69 : vector<16xi32> to vector<16xi32>
      %swap3A_71 = arith.constant 16 : index
      %swap3A_72 = tpu.vector_load %arg8[%swap3A_71] {strides = array<i32>} : memref<40xi32, #tpu.memory_space<vmem>>, vector<16xi32>,
      %swap3A_73 = vector.shape_cast %swap3A_72 : vector<16xi32> to vector<16xi32>
      %swap3A_74 = vector.shape_cast %get3A_70 : vector<16xi32> to vector<16xi32>
      tpu.vector_store %arg8[%swap3A_71], %swap3A_74 {strides = array<i32>} : memref<40xi32, #tpu.memory_space<vmem>>, vector<16xi32>,
      %add3A_75 = arith.constant 24 : i32
      %add3A_76 = arith.addi %mul3A_57, %add3A_75 : i32
      %get3A_77 = arith.index_cast %add3A_76 : i32 to index
      %get3A_78 = tpu.vector_load %arg7[%get3A_77] {strides = array<i32>} : memref<10080xi32, #tpu.memory_space<vmem>>, vector<16xi32>,
      %get3A_79 = vector.shape_cast %get3A_78 : vector<16xi32> to vector<16xi32>
      %swap3A_80 = arith.constant 24 : index
      %swap3A_81 = tpu.vector_load %arg8[%swap3A_80] {strides = array<i32>} : memref<40xi32, #tpu.memory_space<vmem>>, vector<16xi32>,
      %swap3A_82 = vector.shape_cast %swap3A_81 : vector<16xi32> to vector<16xi32>
      %swap3A_83 = vector.shape_cast %get3A_79 : vector<16xi32> to vector<16xi32>
      tpu.vector_store %arg8[%swap3A_80], %swap3A_83 {strides = array<i32>} : memref<40xi32, #tpu.memory_space<vmem>>, vector<16xi32>,
      %dma_start3A_84 = arith.constant 0 : i32
      %dma_start3A_85 = tpu.memref_slice %arg4[%dma_start3A_84] : memref<10016xf32, #tpu.memory_space<vmem_shared>> -> memref<10016xf32, #tpu.memory_space<vmem_shared>>
      tpu.enqueue_indirect_dma source(%arg6 : memref<40xf32, #tpu.memory_space<vmem>>) target(%dma_start3A_85 : memref<10016xf32, #tpu.memory_space<vmem_shared>>) offsets(%arg8 : memref<40xi32, #tpu.memory_space<vmem>>) semaphore(%arg12 : memref<!tpu.dma_semaphore, #tpu.memory_space<semaphore_mem>>) {add = true}
      %mul3A_86 = arith.constant 4 : i32
      %mul3A_87 = arith.muli %add3A_47, %mul3A_86 : i32
      %add3A_88 = arith.constant 1 : i32
      %add3A_89 = arith.addi %mul3A_87, %add3A_88 : i32
      %ge3A_90 = arith.constant 1 : i32
      %ge3A_91 = arith.cmpi sge, %add3A_47, %ge3A_90 : i32
      %convert_element_type3A_92 = arith.extui %ge3A_91 : i1 to i32
      %cond3A_93 = arith.constant 0 : i32
      %cond3A_94 = arith.cmpi ne, %convert_element_type3A_92, %cond3A_93 : i32
      scf.if %cond3A_94 {
        %dma_wait3A_206 = arith.constant 0 : i32
        %dma_wait3A_207 = tpu.memref_slice %arg4[%dma_wait3A_206] : memref<10016xf32, #tpu.memory_space<vmem_shared>> -> memref<10016xf32, #tpu.memory_space<vmem_shared>>
        tpu.wait_indirect_dma semaphore(%arg13 : memref<!tpu.dma_semaphore, #tpu.memory_space<semaphore_mem>>) src(%arg6 : memref<40xf32, #tpu.memory_space<vmem>>) dst(%dma_wait3A_207 : memref<10016xf32, #tpu.memory_space<vmem_shared>>)
      } else {
      }
      %mul3A_95 = arith.constant 40 : i32
      %mul3A_96 = arith.muli %add3A_89, %mul3A_95 : i32
      %add3A_97 = arith.constant 0 : i32
      %add3A_98 = arith.addi %mul3A_96, %add3A_97 : i32
      %get3A_99 = arith.index_cast %add3A_98 : i32 to index
      %get3A_100 = tpu.vector_load %arg7[%get3A_99] {strides = array<i32>} : memref<10080xi32, #tpu.memory_space<vmem>>, vector<16xi32>,
      %get3A_101 = vector.shape_cast %get3A_100 : vector<16xi32> to vector<16xi32>
      %swap3A_102 = arith.constant 0 : index
      %swap3A_103 = tpu.vector_load %arg9[%swap3A_102] {strides = array<i32>} : memref<40xi32, #tpu.memory_space<vmem>>, vector<16xi32>,
      %swap3A_104 = vector.shape_cast %swap3A_103 : vector<16xi32> to vector<16xi32>
      %swap3A_105 = vector.shape_cast %get3A_101 : vector<16xi32> to vector<16xi32>
      tpu.vector_store %arg9[%swap3A_102], %swap3A_105 {strides = array<i32>} : memref<40xi32, #tpu.memory_space<vmem>>, vector<16xi32>,
      %add3A_106 = arith.constant 16 : i32
      %add3A_107 = arith.addi %mul3A_96, %add3A_106 : i32
      %get3A_108 = arith.index_cast %add3A_107 : i32 to index
      %get3A_109 = tpu.vector_load %arg7[%get3A_108] {strides = array<i32>} : memref<10080xi32, #tpu.memory_space<vmem>>, vector<16xi32>,
      %get3A_110 = vector.shape_cast %get3A_109 : vector<16xi32> to vector<16xi32>
      %swap3A_111 = arith.constant 16 : index
      %swap3A_112 = tpu.vector_load %arg9[%swap3A_111] {strides = array<i32>} : memref<40xi32, #tpu.memory_space<vmem>>, vector<16xi32>,
      %swap3A_113 = vector.shape_cast %swap3A_112 : vector<16xi32> to vector<16xi32>
      %swap3A_114 = vector.shape_cast %get3A_110 : vector<16xi32> to vector<16xi32>
      tpu.vector_store %arg9[%swap3A_111], %swap3A_114 {strides = array<i32>} : memref<40xi32, #tpu.memory_space<vmem>>, vector<16xi32>,
      %add3A_115 = arith.constant 24 : i32
      %add3A_116 = arith.addi %mul3A_96, %add3A_115 : i32
      %get3A_117 = arith.index_cast %add3A_116 : i32 to index
      %get3A_118 = tpu.vector_load %arg7[%get3A_117] {strides = array<i32>} : memref<10080xi32, #tpu.memory_space<vmem>>, vector<16xi32>,
      %get3A_119 = vector.shape_cast %get3A_118 : vector<16xi32> to vector<16xi32>
      %swap3A_120 = arith.constant 24 : index
      %swap3A_121 = tpu.vector_load %arg9[%swap3A_120] {strides = array<i32>} : memref<40xi32, #tpu.memory_space<vmem>>, vector<16xi32>,
      %swap3A_122 = vector.shape_cast %swap3A_121 : vector<16xi32> to vector<16xi32>
      %swap3A_123 = vector.shape_cast %get3A_119 : vector<16xi32> to vector<16xi32>
      tpu.vector_store %arg9[%swap3A_120], %swap3A_123 {strides = array<i32>} : memref<40xi32, #tpu.memory_space<vmem>>, vector<16xi32>,
      %dma_start3A_124 = arith.constant 0 : i32
      %dma_start3A_125 = tpu.memref_slice %arg4[%dma_start3A_124] : memref<10016xf32, #tpu.memory_space<vmem_shared>> -> memref<10016xf32, #tpu.memory_space<vmem_shared>>
      tpu.enqueue_indirect_dma source(%arg6 : memref<40xf32, #tpu.memory_space<vmem>>) target(%dma_start3A_125 : memref<10016xf32, #tpu.memory_space<vmem_shared>>) offsets(%arg9 : memref<40xi32, #tpu.memory_space<vmem>>) semaphore(%arg13 : memref<!tpu.dma_semaphore, #tpu.memory_space<semaphore_mem>>) {add = true}
      %mul3A_126 = arith.constant 4 : i32
      %mul3A_127 = arith.muli %add3A_47, %mul3A_126 : i32
      %add3A_128 = arith.constant 2 : i32
      %add3A_129 = arith.addi %mul3A_127, %add3A_128 : i32
      %ge3A_130 = arith.constant 1 : i32
      %ge3A_131 = arith.cmpi sge, %add3A_47, %ge3A_130 : i32
      %convert_element_type3A_132 = arith.extui %ge3A_131 : i1 to i32
      %cond3A_133 = arith.constant 0 : i32
      %cond3A_134 = arith.cmpi ne, %convert_element_type3A_132, %cond3A_133 : i32
      scf.if %cond3A_134 {
        %dma_wait3A_206 = arith.constant 0 : i32
        %dma_wait3A_207 = tpu.memref_slice %arg4[%dma_wait3A_206] : memref<10016xf32, #tpu.memory_space<vmem_shared>> -> memref<10016xf32, #tpu.memory_space<vmem_shared>>
        tpu.wait_indirect_dma semaphore(%arg14 : memref<!tpu.dma_semaphore, #tpu.memory_space<semaphore_mem>>) src(%arg6 : memref<40xf32, #tpu.memory_space<vmem>>) dst(%dma_wait3A_207 : memref<10016xf32, #tpu.memory_space<vmem_shared>>)
      } else {
      }
      %mul3A_135 = arith.constant 40 : i32
      %mul3A_136 = arith.muli %add3A_129, %mul3A_135 : i32
      %add3A_137 = arith.constant 0 : i32
      %add3A_138 = arith.addi %mul3A_136, %add3A_137 : i32
      %get3A_139 = arith.index_cast %add3A_138 : i32 to index
      %get3A_140 = tpu.vector_load %arg7[%get3A_139] {strides = array<i32>} : memref<10080xi32, #tpu.memory_space<vmem>>, vector<16xi32>,
      %get3A_141 = vector.shape_cast %get3A_140 : vector<16xi32> to vector<16xi32>
      %swap3A_142 = arith.constant 0 : index
      %swap3A_143 = tpu.vector_load %arg10[%swap3A_142] {strides = array<i32>} : memref<40xi32, #tpu.memory_space<vmem>>, vector<16xi32>,
      %swap3A_144 = vector.shape_cast %swap3A_143 : vector<16xi32> to vector<16xi32>
      %swap3A_145 = vector.shape_cast %get3A_141 : vector<16xi32> to vector<16xi32>
      tpu.vector_store %arg10[%swap3A_142], %swap3A_145 {strides = array<i32>} : memref<40xi32, #tpu.memory_space<vmem>>, vector<16xi32>,
      %add3A_146 = arith.constant 16 : i32
      %add3A_147 = arith.addi %mul3A_136, %add3A_146 : i32
      %get3A_148 = arith.index_cast %add3A_147 : i32 to index
      %get3A_149 = tpu.vector_load %arg7[%get3A_148] {strides = array<i32>} : memref<10080xi32, #tpu.memory_space<vmem>>, vector<16xi32>,
      %get3A_150 = vector.shape_cast %get3A_149 : vector<16xi32> to vector<16xi32>
      %swap3A_151 = arith.constant 16 : index
      %swap3A_152 = tpu.vector_load %arg10[%swap3A_151] {strides = array<i32>} : memref<40xi32, #tpu.memory_space<vmem>>, vector<16xi32>,
      %swap3A_153 = vector.shape_cast %swap3A_152 : vector<16xi32> to vector<16xi32>
      %swap3A_154 = vector.shape_cast %get3A_150 : vector<16xi32> to vector<16xi32>
      tpu.vector_store %arg10[%swap3A_151], %swap3A_154 {strides = array<i32>} : memref<40xi32, #tpu.memory_space<vmem>>, vector<16xi32>,
      %add3A_155 = arith.constant 24 : i32
      %add3A_156 = arith.addi %mul3A_136, %add3A_155 : i32
      %get3A_157 = arith.index_cast %add3A_156 : i32 to index
      %get3A_158 = tpu.vector_load %arg7[%get3A_157] {strides = array<i32>} : memref<10080xi32, #tpu.memory_space<vmem>>, vector<16xi32>,
      %get3A_159 = vector.shape_cast %get3A_158 : vector<16xi32> to vector<16xi32>
      %swap3A_160 = arith.constant 24 : index
      %swap3A_161 = tpu.vector_load %arg10[%swap3A_160] {strides = array<i32>} : memref<40xi32, #tpu.memory_space<vmem>>, vector<16xi32>,
      %swap3A_162 = vector.shape_cast %swap3A_161 : vector<16xi32> to vector<16xi32>
      %swap3A_163 = vector.shape_cast %get3A_159 : vector<16xi32> to vector<16xi32>
      tpu.vector_store %arg10[%swap3A_160], %swap3A_163 {strides = array<i32>} : memref<40xi32, #tpu.memory_space<vmem>>, vector<16xi32>,
      %dma_start3A_164 = arith.constant 0 : i32
      %dma_start3A_165 = tpu.memref_slice %arg4[%dma_start3A_164] : memref<10016xf32, #tpu.memory_space<vmem_shared>> -> memref<10016xf32, #tpu.memory_space<vmem_shared>>
      tpu.enqueue_indirect_dma source(%arg6 : memref<40xf32, #tpu.memory_space<vmem>>) target(%dma_start3A_165 : memref<10016xf32, #tpu.memory_space<vmem_shared>>) offsets(%arg10 : memref<40xi32, #tpu.memory_space<vmem>>) semaphore(%arg14 : memref<!tpu.dma_semaphore, #tpu.memory_space<semaphore_mem>>) {add = true}
      %mul3A_166 = arith.constant 4 : i32
      %mul3A_167 = arith.muli %add3A_47, %mul3A_166 : i32
      %add3A_168 = arith.constant 3 : i32
      %add3A_169 = arith.addi %mul3A_167, %add3A_168 : i32
      %ge3A_170 = arith.constant 1 : i32
      %ge3A_171 = arith.cmpi sge, %add3A_47, %ge3A_170 : i32
      %convert_element_type3A_172 = arith.extui %ge3A_171 : i1 to i32
      %cond3A_173 = arith.constant 0 : i32
      %cond3A_174 = arith.cmpi ne, %convert_element_type3A_172, %cond3A_173 : i32
      scf.if %cond3A_174 {
        %dma_wait3A_206 = arith.constant 0 : i32
        %dma_wait3A_207 = tpu.memref_slice %arg4[%dma_wait3A_206] : memref<10016xf32, #tpu.memory_space<vmem_shared>> -> memref<10016xf32, #tpu.memory_space<vmem_shared>>
        tpu.wait_indirect_dma semaphore(%arg15 : memref<!tpu.dma_semaphore, #tpu.memory_space<semaphore_mem>>) src(%arg6 : memref<40xf32, #tpu.memory_space<vmem>>) dst(%dma_wait3A_207 : memref<10016xf32, #tpu.memory_space<vmem_shared>>)
      } else {
      }
      %mul3A_175 = arith.constant 40 : i32
      %mul3A_176 = arith.muli %add3A_169, %mul3A_175 : i32
      %add3A_177 = arith.constant 0 : i32
      %add3A_178 = arith.addi %mul3A_176, %add3A_177 : i32
      %get3A_179 = arith.index_cast %add3A_178 : i32 to index
      %get3A_180 = tpu.vector_load %arg7[%get3A_179] {strides = array<i32>} : memref<10080xi32, #tpu.memory_space<vmem>>, vector<16xi32>,
      %get3A_181 = vector.shape_cast %get3A_180 : vector<16xi32> to vector<16xi32>
      %swap3A_182 = arith.constant 0 : index
      %swap3A_183 = tpu.vector_load %arg11[%swap3A_182] {strides = array<i32>} : memref<40xi32, #tpu.memory_space<vmem>>, vector<16xi32>,
      %swap3A_184 = vector.shape_cast %swap3A_183 : vector<16xi32> to vector<16xi32>
      %swap3A_185 = vector.shape_cast %get3A_181 : vector<16xi32> to vector<16xi32>
      tpu.vector_store %arg11[%swap3A_182], %swap3A_185 {strides = array<i32>} : memref<40xi32, #tpu.memory_space<vmem>>, vector<16xi32>,
      %add3A_186 = arith.constant 16 : i32
      %add3A_187 = arith.addi %mul3A_176, %add3A_186 : i32
      %get3A_188 = arith.index_cast %add3A_187 : i32 to index
      %get3A_189 = tpu.vector_load %arg7[%get3A_188] {strides = array<i32>} : memref<10080xi32, #tpu.memory_space<vmem>>, vector<16xi32>,
      %get3A_190 = vector.shape_cast %get3A_189 : vector<16xi32> to vector<16xi32>
      %swap3A_191 = arith.constant 16 : index
      %swap3A_192 = tpu.vector_load %arg11[%swap3A_191] {strides = array<i32>} : memref<40xi32, #tpu.memory_space<vmem>>, vector<16xi32>,
      %swap3A_193 = vector.shape_cast %swap3A_192 : vector<16xi32> to vector<16xi32>
      %swap3A_194 = vector.shape_cast %get3A_190 : vector<16xi32> to vector<16xi32>
      tpu.vector_store %arg11[%swap3A_191], %swap3A_194 {strides = array<i32>} : memref<40xi32, #tpu.memory_space<vmem>>, vector<16xi32>,
      %add3A_195 = arith.constant 24 : i32
      %add3A_196 = arith.addi %mul3A_176, %add3A_195 : i32
      %get3A_197 = arith.index_cast %add3A_196 : i32 to index
      %get3A_198 = tpu.vector_load %arg7[%get3A_197] {strides = array<i32>} : memref<10080xi32, #tpu.memory_space<vmem>>, vector<16xi32>,
      %get3A_199 = vector.shape_cast %get3A_198 : vector<16xi32> to vector<16xi32>
      %swap3A_200 = arith.constant 24 : index
      %swap3A_201 = tpu.vector_load %arg11[%swap3A_200] {strides = array<i32>} : memref<40xi32, #tpu.memory_space<vmem>>, vector<16xi32>,
      %swap3A_202 = vector.shape_cast %swap3A_201 : vector<16xi32> to vector<16xi32>
      %swap3A_203 = vector.shape_cast %get3A_199 : vector<16xi32> to vector<16xi32>
      tpu.vector_store %arg11[%swap3A_200], %swap3A_203 {strides = array<i32>} : memref<40xi32, #tpu.memory_space<vmem>>, vector<16xi32>,
      %dma_start3A_204 = arith.constant 0 : i32
      %dma_start3A_205 = tpu.memref_slice %arg4[%dma_start3A_204] : memref<10016xf32, #tpu.memory_space<vmem_shared>> -> memref<10016xf32, #tpu.memory_space<vmem_shared>>
      tpu.enqueue_indirect_dma source(%arg6 : memref<40xf32, #tpu.memory_space<vmem>>) target(%dma_start3A_205 : memref<10016xf32, #tpu.memory_space<vmem_shared>>) offsets(%arg11 : memref<40xi32, #tpu.memory_space<vmem>>) semaphore(%arg15 : memref<!tpu.dma_semaphore, #tpu.memory_space<semaphore_mem>>) {add = true}
    }
    %scan3A_28 = arith.constant 63 : i32
    %dma_wait3A_29 = arith.constant 0 : i32
    %dma_wait3A_30 = tpu.memref_slice %arg4[%dma_wait3A_29] : memref<10016xf32, #tpu.memory_space<vmem_shared>> -> memref<10016xf32, #tpu.memory_space<vmem_shared>>
    tpu.wait_indirect_dma semaphore(%arg12 : memref<!tpu.dma_semaphore, #tpu.memory_space<semaphore_mem>>) src(%arg6 : memref<40xf32, #tpu.memory_space<vmem>>) dst(%dma_wait3A_30 : memref<10016xf32, #tpu.memory_space<vmem_shared>>)
    %dma_wait3A_31 = arith.constant 0 : i32
    %dma_wait3A_32 = tpu.memref_slice %arg4[%dma_wait3A_31] : memref<10016xf32, #tpu.memory_space<vmem_shared>> -> memref<10016xf32, #tpu.memory_space<vmem_shared>>
    tpu.wait_indirect_dma semaphore(%arg13 : memref<!tpu.dma_semaphore, #tpu.memory_space<semaphore_mem>>) src(%arg6 : memref<40xf32, #tpu.memory_space<vmem>>) dst(%dma_wait3A_32 : memref<10016xf32, #tpu.memory_space<vmem_shared>>)
    %dma_wait3A_33 = arith.constant 0 : i32
    %dma_wait3A_34 = tpu.memref_slice %arg4[%dma_wait3A_33] : memref<10016xf32, #tpu.memory_space<vmem_shared>> -> memref<10016xf32, #tpu.memory_space<vmem_shared>>
    tpu.wait_indirect_dma semaphore(%arg14 : memref<!tpu.dma_semaphore, #tpu.memory_space<semaphore_mem>>) src(%arg6 : memref<40xf32, #tpu.memory_space<vmem>>) dst(%dma_wait3A_34 : memref<10016xf32, #tpu.memory_space<vmem_shared>>)
    %dma_wait3A_35 = arith.constant 0 : i32
    %dma_wait3A_36 = tpu.memref_slice %arg4[%dma_wait3A_35] : memref<10016xf32, #tpu.memory_space<vmem_shared>> -> memref<10016xf32, #tpu.memory_space<vmem_shared>>
    tpu.wait_indirect_dma semaphore(%arg15 : memref<!tpu.dma_semaphore, #tpu.memory_space<semaphore_mem>>) src(%arg6 : memref<40xf32, #tpu.memory_space<vmem>>) dst(%dma_wait3A_36 : memref<10016xf32, #tpu.memory_space<vmem_shared>>)
    %barrier3A_37 = arith.constant 0 : index
    tpu.barrier barrier_id(%barrier3A_37)
    %eq3A_38 = arith.constant 0 : i32
    %eq3A_39 = arith.cmpi eq, %arg1, %eq3A_38 : i32
    %convert_element_type3A_40 = arith.extui %eq3A_39 : i1 to i32
    %cond3A_41 = arith.constant 0 : i32
    %cond3A_42 = arith.cmpi ne, %convert_element_type3A_40, %cond3A_41 : i32
    scf.if %cond3A_42 {
      "tpu.region"() ({
        %run_scoped3A = tpu.sem_alloc : memref<!tpu.dma_semaphore, #tpu.memory_space<semaphore_mem>>
        %dma_start3A_43 = arith.constant 0 : i32
        %dma_start3A_44 = tpu.memref_slice %arg3[%arg0, %dma_start3A_43] : memref<2x10016xf32, #tpu.memory_space<hbm>> -> memref<1x10016xf32, #tpu.memory_space<hbm>>
        %dma_start3A_45 = tpu.memref_squeeze %dma_start3A_44 : memref<1x10016xf32, #tpu.memory_space<hbm>> -> memref<10016xf32, #tpu.memory_space<hbm>>
        tpu.enqueue_dma source(%arg4 : memref<10016xf32, #tpu.memory_space<vmem_shared>>) target(%dma_start3A_45 : memref<10016xf32, #tpu.memory_space<hbm>>) target_semaphore(%run_scoped3A : memref<!tpu.dma_semaphore, #tpu.memory_space<semaphore_mem>>)
        %dma_wait3A_46 = arith.constant 0 : i32
        %dma_wait3A_47 = tpu.memref_slice %arg3[%arg0, %dma_wait3A_46] : memref<2x10016xf32, #tpu.memory_space<hbm>> -> memref<1x10016xf32, #tpu.memory_space<hbm>>
        %dma_wait3A_48 = tpu.memref_squeeze %dma_wait3A_47 : memref<1x10016xf32, #tpu.memory_space<hbm>> -> memref<10016xf32, #tpu.memory_space<hbm>>
        tpu.wait_dma2 semaphore(%run_scoped3A : memref<!tpu.dma_semaphore, #tpu.memory_space<semaphore_mem>>) src(%arg4 : memref<10016xf32, #tpu.memory_space<vmem_shared>>) dst(%dma_wait3A_48 : memref<10016xf32, #tpu.memory_space<hbm>>)
        tpu.yield
      }) : () -> ()
    } else {
    }
    return
  }
}

#map = affine_map<(d0, d1) -> (0, 0)>
#map1 = affine_map<(d0, d1) -> (0, 0, 0)>
module attributes {stable_mosaic.version = 14 : i64} {
  func.func @scatter_kernel(%arg0: i32, %arg1: i32, %arg2: memref<10000x128xf32, #tpu.memory_space<hbm>>, %arg3: memref<32x10080xi32, #tpu.memory_space<hbm>>, %arg4: memref<32x10080xi32, #tpu.memory_space<hbm>>, %arg5: memref<2x10000x128xf32, #tpu.memory_space<hbm>>, %arg6: memref<10016x128xf32, #tpu.memory_space<vmem_shared>>, %arg7: memref<10080xi32, #tpu.memory_space<vmem>>, %arg8: memref<10080xi32, #tpu.memory_space<vmem>>, %arg9: memref<40x128xf32, #tpu.memory_space<vmem>>, %arg10: memref<40x128xf32, #tpu.memory_space<vmem>>, %arg11: memref<40x128xf32, #tpu.memory_space<vmem>>, %arg12: memref<40x128xf32, #tpu.memory_space<vmem>>, %arg13: memref<40xi32, #tpu.memory_space<vmem>>, %arg14: memref<40xi32, #tpu.memory_space<vmem>>, %arg15: memref<40xi32, #tpu.memory_space<vmem>>, %arg16: memref<40xi32, #tpu.memory_space<vmem>>, %arg17: memref<!tpu.dma_semaphore, #tpu.memory_space<semaphore_mem>>, %arg18: memref<!tpu.dma_semaphore, #tpu.memory_space<semaphore_mem>>, %arg19: memref<!tpu.dma_semaphore, #tpu.memory_space<semaphore_mem>>, %arg20: memref<!tpu.dma_semaphore, #tpu.memory_space<semaphore_mem>>, %arg21: memref<!tpu.dma_semaphore, #tpu.memory_space<semaphore_mem>>, %arg22: memref<!tpu.dma_semaphore, #tpu.memory_space<semaphore_mem>>, %arg23: memref<!tpu.dma_semaphore, #tpu.memory_space<semaphore_mem>>, %arg24: memref<!tpu.dma_semaphore, #tpu.memory_space<semaphore_mem>>, %arg25: memref<!tpu.dma_semaphore, #tpu.memory_space<semaphore_mem>>, %arg26: memref<!tpu.dma_semaphore, #tpu.memory_space<semaphore_mem>>) attributes {dimension_semantics = [#tpu.dimension_semantics<core_parallel>, #tpu.dimension_semantics<subcore_parallel>], iteration_bounds = array<i64: 2, 16>, scalar_prefetch = 0 : i64, scratch_operands = 21 : i64, tpu.core_type = #tpu.core_type<sc_vector_subcore>, window_params = [{transform_indices = #map}, {transform_indices = #map}, {transform_indices = #map}, {transform_indices = #map1}]} {
    %mul3A = arith.constant 2 : i32
    %mul3A_0 = arith.muli %arg1, %mul3A : i32
    %add3A = arith.addi %mul3A_0, %arg0 : i32
    %mul3A_1 = arith.constant 15 : i32
    %mul3A_2 = arith.muli %arg1, %mul3A_1 : i32
    %min3A = arith.constant 10 : i32
    %min3A_3 = arith.minsi %arg1, %min3A : i32
    %add3A_4 = arith.addi %mul3A_2, %min3A_3 : i32
    %dma_start3A = arith.constant 0 : i32
    %dma_start3A_5 = tpu.memref_slice %arg3[%add3A, %dma_start3A] : memref<32x10080xi32, #tpu.memory_space<hbm>> -> memref<1x10080xi32, #tpu.memory_space<hbm>>
    %dma_start3A_6 = tpu.memref_squeeze %dma_start3A_5 : memref<1x10080xi32, #tpu.memory_space<hbm>> -> memref<10080xi32, #tpu.memory_space<hbm>>
    %dma_start3A_7 = arith.constant 0 : i32
    %dma_start3A_8 = tpu.memref_slice %arg3[%add3A, %dma_start3A_7] : memref<32x10080xi32, #tpu.memory_space<hbm>> -> memref<1x10080xi32, #tpu.memory_space<hbm>>
    %dma_start3A_9 = tpu.memref_squeeze %dma_start3A_8 : memref<1x10080xi32, #tpu.memory_space<hbm>> -> memref<10080xi32, #tpu.memory_space<hbm>>
    tpu.enqueue_dma source(%dma_start3A_9 : memref<10080xi32, #tpu.memory_space<hbm>>) target(%arg7 : memref<10080xi32, #tpu.memory_space<vmem>>) target_semaphore(%arg17 : memref<!tpu.dma_semaphore, #tpu.memory_space<semaphore_mem>>)
    %dma_start3A_10 = arith.constant 0 : i32
    %dma_start3A_11 = tpu.memref_slice %arg4[%add3A, %dma_start3A_10] : memref<32x10080xi32, #tpu.memory_space<hbm>> -> memref<1x10080xi32, #tpu.memory_space<hbm>>
    %dma_start3A_12 = tpu.memref_squeeze %dma_start3A_11 : memref<1x10080xi32, #tpu.memory_space<hbm>> -> memref<10080xi32, #tpu.memory_space<hbm>>
    %dma_start3A_13 = arith.constant 0 : i32
    %dma_start3A_14 = tpu.memref_slice %arg4[%add3A, %dma_start3A_13] : memref<32x10080xi32, #tpu.memory_space<hbm>> -> memref<1x10080xi32, #tpu.memory_space<hbm>>
    %dma_start3A_15 = tpu.memref_squeeze %dma_start3A_14 : memref<1x10080xi32, #tpu.memory_space<hbm>> -> memref<10080xi32, #tpu.memory_space<hbm>>
    tpu.enqueue_dma source(%dma_start3A_15 : memref<10080xi32, #tpu.memory_space<hbm>>) target(%arg8 : memref<10080xi32, #tpu.memory_space<vmem>>) target_semaphore(%arg18 : memref<!tpu.dma_semaphore, #tpu.memory_space<semaphore_mem>>)
    %broadcast_in_dim3A = arith.constant 0.000000e+00 : f32
    %broadcast_in_dim3A_16 = vector.broadcast %broadcast_in_dim3A : f32 to vector<16xf32>
    %scan3A = arith.constant 0 : i32
    %scan3A_17 = arith.constant 40 : i32
    %scan3A_18 = arith.addi %scan3A, %scan3A_17 : i32
    %scan3A_19 = arith.constant 1 : i32
    scf.for %scan3A_163 = %scan3A to %scan3A_18 step %scan3A_19  : i32 {
      %mul3A_164 = arith.constant 1 : i32
      %mul3A_165 = arith.muli %scan3A_163, %mul3A_164 : i32
      %add3A_166 = arith.constant 0 : i32
      %add3A_167 = arith.addi %add3A_166, %mul3A_165 : i32
      %scan3A_168 = arith.constant 0 : i32
      %scan3A_169 = arith.constant 8 : i32
      %scan3A_170 = arith.addi %scan3A_168, %scan3A_169 : i32
      %scan3A_171 = arith.constant 1 : i32
      scf.for %scan3A_173 = %scan3A_168 to %scan3A_170 step %scan3A_171  : i32 {
        %mul3A_174 = arith.constant 1 : i32
        %mul3A_175 = arith.muli %scan3A_173, %mul3A_174 : i32
        %add3A_176 = arith.constant 0 : i32
        %add3A_177 = arith.addi %add3A_176, %mul3A_175 : i32
        %mul3A_178 = arith.constant 16 : i32
        %mul3A_179 = arith.muli %add3A_177, %mul3A_178 : i32
        %swap3A_180 = arith.index_cast %add3A_167 : i32 to index
        %swap3A_181 = arith.index_cast %mul3A_179 : i32 to index
        %swap3A_182 = tpu.vector_load %arg9[%swap3A_180, %swap3A_181] {strides = array<i32>} : memref<40x128xf32, #tpu.memory_space<vmem>>, vector<1x16xf32>,
        %swap3A_183 = vector.shape_cast %swap3A_182 : vector<1x16xf32> to vector<16xf32>
        %swap3A_184 = vector.shape_cast %broadcast_in_dim3A_16 : vector<16xf32> to vector<1x16xf32>
        tpu.vector_store %arg9[%swap3A_180, %swap3A_181], %swap3A_184 {strides = array<i32>} : memref<40x128xf32, #tpu.memory_space<vmem>>, vector<1x16xf32>,
      }
      %scan3A_172 = arith.constant 8 : i32
    }
    %scan3A_20 = arith.constant 40 : i32
    %scan3A_21 = arith.constant 0 : i32
    %scan3A_22 = arith.constant 15 : i32
    %scan3A_23 = arith.addi %scan3A_21, %scan3A_22 : i32
    %scan3A_24 = arith.constant 1 : i32
    scf.for %scan3A_163 = %scan3A_21 to %scan3A_23 step %scan3A_24  : i32 {
      %mul3A_164 = arith.constant 1 : i32
      %mul3A_165 = arith.muli %scan3A_163, %mul3A_164 : i32
      %add3A_166 = arith.constant 0 : i32
      %add3A_167 = arith.addi %add3A_166, %mul3A_165 : i32
      %add3A_168 = arith.addi %add3A_4, %add3A_167 : i32
      %mul3A_169 = arith.constant 40 : i32
      %mul3A_170 = arith.muli %add3A_168, %mul3A_169 : i32
      %dma_start3A_171 = arith.constant 0 : i32
      %dma_start3A_172 = tpu.memref_slice %arg6[%mul3A_170, %dma_start3A_171] : memref<10016x128xf32, #tpu.memory_space<vmem_shared>> -> memref<40x128xf32, #tpu.memory_space<vmem_shared>>
      %dma_start3A_173 = arith.constant 0 : i32
      %dma_start3A_174 = tpu.memref_slice %arg6[%mul3A_170, %dma_start3A_173] : memref<10016x128xf32, #tpu.memory_space<vmem_shared>> -> memref<40x128xf32, #tpu.memory_space<vmem_shared>>
      tpu.enqueue_dma source(%arg9 : memref<40x128xf32, #tpu.memory_space<vmem>>) target(%dma_start3A_174 : memref<40x128xf32, #tpu.memory_space<vmem_shared>>) target_semaphore(%arg25 : memref<!tpu.dma_semaphore, #tpu.memory_space<semaphore_mem>>)
    }
    %scan3A_25 = arith.constant 15 : i32
    %lt3A = arith.constant 10 : i32
    %lt3A_26 = arith.cmpi slt, %arg1, %lt3A : i32
    %convert_element_type3A = arith.extui %lt3A_26 : i1 to i32
    %cond3A = arith.constant 0 : i32
    %cond3A_27 = arith.cmpi ne, %convert_element_type3A, %cond3A : i32
    scf.if %cond3A_27 {
      %add3A_163 = arith.constant 15 : i32
      %add3A_164 = arith.addi %add3A_4, %add3A_163 : i32
      %mul3A_165 = arith.constant 40 : i32
      %mul3A_166 = arith.muli %add3A_164, %mul3A_165 : i32
      %dma_start3A_167 = arith.constant 0 : i32
      %dma_start3A_168 = tpu.memref_slice %arg6[%mul3A_166, %dma_start3A_167] : memref<10016x128xf32, #tpu.memory_space<vmem_shared>> -> memref<40x128xf32, #tpu.memory_space<vmem_shared>>
      %dma_start3A_169 = arith.constant 0 : i32
      %dma_start3A_170 = tpu.memref_slice %arg6[%mul3A_166, %dma_start3A_169] : memref<10016x128xf32, #tpu.memory_space<vmem_shared>> -> memref<40x128xf32, #tpu.memory_space<vmem_shared>>
      tpu.enqueue_dma source(%arg9 : memref<40x128xf32, #tpu.memory_space<vmem>>) target(%dma_start3A_170 : memref<40x128xf32, #tpu.memory_space<vmem_shared>>) target_semaphore(%arg25 : memref<!tpu.dma_semaphore, #tpu.memory_space<semaphore_mem>>)
    } else {
    }
    %scan3A_28 = arith.constant 0 : i32
    %scan3A_29 = arith.constant 15 : i32
    %scan3A_30 = arith.addi %scan3A_28, %scan3A_29 : i32
    %scan3A_31 = arith.constant 1 : i32
    scf.for %scan3A_163 = %scan3A_28 to %scan3A_30 step %scan3A_31  : i32 {
      %mul3A_164 = arith.constant 1 : i32
      %mul3A_165 = arith.muli %scan3A_163, %mul3A_164 : i32
      %add3A_166 = arith.constant 0 : i32
      %add3A_167 = arith.addi %add3A_166, %mul3A_165 : i32
      %dma_wait3A_168 = arith.constant 0 : i32
      %dma_wait3A_169 = arith.constant 0 : i32
      %dma_wait3A_170 = tpu.memref_slice %arg6[%dma_wait3A_168, %dma_wait3A_169] : memref<10016x128xf32, #tpu.memory_space<vmem_shared>> -> memref<40x128xf32, #tpu.memory_space<vmem_shared>>
      %dma_wait3A_171 = arith.constant 0 : i32
      %dma_wait3A_172 = arith.constant 0 : i32
      %dma_wait3A_173 = tpu.memref_slice %arg6[%dma_wait3A_171, %dma_wait3A_172] : memref<10016x128xf32, #tpu.memory_space<vmem_shared>> -> memref<40x128xf32, #tpu.memory_space<vmem_shared>>
      tpu.wait_dma2 semaphore(%arg25 : memref<!tpu.dma_semaphore, #tpu.memory_space<semaphore_mem>>) src(%arg9 : memref<40x128xf32, #tpu.memory_space<vmem>>) dst(%dma_wait3A_173 : memref<40x128xf32, #tpu.memory_space<vmem_shared>>)
    }
    %scan3A_32 = arith.constant 15 : i32
    %lt3A_33 = arith.constant 10 : i32
    %lt3A_34 = arith.cmpi slt, %arg1, %lt3A_33 : i32
    %convert_element_type3A_35 = arith.extui %lt3A_34 : i1 to i32
    %cond3A_36 = arith.constant 0 : i32
    %cond3A_37 = arith.cmpi ne, %convert_element_type3A_35, %cond3A_36 : i32
    scf.if %cond3A_37 {
      %dma_wait3A_163 = arith.constant 0 : i32
      %dma_wait3A_164 = arith.constant 0 : i32
      %dma_wait3A_165 = tpu.memref_slice %arg6[%dma_wait3A_163, %dma_wait3A_164] : memref<10016x128xf32, #tpu.memory_space<vmem_shared>> -> memref<40x128xf32, #tpu.memory_space<vmem_shared>>
      %dma_wait3A_166 = arith.constant 0 : i32
      %dma_wait3A_167 = arith.constant 0 : i32
      %dma_wait3A_168 = tpu.memref_slice %arg6[%dma_wait3A_166, %dma_wait3A_167] : memref<10016x128xf32, #tpu.memory_space<vmem_shared>> -> memref<40x128xf32, #tpu.memory_space<vmem_shared>>
      tpu.wait_dma2 semaphore(%arg25 : memref<!tpu.dma_semaphore, #tpu.memory_space<semaphore_mem>>) src(%arg9 : memref<40x128xf32, #tpu.memory_space<vmem>>) dst(%dma_wait3A_168 : memref<40x128xf32, #tpu.memory_space<vmem_shared>>)
    } else {
    }
    %dma_wait3A = arith.constant 0 : i32
    %dma_wait3A_38 = tpu.memref_slice %arg3[%add3A, %dma_wait3A] : memref<32x10080xi32, #tpu.memory_space<hbm>> -> memref<1x10080xi32, #tpu.memory_space<hbm>>
    %dma_wait3A_39 = tpu.memref_squeeze %dma_wait3A_38 : memref<1x10080xi32, #tpu.memory_space<hbm>> -> memref<10080xi32, #tpu.memory_space<hbm>>
    %dma_wait3A_40 = arith.constant 0 : i32
    %dma_wait3A_41 = tpu.memref_slice %arg3[%add3A, %dma_wait3A_40] : memref<32x10080xi32, #tpu.memory_space<hbm>> -> memref<1x10080xi32, #tpu.memory_space<hbm>>
    %dma_wait3A_42 = tpu.memref_squeeze %dma_wait3A_41 : memref<1x10080xi32, #tpu.memory_space<hbm>> -> memref<10080xi32, #tpu.memory_space<hbm>>
    tpu.wait_dma2 semaphore(%arg17 : memref<!tpu.dma_semaphore, #tpu.memory_space<semaphore_mem>>) src(%dma_wait3A_42 : memref<10080xi32, #tpu.memory_space<hbm>>) dst(%arg7 : memref<10080xi32, #tpu.memory_space<vmem>>)
    %dma_wait3A_43 = arith.constant 0 : i32
    %dma_wait3A_44 = tpu.memref_slice %arg4[%add3A, %dma_wait3A_43] : memref<32x10080xi32, #tpu.memory_space<hbm>> -> memref<1x10080xi32, #tpu.memory_space<hbm>>
    %dma_wait3A_45 = tpu.memref_squeeze %dma_wait3A_44 : memref<1x10080xi32, #tpu.memory_space<hbm>> -> memref<10080xi32, #tpu.memory_space<hbm>>
    %dma_wait3A_46 = arith.constant 0 : i32
    %dma_wait3A_47 = tpu.memref_slice %arg4[%add3A, %dma_wait3A_46] : memref<32x10080xi32, #tpu.memory_space<hbm>> -> memref<1x10080xi32, #tpu.memory_space<hbm>>
    %dma_wait3A_48 = tpu.memref_squeeze %dma_wait3A_47 : memref<1x10080xi32, #tpu.memory_space<hbm>> -> memref<10080xi32, #tpu.memory_space<hbm>>
    tpu.wait_dma2 semaphore(%arg18 : memref<!tpu.dma_semaphore, #tpu.memory_space<semaphore_mem>>) src(%dma_wait3A_48 : memref<10080xi32, #tpu.memory_space<hbm>>) dst(%arg8 : memref<10080xi32, #tpu.memory_space<vmem>>)
    %barrier3A = arith.constant 0 : index
    tpu.barrier barrier_id(%barrier3A)
    %dma_start3A_49 = arith.constant 0 : i32
    %dma_start3A_50 = tpu.memref_slice %arg7[%dma_start3A_49] : memref<10080xi32, #tpu.memory_space<vmem>> -> memref<40xi32, #tpu.memory_space<vmem>>
    %dma_start3A_51 = arith.constant 0 : i32
    %dma_start3A_52 = arith.constant 0 : i32
    %dma_start3A_53 = tpu.memref_slice %arg2[%dma_start3A_51, %dma_start3A_52] : memref<10000x128xf32, #tpu.memory_space<hbm>> -> memref<10000x128xf32, #tpu.memory_space<hbm>>
    tpu.enqueue_indirect_dma source(%dma_start3A_53 : memref<10000x128xf32, #tpu.memory_space<hbm>>) target(%arg9 : memref<40x128xf32, #tpu.memory_space<vmem>>) offsets(%dma_start3A_50 : memref<40xi32, #tpu.memory_space<vmem>>) semaphore(%arg17 : memref<!tpu.dma_semaphore, #tpu.memory_space<semaphore_mem>>)
    %get3A = arith.constant 0 : index
    %get3A_54 = tpu.vector_load %arg8[%get3A] {strides = array<i32>} : memref<10080xi32, #tpu.memory_space<vmem>>, vector<16xi32>,
    %get3A_55 = vector.shape_cast %get3A_54 : vector<16xi32> to vector<16xi32>
    %swap3A = arith.constant 0 : index
    %swap3A_56 = tpu.vector_load %arg13[%swap3A] {strides = array<i32>} : memref<40xi32, #tpu.memory_space<vmem>>, vector<16xi32>,
    %swap3A_57 = vector.shape_cast %swap3A_56 : vector<16xi32> to vector<16xi32>
    %swap3A_58 = vector.shape_cast %get3A_55 : vector<16xi32> to vector<16xi32>
    tpu.vector_store %arg13[%swap3A], %swap3A_58 {strides = array<i32>} : memref<40xi32, #tpu.memory_space<vmem>>, vector<16xi32>,
    %get3A_59 = arith.constant 16 : index
    %get3A_60 = tpu.vector_load %arg8[%get3A_59] {strides = array<i32>} : memref<10080xi32, #tpu.memory_space<vmem>>, vector<16xi32>,
    %get3A_61 = vector.shape_cast %get3A_60 : vector<16xi32> to vector<16xi32>
    %swap3A_62 = arith.constant 16 : index
    %swap3A_63 = tpu.vector_load %arg13[%swap3A_62] {strides = array<i32>} : memref<40xi32, #tpu.memory_space<vmem>>, vector<16xi32>,
    %swap3A_64 = vector.shape_cast %swap3A_63 : vector<16xi32> to vector<16xi32>
    %swap3A_65 = vector.shape_cast %get3A_61 : vector<16xi32> to vector<16xi32>
    tpu.vector_store %arg13[%swap3A_62], %swap3A_65 {strides = array<i32>} : memref<40xi32, #tpu.memory_space<vmem>>, vector<16xi32>,
    %get3A_66 = arith.constant 24 : index
    %get3A_67 = tpu.vector_load %arg8[%get3A_66] {strides = array<i32>} : memref<10080xi32, #tpu.memory_space<vmem>>, vector<16xi32>,
    %get3A_68 = vector.shape_cast %get3A_67 : vector<16xi32> to vector<16xi32>
    %swap3A_69 = arith.constant 24 : index
    %swap3A_70 = tpu.vector_load %arg13[%swap3A_69] {strides = array<i32>} : memref<40xi32, #tpu.memory_space<vmem>>, vector<16xi32>,
    %swap3A_71 = vector.shape_cast %swap3A_70 : vector<16xi32> to vector<16xi32>
    %swap3A_72 = vector.shape_cast %get3A_68 : vector<16xi32> to vector<16xi32>
    tpu.vector_store %arg13[%swap3A_69], %swap3A_72 {strides = array<i32>} : memref<40xi32, #tpu.memory_space<vmem>>, vector<16xi32>,
    %dma_start3A_73 = arith.constant 40 : i32
    %dma_start3A_74 = tpu.memref_slice %arg7[%dma_start3A_73] : memref<10080xi32, #tpu.memory_space<vmem>> -> memref<40xi32, #tpu.memory_space<vmem>>
    %dma_start3A_75 = arith.constant 0 : i32
    %dma_start3A_76 = arith.constant 0 : i32
    %dma_start3A_77 = tpu.memref_slice %arg2[%dma_start3A_75, %dma_start3A_76] : memref<10000x128xf32, #tpu.memory_space<hbm>> -> memref<10000x128xf32, #tpu.memory_space<hbm>>
    tpu.enqueue_indirect_dma source(%dma_start3A_77 : memref<10000x128xf32, #tpu.memory_space<hbm>>) target(%arg10 : memref<40x128xf32, #tpu.memory_space<vmem>>) offsets(%dma_start3A_74 : memref<40xi32, #tpu.memory_space<vmem>>) semaphore(%arg18 : memref<!tpu.dma_semaphore, #tpu.memory_space<semaphore_mem>>)
    %get3A_78 = arith.constant 40 : index
    %get3A_79 = tpu.vector_load %arg8[%get3A_78] {strides = array<i32>} : memref<10080xi32, #tpu.memory_space<vmem>>, vector<16xi32>,
    %get3A_80 = vector.shape_cast %get3A_79 : vector<16xi32> to vector<16xi32>
    %swap3A_81 = arith.constant 0 : index
    %swap3A_82 = tpu.vector_load %arg14[%swap3A_81] {strides = array<i32>} : memref<40xi32, #tpu.memory_space<vmem>>, vector<16xi32>,
    %swap3A_83 = vector.shape_cast %swap3A_82 : vector<16xi32> to vector<16xi32>
    %swap3A_84 = vector.shape_cast %get3A_80 : vector<16xi32> to vector<16xi32>
    tpu.vector_store %arg14[%swap3A_81], %swap3A_84 {strides = array<i32>} : memref<40xi32, #tpu.memory_space<vmem>>, vector<16xi32>,
    %get3A_85 = arith.constant 56 : index
    %get3A_86 = tpu.vector_load %arg8[%get3A_85] {strides = array<i32>} : memref<10080xi32, #tpu.memory_space<vmem>>, vector<16xi32>,
    %get3A_87 = vector.shape_cast %get3A_86 : vector<16xi32> to vector<16xi32>
    %swap3A_88 = arith.constant 16 : index
    %swap3A_89 = tpu.vector_load %arg14[%swap3A_88] {strides = array<i32>} : memref<40xi32, #tpu.memory_space<vmem>>, vector<16xi32>,
    %swap3A_90 = vector.shape_cast %swap3A_89 : vector<16xi32> to vector<16xi32>
    %swap3A_91 = vector.shape_cast %get3A_87 : vector<16xi32> to vector<16xi32>
    tpu.vector_store %arg14[%swap3A_88], %swap3A_91 {strides = array<i32>} : memref<40xi32, #tpu.memory_space<vmem>>, vector<16xi32>,
    %get3A_92 = arith.constant 64 : index
    %get3A_93 = tpu.vector_load %arg8[%get3A_92] {strides = array<i32>} : memref<10080xi32, #tpu.memory_space<vmem>>, vector<16xi32>,
    %get3A_94 = vector.shape_cast %get3A_93 : vector<16xi32> to vector<16xi32>
    %swap3A_95 = arith.constant 24 : index
    %swap3A_96 = tpu.vector_load %arg14[%swap3A_95] {strides = array<i32>} : memref<40xi32, #tpu.memory_space<vmem>>, vector<16xi32>,
    %swap3A_97 = vector.shape_cast %swap3A_96 : vector<16xi32> to vector<16xi32>
    %swap3A_98 = vector.shape_cast %get3A_94 : vector<16xi32> to vector<16xi32>
    tpu.vector_store %arg14[%swap3A_95], %swap3A_98 {strides = array<i32>} : memref<40xi32, #tpu.memory_space<vmem>>, vector<16xi32>,
    %dma_start3A_99 = arith.constant 80 : i32
    %dma_start3A_100 = tpu.memref_slice %arg7[%dma_start3A_99] : memref<10080xi32, #tpu.memory_space<vmem>> -> memref<40xi32, #tpu.memory_space<vmem>>
    %dma_start3A_101 = arith.constant 0 : i32
    %dma_start3A_102 = arith.constant 0 : i32
    %dma_start3A_103 = tpu.memref_slice %arg2[%dma_start3A_101, %dma_start3A_102] : memref<10000x128xf32, #tpu.memory_space<hbm>> -> memref<10000x128xf32, #tpu.memory_space<hbm>>
    tpu.enqueue_indirect_dma source(%dma_start3A_103 : memref<10000x128xf32, #tpu.memory_space<hbm>>) target(%arg11 : memref<40x128xf32, #tpu.memory_space<vmem>>) offsets(%dma_start3A_100 : memref<40xi32, #tpu.memory_space<vmem>>) semaphore(%arg19 : memref<!tpu.dma_semaphore, #tpu.memory_space<semaphore_mem>>)
    %get3A_104 = arith.constant 80 : index
    %get3A_105 = tpu.vector_load %arg8[%get3A_104] {strides = array<i32>} : memref<10080xi32, #tpu.memory_space<vmem>>, vector<16xi32>,
    %get3A_106 = vector.shape_cast %get3A_105 : vector<16xi32> to vector<16xi32>
    %swap3A_107 = arith.constant 0 : index
    %swap3A_108 = tpu.vector_load %arg15[%swap3A_107] {strides = array<i32>} : memref<40xi32, #tpu.memory_space<vmem>>, vector<16xi32>,
    %swap3A_109 = vector.shape_cast %swap3A_108 : vector<16xi32> to vector<16xi32>
    %swap3A_110 = vector.shape_cast %get3A_106 : vector<16xi32> to vector<16xi32>
    tpu.vector_store %arg15[%swap3A_107], %swap3A_110 {strides = array<i32>} : memref<40xi32, #tpu.memory_space<vmem>>, vector<16xi32>,
    %get3A_111 = arith.constant 96 : index
    %get3A_112 = tpu.vector_load %arg8[%get3A_111] {strides = array<i32>} : memref<10080xi32, #tpu.memory_space<vmem>>, vector<16xi32>,
    %get3A_113 = vector.shape_cast %get3A_112 : vector<16xi32> to vector<16xi32>
    %swap3A_114 = arith.constant 16 : index
    %swap3A_115 = tpu.vector_load %arg15[%swap3A_114] {strides = array<i32>} : memref<40xi32, #tpu.memory_space<vmem>>, vector<16xi32>,
    %swap3A_116 = vector.shape_cast %swap3A_115 : vector<16xi32> to vector<16xi32>
    %swap3A_117 = vector.shape_cast %get3A_113 : vector<16xi32> to vector<16xi32>
    tpu.vector_store %arg15[%swap3A_114], %swap3A_117 {strides = array<i32>} : memref<40xi32, #tpu.memory_space<vmem>>, vector<16xi32>,
    %get3A_118 = arith.constant 104 : index
    %get3A_119 = tpu.vector_load %arg8[%get3A_118] {strides = array<i32>} : memref<10080xi32, #tpu.memory_space<vmem>>, vector<16xi32>,
    %get3A_120 = vector.shape_cast %get3A_119 : vector<16xi32> to vector<16xi32>
    %swap3A_121 = arith.constant 24 : index
    %swap3A_122 = tpu.vector_load %arg15[%swap3A_121] {strides = array<i32>} : memref<40xi32, #tpu.memory_space<vmem>>, vector<16xi32>,
    %swap3A_123 = vector.shape_cast %swap3A_122 : vector<16xi32> to vector<16xi32>
    %swap3A_124 = vector.shape_cast %get3A_120 : vector<16xi32> to vector<16xi32>
    tpu.vector_store %arg15[%swap3A_121], %swap3A_124 {strides = array<i32>} : memref<40xi32, #tpu.memory_space<vmem>>, vector<16xi32>,
    %scan3A_125 = arith.constant 0 : i32
    %scan3A_126 = arith.constant 63 : i32
    %scan3A_127 = arith.addi %scan3A_125, %scan3A_126 : i32
    %scan3A_128 = arith.constant 1 : i32
    scf.for %scan3A_163 = %scan3A_125 to %scan3A_127 step %scan3A_128  : i32 {
      %mul3A_164 = arith.constant 1 : i32
      %mul3A_165 = arith.muli %scan3A_163, %mul3A_164 : i32
      %add3A_166 = arith.constant 0 : i32
      %add3A_167 = arith.addi %add3A_166, %mul3A_165 : i32
      %mul3A_168 = arith.constant 4 : i32
      %mul3A_169 = arith.muli %add3A_167, %mul3A_168 : i32
      %add3A_170 = arith.constant 0 : i32
      %add3A_171 = arith.addi %mul3A_169, %add3A_170 : i32
      %dma_wait3A_172 = arith.constant 0 : i32
      %dma_wait3A_173 = tpu.memref_slice %arg7[%dma_wait3A_172] : memref<10080xi32, #tpu.memory_space<vmem>> -> memref<40xi32, #tpu.memory_space<vmem>>
      %dma_wait3A_174 = arith.constant 0 : i32
      %dma_wait3A_175 = arith.constant 0 : i32
      %dma_wait3A_176 = tpu.memref_slice %arg2[%dma_wait3A_174, %dma_wait3A_175] : memref<10000x128xf32, #tpu.memory_space<hbm>> -> memref<10000x128xf32, #tpu.memory_space<hbm>>
      tpu.wait_indirect_dma semaphore(%arg17 : memref<!tpu.dma_semaphore, #tpu.memory_space<semaphore_mem>>) src(%dma_wait3A_176 : memref<10000x128xf32, #tpu.memory_space<hbm>>) dst(%arg9 : memref<40x128xf32, #tpu.memory_space<vmem>>)
      %dma_start3A_177 = arith.constant 0 : i32
      %dma_start3A_178 = arith.constant 0 : i32
      %dma_start3A_179 = tpu.memref_slice %arg6[%dma_start3A_177, %dma_start3A_178] : memref<10016x128xf32, #tpu.memory_space<vmem_shared>> -> memref<10016x128xf32, #tpu.memory_space<vmem_shared>>
      tpu.enqueue_indirect_dma source(%arg9 : memref<40x128xf32, #tpu.memory_space<vmem>>) target(%dma_start3A_179 : memref<10016x128xf32, #tpu.memory_space<vmem_shared>>) offsets(%arg13 : memref<40xi32, #tpu.memory_space<vmem>>) semaphore(%arg21 : memref<!tpu.dma_semaphore, #tpu.memory_space<semaphore_mem>>) {add = true}
      %add3A_180 = arith.constant 4 : i32
      %add3A_181 = arith.addi %add3A_171, %add3A_180 : i32
      %sub3A = arith.constant 1 : i32
      %sub3A_182 = arith.subi %add3A_181, %sub3A : i32
      %lt3A_183 = arith.constant 252 : i32
      %lt3A_184 = arith.cmpi slt, %sub3A_182, %lt3A_183 : i32
      %convert_element_type3A_185 = arith.extui %lt3A_184 : i1 to i32
      %cond3A_186 = arith.constant 0 : i32
      %cond3A_187 = arith.cmpi ne, %convert_element_type3A_185, %cond3A_186 : i32
      scf.if %cond3A_187 {
        %ge3A = arith.constant 1 : i32
        %ge3A_251 = arith.cmpi sge, %add3A_171, %ge3A : i32
        %convert_element_type3A_252 = arith.extui %ge3A_251 : i1 to i32
        %cond3A_253 = arith.constant 0 : i32
        %cond3A_254 = arith.cmpi ne, %convert_element_type3A_252, %cond3A_253 : i32
        scf.if %cond3A_254 {
          %dma_wait3A_294 = arith.constant 0 : i32
          %dma_wait3A_295 = arith.constant 0 : i32
          %dma_wait3A_296 = tpu.memref_slice %arg6[%dma_wait3A_294, %dma_wait3A_295] : memref<10016x128xf32, #tpu.memory_space<vmem_shared>> -> memref<10016x128xf32, #tpu.memory_space<vmem_shared>>
          tpu.wait_indirect_dma semaphore(%arg24 : memref<!tpu.dma_semaphore, #tpu.memory_space<semaphore_mem>>) src(%arg12 : memref<40x128xf32, #tpu.memory_space<vmem>>) dst(%dma_wait3A_296 : memref<10016x128xf32, #tpu.memory_space<vmem_shared>>)
        } else {
        }
        %add3A_255 = arith.constant 4 : i32
        %add3A_256 = arith.addi %add3A_171, %add3A_255 : i32
        %sub3A_257 = arith.constant 1 : i32
        %sub3A_258 = arith.subi %add3A_256, %sub3A_257 : i32
        %mul3A_259 = arith.constant 40 : i32
        %mul3A_260 = arith.muli %sub3A_258, %mul3A_259 : i32
        %dma_start3A_261 = tpu.memref_slice %arg7[%mul3A_260] : memref<10080xi32, #tpu.memory_space<vmem>> -> memref<40xi32, #tpu.memory_space<vmem>>
        %dma_start3A_262 = arith.constant 0 : i32
        %dma_start3A_263 = arith.constant 0 : i32
        %dma_start3A_264 = tpu.memref_slice %arg2[%dma_start3A_262, %dma_start3A_263] : memref<10000x128xf32, #tpu.memory_space<hbm>> -> memref<10000x128xf32, #tpu.memory_space<hbm>>
        tpu.enqueue_indirect_dma source(%dma_start3A_264 : memref<10000x128xf32, #tpu.memory_space<hbm>>) target(%arg12 : memref<40x128xf32, #tpu.memory_space<vmem>>) offsets(%dma_start3A_261 : memref<40xi32, #tpu.memory_space<vmem>>) semaphore(%arg20 : memref<!tpu.dma_semaphore, #tpu.memory_space<semaphore_mem>>)
        %mul3A_265 = arith.constant 40 : i32
        %mul3A_266 = arith.muli %sub3A_258, %mul3A_265 : i32
        %add3A_267 = arith.constant 0 : i32
        %add3A_268 = arith.addi %mul3A_266, %add3A_267 : i32
        %get3A_269 = arith.index_cast %add3A_268 : i32 to index
        %get3A_270 = tpu.vector_load %arg8[%get3A_269] {strides = array<i32>} : memref<10080xi32, #tpu.memory_space<vmem>>, vector<16xi32>,
        %get3A_271 = vector.shape_cast %get3A_270 : vector<16xi32> to vector<16xi32>
        %swap3A_272 = arith.constant 0 : index
        %swap3A_273 = tpu.vector_load %arg16[%swap3A_272] {strides = array<i32>} : memref<40xi32, #tpu.memory_space<vmem>>, vector<16xi32>,
        %swap3A_274 = vector.shape_cast %swap3A_273 : vector<16xi32> to vector<16xi32>
        %swap3A_275 = vector.shape_cast %get3A_271 : vector<16xi32> to vector<16xi32>
        tpu.vector_store %arg16[%swap3A_272], %swap3A_275 {strides = array<i32>} : memref<40xi32, #tpu.memory_space<vmem>>, vector<16xi32>,
        %add3A_276 = arith.constant 16 : i32
        %add3A_277 = arith.addi %mul3A_266, %add3A_276 : i32
        %get3A_278 = arith.index_cast %add3A_277 : i32 to index
        %get3A_279 = tpu.vector_load %arg8[%get3A_278] {strides = array<i32>} : memref<10080xi32, #tpu.memory_space<vmem>>, vector<16xi32>,
        %get3A_280 = vector.shape_cast %get3A_279 : vector<16xi32> to vector<16xi32>
        %swap3A_281 = arith.constant 16 : index
        %swap3A_282 = tpu.vector_load %arg16[%swap3A_281] {strides = array<i32>} : memref<40xi32, #tpu.memory_space<vmem>>, vector<16xi32>,
        %swap3A_283 = vector.shape_cast %swap3A_282 : vector<16xi32> to vector<16xi32>
        %swap3A_284 = vector.shape_cast %get3A_280 : vector<16xi32> to vector<16xi32>
        tpu.vector_store %arg16[%swap3A_281], %swap3A_284 {strides = array<i32>} : memref<40xi32, #tpu.memory_space<vmem>>, vector<16xi32>,
        %add3A_285 = arith.constant 24 : i32
        %add3A_286 = arith.addi %mul3A_266, %add3A_285 : i32
        %get3A_287 = arith.index_cast %add3A_286 : i32 to index
        %get3A_288 = tpu.vector_load %arg8[%get3A_287] {strides = array<i32>} : memref<10080xi32, #tpu.memory_space<vmem>>, vector<16xi32>,
        %get3A_289 = vector.shape_cast %get3A_288 : vector<16xi32> to vector<16xi32>
        %swap3A_290 = arith.constant 24 : index
        %swap3A_291 = tpu.vector_load %arg16[%swap3A_290] {strides = array<i32>} : memref<40xi32, #tpu.memory_space<vmem>>, vector<16xi32>,
        %swap3A_292 = vector.shape_cast %swap3A_291 : vector<16xi32> to vector<16xi32>
        %swap3A_293 = vector.shape_cast %get3A_289 : vector<16xi32> to vector<16xi32>
        tpu.vector_store %arg16[%swap3A_290], %swap3A_293 {strides = array<i32>} : memref<40xi32, #tpu.memory_space<vmem>>, vector<16xi32>,
      } else {
      }
      %mul3A_188 = arith.constant 4 : i32
      %mul3A_189 = arith.muli %add3A_167, %mul3A_188 : i32
      %add3A_190 = arith.constant 1 : i32
      %add3A_191 = arith.addi %mul3A_189, %add3A_190 : i32
      %dma_wait3A_192 = arith.constant 0 : i32
      %dma_wait3A_193 = tpu.memref_slice %arg7[%dma_wait3A_192] : memref<10080xi32, #tpu.memory_space<vmem>> -> memref<40xi32, #tpu.memory_space<vmem>>
      %dma_wait3A_194 = arith.constant 0 : i32
      %dma_wait3A_195 = arith.constant 0 : i32
      %dma_wait3A_196 = tpu.memref_slice %arg2[%dma_wait3A_194, %dma_wait3A_195] : memref<10000x128xf32, #tpu.memory_space<hbm>> -> memref<10000x128xf32, #tpu.memory_space<hbm>>
      tpu.wait_indirect_dma semaphore(%arg18 : memref<!tpu.dma_semaphore, #tpu.memory_space<semaphore_mem>>) src(%dma_wait3A_196 : memref<10000x128xf32, #tpu.memory_space<hbm>>) dst(%arg10 : memref<40x128xf32, #tpu.memory_space<vmem>>)
      %dma_start3A_197 = arith.constant 0 : i32
      %dma_start3A_198 = arith.constant 0 : i32
      %dma_start3A_199 = tpu.memref_slice %arg6[%dma_start3A_197, %dma_start3A_198] : memref<10016x128xf32, #tpu.memory_space<vmem_shared>> -> memref<10016x128xf32, #tpu.memory_space<vmem_shared>>
      tpu.enqueue_indirect_dma source(%arg10 : memref<40x128xf32, #tpu.memory_space<vmem>>) target(%dma_start3A_199 : memref<10016x128xf32, #tpu.memory_space<vmem_shared>>) offsets(%arg14 : memref<40xi32, #tpu.memory_space<vmem>>) semaphore(%arg22 : memref<!tpu.dma_semaphore, #tpu.memory_space<semaphore_mem>>) {add = true}
      %add3A_200 = arith.constant 4 : i32
      %add3A_201 = arith.addi %add3A_191, %add3A_200 : i32
      %sub3A_202 = arith.constant 1 : i32
      %sub3A_203 = arith.subi %add3A_201, %sub3A_202 : i32
      %lt3A_204 = arith.constant 252 : i32
      %lt3A_205 = arith.cmpi slt, %sub3A_203, %lt3A_204 : i32
      %convert_element_type3A_206 = arith.extui %lt3A_205 : i1 to i32
      %cond3A_207 = arith.constant 0 : i32
      %cond3A_208 = arith.cmpi ne, %convert_element_type3A_206, %cond3A_207 : i32
      scf.if %cond3A_208 {
        %ge3A = arith.constant 1 : i32
        %ge3A_251 = arith.cmpi sge, %add3A_191, %ge3A : i32
        %convert_element_type3A_252 = arith.extui %ge3A_251 : i1 to i32
        %cond3A_253 = arith.constant 0 : i32
        %cond3A_254 = arith.cmpi ne, %convert_element_type3A_252, %cond3A_253 : i32
        scf.if %cond3A_254 {
          %dma_wait3A_294 = arith.constant 0 : i32
          %dma_wait3A_295 = arith.constant 0 : i32
          %dma_wait3A_296 = tpu.memref_slice %arg6[%dma_wait3A_294, %dma_wait3A_295] : memref<10016x128xf32, #tpu.memory_space<vmem_shared>> -> memref<10016x128xf32, #tpu.memory_space<vmem_shared>>
          tpu.wait_indirect_dma semaphore(%arg21 : memref<!tpu.dma_semaphore, #tpu.memory_space<semaphore_mem>>) src(%arg9 : memref<40x128xf32, #tpu.memory_space<vmem>>) dst(%dma_wait3A_296 : memref<10016x128xf32, #tpu.memory_space<vmem_shared>>)
        } else {
        }
        %add3A_255 = arith.constant 4 : i32
        %add3A_256 = arith.addi %add3A_191, %add3A_255 : i32
        %sub3A_257 = arith.constant 1 : i32
        %sub3A_258 = arith.subi %add3A_256, %sub3A_257 : i32
        %mul3A_259 = arith.constant 40 : i32
        %mul3A_260 = arith.muli %sub3A_258, %mul3A_259 : i32
        %dma_start3A_261 = tpu.memref_slice %arg7[%mul3A_260] : memref<10080xi32, #tpu.memory_space<vmem>> -> memref<40xi32, #tpu.memory_space<vmem>>
        %dma_start3A_262 = arith.constant 0 : i32
        %dma_start3A_263 = arith.constant 0 : i32
        %dma_start3A_264 = tpu.memref_slice %arg2[%dma_start3A_262, %dma_start3A_263] : memref<10000x128xf32, #tpu.memory_space<hbm>> -> memref<10000x128xf32, #tpu.memory_space<hbm>>
        tpu.enqueue_indirect_dma source(%dma_start3A_264 : memref<10000x128xf32, #tpu.memory_space<hbm>>) target(%arg9 : memref<40x128xf32, #tpu.memory_space<vmem>>) offsets(%dma_start3A_261 : memref<40xi32, #tpu.memory_space<vmem>>) semaphore(%arg17 : memref<!tpu.dma_semaphore, #tpu.memory_space<semaphore_mem>>)
        %mul3A_265 = arith.constant 40 : i32
        %mul3A_266 = arith.muli %sub3A_258, %mul3A_265 : i32
        %add3A_267 = arith.constant 0 : i32
        %add3A_268 = arith.addi %mul3A_266, %add3A_267 : i32
        %get3A_269 = arith.index_cast %add3A_268 : i32 to index
        %get3A_270 = tpu.vector_load %arg8[%get3A_269] {strides = array<i32>} : memref<10080xi32, #tpu.memory_space<vmem>>, vector<16xi32>,
        %get3A_271 = vector.shape_cast %get3A_270 : vector<16xi32> to vector<16xi32>
        %swap3A_272 = arith.constant 0 : index
        %swap3A_273 = tpu.vector_load %arg13[%swap3A_272] {strides = array<i32>} : memref<40xi32, #tpu.memory_space<vmem>>, vector<16xi32>,
        %swap3A_274 = vector.shape_cast %swap3A_273 : vector<16xi32> to vector<16xi32>
        %swap3A_275 = vector.shape_cast %get3A_271 : vector<16xi32> to vector<16xi32>
        tpu.vector_store %arg13[%swap3A_272], %swap3A_275 {strides = array<i32>} : memref<40xi32, #tpu.memory_space<vmem>>, vector<16xi32>,
        %add3A_276 = arith.constant 16 : i32
        %add3A_277 = arith.addi %mul3A_266, %add3A_276 : i32
        %get3A_278 = arith.index_cast %add3A_277 : i32 to index
        %get3A_279 = tpu.vector_load %arg8[%get3A_278] {strides = array<i32>} : memref<10080xi32, #tpu.memory_space<vmem>>, vector<16xi32>,
        %get3A_280 = vector.shape_cast %get3A_279 : vector<16xi32> to vector<16xi32>
        %swap3A_281 = arith.constant 16 : index
        %swap3A_282 = tpu.vector_load %arg13[%swap3A_281] {strides = array<i32>} : memref<40xi32, #tpu.memory_space<vmem>>, vector<16xi32>,
        %swap3A_283 = vector.shape_cast %swap3A_282 : vector<16xi32> to vector<16xi32>
        %swap3A_284 = vector.shape_cast %get3A_280 : vector<16xi32> to vector<16xi32>
        tpu.vector_store %arg13[%swap3A_281], %swap3A_284 {strides = array<i32>} : memref<40xi32, #tpu.memory_space<vmem>>, vector<16xi32>,
        %add3A_285 = arith.constant 24 : i32
        %add3A_286 = arith.addi %mul3A_266, %add3A_285 : i32
        %get3A_287 = arith.index_cast %add3A_286 : i32 to index
        %get3A_288 = tpu.vector_load %arg8[%get3A_287] {strides = array<i32>} : memref<10080xi32, #tpu.memory_space<vmem>>, vector<16xi32>,
        %get3A_289 = vector.shape_cast %get3A_288 : vector<16xi32> to vector<16xi32>
        %swap3A_290 = arith.constant 24 : index
        %swap3A_291 = tpu.vector_load %arg13[%swap3A_290] {strides = array<i32>} : memref<40xi32, #tpu.memory_space<vmem>>, vector<16xi32>,
        %swap3A_292 = vector.shape_cast %swap3A_291 : vector<16xi32> to vector<16xi32>
        %swap3A_293 = vector.shape_cast %get3A_289 : vector<16xi32> to vector<16xi32>
        tpu.vector_store %arg13[%swap3A_290], %swap3A_293 {strides = array<i32>} : memref<40xi32, #tpu.memory_space<vmem>>, vector<16xi32>,
      } else {
      }
      %mul3A_209 = arith.constant 4 : i32
      %mul3A_210 = arith.muli %add3A_167, %mul3A_209 : i32
      %add3A_211 = arith.constant 2 : i32
      %add3A_212 = arith.addi %mul3A_210, %add3A_211 : i32
      %dma_wait3A_213 = arith.constant 0 : i32
      %dma_wait3A_214 = tpu.memref_slice %arg7[%dma_wait3A_213] : memref<10080xi32, #tpu.memory_space<vmem>> -> memref<40xi32, #tpu.memory_space<vmem>>
      %dma_wait3A_215 = arith.constant 0 : i32
      %dma_wait3A_216 = arith.constant 0 : i32
      %dma_wait3A_217 = tpu.memref_slice %arg2[%dma_wait3A_215, %dma_wait3A_216] : memref<10000x128xf32, #tpu.memory_space<hbm>> -> memref<10000x128xf32, #tpu.memory_space<hbm>>
      tpu.wait_indirect_dma semaphore(%arg19 : memref<!tpu.dma_semaphore, #tpu.memory_space<semaphore_mem>>) src(%dma_wait3A_217 : memref<10000x128xf32, #tpu.memory_space<hbm>>) dst(%arg11 : memref<40x128xf32, #tpu.memory_space<vmem>>)
      %dma_start3A_218 = arith.constant 0 : i32
      %dma_start3A_219 = arith.constant 0 : i32
      %dma_start3A_220 = tpu.memref_slice %arg6[%dma_start3A_218, %dma_start3A_219] : memref<10016x128xf32, #tpu.memory_space<vmem_shared>> -> memref<10016x128xf32, #tpu.memory_space<vmem_shared>>
      tpu.enqueue_indirect_dma source(%arg11 : memref<40x128xf32, #tpu.memory_space<vmem>>) target(%dma_start3A_220 : memref<10016x128xf32, #tpu.memory_space<vmem_shared>>) offsets(%arg15 : memref<40xi32, #tpu.memory_space<vmem>>) semaphore(%arg23 : memref<!tpu.dma_semaphore, #tpu.memory_space<semaphore_mem>>) {add = true}
      %add3A_221 = arith.constant 4 : i32
      %add3A_222 = arith.addi %add3A_212, %add3A_221 : i32
      %sub3A_223 = arith.constant 1 : i32
      %sub3A_224 = arith.subi %add3A_222, %sub3A_223 : i32
      %lt3A_225 = arith.constant 252 : i32
      %lt3A_226 = arith.cmpi slt, %sub3A_224, %lt3A_225 : i32
      %convert_element_type3A_227 = arith.extui %lt3A_226 : i1 to i32
      %cond3A_228 = arith.constant 0 : i32
      %cond3A_229 = arith.cmpi ne, %convert_element_type3A_227, %cond3A_228 : i32
      scf.if %cond3A_229 {
        %ge3A = arith.constant 1 : i32
        %ge3A_251 = arith.cmpi sge, %add3A_212, %ge3A : i32
        %convert_element_type3A_252 = arith.extui %ge3A_251 : i1 to i32
        %cond3A_253 = arith.constant 0 : i32
        %cond3A_254 = arith.cmpi ne, %convert_element_type3A_252, %cond3A_253 : i32
        scf.if %cond3A_254 {
          %dma_wait3A_294 = arith.constant 0 : i32
          %dma_wait3A_295 = arith.constant 0 : i32
          %dma_wait3A_296 = tpu.memref_slice %arg6[%dma_wait3A_294, %dma_wait3A_295] : memref<10016x128xf32, #tpu.memory_space<vmem_shared>> -> memref<10016x128xf32, #tpu.memory_space<vmem_shared>>
          tpu.wait_indirect_dma semaphore(%arg22 : memref<!tpu.dma_semaphore, #tpu.memory_space<semaphore_mem>>) src(%arg10 : memref<40x128xf32, #tpu.memory_space<vmem>>) dst(%dma_wait3A_296 : memref<10016x128xf32, #tpu.memory_space<vmem_shared>>)
        } else {
        }
        %add3A_255 = arith.constant 4 : i32
        %add3A_256 = arith.addi %add3A_212, %add3A_255 : i32
        %sub3A_257 = arith.constant 1 : i32
        %sub3A_258 = arith.subi %add3A_256, %sub3A_257 : i32
        %mul3A_259 = arith.constant 40 : i32
        %mul3A_260 = arith.muli %sub3A_258, %mul3A_259 : i32
        %dma_start3A_261 = tpu.memref_slice %arg7[%mul3A_260] : memref<10080xi32, #tpu.memory_space<vmem>> -> memref<40xi32, #tpu.memory_space<vmem>>
        %dma_start3A_262 = arith.constant 0 : i32
        %dma_start3A_263 = arith.constant 0 : i32
        %dma_start3A_264 = tpu.memref_slice %arg2[%dma_start3A_262, %dma_start3A_263] : memref<10000x128xf32, #tpu.memory_space<hbm>> -> memref<10000x128xf32, #tpu.memory_space<hbm>>
        tpu.enqueue_indirect_dma source(%dma_start3A_264 : memref<10000x128xf32, #tpu.memory_space<hbm>>) target(%arg10 : memref<40x128xf32, #tpu.memory_space<vmem>>) offsets(%dma_start3A_261 : memref<40xi32, #tpu.memory_space<vmem>>) semaphore(%arg18 : memref<!tpu.dma_semaphore, #tpu.memory_space<semaphore_mem>>)
        %mul3A_265 = arith.constant 40 : i32
        %mul3A_266 = arith.muli %sub3A_258, %mul3A_265 : i32
        %add3A_267 = arith.constant 0 : i32
        %add3A_268 = arith.addi %mul3A_266, %add3A_267 : i32
        %get3A_269 = arith.index_cast %add3A_268 : i32 to index
        %get3A_270 = tpu.vector_load %arg8[%get3A_269] {strides = array<i32>} : memref<10080xi32, #tpu.memory_space<vmem>>, vector<16xi32>,
        %get3A_271 = vector.shape_cast %get3A_270 : vector<16xi32> to vector<16xi32>
        %swap3A_272 = arith.constant 0 : index
        %swap3A_273 = tpu.vector_load %arg14[%swap3A_272] {strides = array<i32>} : memref<40xi32, #tpu.memory_space<vmem>>, vector<16xi32>,
        %swap3A_274 = vector.shape_cast %swap3A_273 : vector<16xi32> to vector<16xi32>
        %swap3A_275 = vector.shape_cast %get3A_271 : vector<16xi32> to vector<16xi32>
        tpu.vector_store %arg14[%swap3A_272], %swap3A_275 {strides = array<i32>} : memref<40xi32, #tpu.memory_space<vmem>>, vector<16xi32>,
        %add3A_276 = arith.constant 16 : i32
        %add3A_277 = arith.addi %mul3A_266, %add3A_276 : i32
        %get3A_278 = arith.index_cast %add3A_277 : i32 to index
        %get3A_279 = tpu.vector_load %arg8[%get3A_278] {strides = array<i32>} : memref<10080xi32, #tpu.memory_space<vmem>>, vector<16xi32>,
        %get3A_280 = vector.shape_cast %get3A_279 : vector<16xi32> to vector<16xi32>
        %swap3A_281 = arith.constant 16 : index
        %swap3A_282 = tpu.vector_load %arg14[%swap3A_281] {strides = array<i32>} : memref<40xi32, #tpu.memory_space<vmem>>, vector<16xi32>,
        %swap3A_283 = vector.shape_cast %swap3A_282 : vector<16xi32> to vector<16xi32>
        %swap3A_284 = vector.shape_cast %get3A_280 : vector<16xi32> to vector<16xi32>
        tpu.vector_store %arg14[%swap3A_281], %swap3A_284 {strides = array<i32>} : memref<40xi32, #tpu.memory_space<vmem>>, vector<16xi32>,
        %add3A_285 = arith.constant 24 : i32
        %add3A_286 = arith.addi %mul3A_266, %add3A_285 : i32
        %get3A_287 = arith.index_cast %add3A_286 : i32 to index
        %get3A_288 = tpu.vector_load %arg8[%get3A_287] {strides = array<i32>} : memref<10080xi32, #tpu.memory_space<vmem>>, vector<16xi32>,
        %get3A_289 = vector.shape_cast %get3A_288 : vector<16xi32> to vector<16xi32>
        %swap3A_290 = arith.constant 24 : index
        %swap3A_291 = tpu.vector_load %arg14[%swap3A_290] {strides = array<i32>} : memref<40xi32, #tpu.memory_space<vmem>>, vector<16xi32>,
        %swap3A_292 = vector.shape_cast %swap3A_291 : vector<16xi32> to vector<16xi32>
        %swap3A_293 = vector.shape_cast %get3A_289 : vector<16xi32> to vector<16xi32>
        tpu.vector_store %arg14[%swap3A_290], %swap3A_293 {strides = array<i32>} : memref<40xi32, #tpu.memory_space<vmem>>, vector<16xi32>,
      } else {
      }
      %mul3A_230 = arith.constant 4 : i32
      %mul3A_231 = arith.muli %add3A_167, %mul3A_230 : i32
      %add3A_232 = arith.constant 3 : i32
      %add3A_233 = arith.addi %mul3A_231, %add3A_232 : i32
      %dma_wait3A_234 = arith.constant 0 : i32
      %dma_wait3A_235 = tpu.memref_slice %arg7[%dma_wait3A_234] : memref<10080xi32, #tpu.memory_space<vmem>> -> memref<40xi32, #tpu.memory_space<vmem>>
      %dma_wait3A_236 = arith.constant 0 : i32
      %dma_wait3A_237 = arith.constant 0 : i32
      %dma_wait3A_238 = tpu.memref_slice %arg2[%dma_wait3A_236, %dma_wait3A_237] : memref<10000x128xf32, #tpu.memory_space<hbm>> -> memref<10000x128xf32, #tpu.memory_space<hbm>>
      tpu.wait_indirect_dma semaphore(%arg20 : memref<!tpu.dma_semaphore, #tpu.memory_space<semaphore_mem>>) src(%dma_wait3A_238 : memref<10000x128xf32, #tpu.memory_space<hbm>>) dst(%arg12 : memref<40x128xf32, #tpu.memory_space<vmem>>)
      %dma_start3A_239 = arith.constant 0 : i32
      %dma_start3A_240 = arith.constant 0 : i32
      %dma_start3A_241 = tpu.memref_slice %arg6[%dma_start3A_239, %dma_start3A_240] : memref<10016x128xf32, #tpu.memory_space<vmem_shared>> -> memref<10016x128xf32, #tpu.memory_space<vmem_shared>>
      tpu.enqueue_indirect_dma source(%arg12 : memref<40x128xf32, #tpu.memory_space<vmem>>) target(%dma_start3A_241 : memref<10016x128xf32, #tpu.memory_space<vmem_shared>>) offsets(%arg16 : memref<40xi32, #tpu.memory_space<vmem>>) semaphore(%arg24 : memref<!tpu.dma_semaphore, #tpu.memory_space<semaphore_mem>>) {add = true}
      %add3A_242 = arith.constant 4 : i32
      %add3A_243 = arith.addi %add3A_233, %add3A_242 : i32
      %sub3A_244 = arith.constant 1 : i32
      %sub3A_245 = arith.subi %add3A_243, %sub3A_244 : i32
      %lt3A_246 = arith.constant 252 : i32
      %lt3A_247 = arith.cmpi slt, %sub3A_245, %lt3A_246 : i32
      %convert_element_type3A_248 = arith.extui %lt3A_247 : i1 to i32
      %cond3A_249 = arith.constant 0 : i32
      %cond3A_250 = arith.cmpi ne, %convert_element_type3A_248, %cond3A_249 : i32
      scf.if %cond3A_250 {
        %ge3A = arith.constant 1 : i32
        %ge3A_251 = arith.cmpi sge, %add3A_233, %ge3A : i32
        %convert_element_type3A_252 = arith.extui %ge3A_251 : i1 to i32
        %cond3A_253 = arith.constant 0 : i32
        %cond3A_254 = arith.cmpi ne, %convert_element_type3A_252, %cond3A_253 : i32
        scf.if %cond3A_254 {
          %dma_wait3A_294 = arith.constant 0 : i32
          %dma_wait3A_295 = arith.constant 0 : i32
          %dma_wait3A_296 = tpu.memref_slice %arg6[%dma_wait3A_294, %dma_wait3A_295] : memref<10016x128xf32, #tpu.memory_space<vmem_shared>> -> memref<10016x128xf32, #tpu.memory_space<vmem_shared>>
          tpu.wait_indirect_dma semaphore(%arg23 : memref<!tpu.dma_semaphore, #tpu.memory_space<semaphore_mem>>) src(%arg11 : memref<40x128xf32, #tpu.memory_space<vmem>>) dst(%dma_wait3A_296 : memref<10016x128xf32, #tpu.memory_space<vmem_shared>>)
        } else {
        }
        %add3A_255 = arith.constant 4 : i32
        %add3A_256 = arith.addi %add3A_233, %add3A_255 : i32
        %sub3A_257 = arith.constant 1 : i32
        %sub3A_258 = arith.subi %add3A_256, %sub3A_257 : i32
        %mul3A_259 = arith.constant 40 : i32
        %mul3A_260 = arith.muli %sub3A_258, %mul3A_259 : i32
        %dma_start3A_261 = tpu.memref_slice %arg7[%mul3A_260] : memref<10080xi32, #tpu.memory_space<vmem>> -> memref<40xi32, #tpu.memory_space<vmem>>
        %dma_start3A_262 = arith.constant 0 : i32
        %dma_start3A_263 = arith.constant 0 : i32
        %dma_start3A_264 = tpu.memref_slice %arg2[%dma_start3A_262, %dma_start3A_263] : memref<10000x128xf32, #tpu.memory_space<hbm>> -> memref<10000x128xf32, #tpu.memory_space<hbm>>
        tpu.enqueue_indirect_dma source(%dma_start3A_264 : memref<10000x128xf32, #tpu.memory_space<hbm>>) target(%arg11 : memref<40x128xf32, #tpu.memory_space<vmem>>) offsets(%dma_start3A_261 : memref<40xi32, #tpu.memory_space<vmem>>) semaphore(%arg19 : memref<!tpu.dma_semaphore, #tpu.memory_space<semaphore_mem>>)
        %mul3A_265 = arith.constant 40 : i32
        %mul3A_266 = arith.muli %sub3A_258, %mul3A_265 : i32
        %add3A_267 = arith.constant 0 : i32
        %add3A_268 = arith.addi %mul3A_266, %add3A_267 : i32
        %get3A_269 = arith.index_cast %add3A_268 : i32 to index
        %get3A_270 = tpu.vector_load %arg8[%get3A_269] {strides = array<i32>} : memref<10080xi32, #tpu.memory_space<vmem>>, vector<16xi32>,
        %get3A_271 = vector.shape_cast %get3A_270 : vector<16xi32> to vector<16xi32>
        %swap3A_272 = arith.constant 0 : index
        %swap3A_273 = tpu.vector_load %arg15[%swap3A_272] {strides = array<i32>} : memref<40xi32, #tpu.memory_space<vmem>>, vector<16xi32>,
        %swap3A_274 = vector.shape_cast %swap3A_273 : vector<16xi32> to vector<16xi32>
        %swap3A_275 = vector.shape_cast %get3A_271 : vector<16xi32> to vector<16xi32>
        tpu.vector_store %arg15[%swap3A_272], %swap3A_275 {strides = array<i32>} : memref<40xi32, #tpu.memory_space<vmem>>, vector<16xi32>,
        %add3A_276 = arith.constant 16 : i32
        %add3A_277 = arith.addi %mul3A_266, %add3A_276 : i32
        %get3A_278 = arith.index_cast %add3A_277 : i32 to index
        %get3A_279 = tpu.vector_load %arg8[%get3A_278] {strides = array<i32>} : memref<10080xi32, #tpu.memory_space<vmem>>, vector<16xi32>,
        %get3A_280 = vector.shape_cast %get3A_279 : vector<16xi32> to vector<16xi32>
        %swap3A_281 = arith.constant 16 : index
        %swap3A_282 = tpu.vector_load %arg15[%swap3A_281] {strides = array<i32>} : memref<40xi32, #tpu.memory_space<vmem>>, vector<16xi32>,
        %swap3A_283 = vector.shape_cast %swap3A_282 : vector<16xi32> to vector<16xi32>
        %swap3A_284 = vector.shape_cast %get3A_280 : vector<16xi32> to vector<16xi32>
        tpu.vector_store %arg15[%swap3A_281], %swap3A_284 {strides = array<i32>} : memref<40xi32, #tpu.memory_space<vmem>>, vector<16xi32>,
        %add3A_285 = arith.constant 24 : i32
        %add3A_286 = arith.addi %mul3A_266, %add3A_285 : i32
        %get3A_287 = arith.index_cast %add3A_286 : i32 to index
        %get3A_288 = tpu.vector_load %arg8[%get3A_287] {strides = array<i32>} : memref<10080xi32, #tpu.memory_space<vmem>>, vector<16xi32>,
        %get3A_289 = vector.shape_cast %get3A_288 : vector<16xi32> to vector<16xi32>
        %swap3A_290 = arith.constant 24 : index
        %swap3A_291 = tpu.vector_load %arg15[%swap3A_290] {strides = array<i32>} : memref<40xi32, #tpu.memory_space<vmem>>, vector<16xi32>,
        %swap3A_292 = vector.shape_cast %swap3A_291 : vector<16xi32> to vector<16xi32>
        %swap3A_293 = vector.shape_cast %get3A_289 : vector<16xi32> to vector<16xi32>
        tpu.vector_store %arg15[%swap3A_290], %swap3A_293 {strides = array<i32>} : memref<40xi32, #tpu.memory_space<vmem>>, vector<16xi32>,
      } else {
      }
    }
    %scan3A_129 = arith.constant 63 : i32
    %dma_wait3A_130 = arith.constant 0 : i32
    %dma_wait3A_131 = arith.constant 0 : i32
    %dma_wait3A_132 = tpu.memref_slice %arg6[%dma_wait3A_130, %dma_wait3A_131] : memref<10016x128xf32, #tpu.memory_space<vmem_shared>> -> memref<10016x128xf32, #tpu.memory_space<vmem_shared>>
    tpu.wait_indirect_dma semaphore(%arg21 : memref<!tpu.dma_semaphore, #tpu.memory_space<semaphore_mem>>) src(%arg9 : memref<40x128xf32, #tpu.memory_space<vmem>>) dst(%dma_wait3A_132 : memref<10016x128xf32, #tpu.memory_space<vmem_shared>>)
    %dma_wait3A_133 = arith.constant 0 : i32
    %dma_wait3A_134 = arith.constant 0 : i32
    %dma_wait3A_135 = tpu.memref_slice %arg6[%dma_wait3A_133, %dma_wait3A_134] : memref<10016x128xf32, #tpu.memory_space<vmem_shared>> -> memref<10016x128xf32, #tpu.memory_space<vmem_shared>>
    tpu.wait_indirect_dma semaphore(%arg22 : memref<!tpu.dma_semaphore, #tpu.memory_space<semaphore_mem>>) src(%arg10 : memref<40x128xf32, #tpu.memory_space<vmem>>) dst(%dma_wait3A_135 : memref<10016x128xf32, #tpu.memory_space<vmem_shared>>)
    %dma_wait3A_136 = arith.constant 0 : i32
    %dma_wait3A_137 = arith.constant 0 : i32
    %dma_wait3A_138 = tpu.memref_slice %arg6[%dma_wait3A_136, %dma_wait3A_137] : memref<10016x128xf32, #tpu.memory_space<vmem_shared>> -> memref<10016x128xf32, #tpu.memory_space<vmem_shared>>
    tpu.wait_indirect_dma semaphore(%arg23 : memref<!tpu.dma_semaphore, #tpu.memory_space<semaphore_mem>>) src(%arg11 : memref<40x128xf32, #tpu.memory_space<vmem>>) dst(%dma_wait3A_138 : memref<10016x128xf32, #tpu.memory_space<vmem_shared>>)
    %dma_wait3A_139 = arith.constant 0 : i32
    %dma_wait3A_140 = arith.constant 0 : i32
    %dma_wait3A_141 = tpu.memref_slice %arg6[%dma_wait3A_139, %dma_wait3A_140] : memref<10016x128xf32, #tpu.memory_space<vmem_shared>> -> memref<10016x128xf32, #tpu.memory_space<vmem_shared>>
    tpu.wait_indirect_dma semaphore(%arg24 : memref<!tpu.dma_semaphore, #tpu.memory_space<semaphore_mem>>) src(%arg12 : memref<40x128xf32, #tpu.memory_space<vmem>>) dst(%dma_wait3A_141 : memref<10016x128xf32, #tpu.memory_space<vmem_shared>>)
    %barrier3A_142 = arith.constant 0 : index
    tpu.barrier barrier_id(%barrier3A_142)
    %scan3A_143 = arith.constant 0 : i32
    %scan3A_144 = arith.constant 15 : i32
    %scan3A_145 = arith.addi %scan3A_143, %scan3A_144 : i32
    %scan3A_146 = arith.constant 1 : i32
    scf.for %scan3A_163 = %scan3A_143 to %scan3A_145 step %scan3A_146  : i32 {
      %mul3A_164 = arith.constant 1 : i32
      %mul3A_165 = arith.muli %scan3A_163, %mul3A_164 : i32
      %add3A_166 = arith.constant 0 : i32
      %add3A_167 = arith.addi %add3A_166, %mul3A_165 : i32
      %add3A_168 = arith.addi %add3A_4, %add3A_167 : i32
      %mul3A_169 = arith.constant 40 : i32
      %mul3A_170 = arith.muli %add3A_168, %mul3A_169 : i32
      %dma_start3A_171 = arith.constant 0 : i32
      %dma_start3A_172 = tpu.memref_slice %arg5[%arg0, %mul3A_170, %dma_start3A_171] : memref<2x10000x128xf32, #tpu.memory_space<hbm>> -> memref<1x40x128xf32, #tpu.memory_space<hbm>>
      %dma_start3A_173 = tpu.memref_squeeze %dma_start3A_172 : memref<1x40x128xf32, #tpu.memory_space<hbm>> -> memref<40x128xf32, #tpu.memory_space<hbm>>
      %dma_start3A_174 = arith.constant 0 : i32
      %dma_start3A_175 = tpu.memref_slice %arg6[%mul3A_170, %dma_start3A_174] : memref<10016x128xf32, #tpu.memory_space<vmem_shared>> -> memref<40x128xf32, #tpu.memory_space<vmem_shared>>
      tpu.enqueue_dma source(%dma_start3A_175 : memref<40x128xf32, #tpu.memory_space<vmem_shared>>) target(%dma_start3A_173 : memref<40x128xf32, #tpu.memory_space<hbm>>) target_semaphore(%arg26 : memref<!tpu.dma_semaphore, #tpu.memory_space<semaphore_mem>>)
    }
    %scan3A_147 = arith.constant 15 : i32
    %lt3A_148 = arith.constant 10 : i32
    %lt3A_149 = arith.cmpi slt, %arg1, %lt3A_148 : i32
    %convert_element_type3A_150 = arith.extui %lt3A_149 : i1 to i32
    %cond3A_151 = arith.constant 0 : i32
    %cond3A_152 = arith.cmpi ne, %convert_element_type3A_150, %cond3A_151 : i32
    scf.if %cond3A_152 {
      %add3A_163 = arith.constant 15 : i32
      %add3A_164 = arith.addi %add3A_4, %add3A_163 : i32
      %mul3A_165 = arith.constant 40 : i32
      %mul3A_166 = arith.muli %add3A_164, %mul3A_165 : i32
      %dma_start3A_167 = arith.constant 0 : i32
      %dma_start3A_168 = tpu.memref_slice %arg5[%arg0, %mul3A_166, %dma_start3A_167] : memref<2x10000x128xf32, #tpu.memory_space<hbm>> -> memref<1x40x128xf32, #tpu.memory_space<hbm>>
      %dma_start3A_169 = tpu.memref_squeeze %dma_start3A_168 : memref<1x40x128xf32, #tpu.memory_space<hbm>> -> memref<40x128xf32, #tpu.memory_space<hbm>>
      %dma_start3A_170 = arith.constant 0 : i32
      %dma_start3A_171 = tpu.memref_slice %arg6[%mul3A_166, %dma_start3A_170] : memref<10016x128xf32, #tpu.memory_space<vmem_shared>> -> memref<40x128xf32, #tpu.memory_space<vmem_shared>>
      tpu.enqueue_dma source(%dma_start3A_171 : memref<40x128xf32, #tpu.memory_space<vmem_shared>>) target(%dma_start3A_169 : memref<40x128xf32, #tpu.memory_space<hbm>>) target_semaphore(%arg26 : memref<!tpu.dma_semaphore, #tpu.memory_space<semaphore_mem>>)
    } else {
    }
    %scan3A_153 = arith.constant 0 : i32
    %scan3A_154 = arith.constant 15 : i32
    %scan3A_155 = arith.addi %scan3A_153, %scan3A_154 : i32
    %scan3A_156 = arith.constant 1 : i32
    scf.for %scan3A_163 = %scan3A_153 to %scan3A_155 step %scan3A_156  : i32 {
      %mul3A_164 = arith.constant 1 : i32
      %mul3A_165 = arith.muli %scan3A_163, %mul3A_164 : i32
      %add3A_166 = arith.constant 0 : i32
      %add3A_167 = arith.addi %add3A_166, %mul3A_165 : i32
      %dma_wait3A_168 = arith.constant 0 : i32
      %dma_wait3A_169 = arith.constant 0 : i32
      %dma_wait3A_170 = tpu.memref_slice %arg5[%arg0, %dma_wait3A_168, %dma_wait3A_169] : memref<2x10000x128xf32, #tpu.memory_space<hbm>> -> memref<1x40x128xf32, #tpu.memory_space<hbm>>
      %dma_wait3A_171 = tpu.memref_squeeze %dma_wait3A_170 : memref<1x40x128xf32, #tpu.memory_space<hbm>> -> memref<40x128xf32, #tpu.memory_space<hbm>>
      %dma_wait3A_172 = arith.constant 0 : i32
      %dma_wait3A_173 = arith.constant 0 : i32
      %dma_wait3A_174 = tpu.memref_slice %arg6[%dma_wait3A_172, %dma_wait3A_173] : memref<10016x128xf32, #tpu.memory_space<vmem_shared>> -> memref<40x128xf32, #tpu.memory_space<vmem_shared>>
      tpu.wait_dma2 semaphore(%arg26 : memref<!tpu.dma_semaphore, #tpu.memory_space<semaphore_mem>>) src(%dma_wait3A_174 : memref<40x128xf32, #tpu.memory_space<vmem_shared>>) dst(%dma_wait3A_171 : memref<40x128xf32, #tpu.memory_space<hbm>>)
    }
    %scan3A_157 = arith.constant 15 : i32
    %lt3A_158 = arith.constant 10 : i32
    %lt3A_159 = arith.cmpi slt, %arg1, %lt3A_158 : i32
    %convert_element_type3A_160 = arith.extui %lt3A_159 : i1 to i32
    %cond3A_161 = arith.constant 0 : i32
    %cond3A_162 = arith.cmpi ne, %convert_element_type3A_160, %cond3A_161 : i32
    scf.if %cond3A_162 {
      %dma_wait3A_163 = arith.constant 0 : i32
      %dma_wait3A_164 = arith.constant 0 : i32
      %dma_wait3A_165 = tpu.memref_slice %arg5[%arg0, %dma_wait3A_163, %dma_wait3A_164] : memref<2x10000x128xf32, #tpu.memory_space<hbm>> -> memref<1x40x128xf32, #tpu.memory_space<hbm>>
      %dma_wait3A_166 = tpu.memref_squeeze %dma_wait3A_165 : memref<1x40x128xf32, #tpu.memory_space<hbm>> -> memref<40x128xf32, #tpu.memory_space<hbm>>
      %dma_wait3A_167 = arith.constant 0 : i32
      %dma_wait3A_168 = arith.constant 0 : i32
      %dma_wait3A_169 = tpu.memref_slice %arg6[%dma_wait3A_167, %dma_wait3A_168] : memref<10016x128xf32, #tpu.memory_space<vmem_shared>> -> memref<40x128xf32, #tpu.memory_space<vmem_shared>>
      tpu.wait_dma2 semaphore(%arg26 : memref<!tpu.dma_semaphore, #tpu.memory_space<semaphore_mem>>) src(%dma_wait3A_169 : memref<40x128xf32, #tpu.memory_space<vmem_shared>>) dst(%dma_wait3A_166 : memref<40x128xf32, #tpu.memory_space<hbm>>)
    } else {
    }
    return
  }
}

#map = affine_map<(d0, d1) -> (0, 0)>
#map1 = affine_map<(d0, d1) -> (0, 0, 0)>
module attributes {stable_mosaic.version = 14 : i64} {
  func.func @scatter_kernel(%arg0: i32, %arg1: i32, %arg2: memref<10000x128xf32, #tpu.memory_space<hbm>>, %arg3: memref<32x10080xi32, #tpu.memory_space<hbm>>, %arg4: memref<32x10080xi32, #tpu.memory_space<hbm>>, %arg5: memref<2x10000x128xf32, #tpu.memory_space<hbm>>, %arg6: memref<10016x128xf32, #tpu.memory_space<vmem_shared>>, %arg7: memref<10080xi32, #tpu.memory_space<vmem>>, %arg8: memref<10080xi32, #tpu.memory_space<vmem>>, %arg9: memref<40x128xf32, #tpu.memory_space<vmem>>, %arg10: memref<40x128xf32, #tpu.memory_space<vmem>>, %arg11: memref<40x128xf32, #tpu.memory_space<vmem>>, %arg12: memref<40x128xf32, #tpu.memory_space<vmem>>, %arg13: memref<40xi32, #tpu.memory_space<vmem>>, %arg14: memref<40xi32, #tpu.memory_space<vmem>>, %arg15: memref<40xi32, #tpu.memory_space<vmem>>, %arg16: memref<40xi32, #tpu.memory_space<vmem>>, %arg17: memref<!tpu.dma_semaphore, #tpu.memory_space<semaphore_mem>>, %arg18: memref<!tpu.dma_semaphore, #tpu.memory_space<semaphore_mem>>, %arg19: memref<!tpu.dma_semaphore, #tpu.memory_space<semaphore_mem>>, %arg20: memref<!tpu.dma_semaphore, #tpu.memory_space<semaphore_mem>>, %arg21: memref<!tpu.dma_semaphore, #tpu.memory_space<semaphore_mem>>, %arg22: memref<!tpu.dma_semaphore, #tpu.memory_space<semaphore_mem>>, %arg23: memref<!tpu.dma_semaphore, #tpu.memory_space<semaphore_mem>>, %arg24: memref<!tpu.dma_semaphore, #tpu.memory_space<semaphore_mem>>, %arg25: memref<!tpu.dma_semaphore, #tpu.memory_space<semaphore_mem>>, %arg26: memref<!tpu.dma_semaphore, #tpu.memory_space<semaphore_mem>>) attributes {dimension_semantics = [#tpu.dimension_semantics<core_parallel>, #tpu.dimension_semantics<subcore_parallel>], iteration_bounds = array<i64: 2, 16>, scalar_prefetch = 0 : i64, scratch_operands = 21 : i64, tpu.core_type = #tpu.core_type<sc_vector_subcore>, window_params = [{transform_indices = #map}, {transform_indices = #map}, {transform_indices = #map}, {transform_indices = #map1}]} {
    %mul3A = arith.constant 2 : i32
    %mul3A_0 = arith.muli %arg1, %mul3A : i32
    %add3A = arith.addi %mul3A_0, %arg0 : i32
    %mul3A_1 = arith.constant 15 : i32
    %mul3A_2 = arith.muli %arg1, %mul3A_1 : i32
    %min3A = arith.constant 10 : i32
    %min3A_3 = arith.minsi %arg1, %min3A : i32
    %add3A_4 = arith.addi %mul3A_2, %min3A_3 : i32
    %dma_start3A = arith.constant 0 : i32
    %dma_start3A_5 = tpu.memref_slice %arg3[%add3A, %dma_start3A] : memref<32x10080xi32, #tpu.memory_space<hbm>> -> memref<1x10080xi32, #tpu.memory_space<hbm>>
    %dma_start3A_6 = tpu.memref_squeeze %dma_start3A_5 : memref<1x10080xi32, #tpu.memory_space<hbm>> -> memref<10080xi32, #tpu.memory_space<hbm>>
    %dma_start3A_7 = arith.constant 0 : i32
    %dma_start3A_8 = tpu.memref_slice %arg3[%add3A, %dma_start3A_7] : memref<32x10080xi32, #tpu.memory_space<hbm>> -> memref<1x10080xi32, #tpu.memory_space<hbm>>
    %dma_start3A_9 = tpu.memref_squeeze %dma_start3A_8 : memref<1x10080xi32, #tpu.memory_space<hbm>> -> memref<10080xi32, #tpu.memory_space<hbm>>
    tpu.enqueue_dma source(%dma_start3A_9 : memref<10080xi32, #tpu.memory_space<hbm>>) target(%arg7 : memref<10080xi32, #tpu.memory_space<vmem>>) target_semaphore(%arg17 : memref<!tpu.dma_semaphore, #tpu.memory_space<semaphore_mem>>)
    %dma_start3A_10 = arith.constant 0 : i32
    %dma_start3A_11 = tpu.memref_slice %arg4[%add3A, %dma_start3A_10] : memref<32x10080xi32, #tpu.memory_space<hbm>> -> memref<1x10080xi32, #tpu.memory_space<hbm>>
    %dma_start3A_12 = tpu.memref_squeeze %dma_start3A_11 : memref<1x10080xi32, #tpu.memory_space<hbm>> -> memref<10080xi32, #tpu.memory_space<hbm>>
    %dma_start3A_13 = arith.constant 0 : i32
    %dma_start3A_14 = tpu.memref_slice %arg4[%add3A, %dma_start3A_13] : memref<32x10080xi32, #tpu.memory_space<hbm>> -> memref<1x10080xi32, #tpu.memory_space<hbm>>
    %dma_start3A_15 = tpu.memref_squeeze %dma_start3A_14 : memref<1x10080xi32, #tpu.memory_space<hbm>> -> memref<10080xi32, #tpu.memory_space<hbm>>
    tpu.enqueue_dma source(%dma_start3A_15 : memref<10080xi32, #tpu.memory_space<hbm>>) target(%arg8 : memref<10080xi32, #tpu.memory_space<vmem>>) target_semaphore(%arg18 : memref<!tpu.dma_semaphore, #tpu.memory_space<semaphore_mem>>)
    %broadcast_in_dim3A = arith.constant 0.000000e+00 : f32
    %broadcast_in_dim3A_16 = vector.broadcast %broadcast_in_dim3A : f32 to vector<16xf32>
    %scan3A = arith.constant 0 : i32
    %scan3A_17 = arith.constant 40 : i32
    %scan3A_18 = arith.addi %scan3A, %scan3A_17 : i32
    %scan3A_19 = arith.constant 1 : i32
    scf.for %scan3A_163 = %scan3A to %scan3A_18 step %scan3A_19  : i32 {
      %mul3A_164 = arith.constant 1 : i32
      %mul3A_165 = arith.muli %scan3A_163, %mul3A_164 : i32
      %add3A_166 = arith.constant 0 : i32
      %add3A_167 = arith.addi %add3A_166, %mul3A_165 : i32
      %scan3A_168 = arith.constant 0 : i32
      %scan3A_169 = arith.constant 8 : i32
      %scan3A_170 = arith.addi %scan3A_168, %scan3A_169 : i32
      %scan3A_171 = arith.constant 1 : i32
      scf.for %scan3A_173 = %scan3A_168 to %scan3A_170 step %scan3A_171  : i32 {
        %mul3A_174 = arith.constant 1 : i32
        %mul3A_175 = arith.muli %scan3A_173, %mul3A_174 : i32
        %add3A_176 = arith.constant 0 : i32
        %add3A_177 = arith.addi %add3A_176, %mul3A_175 : i32
        %mul3A_178 = arith.constant 16 : i32
        %mul3A_179 = arith.muli %add3A_177, %mul3A_178 : i32
        %swap3A_180 = arith.index_cast %add3A_167 : i32 to index
        %swap3A_181 = arith.index_cast %mul3A_179 : i32 to index
        %swap3A_182 = tpu.vector_load %arg9[%swap3A_180, %swap3A_181] {strides = array<i32>} : memref<40x128xf32, #tpu.memory_space<vmem>>, vector<1x16xf32>,
        %swap3A_183 = vector.shape_cast %swap3A_182 : vector<1x16xf32> to vector<16xf32>
        %swap3A_184 = vector.shape_cast %broadcast_in_dim3A_16 : vector<16xf32> to vector<1x16xf32>
        tpu.vector_store %arg9[%swap3A_180, %swap3A_181], %swap3A_184 {strides = array<i32>} : memref<40x128xf32, #tpu.memory_space<vmem>>, vector<1x16xf32>,
      }
      %scan3A_172 = arith.constant 8 : i32
    }
    %scan3A_20 = arith.constant 40 : i32
    %scan3A_21 = arith.constant 0 : i32
    %scan3A_22 = arith.constant 15 : i32
    %scan3A_23 = arith.addi %scan3A_21, %scan3A_22 : i32
    %scan3A_24 = arith.constant 1 : i32
    scf.for %scan3A_163 = %scan3A_21 to %scan3A_23 step %scan3A_24  : i32 {
      %mul3A_164 = arith.constant 1 : i32
      %mul3A_165 = arith.muli %scan3A_163, %mul3A_164 : i32
      %add3A_166 = arith.constant 0 : i32
      %add3A_167 = arith.addi %add3A_166, %mul3A_165 : i32
      %add3A_168 = arith.addi %add3A_4, %add3A_167 : i32
      %mul3A_169 = arith.constant 40 : i32
      %mul3A_170 = arith.muli %add3A_168, %mul3A_169 : i32
      %dma_start3A_171 = arith.constant 0 : i32
      %dma_start3A_172 = tpu.memref_slice %arg6[%mul3A_170, %dma_start3A_171] : memref<10016x128xf32, #tpu.memory_space<vmem_shared>> -> memref<40x128xf32, #tpu.memory_space<vmem_shared>>
      %dma_start3A_173 = arith.constant 0 : i32
      %dma_start3A_174 = tpu.memref_slice %arg6[%mul3A_170, %dma_start3A_173] : memref<10016x128xf32, #tpu.memory_space<vmem_shared>> -> memref<40x128xf32, #tpu.memory_space<vmem_shared>>
      tpu.enqueue_dma source(%arg9 : memref<40x128xf32, #tpu.memory_space<vmem>>) target(%dma_start3A_174 : memref<40x128xf32, #tpu.memory_space<vmem_shared>>) target_semaphore(%arg25 : memref<!tpu.dma_semaphore, #tpu.memory_space<semaphore_mem>>)
    }
    %scan3A_25 = arith.constant 15 : i32
    %lt3A = arith.constant 10 : i32
    %lt3A_26 = arith.cmpi slt, %arg1, %lt3A : i32
    %convert_element_type3A = arith.extui %lt3A_26 : i1 to i32
    %cond3A = arith.constant 0 : i32
    %cond3A_27 = arith.cmpi ne, %convert_element_type3A, %cond3A : i32
    scf.if %cond3A_27 {
      %add3A_163 = arith.constant 15 : i32
      %add3A_164 = arith.addi %add3A_4, %add3A_163 : i32
      %mul3A_165 = arith.constant 40 : i32
      %mul3A_166 = arith.muli %add3A_164, %mul3A_165 : i32
      %dma_start3A_167 = arith.constant 0 : i32
      %dma_start3A_168 = tpu.memref_slice %arg6[%mul3A_166, %dma_start3A_167] : memref<10016x128xf32, #tpu.memory_space<vmem_shared>> -> memref<40x128xf32, #tpu.memory_space<vmem_shared>>
      %dma_start3A_169 = arith.constant 0 : i32
      %dma_start3A_170 = tpu.memref_slice %arg6[%mul3A_166, %dma_start3A_169] : memref<10016x128xf32, #tpu.memory_space<vmem_shared>> -> memref<40x128xf32, #tpu.memory_space<vmem_shared>>
      tpu.enqueue_dma source(%arg9 : memref<40x128xf32, #tpu.memory_space<vmem>>) target(%dma_start3A_170 : memref<40x128xf32, #tpu.memory_space<vmem_shared>>) target_semaphore(%arg25 : memref<!tpu.dma_semaphore, #tpu.memory_space<semaphore_mem>>)
    } else {
    }
    %scan3A_28 = arith.constant 0 : i32
    %scan3A_29 = arith.constant 15 : i32
    %scan3A_30 = arith.addi %scan3A_28, %scan3A_29 : i32
    %scan3A_31 = arith.constant 1 : i32
    scf.for %scan3A_163 = %scan3A_28 to %scan3A_30 step %scan3A_31  : i32 {
      %mul3A_164 = arith.constant 1 : i32
      %mul3A_165 = arith.muli %scan3A_163, %mul3A_164 : i32
      %add3A_166 = arith.constant 0 : i32
      %add3A_167 = arith.addi %add3A_166, %mul3A_165 : i32
      %dma_wait3A_168 = arith.constant 0 : i32
      %dma_wait3A_169 = arith.constant 0 : i32
      %dma_wait3A_170 = tpu.memref_slice %arg6[%dma_wait3A_168, %dma_wait3A_169] : memref<10016x128xf32, #tpu.memory_space<vmem_shared>> -> memref<40x128xf32, #tpu.memory_space<vmem_shared>>
      %dma_wait3A_171 = arith.constant 0 : i32
      %dma_wait3A_172 = arith.constant 0 : i32
      %dma_wait3A_173 = tpu.memref_slice %arg6[%dma_wait3A_171, %dma_wait3A_172] : memref<10016x128xf32, #tpu.memory_space<vmem_shared>> -> memref<40x128xf32, #tpu.memory_space<vmem_shared>>
      tpu.wait_dma2 semaphore(%arg25 : memref<!tpu.dma_semaphore, #tpu.memory_space<semaphore_mem>>) src(%arg9 : memref<40x128xf32, #tpu.memory_space<vmem>>) dst(%dma_wait3A_173 : memref<40x128xf32, #tpu.memory_space<vmem_shared>>)
    }
    %scan3A_32 = arith.constant 15 : i32
    %lt3A_33 = arith.constant 10 : i32
    %lt3A_34 = arith.cmpi slt, %arg1, %lt3A_33 : i32
    %convert_element_type3A_35 = arith.extui %lt3A_34 : i1 to i32
    %cond3A_36 = arith.constant 0 : i32
    %cond3A_37 = arith.cmpi ne, %convert_element_type3A_35, %cond3A_36 : i32
    scf.if %cond3A_37 {
      %dma_wait3A_163 = arith.constant 0 : i32
      %dma_wait3A_164 = arith.constant 0 : i32
      %dma_wait3A_165 = tpu.memref_slice %arg6[%dma_wait3A_163, %dma_wait3A_164] : memref<10016x128xf32, #tpu.memory_space<vmem_shared>> -> memref<40x128xf32, #tpu.memory_space<vmem_shared>>
      %dma_wait3A_166 = arith.constant 0 : i32
      %dma_wait3A_167 = arith.constant 0 : i32
      %dma_wait3A_168 = tpu.memref_slice %arg6[%dma_wait3A_166, %dma_wait3A_167] : memref<10016x128xf32, #tpu.memory_space<vmem_shared>> -> memref<40x128xf32, #tpu.memory_space<vmem_shared>>
      tpu.wait_dma2 semaphore(%arg25 : memref<!tpu.dma_semaphore, #tpu.memory_space<semaphore_mem>>) src(%arg9 : memref<40x128xf32, #tpu.memory_space<vmem>>) dst(%dma_wait3A_168 : memref<40x128xf32, #tpu.memory_space<vmem_shared>>)
    } else {
    }
    %dma_wait3A = arith.constant 0 : i32
    %dma_wait3A_38 = tpu.memref_slice %arg3[%add3A, %dma_wait3A] : memref<32x10080xi32, #tpu.memory_space<hbm>> -> memref<1x10080xi32, #tpu.memory_space<hbm>>
    %dma_wait3A_39 = tpu.memref_squeeze %dma_wait3A_38 : memref<1x10080xi32, #tpu.memory_space<hbm>> -> memref<10080xi32, #tpu.memory_space<hbm>>
    %dma_wait3A_40 = arith.constant 0 : i32
    %dma_wait3A_41 = tpu.memref_slice %arg3[%add3A, %dma_wait3A_40] : memref<32x10080xi32, #tpu.memory_space<hbm>> -> memref<1x10080xi32, #tpu.memory_space<hbm>>
    %dma_wait3A_42 = tpu.memref_squeeze %dma_wait3A_41 : memref<1x10080xi32, #tpu.memory_space<hbm>> -> memref<10080xi32, #tpu.memory_space<hbm>>
    tpu.wait_dma2 semaphore(%arg17 : memref<!tpu.dma_semaphore, #tpu.memory_space<semaphore_mem>>) src(%dma_wait3A_42 : memref<10080xi32, #tpu.memory_space<hbm>>) dst(%arg7 : memref<10080xi32, #tpu.memory_space<vmem>>)
    %dma_wait3A_43 = arith.constant 0 : i32
    %dma_wait3A_44 = tpu.memref_slice %arg4[%add3A, %dma_wait3A_43] : memref<32x10080xi32, #tpu.memory_space<hbm>> -> memref<1x10080xi32, #tpu.memory_space<hbm>>
    %dma_wait3A_45 = tpu.memref_squeeze %dma_wait3A_44 : memref<1x10080xi32, #tpu.memory_space<hbm>> -> memref<10080xi32, #tpu.memory_space<hbm>>
    %dma_wait3A_46 = arith.constant 0 : i32
    %dma_wait3A_47 = tpu.memref_slice %arg4[%add3A, %dma_wait3A_46] : memref<32x10080xi32, #tpu.memory_space<hbm>> -> memref<1x10080xi32, #tpu.memory_space<hbm>>
    %dma_wait3A_48 = tpu.memref_squeeze %dma_wait3A_47 : memref<1x10080xi32, #tpu.memory_space<hbm>> -> memref<10080xi32, #tpu.memory_space<hbm>>
    tpu.wait_dma2 semaphore(%arg18 : memref<!tpu.dma_semaphore, #tpu.memory_space<semaphore_mem>>) src(%dma_wait3A_48 : memref<10080xi32, #tpu.memory_space<hbm>>) dst(%arg8 : memref<10080xi32, #tpu.memory_space<vmem>>)
    %barrier3A = arith.constant 0 : index
    tpu.barrier barrier_id(%barrier3A)
    %dma_start3A_49 = arith.constant 0 : i32
    %dma_start3A_50 = tpu.memref_slice %arg7[%dma_start3A_49] : memref<10080xi32, #tpu.memory_space<vmem>> -> memref<40xi32, #tpu.memory_space<vmem>>
    %dma_start3A_51 = arith.constant 0 : i32
    %dma_start3A_52 = arith.constant 0 : i32
    %dma_start3A_53 = tpu.memref_slice %arg2[%dma_start3A_51, %dma_start3A_52] : memref<10000x128xf32, #tpu.memory_space<hbm>> -> memref<10000x128xf32, #tpu.memory_space<hbm>>
    tpu.enqueue_indirect_dma source(%dma_start3A_53 : memref<10000x128xf32, #tpu.memory_space<hbm>>) target(%arg9 : memref<40x128xf32, #tpu.memory_space<vmem>>) offsets(%dma_start3A_50 : memref<40xi32, #tpu.memory_space<vmem>>) semaphore(%arg17 : memref<!tpu.dma_semaphore, #tpu.memory_space<semaphore_mem>>)
    %get3A = arith.constant 0 : index
    %get3A_54 = tpu.vector_load %arg8[%get3A] {strides = array<i32>} : memref<10080xi32, #tpu.memory_space<vmem>>, vector<16xi32>,
    %get3A_55 = vector.shape_cast %get3A_54 : vector<16xi32> to vector<16xi32>
    %swap3A = arith.constant 0 : index
    %swap3A_56 = tpu.vector_load %arg13[%swap3A] {strides = array<i32>} : memref<40xi32, #tpu.memory_space<vmem>>, vector<16xi32>,
    %swap3A_57 = vector.shape_cast %swap3A_56 : vector<16xi32> to vector<16xi32>
    %swap3A_58 = vector.shape_cast %get3A_55 : vector<16xi32> to vector<16xi32>
    tpu.vector_store %arg13[%swap3A], %swap3A_58 {strides = array<i32>} : memref<40xi32, #tpu.memory_space<vmem>>, vector<16xi32>,
    %get3A_59 = arith.constant 16 : index
    %get3A_60 = tpu.vector_load %arg8[%get3A_59] {strides = array<i32>} : memref<10080xi32, #tpu.memory_space<vmem>>, vector<16xi32>,
    %get3A_61 = vector.shape_cast %get3A_60 : vector<16xi32> to vector<16xi32>
    %swap3A_62 = arith.constant 16 : index
    %swap3A_63 = tpu.vector_load %arg13[%swap3A_62] {strides = array<i32>} : memref<40xi32, #tpu.memory_space<vmem>>, vector<16xi32>,
    %swap3A_64 = vector.shape_cast %swap3A_63 : vector<16xi32> to vector<16xi32>
    %swap3A_65 = vector.shape_cast %get3A_61 : vector<16xi32> to vector<16xi32>
    tpu.vector_store %arg13[%swap3A_62], %swap3A_65 {strides = array<i32>} : memref<40xi32, #tpu.memory_space<vmem>>, vector<16xi32>,
    %get3A_66 = arith.constant 24 : index
    %get3A_67 = tpu.vector_load %arg8[%get3A_66] {strides = array<i32>} : memref<10080xi32, #tpu.memory_space<vmem>>, vector<16xi32>,
    %get3A_68 = vector.shape_cast %get3A_67 : vector<16xi32> to vector<16xi32>
    %swap3A_69 = arith.constant 24 : index
    %swap3A_70 = tpu.vector_load %arg13[%swap3A_69] {strides = array<i32>} : memref<40xi32, #tpu.memory_space<vmem>>, vector<16xi32>,
    %swap3A_71 = vector.shape_cast %swap3A_70 : vector<16xi32> to vector<16xi32>
    %swap3A_72 = vector.shape_cast %get3A_68 : vector<16xi32> to vector<16xi32>
    tpu.vector_store %arg13[%swap3A_69], %swap3A_72 {strides = array<i32>} : memref<40xi32, #tpu.memory_space<vmem>>, vector<16xi32>,
    %dma_start3A_73 = arith.constant 40 : i32
    %dma_start3A_74 = tpu.memref_slice %arg7[%dma_start3A_73] : memref<10080xi32, #tpu.memory_space<vmem>> -> memref<40xi32, #tpu.memory_space<vmem>>
    %dma_start3A_75 = arith.constant 0 : i32
    %dma_start3A_76 = arith.constant 0 : i32
    %dma_start3A_77 = tpu.memref_slice %arg2[%dma_start3A_75, %dma_start3A_76] : memref<10000x128xf32, #tpu.memory_space<hbm>> -> memref<10000x128xf32, #tpu.memory_space<hbm>>
    tpu.enqueue_indirect_dma source(%dma_start3A_77 : memref<10000x128xf32, #tpu.memory_space<hbm>>) target(%arg10 : memref<40x128xf32, #tpu.memory_space<vmem>>) offsets(%dma_start3A_74 : memref<40xi32, #tpu.memory_space<vmem>>) semaphore(%arg18 : memref<!tpu.dma_semaphore, #tpu.memory_space<semaphore_mem>>)
    %get3A_78 = arith.constant 40 : index
    %get3A_79 = tpu.vector_load %arg8[%get3A_78] {strides = array<i32>} : memref<10080xi32, #tpu.memory_space<vmem>>, vector<16xi32>,
    %get3A_80 = vector.shape_cast %get3A_79 : vector<16xi32> to vector<16xi32>
    %swap3A_81 = arith.constant 0 : index
    %swap3A_82 = tpu.vector_load %arg14[%swap3A_81] {strides = array<i32>} : memref<40xi32, #tpu.memory_space<vmem>>, vector<16xi32>,
    %swap3A_83 = vector.shape_cast %swap3A_82 : vector<16xi32> to vector<16xi32>
    %swap3A_84 = vector.shape_cast %get3A_80 : vector<16xi32> to vector<16xi32>
    tpu.vector_store %arg14[%swap3A_81], %swap3A_84 {strides = array<i32>} : memref<40xi32, #tpu.memory_space<vmem>>, vector<16xi32>,
    %get3A_85 = arith.constant 56 : index
    %get3A_86 = tpu.vector_load %arg8[%get3A_85] {strides = array<i32>} : memref<10080xi32, #tpu.memory_space<vmem>>, vector<16xi32>,
    %get3A_87 = vector.shape_cast %get3A_86 : vector<16xi32> to vector<16xi32>
    %swap3A_88 = arith.constant 16 : index
    %swap3A_89 = tpu.vector_load %arg14[%swap3A_88] {strides = array<i32>} : memref<40xi32, #tpu.memory_space<vmem>>, vector<16xi32>,
    %swap3A_90 = vector.shape_cast %swap3A_89 : vector<16xi32> to vector<16xi32>
    %swap3A_91 = vector.shape_cast %get3A_87 : vector<16xi32> to vector<16xi32>
    tpu.vector_store %arg14[%swap3A_88], %swap3A_91 {strides = array<i32>} : memref<40xi32, #tpu.memory_space<vmem>>, vector<16xi32>,
    %get3A_92 = arith.constant 64 : index
    %get3A_93 = tpu.vector_load %arg8[%get3A_92] {strides = array<i32>} : memref<10080xi32, #tpu.memory_space<vmem>>, vector<16xi32>,
    %get3A_94 = vector.shape_cast %get3A_93 : vector<16xi32> to vector<16xi32>
    %swap3A_95 = arith.constant 24 : index
    %swap3A_96 = tpu.vector_load %arg14[%swap3A_95] {strides = array<i32>} : memref<40xi32, #tpu.memory_space<vmem>>, vector<16xi32>,
    %swap3A_97 = vector.shape_cast %swap3A_96 : vector<16xi32> to vector<16xi32>
    %swap3A_98 = vector.shape_cast %get3A_94 : vector<16xi32> to vector<16xi32>
    tpu.vector_store %arg14[%swap3A_95], %swap3A_98 {strides = array<i32>} : memref<40xi32, #tpu.memory_space<vmem>>, vector<16xi32>,
    %dma_start3A_99 = arith.constant 80 : i32
    %dma_start3A_100 = tpu.memref_slice %arg7[%dma_start3A_99] : memref<10080xi32, #tpu.memory_space<vmem>> -> memref<40xi32, #tpu.memory_space<vmem>>
    %dma_start3A_101 = arith.constant 0 : i32
    %dma_start3A_102 = arith.constant 0 : i32
    %dma_start3A_103 = tpu.memref_slice %arg2[%dma_start3A_101, %dma_start3A_102] : memref<10000x128xf32, #tpu.memory_space<hbm>> -> memref<10000x128xf32, #tpu.memory_space<hbm>>
    tpu.enqueue_indirect_dma source(%dma_start3A_103 : memref<10000x128xf32, #tpu.memory_space<hbm>>) target(%arg11 : memref<40x128xf32, #tpu.memory_space<vmem>>) offsets(%dma_start3A_100 : memref<40xi32, #tpu.memory_space<vmem>>) semaphore(%arg19 : memref<!tpu.dma_semaphore, #tpu.memory_space<semaphore_mem>>)
    %get3A_104 = arith.constant 80 : index
    %get3A_105 = tpu.vector_load %arg8[%get3A_104] {strides = array<i32>} : memref<10080xi32, #tpu.memory_space<vmem>>, vector<16xi32>,
    %get3A_106 = vector.shape_cast %get3A_105 : vector<16xi32> to vector<16xi32>
    %swap3A_107 = arith.constant 0 : index
    %swap3A_108 = tpu.vector_load %arg15[%swap3A_107] {strides = array<i32>} : memref<40xi32, #tpu.memory_space<vmem>>, vector<16xi32>,
    %swap3A_109 = vector.shape_cast %swap3A_108 : vector<16xi32> to vector<16xi32>
    %swap3A_110 = vector.shape_cast %get3A_106 : vector<16xi32> to vector<16xi32>
    tpu.vector_store %arg15[%swap3A_107], %swap3A_110 {strides = array<i32>} : memref<40xi32, #tpu.memory_space<vmem>>, vector<16xi32>,
    %get3A_111 = arith.constant 96 : index
    %get3A_112 = tpu.vector_load %arg8[%get3A_111] {strides = array<i32>} : memref<10080xi32, #tpu.memory_space<vmem>>, vector<16xi32>,
    %get3A_113 = vector.shape_cast %get3A_112 : vector<16xi32> to vector<16xi32>
    %swap3A_114 = arith.constant 16 : index
    %swap3A_115 = tpu.vector_load %arg15[%swap3A_114] {strides = array<i32>} : memref<40xi32, #tpu.memory_space<vmem>>, vector<16xi32>,
    %swap3A_116 = vector.shape_cast %swap3A_115 : vector<16xi32> to vector<16xi32>
    %swap3A_117 = vector.shape_cast %get3A_113 : vector<16xi32> to vector<16xi32>
    tpu.vector_store %arg15[%swap3A_114], %swap3A_117 {strides = array<i32>} : memref<40xi32, #tpu.memory_space<vmem>>, vector<16xi32>,
    %get3A_118 = arith.constant 104 : index
    %get3A_119 = tpu.vector_load %arg8[%get3A_118] {strides = array<i32>} : memref<10080xi32, #tpu.memory_space<vmem>>, vector<16xi32>,
    %get3A_120 = vector.shape_cast %get3A_119 : vector<16xi32> to vector<16xi32>
    %swap3A_121 = arith.constant 24 : index
    %swap3A_122 = tpu.vector_load %arg15[%swap3A_121] {strides = array<i32>} : memref<40xi32, #tpu.memory_space<vmem>>, vector<16xi32>,
    %swap3A_123 = vector.shape_cast %swap3A_122 : vector<16xi32> to vector<16xi32>
    %swap3A_124 = vector.shape_cast %get3A_120 : vector<16xi32> to vector<16xi32>
    tpu.vector_store %arg15[%swap3A_121], %swap3A_124 {strides = array<i32>} : memref<40xi32, #tpu.memory_space<vmem>>, vector<16xi32>,
    %scan3A_125 = arith.constant 0 : i32
    %scan3A_126 = arith.constant 63 : i32
    %scan3A_127 = arith.addi %scan3A_125, %scan3A_126 : i32
    %scan3A_128 = arith.constant 1 : i32
    scf.for %scan3A_163 = %scan3A_125 to %scan3A_127 step %scan3A_128  : i32 {
      %mul3A_164 = arith.constant 1 : i32
      %mul3A_165 = arith.muli %scan3A_163, %mul3A_164 : i32
      %add3A_166 = arith.constant 0 : i32
      %add3A_167 = arith.addi %add3A_166, %mul3A_165 : i32
      %mul3A_168 = arith.constant 4 : i32
      %mul3A_169 = arith.muli %add3A_167, %mul3A_168 : i32
      %add3A_170 = arith.constant 0 : i32
      %add3A_171 = arith.addi %mul3A_169, %add3A_170 : i32
      %dma_wait3A_172 = arith.constant 0 : i32
      %dma_wait3A_173 = tpu.memref_slice %arg7[%dma_wait3A_172] : memref<10080xi32, #tpu.memory_space<vmem>> -> memref<40xi32, #tpu.memory_space<vmem>>
      %dma_wait3A_174 = arith.constant 0 : i32
      %dma_wait3A_175 = arith.constant 0 : i32
      %dma_wait3A_176 = tpu.memref_slice %arg2[%dma_wait3A_174, %dma_wait3A_175] : memref<10000x128xf32, #tpu.memory_space<hbm>> -> memref<10000x128xf32, #tpu.memory_space<hbm>>
      tpu.wait_indirect_dma semaphore(%arg17 : memref<!tpu.dma_semaphore, #tpu.memory_space<semaphore_mem>>) src(%dma_wait3A_176 : memref<10000x128xf32, #tpu.memory_space<hbm>>) dst(%arg9 : memref<40x128xf32, #tpu.memory_space<vmem>>)
      %dma_start3A_177 = arith.constant 0 : i32
      %dma_start3A_178 = arith.constant 0 : i32
      %dma_start3A_179 = tpu.memref_slice %arg6[%dma_start3A_177, %dma_start3A_178] : memref<10016x128xf32, #tpu.memory_space<vmem_shared>> -> memref<10016x128xf32, #tpu.memory_space<vmem_shared>>
      tpu.enqueue_indirect_dma source(%arg9 : memref<40x128xf32, #tpu.memory_space<vmem>>) target(%dma_start3A_179 : memref<10016x128xf32, #tpu.memory_space<vmem_shared>>) offsets(%arg13 : memref<40xi32, #tpu.memory_space<vmem>>) semaphore(%arg21 : memref<!tpu.dma_semaphore, #tpu.memory_space<semaphore_mem>>) {add = true}
      %add3A_180 = arith.constant 4 : i32
      %add3A_181 = arith.addi %add3A_171, %add3A_180 : i32
      %sub3A = arith.constant 1 : i32
      %sub3A_182 = arith.subi %add3A_181, %sub3A : i32
      %lt3A_183 = arith.constant 252 : i32
      %lt3A_184 = arith.cmpi slt, %sub3A_182, %lt3A_183 : i32
      %convert_element_type3A_185 = arith.extui %lt3A_184 : i1 to i32
      %cond3A_186 = arith.constant 0 : i32
      %cond3A_187 = arith.cmpi ne, %convert_element_type3A_185, %cond3A_186 : i32
      scf.if %cond3A_187 {
        %ge3A = arith.constant 1 : i32
        %ge3A_251 = arith.cmpi sge, %add3A_171, %ge3A : i32
        %convert_element_type3A_252 = arith.extui %ge3A_251 : i1 to i32
        %cond3A_253 = arith.constant 0 : i32
        %cond3A_254 = arith.cmpi ne, %convert_element_type3A_252, %cond3A_253 : i32
        scf.if %cond3A_254 {
          %dma_wait3A_294 = arith.constant 0 : i32
          %dma_wait3A_295 = arith.constant 0 : i32
          %dma_wait3A_296 = tpu.memref_slice %arg6[%dma_wait3A_294, %dma_wait3A_295] : memref<10016x128xf32, #tpu.memory_space<vmem_shared>> -> memref<10016x128xf32, #tpu.memory_space<vmem_shared>>
          tpu.wait_indirect_dma semaphore(%arg24 : memref<!tpu.dma_semaphore, #tpu.memory_space<semaphore_mem>>) src(%arg12 : memref<40x128xf32, #tpu.memory_space<vmem>>) dst(%dma_wait3A_296 : memref<10016x128xf32, #tpu.memory_space<vmem_shared>>)
        } else {
        }
        %add3A_255 = arith.constant 4 : i32
        %add3A_256 = arith.addi %add3A_171, %add3A_255 : i32
        %sub3A_257 = arith.constant 1 : i32
        %sub3A_258 = arith.subi %add3A_256, %sub3A_257 : i32
        %mul3A_259 = arith.constant 40 : i32
        %mul3A_260 = arith.muli %sub3A_258, %mul3A_259 : i32
        %dma_start3A_261 = tpu.memref_slice %arg7[%mul3A_260] : memref<10080xi32, #tpu.memory_space<vmem>> -> memref<40xi32, #tpu.memory_space<vmem>>
        %dma_start3A_262 = arith.constant 0 : i32
        %dma_start3A_263 = arith.constant 0 : i32
        %dma_start3A_264 = tpu.memref_slice %arg2[%dma_start3A_262, %dma_start3A_263] : memref<10000x128xf32, #tpu.memory_space<hbm>> -> memref<10000x128xf32, #tpu.memory_space<hbm>>
        tpu.enqueue_indirect_dma source(%dma_start3A_264 : memref<10000x128xf32, #tpu.memory_space<hbm>>) target(%arg12 : memref<40x128xf32, #tpu.memory_space<vmem>>) offsets(%dma_start3A_261 : memref<40xi32, #tpu.memory_space<vmem>>) semaphore(%arg20 : memref<!tpu.dma_semaphore, #tpu.memory_space<semaphore_mem>>)
        %mul3A_265 = arith.constant 40 : i32
        %mul3A_266 = arith.muli %sub3A_258, %mul3A_265 : i32
        %add3A_267 = arith.constant 0 : i32
        %add3A_268 = arith.addi %mul3A_266, %add3A_267 : i32
        %get3A_269 = arith.index_cast %add3A_268 : i32 to index
        %get3A_270 = tpu.vector_load %arg8[%get3A_269] {strides = array<i32>} : memref<10080xi32, #tpu.memory_space<vmem>>, vector<16xi32>,
        %get3A_271 = vector.shape_cast %get3A_270 : vector<16xi32> to vector<16xi32>
        %swap3A_272 = arith.constant 0 : index
        %swap3A_273 = tpu.vector_load %arg16[%swap3A_272] {strides = array<i32>} : memref<40xi32, #tpu.memory_space<vmem>>, vector<16xi32>,
        %swap3A_274 = vector.shape_cast %swap3A_273 : vector<16xi32> to vector<16xi32>
        %swap3A_275 = vector.shape_cast %get3A_271 : vector<16xi32> to vector<16xi32>
        tpu.vector_store %arg16[%swap3A_272], %swap3A_275 {strides = array<i32>} : memref<40xi32, #tpu.memory_space<vmem>>, vector<16xi32>,
        %add3A_276 = arith.constant 16 : i32
        %add3A_277 = arith.addi %mul3A_266, %add3A_276 : i32
        %get3A_278 = arith.index_cast %add3A_277 : i32 to index
        %get3A_279 = tpu.vector_load %arg8[%get3A_278] {strides = array<i32>} : memref<10080xi32, #tpu.memory_space<vmem>>, vector<16xi32>,
        %get3A_280 = vector.shape_cast %get3A_279 : vector<16xi32> to vector<16xi32>
        %swap3A_281 = arith.constant 16 : index
        %swap3A_282 = tpu.vector_load %arg16[%swap3A_281] {strides = array<i32>} : memref<40xi32, #tpu.memory_space<vmem>>, vector<16xi32>,
        %swap3A_283 = vector.shape_cast %swap3A_282 : vector<16xi32> to vector<16xi32>
        %swap3A_284 = vector.shape_cast %get3A_280 : vector<16xi32> to vector<16xi32>
        tpu.vector_store %arg16[%swap3A_281], %swap3A_284 {strides = array<i32>} : memref<40xi32, #tpu.memory_space<vmem>>, vector<16xi32>,
        %add3A_285 = arith.constant 24 : i32
        %add3A_286 = arith.addi %mul3A_266, %add3A_285 : i32
        %get3A_287 = arith.index_cast %add3A_286 : i32 to index
        %get3A_288 = tpu.vector_load %arg8[%get3A_287] {strides = array<i32>} : memref<10080xi32, #tpu.memory_space<vmem>>, vector<16xi32>,
        %get3A_289 = vector.shape_cast %get3A_288 : vector<16xi32> to vector<16xi32>
        %swap3A_290 = arith.constant 24 : index
        %swap3A_291 = tpu.vector_load %arg16[%swap3A_290] {strides = array<i32>} : memref<40xi32, #tpu.memory_space<vmem>>, vector<16xi32>,
        %swap3A_292 = vector.shape_cast %swap3A_291 : vector<16xi32> to vector<16xi32>
        %swap3A_293 = vector.shape_cast %get3A_289 : vector<16xi32> to vector<16xi32>
        tpu.vector_store %arg16[%swap3A_290], %swap3A_293 {strides = array<i32>} : memref<40xi32, #tpu.memory_space<vmem>>, vector<16xi32>,
      } else {
      }
      %mul3A_188 = arith.constant 4 : i32
      %mul3A_189 = arith.muli %add3A_167, %mul3A_188 : i32
      %add3A_190 = arith.constant 1 : i32
      %add3A_191 = arith.addi %mul3A_189, %add3A_190 : i32
      %dma_wait3A_192 = arith.constant 0 : i32
      %dma_wait3A_193 = tpu.memref_slice %arg7[%dma_wait3A_192] : memref<10080xi32, #tpu.memory_space<vmem>> -> memref<40xi32, #tpu.memory_space<vmem>>
      %dma_wait3A_194 = arith.constant 0 : i32
      %dma_wait3A_195 = arith.constant 0 : i32
      %dma_wait3A_196 = tpu.memref_slice %arg2[%dma_wait3A_194, %dma_wait3A_195] : memref<10000x128xf32, #tpu.memory_space<hbm>> -> memref<10000x128xf32, #tpu.memory_space<hbm>>
      tpu.wait_indirect_dma semaphore(%arg18 : memref<!tpu.dma_semaphore, #tpu.memory_space<semaphore_mem>>) src(%dma_wait3A_196 : memref<10000x128xf32, #tpu.memory_space<hbm>>) dst(%arg10 : memref<40x128xf32, #tpu.memory_space<vmem>>)
      %dma_start3A_197 = arith.constant 0 : i32
      %dma_start3A_198 = arith.constant 0 : i32
      %dma_start3A_199 = tpu.memref_slice %arg6[%dma_start3A_197, %dma_start3A_198] : memref<10016x128xf32, #tpu.memory_space<vmem_shared>> -> memref<10016x128xf32, #tpu.memory_space<vmem_shared>>
      tpu.enqueue_indirect_dma source(%arg10 : memref<40x128xf32, #tpu.memory_space<vmem>>) target(%dma_start3A_199 : memref<10016x128xf32, #tpu.memory_space<vmem_shared>>) offsets(%arg14 : memref<40xi32, #tpu.memory_space<vmem>>) semaphore(%arg22 : memref<!tpu.dma_semaphore, #tpu.memory_space<semaphore_mem>>) {add = true}
      %add3A_200 = arith.constant 4 : i32
      %add3A_201 = arith.addi %add3A_191, %add3A_200 : i32
      %sub3A_202 = arith.constant 1 : i32
      %sub3A_203 = arith.subi %add3A_201, %sub3A_202 : i32
      %lt3A_204 = arith.constant 252 : i32
      %lt3A_205 = arith.cmpi slt, %sub3A_203, %lt3A_204 : i32
      %convert_element_type3A_206 = arith.extui %lt3A_205 : i1 to i32
      %cond3A_207 = arith.constant 0 : i32
      %cond3A_208 = arith.cmpi ne, %convert_element_type3A_206, %cond3A_207 : i32
      scf.if %cond3A_208 {
        %ge3A = arith.constant 1 : i32
        %ge3A_251 = arith.cmpi sge, %add3A_191, %ge3A : i32
        %convert_element_type3A_252 = arith.extui %ge3A_251 : i1 to i32
        %cond3A_253 = arith.constant 0 : i32
        %cond3A_254 = arith.cmpi ne, %convert_element_type3A_252, %cond3A_253 : i32
        scf.if %cond3A_254 {
          %dma_wait3A_294 = arith.constant 0 : i32
          %dma_wait3A_295 = arith.constant 0 : i32
          %dma_wait3A_296 = tpu.memref_slice %arg6[%dma_wait3A_294, %dma_wait3A_295] : memref<10016x128xf32, #tpu.memory_space<vmem_shared>> -> memref<10016x128xf32, #tpu.memory_space<vmem_shared>>
          tpu.wait_indirect_dma semaphore(%arg21 : memref<!tpu.dma_semaphore, #tpu.memory_space<semaphore_mem>>) src(%arg9 : memref<40x128xf32, #tpu.memory_space<vmem>>) dst(%dma_wait3A_296 : memref<10016x128xf32, #tpu.memory_space<vmem_shared>>)
        } else {
        }
        %add3A_255 = arith.constant 4 : i32
        %add3A_256 = arith.addi %add3A_191, %add3A_255 : i32
        %sub3A_257 = arith.constant 1 : i32
        %sub3A_258 = arith.subi %add3A_256, %sub3A_257 : i32
        %mul3A_259 = arith.constant 40 : i32
        %mul3A_260 = arith.muli %sub3A_258, %mul3A_259 : i32
        %dma_start3A_261 = tpu.memref_slice %arg7[%mul3A_260] : memref<10080xi32, #tpu.memory_space<vmem>> -> memref<40xi32, #tpu.memory_space<vmem>>
        %dma_start3A_262 = arith.constant 0 : i32
        %dma_start3A_263 = arith.constant 0 : i32
        %dma_start3A_264 = tpu.memref_slice %arg2[%dma_start3A_262, %dma_start3A_263] : memref<10000x128xf32, #tpu.memory_space<hbm>> -> memref<10000x128xf32, #tpu.memory_space<hbm>>
        tpu.enqueue_indirect_dma source(%dma_start3A_264 : memref<10000x128xf32, #tpu.memory_space<hbm>>) target(%arg9 : memref<40x128xf32, #tpu.memory_space<vmem>>) offsets(%dma_start3A_261 : memref<40xi32, #tpu.memory_space<vmem>>) semaphore(%arg17 : memref<!tpu.dma_semaphore, #tpu.memory_space<semaphore_mem>>)
        %mul3A_265 = arith.constant 40 : i32
        %mul3A_266 = arith.muli %sub3A_258, %mul3A_265 : i32
        %add3A_267 = arith.constant 0 : i32
        %add3A_268 = arith.addi %mul3A_266, %add3A_267 : i32
        %get3A_269 = arith.index_cast %add3A_268 : i32 to index
        %get3A_270 = tpu.vector_load %arg8[%get3A_269] {strides = array<i32>} : memref<10080xi32, #tpu.memory_space<vmem>>, vector<16xi32>,
        %get3A_271 = vector.shape_cast %get3A_270 : vector<16xi32> to vector<16xi32>
        %swap3A_272 = arith.constant 0 : index
        %swap3A_273 = tpu.vector_load %arg13[%swap3A_272] {strides = array<i32>} : memref<40xi32, #tpu.memory_space<vmem>>, vector<16xi32>,
        %swap3A_274 = vector.shape_cast %swap3A_273 : vector<16xi32> to vector<16xi32>
        %swap3A_275 = vector.shape_cast %get3A_271 : vector<16xi32> to vector<16xi32>
        tpu.vector_store %arg13[%swap3A_272], %swap3A_275 {strides = array<i32>} : memref<40xi32, #tpu.memory_space<vmem>>, vector<16xi32>,
        %add3A_276 = arith.constant 16 : i32
        %add3A_277 = arith.addi %mul3A_266, %add3A_276 : i32
        %get3A_278 = arith.index_cast %add3A_277 : i32 to index
        %get3A_279 = tpu.vector_load %arg8[%get3A_278] {strides = array<i32>} : memref<10080xi32, #tpu.memory_space<vmem>>, vector<16xi32>,
        %get3A_280 = vector.shape_cast %get3A_279 : vector<16xi32> to vector<16xi32>
        %swap3A_281 = arith.constant 16 : index
        %swap3A_282 = tpu.vector_load %arg13[%swap3A_281] {strides = array<i32>} : memref<40xi32, #tpu.memory_space<vmem>>, vector<16xi32>,
        %swap3A_283 = vector.shape_cast %swap3A_282 : vector<16xi32> to vector<16xi32>
        %swap3A_284 = vector.shape_cast %get3A_280 : vector<16xi32> to vector<16xi32>
        tpu.vector_store %arg13[%swap3A_281], %swap3A_284 {strides = array<i32>} : memref<40xi32, #tpu.memory_space<vmem>>, vector<16xi32>,
        %add3A_285 = arith.constant 24 : i32
        %add3A_286 = arith.addi %mul3A_266, %add3A_285 : i32
        %get3A_287 = arith.index_cast %add3A_286 : i32 to index
        %get3A_288 = tpu.vector_load %arg8[%get3A_287] {strides = array<i32>} : memref<10080xi32, #tpu.memory_space<vmem>>, vector<16xi32>,
        %get3A_289 = vector.shape_cast %get3A_288 : vector<16xi32> to vector<16xi32>
        %swap3A_290 = arith.constant 24 : index
        %swap3A_291 = tpu.vector_load %arg13[%swap3A_290] {strides = array<i32>} : memref<40xi32, #tpu.memory_space<vmem>>, vector<16xi32>,
        %swap3A_292 = vector.shape_cast %swap3A_291 : vector<16xi32> to vector<16xi32>
        %swap3A_293 = vector.shape_cast %get3A_289 : vector<16xi32> to vector<16xi32>
        tpu.vector_store %arg13[%swap3A_290], %swap3A_293 {strides = array<i32>} : memref<40xi32, #tpu.memory_space<vmem>>, vector<16xi32>,
      } else {
      }
      %mul3A_209 = arith.constant 4 : i32
      %mul3A_210 = arith.muli %add3A_167, %mul3A_209 : i32
      %add3A_211 = arith.constant 2 : i32
      %add3A_212 = arith.addi %mul3A_210, %add3A_211 : i32
      %dma_wait3A_213 = arith.constant 0 : i32
      %dma_wait3A_214 = tpu.memref_slice %arg7[%dma_wait3A_213] : memref<10080xi32, #tpu.memory_space<vmem>> -> memref<40xi32, #tpu.memory_space<vmem>>
      %dma_wait3A_215 = arith.constant 0 : i32
      %dma_wait3A_216 = arith.constant 0 : i32
      %dma_wait3A_217 = tpu.memref_slice %arg2[%dma_wait3A_215, %dma_wait3A_216] : memref<10000x128xf32, #tpu.memory_space<hbm>> -> memref<10000x128xf32, #tpu.memory_space<hbm>>
      tpu.wait_indirect_dma semaphore(%arg19 : memref<!tpu.dma_semaphore, #tpu.memory_space<semaphore_mem>>) src(%dma_wait3A_217 : memref<10000x128xf32, #tpu.memory_space<hbm>>) dst(%arg11 : memref<40x128xf32, #tpu.memory_space<vmem>>)
      %dma_start3A_218 = arith.constant 0 : i32
      %dma_start3A_219 = arith.constant 0 : i32
      %dma_start3A_220 = tpu.memref_slice %arg6[%dma_start3A_218, %dma_start3A_219] : memref<10016x128xf32, #tpu.memory_space<vmem_shared>> -> memref<10016x128xf32, #tpu.memory_space<vmem_shared>>
      tpu.enqueue_indirect_dma source(%arg11 : memref<40x128xf32, #tpu.memory_space<vmem>>) target(%dma_start3A_220 : memref<10016x128xf32, #tpu.memory_space<vmem_shared>>) offsets(%arg15 : memref<40xi32, #tpu.memory_space<vmem>>) semaphore(%arg23 : memref<!tpu.dma_semaphore, #tpu.memory_space<semaphore_mem>>) {add = true}
      %add3A_221 = arith.constant 4 : i32
      %add3A_222 = arith.addi %add3A_212, %add3A_221 : i32
      %sub3A_223 = arith.constant 1 : i32
      %sub3A_224 = arith.subi %add3A_222, %sub3A_223 : i32
      %lt3A_225 = arith.constant 252 : i32
      %lt3A_226 = arith.cmpi slt, %sub3A_224, %lt3A_225 : i32
      %convert_element_type3A_227 = arith.extui %lt3A_226 : i1 to i32
      %cond3A_228 = arith.constant 0 : i32
      %cond3A_229 = arith.cmpi ne, %convert_element_type3A_227, %cond3A_228 : i32
      scf.if %cond3A_229 {
        %ge3A = arith.constant 1 : i32
        %ge3A_251 = arith.cmpi sge, %add3A_212, %ge3A : i32
        %convert_element_type3A_252 = arith.extui %ge3A_251 : i1 to i32
        %cond3A_253 = arith.constant 0 : i32
        %cond3A_254 = arith.cmpi ne, %convert_element_type3A_252, %cond3A_253 : i32
        scf.if %cond3A_254 {
          %dma_wait3A_294 = arith.constant 0 : i32
          %dma_wait3A_295 = arith.constant 0 : i32
          %dma_wait3A_296 = tpu.memref_slice %arg6[%dma_wait3A_294, %dma_wait3A_295] : memref<10016x128xf32, #tpu.memory_space<vmem_shared>> -> memref<10016x128xf32, #tpu.memory_space<vmem_shared>>
          tpu.wait_indirect_dma semaphore(%arg22 : memref<!tpu.dma_semaphore, #tpu.memory_space<semaphore_mem>>) src(%arg10 : memref<40x128xf32, #tpu.memory_space<vmem>>) dst(%dma_wait3A_296 : memref<10016x128xf32, #tpu.memory_space<vmem_shared>>)
        } else {
        }
        %add3A_255 = arith.constant 4 : i32
        %add3A_256 = arith.addi %add3A_212, %add3A_255 : i32
        %sub3A_257 = arith.constant 1 : i32
        %sub3A_258 = arith.subi %add3A_256, %sub3A_257 : i32
        %mul3A_259 = arith.constant 40 : i32
        %mul3A_260 = arith.muli %sub3A_258, %mul3A_259 : i32
        %dma_start3A_261 = tpu.memref_slice %arg7[%mul3A_260] : memref<10080xi32, #tpu.memory_space<vmem>> -> memref<40xi32, #tpu.memory_space<vmem>>
        %dma_start3A_262 = arith.constant 0 : i32
        %dma_start3A_263 = arith.constant 0 : i32
        %dma_start3A_264 = tpu.memref_slice %arg2[%dma_start3A_262, %dma_start3A_263] : memref<10000x128xf32, #tpu.memory_space<hbm>> -> memref<10000x128xf32, #tpu.memory_space<hbm>>
        tpu.enqueue_indirect_dma source(%dma_start3A_264 : memref<10000x128xf32, #tpu.memory_space<hbm>>) target(%arg10 : memref<40x128xf32, #tpu.memory_space<vmem>>) offsets(%dma_start3A_261 : memref<40xi32, #tpu.memory_space<vmem>>) semaphore(%arg18 : memref<!tpu.dma_semaphore, #tpu.memory_space<semaphore_mem>>)
        %mul3A_265 = arith.constant 40 : i32
        %mul3A_266 = arith.muli %sub3A_258, %mul3A_265 : i32
        %add3A_267 = arith.constant 0 : i32
        %add3A_268 = arith.addi %mul3A_266, %add3A_267 : i32
        %get3A_269 = arith.index_cast %add3A_268 : i32 to index
        %get3A_270 = tpu.vector_load %arg8[%get3A_269] {strides = array<i32>} : memref<10080xi32, #tpu.memory_space<vmem>>, vector<16xi32>,
        %get3A_271 = vector.shape_cast %get3A_270 : vector<16xi32> to vector<16xi32>
        %swap3A_272 = arith.constant 0 : index
        %swap3A_273 = tpu.vector_load %arg14[%swap3A_272] {strides = array<i32>} : memref<40xi32, #tpu.memory_space<vmem>>, vector<16xi32>,
        %swap3A_274 = vector.shape_cast %swap3A_273 : vector<16xi32> to vector<16xi32>
        %swap3A_275 = vector.shape_cast %get3A_271 : vector<16xi32> to vector<16xi32>
        tpu.vector_store %arg14[%swap3A_272], %swap3A_275 {strides = array<i32>} : memref<40xi32, #tpu.memory_space<vmem>>, vector<16xi32>,
        %add3A_276 = arith.constant 16 : i32
        %add3A_277 = arith.addi %mul3A_266, %add3A_276 : i32
        %get3A_278 = arith.index_cast %add3A_277 : i32 to index
        %get3A_279 = tpu.vector_load %arg8[%get3A_278] {strides = array<i32>} : memref<10080xi32, #tpu.memory_space<vmem>>, vector<16xi32>,
        %get3A_280 = vector.shape_cast %get3A_279 : vector<16xi32> to vector<16xi32>
        %swap3A_281 = arith.constant 16 : index
        %swap3A_282 = tpu.vector_load %arg14[%swap3A_281] {strides = array<i32>} : memref<40xi32, #tpu.memory_space<vmem>>, vector<16xi32>,
        %swap3A_283 = vector.shape_cast %swap3A_282 : vector<16xi32> to vector<16xi32>
        %swap3A_284 = vector.shape_cast %get3A_280 : vector<16xi32> to vector<16xi32>
        tpu.vector_store %arg14[%swap3A_281], %swap3A_284 {strides = array<i32>} : memref<40xi32, #tpu.memory_space<vmem>>, vector<16xi32>,
        %add3A_285 = arith.constant 24 : i32
        %add3A_286 = arith.addi %mul3A_266, %add3A_285 : i32
        %get3A_287 = arith.index_cast %add3A_286 : i32 to index
        %get3A_288 = tpu.vector_load %arg8[%get3A_287] {strides = array<i32>} : memref<10080xi32, #tpu.memory_space<vmem>>, vector<16xi32>,
        %get3A_289 = vector.shape_cast %get3A_288 : vector<16xi32> to vector<16xi32>
        %swap3A_290 = arith.constant 24 : index
        %swap3A_291 = tpu.vector_load %arg14[%swap3A_290] {strides = array<i32>} : memref<40xi32, #tpu.memory_space<vmem>>, vector<16xi32>,
        %swap3A_292 = vector.shape_cast %swap3A_291 : vector<16xi32> to vector<16xi32>
        %swap3A_293 = vector.shape_cast %get3A_289 : vector<16xi32> to vector<16xi32>
        tpu.vector_store %arg14[%swap3A_290], %swap3A_293 {strides = array<i32>} : memref<40xi32, #tpu.memory_space<vmem>>, vector<16xi32>,
      } else {
      }
      %mul3A_230 = arith.constant 4 : i32
      %mul3A_231 = arith.muli %add3A_167, %mul3A_230 : i32
      %add3A_232 = arith.constant 3 : i32
      %add3A_233 = arith.addi %mul3A_231, %add3A_232 : i32
      %dma_wait3A_234 = arith.constant 0 : i32
      %dma_wait3A_235 = tpu.memref_slice %arg7[%dma_wait3A_234] : memref<10080xi32, #tpu.memory_space<vmem>> -> memref<40xi32, #tpu.memory_space<vmem>>
      %dma_wait3A_236 = arith.constant 0 : i32
      %dma_wait3A_237 = arith.constant 0 : i32
      %dma_wait3A_238 = tpu.memref_slice %arg2[%dma_wait3A_236, %dma_wait3A_237] : memref<10000x128xf32, #tpu.memory_space<hbm>> -> memref<10000x128xf32, #tpu.memory_space<hbm>>
      tpu.wait_indirect_dma semaphore(%arg20 : memref<!tpu.dma_semaphore, #tpu.memory_space<semaphore_mem>>) src(%dma_wait3A_238 : memref<10000x128xf32, #tpu.memory_space<hbm>>) dst(%arg12 : memref<40x128xf32, #tpu.memory_space<vmem>>)
      %dma_start3A_239 = arith.constant 0 : i32
      %dma_start3A_240 = arith.constant 0 : i32
      %dma_start3A_241 = tpu.memref_slice %arg6[%dma_start3A_239, %dma_start3A_240] : memref<10016x128xf32, #tpu.memory_space<vmem_shared>> -> memref<10016x128xf32, #tpu.memory_space<vmem_shared>>
      tpu.enqueue_indirect_dma source(%arg12 : memref<40x128xf32, #tpu.memory_space<vmem>>) target(%dma_start3A_241 : memref<10016x128xf32, #tpu.memory_space<vmem_shared>>) offsets(%arg16 : memref<40xi32, #tpu.memory_space<vmem>>) semaphore(%arg24 : memref<!tpu.dma_semaphore, #tpu.memory_space<semaphore_mem>>) {add = true}
      %add3A_242 = arith.constant 4 : i32
      %add3A_243 = arith.addi %add3A_233, %add3A_242 : i32
      %sub3A_244 = arith.constant 1 : i32
      %sub3A_245 = arith.subi %add3A_243, %sub3A_244 : i32
      %lt3A_246 = arith.constant 252 : i32
      %lt3A_247 = arith.cmpi slt, %sub3A_245, %lt3A_246 : i32
      %convert_element_type3A_248 = arith.extui %lt3A_247 : i1 to i32
      %cond3A_249 = arith.constant 0 : i32
      %cond3A_250 = arith.cmpi ne, %convert_element_type3A_248, %cond3A_249 : i32
      scf.if %cond3A_250 {
        %ge3A = arith.constant 1 : i32
        %ge3A_251 = arith.cmpi sge, %add3A_233, %ge3A : i32
        %convert_element_type3A_252 = arith.extui %ge3A_251 : i1 to i32
        %cond3A_253 = arith.constant 0 : i32
        %cond3A_254 = arith.cmpi ne, %convert_element_type3A_252, %cond3A_253 : i32
        scf.if %cond3A_254 {
          %dma_wait3A_294 = arith.constant 0 : i32
          %dma_wait3A_295 = arith.constant 0 : i32
          %dma_wait3A_296 = tpu.memref_slice %arg6[%dma_wait3A_294, %dma_wait3A_295] : memref<10016x128xf32, #tpu.memory_space<vmem_shared>> -> memref<10016x128xf32, #tpu.memory_space<vmem_shared>>
          tpu.wait_indirect_dma semaphore(%arg23 : memref<!tpu.dma_semaphore, #tpu.memory_space<semaphore_mem>>) src(%arg11 : memref<40x128xf32, #tpu.memory_space<vmem>>) dst(%dma_wait3A_296 : memref<10016x128xf32, #tpu.memory_space<vmem_shared>>)
        } else {
        }
        %add3A_255 = arith.constant 4 : i32
        %add3A_256 = arith.addi %add3A_233, %add3A_255 : i32
        %sub3A_257 = arith.constant 1 : i32
        %sub3A_258 = arith.subi %add3A_256, %sub3A_257 : i32
        %mul3A_259 = arith.constant 40 : i32
        %mul3A_260 = arith.muli %sub3A_258, %mul3A_259 : i32
        %dma_start3A_261 = tpu.memref_slice %arg7[%mul3A_260] : memref<10080xi32, #tpu.memory_space<vmem>> -> memref<40xi32, #tpu.memory_space<vmem>>
        %dma_start3A_262 = arith.constant 0 : i32
        %dma_start3A_263 = arith.constant 0 : i32
        %dma_start3A_264 = tpu.memref_slice %arg2[%dma_start3A_262, %dma_start3A_263] : memref<10000x128xf32, #tpu.memory_space<hbm>> -> memref<10000x128xf32, #tpu.memory_space<hbm>>
        tpu.enqueue_indirect_dma source(%dma_start3A_264 : memref<10000x128xf32, #tpu.memory_space<hbm>>) target(%arg11 : memref<40x128xf32, #tpu.memory_space<vmem>>) offsets(%dma_start3A_261 : memref<40xi32, #tpu.memory_space<vmem>>) semaphore(%arg19 : memref<!tpu.dma_semaphore, #tpu.memory_space<semaphore_mem>>)
        %mul3A_265 = arith.constant 40 : i32
        %mul3A_266 = arith.muli %sub3A_258, %mul3A_265 : i32
        %add3A_267 = arith.constant 0 : i32
        %add3A_268 = arith.addi %mul3A_266, %add3A_267 : i32
        %get3A_269 = arith.index_cast %add3A_268 : i32 to index
        %get3A_270 = tpu.vector_load %arg8[%get3A_269] {strides = array<i32>} : memref<10080xi32, #tpu.memory_space<vmem>>, vector<16xi32>,
        %get3A_271 = vector.shape_cast %get3A_270 : vector<16xi32> to vector<16xi32>
        %swap3A_272 = arith.constant 0 : index
        %swap3A_273 = tpu.vector_load %arg15[%swap3A_272] {strides = array<i32>} : memref<40xi32, #tpu.memory_space<vmem>>, vector<16xi32>,
        %swap3A_274 = vector.shape_cast %swap3A_273 : vector<16xi32> to vector<16xi32>
        %swap3A_275 = vector.shape_cast %get3A_271 : vector<16xi32> to vector<16xi32>
        tpu.vector_store %arg15[%swap3A_272], %swap3A_275 {strides = array<i32>} : memref<40xi32, #tpu.memory_space<vmem>>, vector<16xi32>,
        %add3A_276 = arith.constant 16 : i32
        %add3A_277 = arith.addi %mul3A_266, %add3A_276 : i32
        %get3A_278 = arith.index_cast %add3A_277 : i32 to index
        %get3A_279 = tpu.vector_load %arg8[%get3A_278] {strides = array<i32>} : memref<10080xi32, #tpu.memory_space<vmem>>, vector<16xi32>,
        %get3A_280 = vector.shape_cast %get3A_279 : vector<16xi32> to vector<16xi32>
        %swap3A_281 = arith.constant 16 : index
        %swap3A_282 = tpu.vector_load %arg15[%swap3A_281] {strides = array<i32>} : memref<40xi32, #tpu.memory_space<vmem>>, vector<16xi32>,
        %swap3A_283 = vector.shape_cast %swap3A_282 : vector<16xi32> to vector<16xi32>
        %swap3A_284 = vector.shape_cast %get3A_280 : vector<16xi32> to vector<16xi32>
        tpu.vector_store %arg15[%swap3A_281], %swap3A_284 {strides = array<i32>} : memref<40xi32, #tpu.memory_space<vmem>>, vector<16xi32>,
        %add3A_285 = arith.constant 24 : i32
        %add3A_286 = arith.addi %mul3A_266, %add3A_285 : i32
        %get3A_287 = arith.index_cast %add3A_286 : i32 to index
        %get3A_288 = tpu.vector_load %arg8[%get3A_287] {strides = array<i32>} : memref<10080xi32, #tpu.memory_space<vmem>>, vector<16xi32>,
        %get3A_289 = vector.shape_cast %get3A_288 : vector<16xi32> to vector<16xi32>
        %swap3A_290 = arith.constant 24 : index
        %swap3A_291 = tpu.vector_load %arg15[%swap3A_290] {strides = array<i32>} : memref<40xi32, #tpu.memory_space<vmem>>, vector<16xi32>,
        %swap3A_292 = vector.shape_cast %swap3A_291 : vector<16xi32> to vector<16xi32>
        %swap3A_293 = vector.shape_cast %get3A_289 : vector<16xi32> to vector<16xi32>
        tpu.vector_store %arg15[%swap3A_290], %swap3A_293 {strides = array<i32>} : memref<40xi32, #tpu.memory_space<vmem>>, vector<16xi32>,
      } else {
      }
    }
    %scan3A_129 = arith.constant 63 : i32
    %dma_wait3A_130 = arith.constant 0 : i32
    %dma_wait3A_131 = arith.constant 0 : i32
    %dma_wait3A_132 = tpu.memref_slice %arg6[%dma_wait3A_130, %dma_wait3A_131] : memref<10016x128xf32, #tpu.memory_space<vmem_shared>> -> memref<10016x128xf32, #tpu.memory_space<vmem_shared>>
    tpu.wait_indirect_dma semaphore(%arg21 : memref<!tpu.dma_semaphore, #tpu.memory_space<semaphore_mem>>) src(%arg9 : memref<40x128xf32, #tpu.memory_space<vmem>>) dst(%dma_wait3A_132 : memref<10016x128xf32, #tpu.memory_space<vmem_shared>>)
    %dma_wait3A_133 = arith.constant 0 : i32
    %dma_wait3A_134 = arith.constant 0 : i32
    %dma_wait3A_135 = tpu.memref_slice %arg6[%dma_wait3A_133, %dma_wait3A_134] : memref<10016x128xf32, #tpu.memory_space<vmem_shared>> -> memref<10016x128xf32, #tpu.memory_space<vmem_shared>>
    tpu.wait_indirect_dma semaphore(%arg22 : memref<!tpu.dma_semaphore, #tpu.memory_space<semaphore_mem>>) src(%arg10 : memref<40x128xf32, #tpu.memory_space<vmem>>) dst(%dma_wait3A_135 : memref<10016x128xf32, #tpu.memory_space<vmem_shared>>)
    %dma_wait3A_136 = arith.constant 0 : i32
    %dma_wait3A_137 = arith.constant 0 : i32
    %dma_wait3A_138 = tpu.memref_slice %arg6[%dma_wait3A_136, %dma_wait3A_137] : memref<10016x128xf32, #tpu.memory_space<vmem_shared>> -> memref<10016x128xf32, #tpu.memory_space<vmem_shared>>
    tpu.wait_indirect_dma semaphore(%arg23 : memref<!tpu.dma_semaphore, #tpu.memory_space<semaphore_mem>>) src(%arg11 : memref<40x128xf32, #tpu.memory_space<vmem>>) dst(%dma_wait3A_138 : memref<10016x128xf32, #tpu.memory_space<vmem_shared>>)
    %dma_wait3A_139 = arith.constant 0 : i32
    %dma_wait3A_140 = arith.constant 0 : i32
    %dma_wait3A_141 = tpu.memref_slice %arg6[%dma_wait3A_139, %dma_wait3A_140] : memref<10016x128xf32, #tpu.memory_space<vmem_shared>> -> memref<10016x128xf32, #tpu.memory_space<vmem_shared>>
    tpu.wait_indirect_dma semaphore(%arg24 : memref<!tpu.dma_semaphore, #tpu.memory_space<semaphore_mem>>) src(%arg12 : memref<40x128xf32, #tpu.memory_space<vmem>>) dst(%dma_wait3A_141 : memref<10016x128xf32, #tpu.memory_space<vmem_shared>>)
    %barrier3A_142 = arith.constant 0 : index
    tpu.barrier barrier_id(%barrier3A_142)
    %scan3A_143 = arith.constant 0 : i32
    %scan3A_144 = arith.constant 15 : i32
    %scan3A_145 = arith.addi %scan3A_143, %scan3A_144 : i32
    %scan3A_146 = arith.constant 1 : i32
    scf.for %scan3A_163 = %scan3A_143 to %scan3A_145 step %scan3A_146  : i32 {
      %mul3A_164 = arith.constant 1 : i32
      %mul3A_165 = arith.muli %scan3A_163, %mul3A_164 : i32
      %add3A_166 = arith.constant 0 : i32
      %add3A_167 = arith.addi %add3A_166, %mul3A_165 : i32
      %add3A_168 = arith.addi %add3A_4, %add3A_167 : i32
      %mul3A_169 = arith.constant 40 : i32
      %mul3A_170 = arith.muli %add3A_168, %mul3A_169 : i32
      %dma_start3A_171 = arith.constant 0 : i32
      %dma_start3A_172 = tpu.memref_slice %arg5[%arg0, %mul3A_170, %dma_start3A_171] : memref<2x10000x128xf32, #tpu.memory_space<hbm>> -> memref<1x40x128xf32, #tpu.memory_space<hbm>>
      %dma_start3A_173 = tpu.memref_squeeze %dma_start3A_172 : memref<1x40x128xf32, #tpu.memory_space<hbm>> -> memref<40x128xf32, #tpu.memory_space<hbm>>
      %dma_start3A_174 = arith.constant 0 : i32
      %dma_start3A_175 = tpu.memref_slice %arg6[%mul3A_170, %dma_start3A_174] : memref<10016x128xf32, #tpu.memory_space<vmem_shared>> -> memref<40x128xf32, #tpu.memory_space<vmem_shared>>
      tpu.enqueue_dma source(%dma_start3A_175 : memref<40x128xf32, #tpu.memory_space<vmem_shared>>) target(%dma_start3A_173 : memref<40x128xf32, #tpu.memory_space<hbm>>) target_semaphore(%arg26 : memref<!tpu.dma_semaphore, #tpu.memory_space<semaphore_mem>>)
    }
    %scan3A_147 = arith.constant 15 : i32
    %lt3A_148 = arith.constant 10 : i32
    %lt3A_149 = arith.cmpi slt, %arg1, %lt3A_148 : i32
    %convert_element_type3A_150 = arith.extui %lt3A_149 : i1 to i32
    %cond3A_151 = arith.constant 0 : i32
    %cond3A_152 = arith.cmpi ne, %convert_element_type3A_150, %cond3A_151 : i32
    scf.if %cond3A_152 {
      %add3A_163 = arith.constant 15 : i32
      %add3A_164 = arith.addi %add3A_4, %add3A_163 : i32
      %mul3A_165 = arith.constant 40 : i32
      %mul3A_166 = arith.muli %add3A_164, %mul3A_165 : i32
      %dma_start3A_167 = arith.constant 0 : i32
      %dma_start3A_168 = tpu.memref_slice %arg5[%arg0, %mul3A_166, %dma_start3A_167] : memref<2x10000x128xf32, #tpu.memory_space<hbm>> -> memref<1x40x128xf32, #tpu.memory_space<hbm>>
      %dma_start3A_169 = tpu.memref_squeeze %dma_start3A_168 : memref<1x40x128xf32, #tpu.memory_space<hbm>> -> memref<40x128xf32, #tpu.memory_space<hbm>>
      %dma_start3A_170 = arith.constant 0 : i32
      %dma_start3A_171 = tpu.memref_slice %arg6[%mul3A_166, %dma_start3A_170] : memref<10016x128xf32, #tpu.memory_space<vmem_shared>> -> memref<40x128xf32, #tpu.memory_space<vmem_shared>>
      tpu.enqueue_dma source(%dma_start3A_171 : memref<40x128xf32, #tpu.memory_space<vmem_shared>>) target(%dma_start3A_169 : memref<40x128xf32, #tpu.memory_space<hbm>>) target_semaphore(%arg26 : memref<!tpu.dma_semaphore, #tpu.memory_space<semaphore_mem>>)
    } else {
    }
    %scan3A_153 = arith.constant 0 : i32
    %scan3A_154 = arith.constant 15 : i32
    %scan3A_155 = arith.addi %scan3A_153, %scan3A_154 : i32
    %scan3A_156 = arith.constant 1 : i32
    scf.for %scan3A_163 = %scan3A_153 to %scan3A_155 step %scan3A_156  : i32 {
      %mul3A_164 = arith.constant 1 : i32
      %mul3A_165 = arith.muli %scan3A_163, %mul3A_164 : i32
      %add3A_166 = arith.constant 0 : i32
      %add3A_167 = arith.addi %add3A_166, %mul3A_165 : i32
      %dma_wait3A_168 = arith.constant 0 : i32
      %dma_wait3A_169 = arith.constant 0 : i32
      %dma_wait3A_170 = tpu.memref_slice %arg5[%arg0, %dma_wait3A_168, %dma_wait3A_169] : memref<2x10000x128xf32, #tpu.memory_space<hbm>> -> memref<1x40x128xf32, #tpu.memory_space<hbm>>
      %dma_wait3A_171 = tpu.memref_squeeze %dma_wait3A_170 : memref<1x40x128xf32, #tpu.memory_space<hbm>> -> memref<40x128xf32, #tpu.memory_space<hbm>>
      %dma_wait3A_172 = arith.constant 0 : i32
      %dma_wait3A_173 = arith.constant 0 : i32
      %dma_wait3A_174 = tpu.memref_slice %arg6[%dma_wait3A_172, %dma_wait3A_173] : memref<10016x128xf32, #tpu.memory_space<vmem_shared>> -> memref<40x128xf32, #tpu.memory_space<vmem_shared>>
      tpu.wait_dma2 semaphore(%arg26 : memref<!tpu.dma_semaphore, #tpu.memory_space<semaphore_mem>>) src(%dma_wait3A_174 : memref<40x128xf32, #tpu.memory_space<vmem_shared>>) dst(%dma_wait3A_171 : memref<40x128xf32, #tpu.memory_space<hbm>>)
    }
    %scan3A_157 = arith.constant 15 : i32
    %lt3A_158 = arith.constant 10 : i32
    %lt3A_159 = arith.cmpi slt, %arg1, %lt3A_158 : i32
    %convert_element_type3A_160 = arith.extui %lt3A_159 : i1 to i32
    %cond3A_161 = arith.constant 0 : i32
    %cond3A_162 = arith.cmpi ne, %convert_element_type3A_160, %cond3A_161 : i32
    scf.if %cond3A_162 {
      %dma_wait3A_163 = arith.constant 0 : i32
      %dma_wait3A_164 = arith.constant 0 : i32
      %dma_wait3A_165 = tpu.memref_slice %arg5[%arg0, %dma_wait3A_163, %dma_wait3A_164] : memref<2x10000x128xf32, #tpu.memory_space<hbm>> -> memref<1x40x128xf32, #tpu.memory_space<hbm>>
      %dma_wait3A_166 = tpu.memref_squeeze %dma_wait3A_165 : memref<1x40x128xf32, #tpu.memory_space<hbm>> -> memref<40x128xf32, #tpu.memory_space<hbm>>
      %dma_wait3A_167 = arith.constant 0 : i32
      %dma_wait3A_168 = arith.constant 0 : i32
      %dma_wait3A_169 = tpu.memref_slice %arg6[%dma_wait3A_167, %dma_wait3A_168] : memref<10016x128xf32, #tpu.memory_space<vmem_shared>> -> memref<40x128xf32, #tpu.memory_space<vmem_shared>>
      tpu.wait_dma2 semaphore(%arg26 : memref<!tpu.dma_semaphore, #tpu.memory_space<semaphore_mem>>) src(%dma_wait3A_169 : memref<40x128xf32, #tpu.memory_space<vmem_shared>>) dst(%dma_wait3A_166 : memref<40x128xf32, #tpu.memory_space<hbm>>)
    } else {
    }
    return
  }
}

module attributes {stable_mosaic.version = 14 : i64} {
  func.func @_matscale_body(%arg0: i32, %arg1: memref<2000x128xf32, #tpu.memory_space<vmem>>, %arg2: memref<128x128xf32, #tpu.memory_space<vmem>>, %arg3: memref<2000x1xf32, #tpu.memory_space<vmem>>, %arg4: memref<2000x128xf32, #tpu.memory_space<vmem>>) attributes {dimension_semantics = [#tpu.dimension_semantics<arbitrary>], iteration_bounds = array<i64: 5>, scalar_prefetch = 0 : i64, scratch_operands = 0 : i64, tpu.core_type = #tpu.core_type<tc>, window_params = [{transform_indices = @transform_0, window_bounds = array<i64: 2000, 128>}, {pipeline_mode = #tpu.pipeline_mode<synchronous>, transform_indices = @transform_1, window_bounds = array<i64: 128, 128>}, {transform_indices = @transform_2, window_bounds = array<i64: 2000, 1>}, {transform_indices = @transform_3, window_bounds = array<i64: 2000, 128>}]} {
    %get3A = arith.constant 0 : index
    %get3A_0 = arith.constant 0 : index
    %get3A_1 = vector.load %arg1[%get3A, %get3A_0] : memref<2000x128xf32, #tpu.memory_space<vmem>>, vector<2000x128xf32>
    %get3A_2 = arith.constant 0 : index
    %get3A_3 = arith.constant 0 : index
    %get3A_4 = vector.load %arg2[%get3A_2, %get3A_3] : memref<128x128xf32, #tpu.memory_space<vmem>>, vector<128x128xf32>
    %dot_general3A = arith.constant dense<0.000000e+00> : vector<2000x128xf32>
    %dot_general3A_5 = tpu.matmul %get3A_1, %get3A_4, %dot_general3A {dimension_numbers = #tpu.dot_dimension_numbers<[1], [0], [0], [1], [0, 0, 1, 1], [], []>, transpose_lhs_hint = false} : vector<2000x128xf32>, vector<128x128xf32>, vector<2000x128xf32> -> vector<2000x128xf32>
    %get3A_6 = arith.constant 0 : index
    %get3A_7 = arith.constant 0 : index
    %get3A_8 = vector.load %arg3[%get3A_6, %get3A_7] : memref<2000x1xf32, #tpu.memory_space<vmem>>, vector<2000x1xf32>
    %mul3A = vector.broadcast %get3A_8 : vector<2000x1xf32> to vector<2000x128xf32>
    %mul3A_9 = arith.mulf %dot_general3A_5, %mul3A : vector<2000x128xf32>
    %swap3A = arith.constant 0 : index
    %swap3A_10 = arith.constant 0 : index
    %swap3A_11 = vector.load %arg4[%swap3A, %swap3A_10] : memref<2000x128xf32, #tpu.memory_space<vmem>>, vector<2000x128xf32>
    tpu.vector_store %arg4[%swap3A, %swap3A_10], %mul3A_9 {strides = array<i32>} : memref<2000x128xf32, #tpu.memory_space<vmem>>, vector<2000x128xf32>,
    return
  }
  func.func @transform_0(%arg0: i32) -> (i32, i32) {
    %c0_i32 = arith.constant 0 : i32
    %c0_i32_0 = arith.constant 0 : i32
    return %arg0, %c0_i32 : i32, i32
  }
  func.func @transform_1(%arg0: i32) -> (i32, i32) {
    %c0_i32 = arith.constant 0 : i32
    %c0_i32_0 = arith.constant 0 : i32
    %c0_i32_1 = arith.constant 0 : i32
    return %c0_i32, %c0_i32_0 : i32, i32
  }
  func.func @transform_2(%arg0: i32) -> (i32, i32) {
    %c0_i32 = arith.constant 0 : i32
    %c0_i32_0 = arith.constant 0 : i32
    return %arg0, %c0_i32 : i32, i32
  }
  func.func @transform_3(%arg0: i32) -> (i32, i32) {
    %c0_i32 = arith.constant 0 : i32
    %c0_i32_0 = arith.constant 0 : i32
    return %arg0, %c0_i32 : i32, i32
  }
}

module attributes {stable_mosaic.version = 14 : i64} {
  func.func @_step_body(%arg0: i32, %arg1: memref<2000x128xf32, #tpu.memory_space<vmem>>, %arg2: memref<2000x128xf32, #tpu.memory_space<vmem>>, %arg3: memref<2000x128xf32, #tpu.memory_space<vmem>>, %arg4: memref<2000x1xf32, #tpu.memory_space<vmem>>, %arg5: memref<1x128xf32, #tpu.memory_space<vmem>>, %arg6: memref<128x128xf32, #tpu.memory_space<vmem>>, %arg7: memref<2000x128xf32, #tpu.memory_space<vmem>>, %arg8: memref<1x128xf32, #tpu.memory_space<vmem>>) attributes {dimension_semantics = [#tpu.dimension_semantics<arbitrary>], iteration_bounds = array<i64: 5>, scalar_prefetch = 0 : i64, scratch_operands = 0 : i64, tpu.core_type = #tpu.core_type<tc>, window_params = [{transform_indices = @transform_0, window_bounds = array<i64: 2000, 128>}, {transform_indices = @transform_1, window_bounds = array<i64: 2000, 128>}, {transform_indices = @transform_2, window_bounds = array<i64: 2000, 128>}, {transform_indices = @transform_3, window_bounds = array<i64: 2000, 1>}, {pipeline_mode = #tpu.pipeline_mode<synchronous>, transform_indices = @transform_4, window_bounds = array<i64: 1, 128>}, {pipeline_mode = #tpu.pipeline_mode<synchronous>, transform_indices = @transform_5, window_bounds = array<i64: 128, 128>}, {transform_indices = @transform_6, window_bounds = array<i64: 2000, 128>}, {pipeline_mode = #tpu.pipeline_mode<synchronous>, transform_indices = @transform_7, window_bounds = array<i64: 1, 128>}]} {
    %get3A = arith.constant 0 : index
    %get3A_0 = arith.constant 0 : index
    %get3A_1 = vector.load %arg4[%get3A, %get3A_0] : memref<2000x1xf32, #tpu.memory_space<vmem>>, vector<2000x1xf32>
    %get3A_2 = arith.constant 0 : index
    %get3A_3 = arith.constant 0 : index
    %get3A_4 = vector.load %arg1[%get3A_2, %get3A_3] : memref<2000x128xf32, #tpu.memory_space<vmem>>, vector<2000x128xf32>
    %get3A_5 = arith.constant 0 : index
    %get3A_6 = arith.constant 0 : index
    %get3A_7 = vector.load %arg2[%get3A_5, %get3A_6] : memref<2000x128xf32, #tpu.memory_space<vmem>>, vector<2000x128xf32>
    %add3A = arith.addf %get3A_4, %get3A_7 : vector<2000x128xf32>
    %get3A_8 = arith.constant 0 : index
    %get3A_9 = arith.constant 0 : index
    %get3A_10 = vector.load %arg3[%get3A_8, %get3A_9] : memref<2000x128xf32, #tpu.memory_space<vmem>>, vector<2000x128xf32>
    %add3A_11 = arith.addf %add3A, %get3A_10 : vector<2000x128xf32>
    %mul3A = vector.broadcast %get3A_1 : vector<2000x1xf32> to vector<2000x128xf32>
    %mul3A_12 = arith.mulf %mul3A, %add3A_11 : vector<2000x128xf32>
    %get3A_13 = arith.constant 0 : index
    %get3A_14 = arith.constant 0 : index
    %get3A_15 = vector.load %arg5[%get3A_13, %get3A_14] : memref<1x128xf32, #tpu.memory_space<vmem>>, vector<1x128xf32>
    %add3A_16 = vector.broadcast %get3A_15 : vector<1x128xf32> to vector<2000x128xf32>
    %add3A_17 = arith.addf %mul3A_12, %add3A_16 : vector<2000x128xf32>
    %eq3A = arith.constant 0 : i32
    %eq3A_18 = arith.cmpi eq, %arg0, %eq3A : i32
    %convert_element_type3A = arith.extui %eq3A_18 : i1 to i32
    %cond3A = arith.constant 0 : i32
    %cond3A_19 = arith.cmpi ne, %convert_element_type3A, %cond3A : i32
    scf.if %cond3A_19 {
      %broadcast_in_dim3A_39 = arith.constant 0.000000e+00 : f32
      %broadcast_in_dim3A_40 = vector.broadcast %broadcast_in_dim3A_39 : f32 to vector<1x128xf32>
      %swap3A_41 = arith.constant 0 : index
      %swap3A_42 = arith.constant 0 : index
      %swap3A_43 = vector.load %arg8[%swap3A_41, %swap3A_42] : memref<1x128xf32, #tpu.memory_space<vmem>>, vector<1x128xf32>
      tpu.vector_store %arg8[%swap3A_41, %swap3A_42], %broadcast_in_dim3A_40 {strides = array<i32>} : memref<1x128xf32, #tpu.memory_space<vmem>>, vector<1x128xf32>,
    } else {
    }
    %get3A_20 = arith.constant 0 : index
    %get3A_21 = arith.constant 0 : index
    %get3A_22 = vector.load %arg8[%get3A_20, %get3A_21] : memref<1x128xf32, #tpu.memory_space<vmem>>, vector<1x128xf32>
    %reduce_sum3A = arith.constant dense<0.000000e+00> : vector<128xf32>
    %reduce_sum3A_23 = vector.multi_reduction <add>, %add3A_17, %reduce_sum3A [0] : vector<2000x128xf32> to vector<128xf32>
    %broadcast_in_dim3A = vector.shape_cast %reduce_sum3A_23 : vector<128xf32> to vector<1x128xf32>
    %add3A_24 = arith.addf %get3A_22, %broadcast_in_dim3A : vector<1x128xf32>
    %swap3A = arith.constant 0 : index
    %swap3A_25 = arith.constant 0 : index
    %swap3A_26 = vector.load %arg8[%swap3A, %swap3A_25] : memref<1x128xf32, #tpu.memory_space<vmem>>, vector<1x128xf32>
    tpu.vector_store %arg8[%swap3A, %swap3A_25], %add3A_24 {strides = array<i32>} : memref<1x128xf32, #tpu.memory_space<vmem>>, vector<1x128xf32>,
    %get3A_27 = arith.constant 0 : index
    %get3A_28 = arith.constant 0 : index
    %get3A_29 = vector.load %arg6[%get3A_27, %get3A_28] : memref<128x128xf32, #tpu.memory_space<vmem>>, vector<128x128xf32>
    %dot_general3A = arith.constant dense<0.000000e+00> : vector<2000x128xf32>
    %dot_general3A_30 = tpu.matmul %add3A_17, %get3A_29, %dot_general3A {dimension_numbers = #tpu.dot_dimension_numbers<[1], [0], [0], [1], [0, 0, 1, 1], [], []>, transpose_lhs_hint = false} : vector<2000x128xf32>, vector<128x128xf32>, vector<2000x128xf32> -> vector<2000x128xf32>
    %get3A_31 = arith.constant 0 : index
    %get3A_32 = arith.constant 0 : index
    %get3A_33 = vector.load %arg4[%get3A_31, %get3A_32] : memref<2000x1xf32, #tpu.memory_space<vmem>>, vector<2000x1xf32>
    %mul3A_34 = vector.broadcast %get3A_33 : vector<2000x1xf32> to vector<2000x128xf32>
    %mul3A_35 = arith.mulf %dot_general3A_30, %mul3A_34 : vector<2000x128xf32>
    %swap3A_36 = arith.constant 0 : index
    %swap3A_37 = arith.constant 0 : index
    %swap3A_38 = vector.load %arg7[%swap3A_36, %swap3A_37] : memref<2000x128xf32, #tpu.memory_space<vmem>>, vector<2000x128xf32>
    tpu.vector_store %arg7[%swap3A_36, %swap3A_37], %mul3A_35 {strides = array<i32>} : memref<2000x128xf32, #tpu.memory_space<vmem>>, vector<2000x128xf32>,
    return
  }
  func.func @transform_0(%arg0: i32) -> (i32, i32) {
    %c0_i32 = arith.constant 0 : i32
    %c0_i32_0 = arith.constant 0 : i32
    return %arg0, %c0_i32 : i32, i32
  }
  func.func @transform_1(%arg0: i32) -> (i32, i32) {
    %c0_i32 = arith.constant 0 : i32
    %c0_i32_0 = arith.constant 0 : i32
    return %arg0, %c0_i32 : i32, i32
  }
  func.func @transform_2(%arg0: i32) -> (i32, i32) {
    %c0_i32 = arith.constant 0 : i32
    %c0_i32_0 = arith.constant 0 : i32
    return %arg0, %c0_i32 : i32, i32
  }
  func.func @transform_3(%arg0: i32) -> (i32, i32) {
    %c0_i32 = arith.constant 0 : i32
    %c0_i32_0 = arith.constant 0 : i32
    return %arg0, %c0_i32 : i32, i32
  }
  func.func @transform_4(%arg0: i32) -> (i32, i32) {
    %c0_i32 = arith.constant 0 : i32
    %c0_i32_0 = arith.constant 0 : i32
    %c0_i32_1 = arith.constant 0 : i32
    return %c0_i32, %c0_i32_0 : i32, i32
  }
  func.func @transform_5(%arg0: i32) -> (i32, i32) {
    %c0_i32 = arith.constant 0 : i32
    %c0_i32_0 = arith.constant 0 : i32
    %c0_i32_1 = arith.constant 0 : i32
    return %c0_i32, %c0_i32_0 : i32, i32
  }
  func.func @transform_6(%arg0: i32) -> (i32, i32) {
    %c0_i32 = arith.constant 0 : i32
    %c0_i32_0 = arith.constant 0 : i32
    return %arg0, %c0_i32 : i32, i32
  }
  func.func @transform_7(%arg0: i32) -> (i32, i32) {
    %c0_i32 = arith.constant 0 : i32
    %c0_i32_0 = arith.constant 0 : i32
    %c0_i32_1 = arith.constant 0 : i32
    return %c0_i32, %c0_i32_0 : i32, i32
  }
}

module attributes {stable_mosaic.version = 14 : i64} {
  func.func @_colsum_body(%arg0: i32, %arg1: memref<2000x128xf32, #tpu.memory_space<vmem>>, %arg2: memref<2000x128xf32, #tpu.memory_space<vmem>>, %arg3: memref<2000x128xf32, #tpu.memory_space<vmem>>, %arg4: memref<2000x1xf32, #tpu.memory_space<vmem>>, %arg5: memref<1x128xf32, #tpu.memory_space<vmem>>, %arg6: memref<1x128xf32, #tpu.memory_space<vmem>>) attributes {dimension_semantics = [#tpu.dimension_semantics<arbitrary>], iteration_bounds = array<i64: 5>, scalar_prefetch = 0 : i64, scratch_operands = 0 : i64, tpu.core_type = #tpu.core_type<tc>, window_params = [{transform_indices = @transform_0, window_bounds = array<i64: 2000, 128>}, {transform_indices = @transform_1, window_bounds = array<i64: 2000, 128>}, {transform_indices = @transform_2, window_bounds = array<i64: 2000, 128>}, {transform_indices = @transform_3, window_bounds = array<i64: 2000, 1>}, {pipeline_mode = #tpu.pipeline_mode<synchronous>, transform_indices = @transform_4, window_bounds = array<i64: 1, 128>}, {pipeline_mode = #tpu.pipeline_mode<synchronous>, transform_indices = @transform_5, window_bounds = array<i64: 1, 128>}]} {
    %get3A = arith.constant 0 : index
    %get3A_0 = arith.constant 0 : index
    %get3A_1 = vector.load %arg4[%get3A, %get3A_0] : memref<2000x1xf32, #tpu.memory_space<vmem>>, vector<2000x1xf32>
    %get3A_2 = arith.constant 0 : index
    %get3A_3 = arith.constant 0 : index
    %get3A_4 = vector.load %arg1[%get3A_2, %get3A_3] : memref<2000x128xf32, #tpu.memory_space<vmem>>, vector<2000x128xf32>
    %get3A_5 = arith.constant 0 : index
    %get3A_6 = arith.constant 0 : index
    %get3A_7 = vector.load %arg2[%get3A_5, %get3A_6] : memref<2000x128xf32, #tpu.memory_space<vmem>>, vector<2000x128xf32>
    %add3A = arith.addf %get3A_4, %get3A_7 : vector<2000x128xf32>
    %get3A_8 = arith.constant 0 : index
    %get3A_9 = arith.constant 0 : index
    %get3A_10 = vector.load %arg3[%get3A_8, %get3A_9] : memref<2000x128xf32, #tpu.memory_space<vmem>>, vector<2000x128xf32>
    %add3A_11 = arith.addf %add3A, %get3A_10 : vector<2000x128xf32>
    %mul3A = vector.broadcast %get3A_1 : vector<2000x1xf32> to vector<2000x128xf32>
    %mul3A_12 = arith.mulf %mul3A, %add3A_11 : vector<2000x128xf32>
    %get3A_13 = arith.constant 0 : index
    %get3A_14 = arith.constant 0 : index
    %get3A_15 = vector.load %arg5[%get3A_13, %get3A_14] : memref<1x128xf32, #tpu.memory_space<vmem>>, vector<1x128xf32>
    %add3A_16 = vector.broadcast %get3A_15 : vector<1x128xf32> to vector<2000x128xf32>
    %add3A_17 = arith.addf %mul3A_12, %add3A_16 : vector<2000x128xf32>
    %eq3A = arith.constant 0 : i32
    %eq3A_18 = arith.cmpi eq, %arg0, %eq3A : i32
    %convert_element_type3A = arith.extui %eq3A_18 : i1 to i32
    %cond3A = arith.constant 0 : i32
    %cond3A_19 = arith.cmpi ne, %convert_element_type3A, %cond3A : i32
    scf.if %cond3A_19 {
      %broadcast_in_dim3A_27 = arith.constant 0.000000e+00 : f32
      %broadcast_in_dim3A_28 = vector.broadcast %broadcast_in_dim3A_27 : f32 to vector<1x128xf32>
      %swap3A_29 = arith.constant 0 : index
      %swap3A_30 = arith.constant 0 : index
      %swap3A_31 = vector.load %arg6[%swap3A_29, %swap3A_30] : memref<1x128xf32, #tpu.memory_space<vmem>>, vector<1x128xf32>
      tpu.vector_store %arg6[%swap3A_29, %swap3A_30], %broadcast_in_dim3A_28 {strides = array<i32>} : memref<1x128xf32, #tpu.memory_space<vmem>>, vector<1x128xf32>,
    } else {
    }
    %get3A_20 = arith.constant 0 : index
    %get3A_21 = arith.constant 0 : index
    %get3A_22 = vector.load %arg6[%get3A_20, %get3A_21] : memref<1x128xf32, #tpu.memory_space<vmem>>, vector<1x128xf32>
    %reduce_sum3A = arith.constant dense<0.000000e+00> : vector<128xf32>
    %reduce_sum3A_23 = vector.multi_reduction <add>, %add3A_17, %reduce_sum3A [0] : vector<2000x128xf32> to vector<128xf32>
    %broadcast_in_dim3A = vector.shape_cast %reduce_sum3A_23 : vector<128xf32> to vector<1x128xf32>
    %add3A_24 = arith.addf %get3A_22, %broadcast_in_dim3A : vector<1x128xf32>
    %swap3A = arith.constant 0 : index
    %swap3A_25 = arith.constant 0 : index
    %swap3A_26 = vector.load %arg6[%swap3A, %swap3A_25] : memref<1x128xf32, #tpu.memory_space<vmem>>, vector<1x128xf32>
    tpu.vector_store %arg6[%swap3A, %swap3A_25], %add3A_24 {strides = array<i32>} : memref<1x128xf32, #tpu.memory_space<vmem>>, vector<1x128xf32>,
    return
  }
  func.func @transform_0(%arg0: i32) -> (i32, i32) {
    %c0_i32 = arith.constant 0 : i32
    %c0_i32_0 = arith.constant 0 : i32
    return %arg0, %c0_i32 : i32, i32
  }
  func.func @transform_1(%arg0: i32) -> (i32, i32) {
    %c0_i32 = arith.constant 0 : i32
    %c0_i32_0 = arith.constant 0 : i32
    return %arg0, %c0_i32 : i32, i32
  }
  func.func @transform_2(%arg0: i32) -> (i32, i32) {
    %c0_i32 = arith.constant 0 : i32
    %c0_i32_0 = arith.constant 0 : i32
    return %arg0, %c0_i32 : i32, i32
  }
  func.func @transform_3(%arg0: i32) -> (i32, i32) {
    %c0_i32 = arith.constant 0 : i32
    %c0_i32_0 = arith.constant 0 : i32
    return %arg0, %c0_i32 : i32, i32
  }
  func.func @transform_4(%arg0: i32) -> (i32, i32) {
    %c0_i32 = arith.constant 0 : i32
    %c0_i32_0 = arith.constant 0 : i32
    %c0_i32_1 = arith.constant 0 : i32
    return %c0_i32, %c0_i32_0 : i32, i32
  }
  func.func @transform_5(%arg0: i32) -> (i32, i32) {
    %c0_i32 = arith.constant 0 : i32
    %c0_i32_0 = arith.constant 0 : i32
    %c0_i32_1 = arith.constant 0 : i32
    return %c0_i32, %c0_i32_0 : i32, i32
  }
}

</mosaic_0001>

<sc_bundles>
// kernel: kernel.12.cloned.1.call-start
scs
__scs_entry_jumppad:
0x0: {  	(pc) =	sbr.rel $0x88, $3  }
0x1: {  	(tag) =	ssettag $0x0;
	lr =	simm.s32 $0x1  }
0x2: {  	[smem:$0x3F97] =	sst lr;
	_ =	strace $0xD0000000  }
0x3: {  	_ = 	snop  }
0x4: {  	_ = 	snop  }
0x5: {  	_ = 	snop  }
0x6: {  	_ = 	snop  }
0x7: {  	_ = 	snop  }
__scs_overlays_trampoline_lowered:
0x8: {  	[smem:$0x3FA6] =	sst s0  }
0x9: {  	[smem:$0x3FA7] =	sst s1  }
0xa: {  	[smem:$0x3FA8] =	sst s2  }
0xb: {  	[smem:$0x3FA9] =	sst s3  }
0xc: {  	[smem:$0x3FAA] =	sst s4  }
0xd: {  	[smem:$0x3FAB] =	sst s5  }
0xe: {  	[smem:$0x3FAC] =	sst s6  }
0xf: {  	[smem:$0x3FAD] =	sst s7  }
0x10: {  	[smem:$0x3FAE] =	sst s8  }
0x11: {  	[smem:$0x3FAF] =	sst s9;
	s0 =	simm.s32 @!p0 $0x0  }
0x12: {  	s1 =	sld [smem:$0x3F95];
	s0 =	simm.s32 @p0 $0x1  }
0x13: {  	[smem:$0x3FB0] =	sst s0;
	s0 =	simm.s32 @!p1 $0x0  }
0x14: {  	s2 =	sld [smem:$0x3F94];
	s0 =	simm.s32 @p1 $0x1  }
0x15: {  	[smem:$0x3FB1] =	sst s0;
	s0 =	simm.s32 @!p2 $0x0  }
0x16: {  	s3 =	sld [smem:$0x3FDB];
	s0 =	simm.s32 @p2 $0x1  }
0x17: {  	s4 =	simm.s32 $0x1BF5;
	[smem:$0x3FB3] =	sst s0  }
0x18: {  	s0 =	sld [smem:$0x3F96];
	_ =	swait.ge [sflag:s4], $0x0  }
0x19: {  	s7 =	sld [smem:$0x3F97]  }
0x1a: {  	s8 =	sadd.s32 $0xFFFFE003, lr  }
0x1b: {  	s9 =	sadd.s32 $0xFFFFFEF7, lr;
	s5 =	simm.s32 $0xFFFFFFFF;
	p2 =	slt.u32 s8, $0xFFFFF086  }
0x1c: {  	p1 =	slt.u32 s9, $0xF7A;
	s5 =	simm.s32 @!p2 $0x0  }
0x1d: {  	s5 =	simm.s32 @p1 $0x1;
	p0 =	seq.s32 s7, s2  }
0x1e: {  	s7 =	smul.u32 @!p0 $0xF7A, s2;
	p2 =	seq.s32 @!p0 s5, $0x0  }
0x1f: {  	s9 =	smul.u32 $0xF7A, s1;
	s8 =	simm.s32 @!p0 $0x1BF5;
	p2 =	por !p2, p0  }
0x20: {  	[sflag:s8] =	ssyncset.s32 @!p0 $0xFFFFF086;
	s6 =	sadd.s32 @!p0 s3, s7;
	s7 =	simm.s32 @!p0 $0x108  }
0x21: {  	s3 =	sadd.s32 s3, s9;
	s6 =	sadd.s32 @!p0 $0x88, s6;
	s7 =	simm.s32 @p2 $0x1082  }
0x22: {  	[simem:s7], [sflag:s8] =	dma.local @!p0 [hbm:s6], $0xF7A  }
0x23: {  	s9 =	sor.u32 $0xD0000000, s2;
	s6 =	simm.s32 $0x108;
	_ =	swait.ge @!p0 [sflag:s8], $0x0  }
0x24: {  	s3 =	sadd.s32 $0x88, s3;
	s6 =	simm.s32 @!p1 $0x1082;
	[sflag:s4] =	ssyncset.s32 $0xFFFFF086  }
0x25: {  	[simem:s6], [sflag:s4] =	dma.local [hbm:s3], $0xF7A  }
0x26: {  	[smem:$0x3F97] =	sst s1;
	(tag) =	ssettag s2;
	_ =	strace s9  }
0x27: {  	s1 =	sld [smem:$0x3FA7]  }
0x28: {  	s2 =	sld [smem:$0x3FA8]  }
0x29: {  	s4 =	sld [smem:$0x3FAA]  }
0x2a: {  	p0 =	seq.s32 s5, $0x0;
	s5 =	sld [smem:$0x3FAB]  }
0x2b: {  	s6 =	sld [smem:$0x3FAC]  }
0x2c: {  	s7 =	sld [smem:$0x3FAD]  }
0x2d: {  	s3 =	simm.s32 $0x108;
	s8 =	sld [smem:$0x3FAE]  }
0x2e: {  	s3 =	simm.s32 @!p0 $0x1082;
	s9 =	sld [smem:$0x3FAF]  }
0x2f: {  	lr =	sadd.s32 s0, s3;
	s0 =	sld [smem:$0x3FA6]  }
0x30: {  	s3 =	sld [smem:$0x3FA9]  }
0x31: {  	[smem:$0x3FB2] =	sst s10  }
0x32: {  	s10 =	sld [smem:$0x3FB0];
	_ =	sdelay $0x3  }
0x33: {  	p0 =	seq.s32 s10, $0x1;
	s10 =	sld [smem:$0x3FB2];
	_ =	sdelay $0x3  }
0x34: {  	[smem:$0x3FB2] =	sst s10  }
0x35: {  	s10 =	sld [smem:$0x3FB1];
	_ =	sdelay $0x3  }
0x36: {  	p1 =	seq.s32 s10, $0x1;
	s10 =	sld [smem:$0x3FB2];
	_ =	sdelay $0x3  }
0x37: {  	[smem:$0x3FB2] =	sst s10  }
0x38: {  	s10 =	sld [smem:$0x3FB3]  }
0x39: {  	_ = 	snop;
	(pc) =	sbr.ind lr, $3  }
0x3a: {  	_ = 	snop  }
0x3b: {  	_ = 	snop  }
0x3c: {  	p2 =	seq.s32 s10, $0x1;
	s10 =	sld [smem:$0x3FB2]  }
0x3d: {  	_ =	shalt  }
0x3e: {  	_ =	shalt  }
0x3f: {  	_ =	shalt  }
0x40: {  	_ =	shalt  }
0x41: {  	_ =	shalt  }
0x42: {  	_ =	shalt  }
0x43: {  	_ =	shalt  }
0x44: {  	_ =	shalt  }
0x45: {  	_ =	shalt  }
0x46: {  	_ =	shalt  }
0x47: {  	_ =	shalt  }
0x48: {  	_ =	shalt  }
0x49: {  	_ =	shalt  }
0x4a: {  	_ =	shalt  }
0x4b: {  	_ =	shalt  }
0x4c: {  	_ =	shalt  }
0x4d: {  	_ =	shalt  }
0x4e: {  	_ =	shalt  }
0x4f: {  	_ =	shalt  }
0x50: {  	_ =	shalt  }
0x51: {  	_ =	shalt  }
0x52: {  	_ =	shalt  }
0x53: {  	_ =	shalt  }
0x54: {  	_ =	shalt  }
0x55: {  	_ =	shalt  }
0x56: {  	_ =	shalt  }
0x57: {  	_ =	shalt  }
0x58: {  	_ =	shalt  }
0x59: {  	_ =	shalt  }
0x5a: {  	_ =	shalt  }
0x5b: {  	_ =	shalt  }
0x5c: {  	_ =	shalt  }
0x5d: {  	_ =	shalt  }
0x5e: {  	_ =	shalt  }
0x5f: {  	_ =	shalt  }
0x60: {  	_ =	shalt  }
0x61: {  	_ =	shalt  }
0x62: {  	_ =	shalt  }
0x63: {  	_ =	shalt  }
0x64: {  	_ =	shalt  }
0x65: {  	_ =	shalt  }
0x66: {  	_ =	shalt  }
0x67: {  	_ =	shalt  }
0x68: {  	_ =	shalt  }
0x69: {  	_ =	shalt  }
0x6a: {  	_ =	shalt  }
0x6b: {  	_ =	shalt  }
0x6c: {  	_ =	shalt  }
0x6d: {  	_ =	shalt  }
0x6e: {  	_ =	shalt  }
0x6f: {  	_ =	shalt  }
0x70: {  	_ =	shalt  }
0x71: {  	_ =	shalt  }
0x72: {  	_ =	shalt  }
0x73: {  	_ =	shalt  }
0x74: {  	_ =	shalt  }
0x75: {  	_ =	shalt  }
0x76: {  	_ =	shalt  }
0x77: {  	_ =	shalt  }
0x78: {  	_ =	shalt  }
0x79: {  	_ =	shalt  }
0x7a: {  	_ =	shalt  }
0x7b: {  	_ =	shalt  }
0x7c: {  	_ =	shalt  }
0x7d: {  	_ =	shalt  }
0x7e: {  	_ =	shalt  }
0x7f: {  	_ =	shalt  }
0x80: {  	_ =	shalt  }
0x81: {  	_ =	shalt  }
0x82: {  	_ =	shalt  }
0x83: {  	_ =	shalt  }
0x84: {  	_ =	shalt  }
0x85: {  	_ =	shalt  }
0x86: {  	_ =	shalt  }
0x87: {  	_ =	shalt  }
.Lfunc_end0:
.L_simem_size_0:
called_computation_lowered:
.L_overlay_start_0:
0x88: {  	s2 =	sld [smem:$0x3FD9]  }
0x89: {  	s3 =	sld [smem:$0x3FFE];
	_ =	sdelay $0x1  }
0x8a: {  	s1 =	srdreg.scid  }
0x8b: {  	s0 =	sand.u32 $0x1, s1  }
0x8c: {  	s16 =	sshll.u32 s0, $0xA;
	s2 =	sadd.s32 s3, s2  }
0x8d: {  	s2 =	sadd.s32 s2, s16  }
0x8e: {  	[smem:$0x3FBE] =	sst s2  }
0x8f: {  	_ = 	snop  }
0x90: {  	(tm) =	ssettm $0x1  }
0x91: {  	s17 =	sld [smem:$0x3FFB];
	_ =	sdelay $0x3  }
0x92: {  	_ =	strace s17  }
0x93: {  	s2 =	sld [smem:$0x3FFC];
	_ =	sdelay $0x3  }
0x94: {  	_ =	strace s2  }
0x95: {  	s2 =	sld [smem:$0x3FFD];
	_ =	sdelay $0x3  }
0x96: {  	_ =	strace s2  }
0x97: {  	_ =	strace $0x8FFFFFFF  }
0x98: {  	s18 =	sld [smem:$0x3FDB];
	_ =	sdelay $0x1  }
0x99: {  	s19 =	simm.s32 $_scs_section_size  }
0x9a: {  	s4 =	simm.s32 $_size__tile_overlayer_lowered;
	s5 =	simm.s32 $_tile_overlayer_lowered  }
0x9b: {  	s22 =	simm.s32 $0x1BFF;
	s21 =	sshll.u32 s5, $0x1;
	s2 =	sadd.s32 s19, s18  }
0x9c: {  	s6 =	simm.s32 $0x0;
	s20 =	sshll.u32 s4, $0x1;
	s4 =	sadd.s32 s21, s2  }
0x9d: {  	[timem:s6], [sflag:s22] =	dma.local [hbm:s4], s20  }
0x9e: {  	_ =	swait.ge [sflag:s22], s20  }
0x9f: {  	s3 =	ssub.s32 $0x0, s20;
	[sflag:s22] =	ssyncset.done $0x0  }
0xa0: {  	[sflag:s22] =	ssyncadd.s32 s3;
	_ =	sdelay $0x1  }
0xa1: {  	s23 =	simm.s32 $0x1B8B  }
0xa2: {  	_ =	swait.ge [sflag:s23], $0x1  }
0xa3: {  	[sflag:s23] =	ssyncset.done $0x0  }
0xa4: {  	s25 =	simm.s32 $0x1B8E;
	s24 =	sld [smem:$0x3FFE];
	[sflag:s23] =	ssyncadd.s32 $0xFFFFFFFF  }
0xa5: {  	s26 =	simm.s32 $execute0_lowered;
	[smem:$0x3FD2] =	sst s25  }
0xa6: {  	s4 =	sshll.u32 s26, $0x1;
	_ =	strace $0x80000046;
	[dreg:$0x1] =	wrdreg $0xFFFFFFFF  }
0xa7: {  	s28 =	simm.s32 $_size_execute0_lowered;
	s2 =	sadd.s32 s2, s4;
	[dreg:$0x0] =	wrdreg $0x0  }
0xa8: {  	s4 =	sshll.u32 s28, $0x1;
	[dreg:$0x2] =	wrdreg s2  }
0xa9: {  	[dreg:$0x3] =	wrdreg s4  }
0xaa: {  	[dreg:$0x4] =	wrdreg $0xC0  }
0xab: {  	_ =	task [dreg:s6], $0x5FFFF  }
0xac: {  	[dreg:$0x1] =	wrdreg $0xFFFFFFFF  }
0xad: {  	[dreg:$0x0] =	wrdreg $0x60  }
0xae: {  	[dreg:$0x2] =	wrdreg s24  }
0xaf: {  	[dreg:$0x3] =	wrdreg $0x0  }
0xb0: {  	[dreg:$0x4] =	wrdreg $0x9  }
0xb1: {  	_ =	task.clear_ibuf [dreg:s6], $0x5FFFF;
	_ =	strace $0x90000046  }
0xb2: {  	s29 =	simm.s32 $0x9;
	_ =	strace $0x80000048  }
0xb3: {  	_ =	swait.ge [sflag:s29], $0x1  }
0xb4: {  	[sflag:s29] =	ssyncadd.s32 $0xFFFFFFFF  }
0xb5: {  	_ =	strace $0x90000048  }
0xb6: {  	_ =	sfence  }
0xb7: {  	s30 =	sld [smem:$0x0];
	_ =	sdelay $0x2  }
0xb8: {  	s31 =	sshll.u32 s1, $0xD;
	s1 =	sshrl.u32 s1, $0x2  }
0xb9: {  	s3 =	sand.u32 $0x4000, s31;
	s1 =	sadd.s32 s1, s30  }
0xba: {  	s0 =	sor.u32 s3, s0;
	s1 =	sshll.u32 s1, $0x11  }
0xbb: {  	s0 =	sor.u32 s1, s0  }
0xbc: {  	s0 =	sadd.s32 $0x8F2B, s0  }
0xbd: {  	[sflag:s0] =	ssyncadd.remote.s32 $0x1  }
0xbe: {  	_ =	sfence.sel $0xFFFF  }
0xbf: {  	[dreg:$0x0] =	wrdreg $0xFFFFFFFF;
	(pc) =	sbr.abs _section_cstart, $3  }
0xc0: {  	[dreg:$0x1] =	wrdreg $0xFFFFFFFF  }
0xc1: {  	_ =	task.clear_ibuf [dreg:s6], $0x2FFFF;
	_ =	strace $0x9FFFFFFF  }
0xc2: {  	(tm) =	ssettm $0x7FFFFFFF  }
0xc3: {  	_ =	shalt  }
tec
execute0_lowered:
.L_overlay_start_1:
0x0: {  	(tag) =	ssettag $0x1  }
0x1: {  	s3 =	rddreg [dreg:$0x0]  }
0x2: {  	s1 =	rddreg [dreg:$0x1]  }
0x3: {  	s0 =	rddreg [dreg:$0x2];
	s2 =	simm.s32 $0x0;
	s4 =	srdreg.scid  }
0x4: {  	s6 =	stileid.u32;
	s9 =	simm.s32 $0x278;
	s10 =	simm.s32 $0x6  }
0x5: {  	s11 =	simm.s32 $0x5;
	s12 =	simm.s32 $0x28;
	s13 =	simm.s32 $0x51F8  }
0x6: {  	s14 =	simm.s32 $0x29F8;
	s15 =	simm.s32 $0x5278;
	s16 =	simm.s32 $0x52F8  }
0x7: {  	s17 =	simm.s32 $0x5378;
	s18 =	simm.s32 $0x1;
	s19 =	simm.s32 $0x2  }
0x8: {  	s20 =	simm.s32 $0x3;
	s21 =	simm.s32 $0x4;
	s4 =	sand.u32 $0x1, s4  }
0x9: {  	s5 =	sshrl.u32 s6, $0x2;
	s7 =	sshll.u32 s6, $0x8;
	[smem:$0x7FF] =	sst s2  }
0xa: {  	p0 =	sne.s32 s6, $0x0;
	s6 =	simm.s32 $0x80;
	s5 =	smul.u32 $0x13C00, s5  }
0xb: {  	s8 =	sshll.u32 s4, $0x7;
	s7 =	sand.u32 $0x300, s7;
	_ =	strace $0x80000047  }
0xc: {  	s30 =	ssub.s32 $0x2, s4;
	s4 =	sshll.u32 s4, $0x4;
	s7 =	sor.u32 s8, s7  }
0xd: {  	s22 =	sshrl.u32 @!p0 s1, $0x3;
	s31 =	sshrl.u32 s30, $0x1;
	s5 =	sor.u32 s5, s7  }
0xe: {  	s4 =	sadd.s32 s4, s3;
	s8 =	simm.s32 $0x2A78;
	s5 =	sshrl.u32 s5, $0x3  }
0xf: {  	s7 =	ssub.s32 s30, s31;
	s4 =	sadd.s32 $0xFE00, s4;
	s5 =	sadd.s32 s5, s3  }
0x10: {  	v0 =	vimm.f32 $1.000000000e+00;
	v1 =	vimm.f32 $0.0e+00;
	s3 =	sadd.s32 $0x6000, s5;
	s5 =	smax.u32 s7, $0x1;
	s7 =	simm.s32 $0x400  }
.LBB2_1:
.Ltmp0:
0x11: {  	(pc) =	sbr.rel @p0 .LBB2_5-.Ltmp0, $4  }
0x12: {  	[tilespmem:s8], [sflag:$0x5] =	stream.strided.gather [hbm4b:s3+s6], $0x2780, s7, s6, $0x38;
	[tilespmem:$0x53F8] =	vst v63  }
0x13: {  	[tilespmem:$0x29F8] =	vst v0  }
0x14: {  	[tilespmem:$0x2A08] =	vst v0  }
0x15: {  	[tilespmem:$0x2A10] =	vst v0  }
0x16: {  	s23 =	simm.s32 $0x40;
	s24 =	simm.s32 $0x0  }
.LBB2_3:
0x17: {  	p1 =	sne.s32 s23, $0x9C40;
	[tilespmem:s24+$0x278] =	vst v1;
	s24 =	smov.u32 s23;
	s23 =	sadd.s32 $0x40, s23  }
.Ltmp1:
0x18: {  	(pc) =	sbr.rel @p1 .LBB2_3-.Ltmp1, $2  }
0x19: {  	_ =	sdelay $0x2  }
0x1a: {  	s24 =	sshra.s32 s24, $0x2  }
0x1b: {  	[tilespmem:s24+$0x278] =	vst v1  }
0x1c: {  	[spmem:s1] =	stream.linear.scatter [tilespmem:s9], [sflag:$0x6], $0x2780, $0x38;
	[tilespmem:$0x53F8] =	vst v63  }
0x1d: {  	_ =	swait.ge [sflag:s10], $0x2780  }
0x1e: {  	[sflag:s10] =	ssyncset.done $0x0  }
0x1f: {  	[sflag:s10] =	ssyncadd.s32 $0xFFFFD880  }
.LBB2_5:
0x20: {  	_ =	swait.ge [sflag:s11], $0x2780  }
0x21: {  	[sflag:s11] =	ssyncset.done $0x0  }
0x22: {  	[sflag:s11] =	ssyncadd.s32 $0xFFFFD880  }
0x23: {  	[bflag:$0x0] =	sbarrier.arrive $0xFFFF  }
0x24: {  	v2 =	vld [tilespmem:$0x2A78]  }
0x25: {  	v3 =	vld [tilespmem:$0x2A88]  }
0x26: {  	v4 =	vld [tilespmem:$0x2A90];
	_ =	sdelay $0x2  }
0x27: {  	[tilespmem:$0x51F8] =	vst v2  }
0x28: {  	[tilespmem:$0x5208] =	vst v3  }
0x29: {  	[tilespmem:$0x5210] =	vst v4  }
0x2a: {  	[spmem:s1] =	stream.indirect.scatter.add.f32 [tilespmem:s14], [sflag:$0x1], $0x1, s13, s12, $0xb8;
	[tilespmem:$0x53F8] =	vst v63  }
0x2b: {  	v2 =	vld [tilespmem:$0x2AA0]  }
0x2c: {  	v3 =	vld [tilespmem:$0x2AB0]  }
0x2d: {  	v61 =	vld [tilespmem:$0x2AB8];
	_ =	sdelay $0x2  }
0x2e: {  	[tilespmem:$0x5278] =	vst v2  }
0x2f: {  	[tilespmem:$0x5288] =	vst v3  }
0x30: {  	[tilespmem:$0x5290] =	vst v61  }
0x31: {  	[spmem:s1] =	stream.indirect.scatter.add.f32 [tilespmem:s14], [sflag:$0x2], $0x1, s15, s12, $0xb8;
	[tilespmem:$0x53F8] =	vst v63  }
0x32: {  	v2 =	vld [tilespmem:$0x2AC8]  }
0x33: {  	v3 =	vld [tilespmem:$0x2AD8]  }
0x34: {  	v62 =	vld [tilespmem:$0x2AE0];
	_ =	sdelay $0x2  }
0x35: {  	[tilespmem:$0x52F8] =	vst v2  }
0x36: {  	[tilespmem:$0x5308] =	vst v3  }
0x37: {  	[tilespmem:$0x5310] =	vst v62  }
0x38: {  	[spmem:s1] =	stream.indirect.scatter.add.f32 [tilespmem:s14], [sflag:$0x3], $0x1, s16, s12, $0xb8;
	[tilespmem:$0x53F8] =	vst v63  }
0x39: {  	v2 =	vld [tilespmem:$0x2AF0]  }
0x3a: {  	v3 =	vld [tilespmem:$0x2B00]  }
0x3b: {  	v63 =	vld [tilespmem:$0x2B08];
	_ =	sdelay $0x2  }
0x3c: {  	[tilespmem:$0x5378] =	vst v2  }
0x3d: {  	[tilespmem:$0x5388] =	vst v3  }
0x3e: {  	[tilespmem:$0x5390] =	vst v63  }
0x3f: {  	[spmem:s1] =	stream.indirect.scatter.add.f32 [tilespmem:s14], [sflag:$0x4], $0x1, s17, s12, $0xb8;
	[tilespmem:$0x53F8] =	vst v63  }
0x40: {  	_ =	swait.ge [sflag:s18], $0x28  }
0x41: {  	[sflag:s18] =	ssyncset.done $0x0  }
0x42: {  	s23 =	simm.s32 $0x130;
	[sflag:s18] =	ssyncadd.s32 $0xFFFFFFD8  }
0x43: {  	v2 =	vld [tilespmem:s23+$0x29E8];
	_ =	sdelay $0x4  }
0x44: {  	[tilespmem:$0x51F8] =	vst v2  }
0x45: {  	v2 =	vld [tilespmem:s23+$0x29F8];
	_ =	sdelay $0x4  }
0x46: {  	[tilespmem:$0x5208] =	vst v2  }
0x47: {  	v2 =	vld [tilespmem:s23+$0x2A00];
	_ =	sdelay $0x4  }
0x48: {  	[tilespmem:$0x5210] =	vst v2  }
0x49: {  	[spmem:s1] =	stream.indirect.scatter.add.f32 [tilespmem:s14], [sflag:$0x1], $0x1, s13, s12, $0xb8;
	[tilespmem:$0x53F8] =	vst v63  }
0x4a: {  	_ =	swait.ge [sflag:s19], $0x28  }
0x4b: {  	[sflag:s19] =	ssyncset.done $0x0  }
0x4c: {  	[sflag:s19] =	ssyncadd.s32 $0xFFFFFFD8  }
0x4d: {  	v2 =	vld [tilespmem:s23+$0x2A10];
	_ =	sdelay $0x4  }
0x4e: {  	[tilespmem:$0x5278] =	vst v2  }
0x4f: {  	v2 =	vld [tilespmem:s23+$0x2A20];
	_ =	sdelay $0x4  }
0x50: {  	[tilespmem:$0x5288] =	vst v2  }
0x51: {  	v2 =	vld [tilespmem:s23+$0x2A28];
	_ =	sdelay $0x4  }
0x52: {  	[tilespmem:$0x5290] =	vst v2  }
0x53: {  	[spmem:s1] =	stream.indirect.scatter.add.f32 [tilespmem:s14], [sflag:$0x2], $0x1, s15, s12, $0xb8;
	[tilespmem:$0x53F8] =	vst v63  }
0x54: {  	_ =	swait.ge [sflag:s20], $0x28  }
0x55: {  	[sflag:s20] =	ssyncset.done $0x0  }
0x56: {  	[sflag:s20] =	ssyncadd.s32 $0xFFFFFFD8  }
0x57: {  	v2 =	vld [tilespmem:s23+$0x2A38];
	_ =	sdelay $0x4  }
0x58: {  	[tilespmem:$0x52F8] =	vst v2  }
0x59: {  	v2 =	vld [tilespmem:s23+$0x2A48];
	_ =	sdelay $0x4  }
0x5a: {  	[tilespmem:$0x5308] =	vst v2  }
0x5b: {  	v2 =	vld [tilespmem:s23+$0x2A50];
	_ =	sdelay $0x4  }
0x5c: {  	[tilespmem:$0x5310] =	vst v2  }
0x5d: {  	[spmem:s1] =	stream.indirect.scatter.add.f32 [tilespmem:s14], [sflag:$0x3], $0x1, s16, s12, $0xb8;
	[tilespmem:$0x53F8] =	vst v63  }
0x5e: {  	_ =	swait.ge [sflag:s21], $0x28  }
0x5f: {  	[sflag:s21] =	ssyncset.done $0x0  }
0x60: {  	[sflag:s21] =	ssyncadd.s32 $0xFFFFFFD8  }
0x61: {  	v2 =	vld [tilespmem:s23+$0x2A60];
	_ =	sdelay $0x4  }
0x62: {  	[tilespmem:$0x5378] =	vst v2  }
0x63: {  	v2 =	vld [tilespmem:s23+$0x2A70];
	_ =	sdelay $0x4  }
0x64: {  	[tilespmem:$0x5388] =	vst v2  }
0x65: {  	v2 =	vld [tilespmem:s23+$0x2A78];
	_ =	sdelay $0x4  }
0x66: {  	s23 =	simm.s32 $0x740;
	[tilespmem:$0x5390] =	vst v2  }
.LBB2_6:
0x67: {  	[spmem:s1] =	stream.indirect.scatter.add.f32 [tilespmem:s14], [sflag:$0x4], $0x1, s17, s12, $0xb8;
	[tilespmem:$0x53F8] =	vst v63  }
0x68: {  	s24 =	smov.u32 s23  }
0x69: {  	p1 =	sne.s32 s23, $0x9D40;
	s23 =	sadd.s32 $0x280, s23;
	_ =	swait.ge [sflag:s18], $0x28  }
0x6a: {  	[sflag:s18] =	ssyncset.done $0x0  }
0x6b: {  	s24 =	sshra.s32 s24, $0x2;
	[sflag:s18] =	ssyncadd.s32 $0xFFFFFFD8  }
0x6c: {  	v2 =	vld [tilespmem:s24+$0x29E8];
	_ =	sdelay $0x4  }
0x6d: {  	[tilespmem:$0x51F8] =	vst v2  }
0x6e: {  	v2 =	vld [tilespmem:s24+$0x29F8];
	_ =	sdelay $0x4  }
0x6f: {  	[tilespmem:$0x5208] =	vst v2  }
0x70: {  	v2 =	vld [tilespmem:s24+$0x2A00];
	_ =	sdelay $0x4  }
0x71: {  	[tilespmem:$0x5210] =	vst v2  }
0x72: {  	[spmem:s1] =	stream.indirect.scatter.add.f32 [tilespmem:s14], [sflag:$0x1], $0x1, s13, s12, $0xb8;
	[tilespmem:$0x53F8] =	vst v63  }
0x73: {  	_ =	swait.ge [sflag:s19], $0x28  }
0x74: {  	[sflag:s19] =	ssyncset.done $0x0  }
0x75: {  	[sflag:s19] =	ssyncadd.s32 $0xFFFFFFD8  }
0x76: {  	v2 =	vld [tilespmem:s24+$0x2A10];
	_ =	sdelay $0x4  }
0x77: {  	[tilespmem:$0x5278] =	vst v2  }
0x78: {  	v2 =	vld [tilespmem:s24+$0x2A20];
	_ =	sdelay $0x4  }
0x79: {  	[tilespmem:$0x5288] =	vst v2  }
0x7a: {  	v2 =	vld [tilespmem:s24+$0x2A28];
	_ =	sdelay $0x4  }
0x7b: {  	[tilespmem:$0x5290] =	vst v2  }
0x7c: {  	[spmem:s1] =	stream.indirect.scatter.add.f32 [tilespmem:s14], [sflag:$0x2], $0x1, s15, s12, $0xb8;
	[tilespmem:$0x53F8] =	vst v63  }
0x7d: {  	_ =	swait.ge [sflag:s20], $0x28  }
0x7e: {  	[sflag:s20] =	ssyncset.done $0x0  }
0x7f: {  	[sflag:s20] =	ssyncadd.s32 $0xFFFFFFD8  }
0x80: {  	v2 =	vld [tilespmem:s24+$0x2A38];
	_ =	sdelay $0x4  }
0x81: {  	[tilespmem:$0x52F8] =	vst v2  }
0x82: {  	v2 =	vld [tilespmem:s24+$0x2A48];
	_ =	sdelay $0x4  }
0x83: {  	[tilespmem:$0x5308] =	vst v2  }
0x84: {  	v2 =	vld [tilespmem:s24+$0x2A50];
	_ =	sdelay $0x4  }
0x85: {  	[tilespmem:$0x5310] =	vst v2  }
0x86: {  	[spmem:s1] =	stream.indirect.scatter.add.f32 [tilespmem:s14], [sflag:$0x3], $0x1, s16, s12, $0xb8;
	[tilespmem:$0x53F8] =	vst v63  }
0x87: {  	_ =	swait.ge [sflag:s21], $0x28  }
0x88: {  	[sflag:s21] =	ssyncset.done $0x0  }
0x89: {  	[sflag:s21] =	ssyncadd.s32 $0xFFFFFFD8  }
0x8a: {  	v2 =	vld [tilespmem:s24+$0x2A60];
	_ =	sdelay $0x4  }
0x8b: {  	[tilespmem:$0x5378] =	vst v2  }
0x8c: {  	v2 =	vld [tilespmem:s24+$0x2A70];
	_ =	sdelay $0x4  }
0x8d: {  	[tilespmem:$0x5388] =	vst v2  }
0x8e: {  	v2 =	vld [tilespmem:s24+$0x2A78]  }
.Ltmp2:
0x8f: {  	(pc) =	sbr.rel @p1 .LBB2_6-.Ltmp2, $2  }
0x90: {  	_ =	sdelay $0x2  }
0x91: {  	[tilespmem:$0x5390] =	vst v2  }
0x92: {  	[spmem:s1] =	stream.indirect.scatter.add.f32 [tilespmem:s14], [sflag:$0x4], $0x1, s17, s12, $0xb8;
	[tilespmem:$0x53F8] =	vst v63  }
0x93: {  	_ =	swait.ge [sflag:s18], $0x28  }
0x94: {  	[sflag:s18] =	ssyncset.done $0x0  }
0x95: {  	[sflag:s18] =	ssyncadd.s32 $0xFFFFFFD8  }
0x96: {  	_ =	swait.ge [sflag:s19], $0x28  }
0x97: {  	[sflag:s19] =	ssyncset.done $0x0  }
0x98: {  	[sflag:s19] =	ssyncadd.s32 $0xFFFFFFD8  }
0x99: {  	_ =	swait.ge [sflag:s20], $0x28  }
0x9a: {  	[sflag:s20] =	ssyncset.done $0x0  }
0x9b: {  	[sflag:s20] =	ssyncadd.s32 $0xFFFFFFD8  }
0x9c: {  	_ =	swait.ge [sflag:s21], $0x28  }
0x9d: {  	s23 =	simm.s32 @!p0 $0x1;
	s24 =	simm.s32 @!p0 $0x20;
	[sflag:s21] =	ssyncset.done $0x0  }
0x9e: {  	s25 =	simm.s32 @!p0 $0x10;
	s2 =	sadd.s32 $0x1, s2;
	[sflag:s21] =	ssyncadd.s32 $0xFFFFFFD8  }
0x9f: {  	s26 =	simm.s32 @!p0 $0x1C06;
	p1 =	sne.s32 s2, s5;
	[bflag:$0x0] =	sbarrier.arrive $0xFFFF  }
0xa0: {  	[hbm:s4@s24], [sflag:s26] =	dma.strided @!p0 [spmem:s22@s25], $0x4F0, s23, $0x10   }
.Ltmp3:
0xa1: {  	_ = 	snop;
	(pc) =	sbr.rel @p1 .LBB2_1-.Ltmp3, $4  }
0xa2: {  	s23 =	simm.s32 @!p0 $0x6  }
0xa3: {  	_ =	swait.ge @!p0 [sflag:s23], $0x4F0  }
0xa4: {  	[sflag:s23] =	ssyncset.done @!p0 $0x0  }
0xa5: {  	[sflag:s23] =	ssyncadd.s32 @!p0 $0xFFFFFB10  }
0xa6: {  	_ =	sfence.sel $0x180000  }
0xa7: {  	[bflag:$0x0] =	sbarrier.arrive $0xFFFF  }
0xa8: {  	_ =	strace $0x90000047  }
0xa9: {  	s0 =	sadd.s32 @!p0 $0x100000, s0;
	[bflag:$0x2] =	sbarrier.arrive $0xFFFF  }
0xaa: {  	[sflag:s0] =	ssyncadd.tile.s32 @!p0 $0x1;
	_ =	shalt  }
.Lfunc_end2:
_tile_overlayer_lowered:
.L_overlay_start_2:
0xab: {  	(tag) =	ssettag $0x2  }
0xac: {  	s0 =	rddreg [dreg:$0x0];
	s2 =	stileid.u32  }
0xad: {  	s1 =	rddreg [dreg:$0x1];
	p0 =	sne.s32 s2, $0x0  }
0xae: {  	s3 =	rddreg [dreg:$0x2];
	[bflag:$0x3] =	sbarrier.arrive $0xFFFF;
	s2 =	simm.s32 @!p0 $0x1C06  }
0xaf: {  	[timem:s3], [sflag:s2] =	dma.local @!p0 [hbm:s0], s1  }
0xb0: {  	s0 =	simm.s32 @!p0 $0x6  }
0xb1: {  	_ =	swait.ge @!p0 [sflag:s0], s1  }
0xb2: {  	s1 =	ssub.s32 @!p0 $0x0, s1;
	[sflag:s0] =	ssyncset.done @!p0 $0x0  }
0xb3: {  	[sflag:s0] =	ssyncadd.s32 @!p0 s1  }
0xb4: {  	[bflag:$0x3] =	sbarrier.arrive $0xFFFF  }
0xb5: {  	_ =	shalt  }

// kernel: kernel.15.cloned.1.call-start
scs
__scs_entry_jumppad:
0x0: {  	(pc) =	sbr.rel $0x88, $3  }
0x1: {  	(tag) =	ssettag $0x0;
	lr =	simm.s32 $0x1  }
0x2: {  	[smem:$0x3F97] =	sst lr;
	_ =	strace $0xD0000000  }
0x3: {  	_ = 	snop  }
0x4: {  	_ = 	snop  }
0x5: {  	_ = 	snop  }
0x6: {  	_ = 	snop  }
0x7: {  	_ = 	snop  }
__scs_overlays_trampoline_lowered:
0x8: {  	[smem:$0x3FA6] =	sst s0  }
0x9: {  	[smem:$0x3FA7] =	sst s1  }
0xa: {  	[smem:$0x3FA8] =	sst s2  }
0xb: {  	[smem:$0x3FA9] =	sst s3  }
0xc: {  	[smem:$0x3FAA] =	sst s4  }
0xd: {  	[smem:$0x3FAB] =	sst s5  }
0xe: {  	[smem:$0x3FAC] =	sst s6  }
0xf: {  	[smem:$0x3FAD] =	sst s7  }
0x10: {  	[smem:$0x3FAE] =	sst s8  }
0x11: {  	[smem:$0x3FAF] =	sst s9;
	s0 =	simm.s32 @!p0 $0x0  }
0x12: {  	s1 =	sld [smem:$0x3F95];
	s0 =	simm.s32 @p0 $0x1  }
0x13: {  	[smem:$0x3FB0] =	sst s0;
	s0 =	simm.s32 @!p1 $0x0  }
0x14: {  	s2 =	sld [smem:$0x3F94];
	s0 =	simm.s32 @p1 $0x1  }
0x15: {  	[smem:$0x3FB1] =	sst s0;
	s0 =	simm.s32 @!p2 $0x0  }
0x16: {  	s3 =	sld [smem:$0x3FDB];
	s0 =	simm.s32 @p2 $0x1  }
0x17: {  	s4 =	simm.s32 $0x1BF5;
	[smem:$0x3FB3] =	sst s0  }
0x18: {  	s0 =	sld [smem:$0x3F96];
	_ =	swait.ge [sflag:s4], $0x0  }
0x19: {  	s7 =	sld [smem:$0x3F97]  }
0x1a: {  	s8 =	sadd.s32 $0xFFFFE003, lr  }
0x1b: {  	s9 =	sadd.s32 $0xFFFFFEF7, lr;
	s5 =	simm.s32 $0xFFFFFFFF;
	p2 =	slt.u32 s8, $0xFFFFF086  }
0x1c: {  	p1 =	slt.u32 s9, $0xF7A;
	s5 =	simm.s32 @!p2 $0x0  }
0x1d: {  	s5 =	simm.s32 @p1 $0x1;
	p0 =	seq.s32 s7, s2  }
0x1e: {  	s7 =	smul.u32 @!p0 $0xF7A, s2;
	p2 =	seq.s32 @!p0 s5, $0x0  }
0x1f: {  	s9 =	smul.u32 $0xF7A, s1;
	s8 =	simm.s32 @!p0 $0x1BF5;
	p2 =	por !p2, p0  }
0x20: {  	[sflag:s8] =	ssyncset.s32 @!p0 $0xFFFFF086;
	s6 =	sadd.s32 @!p0 s3, s7;
	s7 =	simm.s32 @!p0 $0x108  }
0x21: {  	s3 =	sadd.s32 s3, s9;
	s6 =	sadd.s32 @!p0 $0x88, s6;
	s7 =	simm.s32 @p2 $0x1082  }
0x22: {  	[simem:s7], [sflag:s8] =	dma.local @!p0 [hbm:s6], $0xF7A  }
0x23: {  	s9 =	sor.u32 $0xD0000000, s2;
	s6 =	simm.s32 $0x108;
	_ =	swait.ge @!p0 [sflag:s8], $0x0  }
0x24: {  	s3 =	sadd.s32 $0x88, s3;
	s6 =	simm.s32 @!p1 $0x1082;
	[sflag:s4] =	ssyncset.s32 $0xFFFFF086  }
0x25: {  	[simem:s6], [sflag:s4] =	dma.local [hbm:s3], $0xF7A  }
0x26: {  	[smem:$0x3F97] =	sst s1;
	(tag) =	ssettag s2;
	_ =	strace s9  }
0x27: {  	s1 =	sld [smem:$0x3FA7]  }
0x28: {  	s2 =	sld [smem:$0x3FA8]  }
0x29: {  	s4 =	sld [smem:$0x3FAA]  }
0x2a: {  	p0 =	seq.s32 s5, $0x0;
	s5 =	sld [smem:$0x3FAB]  }
0x2b: {  	s6 =	sld [smem:$0x3FAC]  }
0x2c: {  	s7 =	sld [smem:$0x3FAD]  }
0x2d: {  	s3 =	simm.s32 $0x108;
	s8 =	sld [smem:$0x3FAE]  }
0x2e: {  	s3 =	simm.s32 @!p0 $0x1082;
	s9 =	sld [smem:$0x3FAF]  }
0x2f: {  	lr =	sadd.s32 s0, s3;
	s0 =	sld [smem:$0x3FA6]  }
0x30: {  	s3 =	sld [smem:$0x3FA9]  }
0x31: {  	[smem:$0x3FB2] =	sst s10  }
0x32: {  	s10 =	sld [smem:$0x3FB0];
	_ =	sdelay $0x3  }
0x33: {  	p0 =	seq.s32 s10, $0x1;
	s10 =	sld [smem:$0x3FB2];
	_ =	sdelay $0x3  }
0x34: {  	[smem:$0x3FB2] =	sst s10  }
0x35: {  	s10 =	sld [smem:$0x3FB1];
	_ =	sdelay $0x3  }
0x36: {  	p1 =	seq.s32 s10, $0x1;
	s10 =	sld [smem:$0x3FB2];
	_ =	sdelay $0x3  }
0x37: {  	[smem:$0x3FB2] =	sst s10  }
0x38: {  	s10 =	sld [smem:$0x3FB3]  }
0x39: {  	_ = 	snop;
	(pc) =	sbr.ind lr, $3  }
0x3a: {  	_ = 	snop  }
0x3b: {  	_ = 	snop  }
0x3c: {  	p2 =	seq.s32 s10, $0x1;
	s10 =	sld [smem:$0x3FB2]  }
0x3d: {  	_ =	shalt  }
0x3e: {  	_ =	shalt  }
0x3f: {  	_ =	shalt  }
0x40: {  	_ =	shalt  }
0x41: {  	_ =	shalt  }
0x42: {  	_ =	shalt  }
0x43: {  	_ =	shalt  }
0x44: {  	_ =	shalt  }
0x45: {  	_ =	shalt  }
0x46: {  	_ =	shalt  }
0x47: {  	_ =	shalt  }
0x48: {  	_ =	shalt  }
0x49: {  	_ =	shalt  }
0x4a: {  	_ =	shalt  }
0x4b: {  	_ =	shalt  }
0x4c: {  	_ =	shalt  }
0x4d: {  	_ =	shalt  }
0x4e: {  	_ =	shalt  }
0x4f: {  	_ =	shalt  }
0x50: {  	_ =	shalt  }
0x51: {  	_ =	shalt  }
0x52: {  	_ =	shalt  }
0x53: {  	_ =	shalt  }
0x54: {  	_ =	shalt  }
0x55: {  	_ =	shalt  }
0x56: {  	_ =	shalt  }
0x57: {  	_ =	shalt  }
0x58: {  	_ =	shalt  }
0x59: {  	_ =	shalt  }
0x5a: {  	_ =	shalt  }
0x5b: {  	_ =	shalt  }
0x5c: {  	_ =	shalt  }
0x5d: {  	_ =	shalt  }
0x5e: {  	_ =	shalt  }
0x5f: {  	_ =	shalt  }
0x60: {  	_ =	shalt  }
0x61: {  	_ =	shalt  }
0x62: {  	_ =	shalt  }
0x63: {  	_ =	shalt  }
0x64: {  	_ =	shalt  }
0x65: {  	_ =	shalt  }
0x66: {  	_ =	shalt  }
0x67: {  	_ =	shalt  }
0x68: {  	_ =	shalt  }
0x69: {  	_ =	shalt  }
0x6a: {  	_ =	shalt  }
0x6b: {  	_ =	shalt  }
0x6c: {  	_ =	shalt  }
0x6d: {  	_ =	shalt  }
0x6e: {  	_ =	shalt  }
0x6f: {  	_ =	shalt  }
0x70: {  	_ =	shalt  }
0x71: {  	_ =	shalt  }
0x72: {  	_ =	shalt  }
0x73: {  	_ =	shalt  }
0x74: {  	_ =	shalt  }
0x75: {  	_ =	shalt  }
0x76: {  	_ =	shalt  }
0x77: {  	_ =	shalt  }
0x78: {  	_ =	shalt  }
0x79: {  	_ =	shalt  }
0x7a: {  	_ =	shalt  }
0x7b: {  	_ =	shalt  }
0x7c: {  	_ =	shalt  }
0x7d: {  	_ =	shalt  }
0x7e: {  	_ =	shalt  }
0x7f: {  	_ =	shalt  }
0x80: {  	_ =	shalt  }
0x81: {  	_ =	shalt  }
0x82: {  	_ =	shalt  }
0x83: {  	_ =	shalt  }
0x84: {  	_ =	shalt  }
0x85: {  	_ =	shalt  }
0x86: {  	_ =	shalt  }
0x87: {  	_ =	shalt  }
.Lfunc_end0:
.L_simem_size_0:
called_computation.1_lowered:
.L_overlay_start_0:
0x88: {  	s2 =	sld [smem:$0x3FD9]  }
0x89: {  	s3 =	sld [smem:$0x3FFE];
	_ =	sdelay $0x1  }
0x8a: {  	s1 =	srdreg.scid  }
0x8b: {  	s0 =	sand.u32 $0x1, s1  }
0x8c: {  	s16 =	sshll.u32 s0, $0xA;
	s2 =	sadd.s32 s3, s2  }
0x8d: {  	s2 =	sadd.s32 s2, s16  }
0x8e: {  	[smem:$0x3FBE] =	sst s2  }
0x8f: {  	_ = 	snop  }
0x90: {  	(tm) =	ssettm $0x1  }
0x91: {  	s17 =	sld [smem:$0x3FFB];
	_ =	sdelay $0x3  }
0x92: {  	_ =	strace s17  }
0x93: {  	s2 =	sld [smem:$0x3FFC];
	_ =	sdelay $0x3  }
0x94: {  	_ =	strace s2  }
0x95: {  	s2 =	sld [smem:$0x3FFD];
	_ =	sdelay $0x3  }
0x96: {  	_ =	strace s2  }
0x97: {  	_ =	strace $0x8FFFFFFF  }
0x98: {  	s18 =	sld [smem:$0x3FDB];
	_ =	sdelay $0x1  }
0x99: {  	s19 =	simm.s32 $_scs_section_size  }
0x9a: {  	s4 =	simm.s32 $_size__tile_overlayer_lowered;
	s5 =	simm.s32 $_tile_overlayer_lowered  }
0x9b: {  	s22 =	simm.s32 $0x1BFF;
	s21 =	sshll.u32 s5, $0x1;
	s2 =	sadd.s32 s19, s18  }
0x9c: {  	s6 =	simm.s32 $0x0;
	s20 =	sshll.u32 s4, $0x1;
	s4 =	sadd.s32 s21, s2  }
0x9d: {  	[timem:s6], [sflag:s22] =	dma.local [hbm:s4], s20  }
0x9e: {  	_ =	swait.ge [sflag:s22], s20  }
0x9f: {  	s3 =	ssub.s32 $0x0, s20;
	[sflag:s22] =	ssyncset.done $0x0  }
0xa0: {  	[sflag:s22] =	ssyncadd.s32 s3;
	_ =	sdelay $0x1  }
0xa1: {  	s23 =	simm.s32 $0x1B8B  }
0xa2: {  	_ =	swait.ge [sflag:s23], $0x1  }
0xa3: {  	[sflag:s23] =	ssyncset.done $0x0  }
0xa4: {  	s25 =	simm.s32 $0x1B8E;
	s24 =	sld [smem:$0x3FFE];
	[sflag:s23] =	ssyncadd.s32 $0xFFFFFFFF  }
0xa5: {  	s26 =	simm.s32 $execute0_lowered;
	[smem:$0x3FD2] =	sst s25  }
0xa6: {  	s4 =	sshll.u32 s26, $0x1;
	_ =	strace $0x80000049;
	[dreg:$0x1] =	wrdreg $0xFFFFFFFF  }
0xa7: {  	s28 =	simm.s32 $_size_execute0_lowered;
	s2 =	sadd.s32 s2, s4;
	[dreg:$0x0] =	wrdreg $0x0  }
0xa8: {  	s4 =	sshll.u32 s28, $0x1;
	[dreg:$0x2] =	wrdreg s2  }
0xa9: {  	[dreg:$0x3] =	wrdreg s4  }
0xaa: {  	[dreg:$0x4] =	wrdreg $0xC0  }
0xab: {  	_ =	task [dreg:s6], $0x5FFFF  }
0xac: {  	[dreg:$0x1] =	wrdreg $0xFFFFFFFF  }
0xad: {  	[dreg:$0x0] =	wrdreg $0x60  }
0xae: {  	[dreg:$0x2] =	wrdreg s24  }
0xaf: {  	[dreg:$0x3] =	wrdreg $0x0  }
0xb0: {  	[dreg:$0x4] =	wrdreg $0x9  }
0xb1: {  	_ =	task.clear_ibuf [dreg:s6], $0x5FFFF;
	_ =	strace $0x90000049  }
0xb2: {  	s29 =	simm.s32 $0x9;
	_ =	strace $0x8000004B  }
0xb3: {  	_ =	swait.ge [sflag:s29], $0x1  }
0xb4: {  	[sflag:s29] =	ssyncadd.s32 $0xFFFFFFFF  }
0xb5: {  	_ =	strace $0x9000004B  }
0xb6: {  	_ =	sfence  }
0xb7: {  	s30 =	sld [smem:$0x0];
	_ =	sdelay $0x2  }
0xb8: {  	s31 =	sshll.u32 s1, $0xD;
	s1 =	sshrl.u32 s1, $0x2  }
0xb9: {  	s3 =	sand.u32 $0x4000, s31;
	s1 =	sadd.s32 s1, s30  }
0xba: {  	s0 =	sor.u32 s3, s0;
	s1 =	sshll.u32 s1, $0x11  }
0xbb: {  	s0 =	sor.u32 s1, s0  }
0xbc: {  	s0 =	sadd.s32 $0x8F2B, s0  }
0xbd: {  	[sflag:s0] =	ssyncadd.remote.s32 $0x1  }
0xbe: {  	_ =	sfence.sel $0xFFFF  }
0xbf: {  	[dreg:$0x0] =	wrdreg $0xFFFFFFFF;
	(pc) =	sbr.abs _section_cstart, $3  }
0xc0: {  	[dreg:$0x1] =	wrdreg $0xFFFFFFFF  }
0xc1: {  	_ =	task.clear_ibuf [dreg:s6], $0x2FFFF;
	_ =	strace $0x9FFFFFFF  }
0xc2: {  	(tm) =	ssettm $0x7FFFFFFF  }
0xc3: {  	_ =	shalt  }
tec
execute0_lowered:
.L_overlay_start_1:
0x0: {  	(tag) =	ssettag $0x1  }
0x1: {  	s0 =	rddreg [dreg:$0x0]  }
0x2: {  	s2 =	rddreg [dreg:$0x1];
	s11 =	stileid.u32  }
0x3: {  	s3 =	simm.s32 $0x0;
	s4 =	srdreg.scid;
	s6 =	smul.u32 $0xF, s11  }
0x4: {  	s29 =	simm.s32 $0x13900;
	[smem:$0x7FF] =	sst s3;
	s16 =	smul.u32 $0x12C00, s11  }
0x5: {  	s1 =	sshrl.u32 s11, $0x2;
	s5 =	sand.u32 $0x1, s4;
	s21 =	smul.u32 $0x4B000, s11  }
0x6: {  	s23 =	sshll.u32 s11, $0x8;
	s8 =	smin.u32 s11, $0xA;
	s1 =	smul.u32 $0x13C00, s1  }
0x7: {  	s7 =	sshll.u32 s5, $0x7;
	s9 =	ssub.s32 $0x2, s5;
	s5 =	smul.u32 $0x138800, s5  }
0x8: {  	p0 =	sgt.u32 s11, $0x9;
	s11 =	simm.s32 $0x1D800;
	s19 =	smul.u32 $0x1400, s8  }
0x9: {  	s4 =	sand.u32 $0x300, s23;
	_ =	strace $0x8000004A;
	s23 =	smul.u32 $0x5000, s8  }
0xa: {  	s7 =	sor.u32 s7, s4;
	s6 =	sadd.s32 s8, s6;
	s4 =	sadd.s32 $0x41800, s0  }
0xb: {  	s10 =	sshrl.u32 s9, $0x1;
	s8 =	simm.s32 $0x28;
	s1 =	sor.u32 s1, s7  }
0xc: {  	s24 =	smul.u32 $0x5000, s6;
	s9 =	ssub.s32 s9, s10;
	s1 =	sshrl.u32 s1, $0x3  }
0xd: {  	s6 =	smul.u32 $0x1400, s6;
	s10 =	smax.u32 s9, $0x1;
	s1 =	sadd.s32 s1, s0  }
0xe: {  	s7 =	sshrl.u32 s24, $0x2;
	[dreg:$0x7] =	wrdreg s10;
	s25 =	sadd.s32 $0x10800, s1  }
0xf: {  	s1 =	sadd.s32 $0x6000, s1;
	s7 =	sadd.s32 s7, s2;
	[dreg:$0x3] =	wrdreg s25  }
0x10: {  	s9 =	simm.s32 $0x19C00;
	[dreg:$0x4] =	wrdreg s1;
	s31 =	sadd.s32 $0x12C00, s7  }
0x11: {  	s0 =	sadd.s32 $0x68A00, s0;
	s12 =	sadd.s32 $0x1400, s7;
	[dreg:$0x5] =	wrdreg s31  }
0x12: {  	s6 =	sadd.s32 $0x12C00, s6;
	s13 =	sadd.s32 $0x2800, s7;
	[dreg:$0x8] =	wrdreg s12  }
0x13: {  	s10 =	simm.s32 $0x1B000;
	s14 =	sadd.s32 $0x3C00, s7;
	[dreg:$0x9] =	wrdreg s13  }
0x14: {  	s26 =	sadd.s32 s5, s6;
	s15 =	sadd.s32 $0x5000, s7;
	[dreg:$0xa] =	wrdreg s14  }
0x15: {  	s5 =	sadd.s32 s16, s5;
	s17 =	sadd.s32 $0x6400, s7;
	[dreg:$0xb] =	wrdreg s15  }
0x16: {  	s16 =	simm.s32 $0x5;
	s18 =	sadd.s32 $0x7800, s7;
	[dreg:$0xc] =	wrdreg s17  }
0x17: {  	s30 =	sshrl.u32 s26, $0x3;
	s20 =	sadd.s32 $0x8C00, s7;
	[dreg:$0xd] =	wrdreg s18  }
0x18: {  	s22 =	sadd.s32 $0xA000, s7;
	s5 =	sadd.s32 s19, s5;
	[dreg:$0xe] =	wrdreg s20  }
0x19: {  	s24 =	sadd.s32 $0xB400, s7;
	s25 =	sadd.s32 $0xC800, s7;
	[dreg:$0xf] =	wrdreg s22  }
0x1a: {  	s26 =	sadd.s32 $0xDC00, s7;
	s28 =	sadd.s32 $0x11800, s7;
	[dreg:$0x10] =	wrdreg s24  }
0x1b: {  	s19 =	simm.s32 $0x8;
	s1 =	sadd.s32 s0, s30;
	[dreg:$0x11] =	wrdreg s25  }
0x1c: {  	s5 =	sshrl.u32 s5, $0x3;
	[dreg:$0x12] =	wrdreg s26;
	s30 =	sadd.s32 $0xF000, s7  }
0x1d: {  	s26 =	sadd.s32 $0x10400, s7;
	s12 =	simm.s32 $0x1C400;
	s13 =	simm.s32 $0x1D880  }
0x1e: {  	s14 =	simm.s32 $0x4;
	s15 =	simm.s32 $0x1D980;
	s17 =	simm.s32 $0x6  }
0x1f: {  	s18 =	simm.s32 $0x7;
	s20 =	simm.s32 $0xA;
	[dreg:$0x6] =	wrdreg s1  }
0x20: {  	s1 =	sadd.s32 s6, s2;
	s6 =	sadd.s32 s23, s21;
	s22 =	sadd.s32 s5, s0  }
0x21: {  	[dreg:$0x13] =	wrdreg s30;
	s5 =	simm.s32 $0x1;
	s31 =	sshrl.u32 s6, $0x2  }
0x22: {  	s0 =	sshrl.u32 @!p0 s1, $0x3;
	s1 =	simm.s32 $0x9;
	s6 =	simm.s32 $0x2  }
0x23: {  	v0 =	vimm.f32 $0.0e+00;
	s24 =	sadd.s32 s31, s2;
	[dreg:$0x14] =	wrdreg s0;
	s0 =	simm.s32 $0x18800  }
.LBB2_1:
0x24: {  	s21 =	rddreg [dreg:$0x3];
	s23 =	simm.s32 $0x80;
	s25 =	simm.s32 $0x400  }
0x25: {  	[tilespmem:s29], [sflag:$0x1] =	stream.strided.gather [hbm4b:s21+s23], $0x2780, s25, s23, $0x38;
	[tilespmem:$0x1DA00] =	vst v63  }
0x26: {  	s31 =	rddreg [dreg:$0x4];
	s30 =	simm.s32 $0x16080  }
0x27: {  	[tilespmem:s30], [sflag:$0x2] =	stream.strided.gather [hbm4b:s31+s23], $0x2780, s25, s23, $0x38;
	[tilespmem:$0x1DA00] =	vst v63  }
0x28: {  	s21 =	simm.s32 $0x70;
	s23 =	simm.s32 $0x3C0  }
.LBB2_2:
0x29: {  	p1 =	sne.s32 s23, $0x4FC0;
	[tilespmem:s21+$0x18800] =	vst v0  }
0x2a: {  	[tilespmem:s21+$0x18790] =	vst v0  }
0x2b: {  	[tilespmem:s21+$0x187A0] =	vst v0  }
.Ltmp0:
0x2c: {  	[tilespmem:s21+$0x187B0] =	vst v0;
	(pc) =	sbr.rel @p1 .LBB2_2-.Ltmp0, $4  }
0x2d: {  	[tilespmem:s21+$0x187C0] =	vst v0  }
0x2e: {  	[tilespmem:s21+$0x187D0] =	vst v0  }
0x2f: {  	[tilespmem:s21+$0x187E0] =	vst v0  }
0x30: {  	[tilespmem:s21+$0x187F0] =	vst v0;
	s21 =	sshra.s32 s23, $0x2;
	s23 =	sadd.s32 $0x200, s23  }
0x31: {  	[tilespmem:s21+$0x18800] =	vst v0  }
0x32: {  	[tilespmem:s21+$0x18790] =	vst v0  }
0x33: {  	[tilespmem:s21+$0x187A0] =	vst v0  }
0x34: {  	[tilespmem:s21+$0x187B0] =	vst v0  }
0x35: {  	[tilespmem:s21+$0x187C0] =	vst v0  }
0x36: {  	[tilespmem:s21+$0x187D0] =	vst v0  }
0x37: {  	[tilespmem:s21+$0x187E0] =	vst v0  }
0x38: {  	[tilespmem:s21+$0x187F0] =	vst v0  }
0x39: {  	[spmem:s7] =	stream.linear.scatter [tilespmem:s0], [sflag:$0x9], $0x1400, $0x38;
	[tilespmem:$0x1DA00] =	vst v63  }
0x3a: {  	s30 =	rddreg [dreg:$0x8]  }
0x3b: {  	[spmem:s30] =	stream.linear.scatter [tilespmem:s0], [sflag:$0x9], $0x1400, $0x38;
	[tilespmem:$0x1DA00] =	vst v63  }
0x3c: {  	s31 =	rddreg [dreg:$0x9]  }
0x3d: {  	[spmem:s31] =	stream.linear.scatter [tilespmem:s0], [sflag:$0x9], $0x1400, $0x38;
	[tilespmem:$0x1DA00] =	vst v63  }
0x3e: {  	s23 =	rddreg [dreg:$0xa]  }
0x3f: {  	[spmem:s23] =	stream.linear.scatter [tilespmem:s0], [sflag:$0x9], $0x1400, $0x38;
	[tilespmem:$0x1DA00] =	vst v63  }
0x40: {  	s25 =	rddreg [dreg:$0xb]  }
0x41: {  	[spmem:s25] =	stream.linear.scatter [tilespmem:s0], [sflag:$0x9], $0x1400, $0x38;
	[tilespmem:$0x1DA00] =	vst v63  }
0x42: {  	s30 =	rddreg [dreg:$0xc]  }
0x43: {  	[spmem:s30] =	stream.linear.scatter [tilespmem:s0], [sflag:$0x9], $0x1400, $0x38;
	[tilespmem:$0x1DA00] =	vst v63  }
0x44: {  	s31 =	rddreg [dreg:$0xd]  }
0x45: {  	[spmem:s31] =	stream.linear.scatter [tilespmem:s0], [sflag:$0x9], $0x1400, $0x38;
	[tilespmem:$0x1DA00] =	vst v63  }
0x46: {  	s23 =	rddreg [dreg:$0xe]  }
0x47: {  	[spmem:s23] =	stream.linear.scatter [tilespmem:s0], [sflag:$0x9], $0x1400, $0x38;
	[tilespmem:$0x1DA00] =	vst v63  }
0x48: {  	s25 =	rddreg [dreg:$0xf]  }
0x49: {  	[spmem:s25] =	stream.linear.scatter [tilespmem:s0], [sflag:$0x9], $0x1400, $0x38;
	[tilespmem:$0x1DA00] =	vst v63  }
0x4a: {  	s30 =	rddreg [dreg:$0x10]  }
0x4b: {  	[spmem:s30] =	stream.linear.scatter [tilespmem:s0], [sflag:$0x9], $0x1400, $0x38;
	[tilespmem:$0x1DA00] =	vst v63  }
0x4c: {  	s31 =	rddreg [dreg:$0x11]  }
0x4d: {  	[spmem:s31] =	stream.linear.scatter [tilespmem:s0], [sflag:$0x9], $0x1400, $0x38;
	[tilespmem:$0x1DA00] =	vst v63  }
0x4e: {  	s23 =	rddreg [dreg:$0x12]  }
0x4f: {  	[spmem:s23] =	stream.linear.scatter [tilespmem:s0], [sflag:$0x9], $0x1400, $0x38;
	[tilespmem:$0x1DA00] =	vst v63  }
0x50: {  	s25 =	rddreg [dreg:$0x13]  }
0x51: {  	[spmem:s25] =	stream.linear.scatter [tilespmem:s0], [sflag:$0x9], $0x1400, $0x38;
	[tilespmem:$0x1DA00] =	vst v63  }
0x52: {  	_ = 	snop  }
0x53: {  	[spmem:s26] =	stream.linear.scatter [tilespmem:s0], [sflag:$0x9], $0x1400, $0x38;
	[tilespmem:$0x1DA00] =	vst v63  }
0x54: {  	_ = 	snop  }
0x55: {  	[spmem:s28] =	stream.linear.scatter [tilespmem:s0], [sflag:$0x9], $0x1400, $0x38;
	[tilespmem:$0x1DA00] =	vst v63  }
0x56: {  	s21 =	simm.s32 @!p0 $0x18800;
	s23 =	rddreg [dreg:$0x5]  }
0x57: {  	[spmem:s23] =	stream.linear.scatter @!p0 [tilespmem:s21], [sflag:$0x9], $0x1400, $0x38;
	[tilespmem:$0x1DA00] =	vst v63  }
0x58: {  	_ =	swait.ge [sflag:s1], $0x1400  }
0x59: {  	[sflag:s1] =	ssyncset.done $0x0  }
0x5a: {  	[sflag:s1] =	ssyncadd.s32 $0xFFFFEC00  }
0x5b: {  	_ =	swait.ge [sflag:s1], $0x1400  }
0x5c: {  	[sflag:s1] =	ssyncset.done $0x0  }
0x5d: {  	[sflag:s1] =	ssyncadd.s32 $0xFFFFEC00  }
0x5e: {  	_ =	swait.ge [sflag:s1], $0x1400  }
0x5f: {  	[sflag:s1] =	ssyncset.done $0x0  }
0x60: {  	[sflag:s1] =	ssyncadd.s32 $0xFFFFEC00  }
0x61: {  	_ =	swait.ge [sflag:s1], $0x1400  }
0x62: {  	[sflag:s1] =	ssyncset.done $0x0  }
0x63: {  	[sflag:s1] =	ssyncadd.s32 $0xFFFFEC00  }
0x64: {  	_ =	swait.ge [sflag:s1], $0x1400  }
0x65: {  	[sflag:s1] =	ssyncset.done $0x0  }
0x66: {  	[sflag:s1] =	ssyncadd.s32 $0xFFFFEC00  }
0x67: {  	_ =	swait.ge [sflag:s1], $0x1400  }
0x68: {  	[sflag:s1] =	ssyncset.done $0x0  }
0x69: {  	[sflag:s1] =	ssyncadd.s32 $0xFFFFEC00  }
0x6a: {  	_ =	swait.ge [sflag:s1], $0x1400  }
0x6b: {  	[sflag:s1] =	ssyncset.done $0x0  }
0x6c: {  	[sflag:s1] =	ssyncadd.s32 $0xFFFFEC00  }
0x6d: {  	_ =	swait.ge [sflag:s1], $0x1400  }
0x6e: {  	[sflag:s1] =	ssyncset.done $0x0  }
0x6f: {  	[sflag:s1] =	ssyncadd.s32 $0xFFFFEC00  }
0x70: {  	_ =	swait.ge [sflag:s1], $0x1400  }
0x71: {  	[sflag:s1] =	ssyncset.done $0x0  }
0x72: {  	[sflag:s1] =	ssyncadd.s32 $0xFFFFEC00  }
0x73: {  	_ =	swait.ge [sflag:s1], $0x1400  }
0x74: {  	[sflag:s1] =	ssyncset.done $0x0  }
0x75: {  	[sflag:s1] =	ssyncadd.s32 $0xFFFFEC00  }
0x76: {  	_ =	swait.ge [sflag:s1], $0x1400  }
0x77: {  	[sflag:s1] =	ssyncset.done $0x0  }
0x78: {  	[sflag:s1] =	ssyncadd.s32 $0xFFFFEC00  }
0x79: {  	_ =	swait.ge [sflag:s1], $0x1400  }
0x7a: {  	[sflag:s1] =	ssyncset.done $0x0  }
0x7b: {  	[sflag:s1] =	ssyncadd.s32 $0xFFFFEC00  }
0x7c: {  	_ =	swait.ge [sflag:s1], $0x1400  }
0x7d: {  	[sflag:s1] =	ssyncset.done $0x0  }
0x7e: {  	[sflag:s1] =	ssyncadd.s32 $0xFFFFEC00  }
0x7f: {  	_ =	swait.ge [sflag:s1], $0x1400  }
0x80: {  	[sflag:s1] =	ssyncset.done $0x0  }
0x81: {  	[sflag:s1] =	ssyncadd.s32 $0xFFFFEC00  }
0x82: {  	_ =	swait.ge [sflag:s1], $0x1400  }
0x83: {  	[sflag:s1] =	ssyncset.done $0x0  }
0x84: {  	s21 =	simm.s32 @!p0 $0x9;
	[sflag:s1] =	ssyncadd.s32 $0xFFFFEC00  }
0x85: {  	_ =	swait.ge @!p0 [sflag:s21], $0x1400  }
0x86: {  	[sflag:s21] =	ssyncset.done @!p0 $0x0  }
0x87: {  	[sflag:s21] =	ssyncadd.s32 @!p0 $0xFFFFEC00  }
0x88: {  	_ =	swait.ge [sflag:s5], $0x2780  }
0x89: {  	[sflag:s5] =	ssyncset.done $0x0  }
0x8a: {  	[sflag:s5] =	ssyncadd.s32 $0xFFFFD880  }
0x8b: {  	_ =	swait.ge [sflag:s6], $0x2780  }
0x8c: {  	[sflag:s6] =	ssyncset.done $0x0  }
0x8d: {  	[sflag:s6] =	ssyncadd.s32 $0xFFFFD880  }
0x8e: {  	[bflag:$0x0] =	sbarrier.arrive $0xFFFF  }
0x8f: {  	[tilespmem:s0], [sflag:$0x1] =	stream.indirect.gather [hbm4b:s4+s8], $0x80, s29, s8, $0xb8;
	[tilespmem:$0x1DA00] =	vst v63  }
0x90: {  	v1 =	vld [tilespmem:$0x16080]  }
0x91: {  	v2 =	vld [tilespmem:$0x16090]  }
0x92: {  	v3 =	vld [tilespmem:$0x16098];
	_ =	sdelay $0x2  }
0x93: {  	[tilespmem:$0x1D800] =	vst v1  }
0x94: {  	[tilespmem:$0x1D810] =	vst v2  }
0x95: {  	s30 =	simm.s32 $0x13928;
	[tilespmem:$0x1D818] =	vst v3  }
0x96: {  	[tilespmem:s9], [sflag:$0x2] =	stream.indirect.gather [hbm4b:s4+s8], $0x80, s30, s8, $0xb8;
	[tilespmem:$0x1DA00] =	vst v63  }
0x97: {  	v1 =	vld [tilespmem:$0x160A8]  }
0x98: {  	v2 =	vld [tilespmem:$0x160B8]  }
0x99: {  	v3 =	vld [tilespmem:$0x160C0];
	_ =	sdelay $0x2  }
0x9a: {  	[tilespmem:$0x1D880] =	vst v1  }
0x9b: {  	[tilespmem:$0x1D890] =	vst v2  }
0x9c: {  	s31 =	simm.s32 $0x13950;
	[tilespmem:$0x1D898] =	vst v3  }
0x9d: {  	[tilespmem:s10], [sflag:$0x3] =	stream.indirect.gather [hbm4b:s4+s8], $0x80, s31, s8, $0xb8;
	[tilespmem:$0x1DA00] =	vst v63  }
0x9e: {  	v1 =	vld [tilespmem:$0x160D0]  }
0x9f: {  	v2 =	vld [tilespmem:$0x160E0]  }
0xa0: {  	v3 =	vld [tilespmem:$0x160E8];
	_ =	sdelay $0x2  }
0xa1: {  	[tilespmem:$0x1D900] =	vst v1  }
0xa2: {  	[tilespmem:$0x1D910] =	vst v2  }
0xa3: {  	s21 =	simm.s32 $0x0;
	[tilespmem:$0x1D918] =	vst v3  }
.LBB2_4:
0xa4: {  	_ =	swait.ge [sflag:s5], $0x1400  }
0xa5: {  	p1 =	seq.s32 s21, $0x0;
	[sflag:s5] =	ssyncset.done $0x0  }
0xa6: {  	s29 =	simm.s32 @!p1 $0x8;
	[sflag:s5] =	ssyncadd.s32 $0xFFFFEC00  }
0xa7: {  	[spmem:s2] =	stream.indirect.scatter.add.f32 [tilespmem:s0], [sflag:$0x5], $0x80, s11, s8, $0xb8;
	[tilespmem:$0x1DA00] =	vst v63  }
0xa8: {  	_ =	swait.ge @!p1 [sflag:s29], $0x1400  }
0xa9: {  	s23 =	sshra.s32 s21, $0x2;
	[sflag:s29] =	ssyncset.done @!p1 $0x0  }
0xaa: {  	s31 =	sadd.s32 $0x13978, s23;
	[sflag:s29] =	ssyncadd.s32 @!p1 $0xFFFFEC00  }
0xab: {  	[tilespmem:s12], [sflag:$0x4] =	stream.indirect.gather [hbm4b:s4+s8], $0x80, s31, s8, $0xb8;
	[tilespmem:$0x1DA00] =	vst v63  }
0xac: {  	v1 =	vld [tilespmem:s23+$0x160F8];
	_ =	sdelay $0x4  }
0xad: {  	[tilespmem:$0x1D980] =	vst v1  }
0xae: {  	v1 =	vld [tilespmem:s23+$0x16108];
	_ =	sdelay $0x4  }
0xaf: {  	[tilespmem:$0x1D990] =	vst v1  }
0xb0: {  	v1 =	vld [tilespmem:s23+$0x16110];
	_ =	sdelay $0x4  }
0xb1: {  	[tilespmem:$0x1D998] =	vst v1  }
0xb2: {  	_ =	swait.ge [sflag:s6], $0x1400  }
0xb3: {  	p1 =	seq.s32 s21, $0x9B00;
	[sflag:s6] =	ssyncset.done $0x0  }
0xb4: {  	s29 =	simm.s32 @p1 $0x3;
	[sflag:s6] =	ssyncadd.s32 $0xFFFFEC00  }
0xb5: {  	[spmem:s2] =	stream.indirect.scatter.add.f32 [tilespmem:s9], [sflag:$0x6], $0x80, s13, s8, $0xb8;
	[tilespmem:$0x1DA00] =	vst v63  }
0xb6: {  	_ =	swait.ge @p1 [sflag:s29], $0x1400  }
0xb7: {  	s30 =	simm.s32 @p1 $0x1D900;
	[sflag:s29] =	ssyncset.done @p1 $0x0  }
0xb8: {  	s31 =	simm.s32 @p1 $0x1B000;
	[sflag:s29] =	ssyncadd.s32 @p1 $0xFFFFEC00;
	s29 =	simm.s32 @p1 $0x28  }
0xb9: {  	[spmem:s2] =	stream.indirect.scatter.add.f32 @p1 [tilespmem:s31], [sflag:$0x7], $0x80, s30, s29, $0xb8;
	[tilespmem:$0x1DA00] =	vst v63  }
0xba: {  	s29 =	simm.s32 @!p1 $0x5  }
0xbb: {  	_ =	swait.ge @!p1 [sflag:s29], $0x1400  }
0xbc: {  	[sflag:s29] =	ssyncset.done @!p1 $0x0  }
0xbd: {  	[sflag:s29] =	ssyncadd.s32 @!p1 $0xFFFFEC00;
	s29 =	sshra.s32 @!p1 s21, $0x2  }
0xbe: {  	s25 =	simm.s32 @!p1 $0x18800;
	s31 =	simm.s32 @!p1 $0x28;
	s30 =	sadd.s32 @!p1 $0x139A0, s29  }
0xbf: {  	[tilespmem:s25], [sflag:$0x1] =	stream.indirect.gather @!p1 [hbm4b:s4+s31], $0x80, s30, s31, $0xb8;
	[tilespmem:$0x1DA00] =	vst v63  }
0xc0: {  	v1 =	vld @!p1 [tilespmem:s29+$0x16120];
	_ =	sdelay $0x4  }
0xc1: {  	[tilespmem:$0x1D800] =	vst @!p1 v1  }
0xc2: {  	v1 =	vld @!p1 [tilespmem:s29+$0x16130];
	_ =	sdelay $0x4  }
0xc3: {  	[tilespmem:$0x1D810] =	vst @!p1 v1  }
0xc4: {  	v1 =	vld @!p1 [tilespmem:s29+$0x16138];
	_ =	sdelay $0x4  }
0xc5: {  	s25 =	simm.s32 @!p1 $0x3;
	[tilespmem:$0x1D818] =	vst @!p1 v1  }
0xc6: {  	_ =	swait.ge @!p1 [sflag:s25], $0x1400  }
0xc7: {  	[sflag:s25] =	ssyncset.done @!p1 $0x0  }
0xc8: {  	s30 =	simm.s32 @!p1 $0x1B000;
	[sflag:s25] =	ssyncadd.s32 @!p1 $0xFFFFEC00;
	s25 =	simm.s32 @!p1 $0x1D900  }
0xc9: {  	[spmem:s2] =	stream.indirect.scatter.add.f32 @!p1 [tilespmem:s30], [sflag:$0x7], $0x80, s25, s31, $0xb8;
	[tilespmem:$0x1DA00] =	vst v63  }
0xca: {  	s25 =	simm.s32 @!p1 $0x6  }
0xcb: {  	_ =	swait.ge @!p1 [sflag:s25], $0x1400  }
0xcc: {  	[sflag:s25] =	ssyncset.done @!p1 $0x0  }
0xcd: {  	s30 =	simm.s32 @!p1 $0x19C00;
	[sflag:s25] =	ssyncadd.s32 @!p1 $0xFFFFEC00;
	s25 =	sadd.s32 @!p1 $0x139C8, s29  }
0xce: {  	[tilespmem:s30], [sflag:$0x2] =	stream.indirect.gather @!p1 [hbm4b:s4+s31], $0x80, s25, s31, $0xb8;
	[tilespmem:$0x1DA00] =	vst v63  }
0xcf: {  	v1 =	vld @!p1 [tilespmem:s29+$0x16148];
	_ =	sdelay $0x4  }
0xd0: {  	[tilespmem:$0x1D880] =	vst @!p1 v1  }
0xd1: {  	v1 =	vld @!p1 [tilespmem:s29+$0x16158];
	_ =	sdelay $0x4  }
0xd2: {  	[tilespmem:$0x1D890] =	vst @!p1 v1  }
0xd3: {  	v1 =	vld @!p1 [tilespmem:s29+$0x16160];
	_ =	sdelay $0x4  }
.Ltmp1:
0xd4: {  	[tilespmem:$0x1D898] =	vst @!p1 v1;
	(pc) =	sbr.rel @p1 .LBB2_6-.Ltmp1, $4  }
0xd5: {  	_ =	swait.ge [sflag:s14], $0x1400  }
0xd6: {  	[sflag:s14] =	ssyncset.done $0x0  }
0xd7: {  	[sflag:s14] =	ssyncadd.s32 $0xFFFFEC00  }
0xd8: {  	[spmem:s2] =	stream.indirect.scatter.add.f32 [tilespmem:s12], [sflag:$0x8], $0x80, s15, s8, $0xb8;
	[tilespmem:$0x1DA00] =	vst v63  }
0xd9: {  	_ =	swait.ge [sflag:s18], $0x1400  }
0xda: {  	[sflag:s18] =	ssyncset.done $0x0  }
0xdb: {  	s25 =	sadd.s32 $0x139F0, s23;
	[sflag:s18] =	ssyncadd.s32 $0xFFFFEC00  }
0xdc: {  	[tilespmem:s10], [sflag:$0x3] =	stream.indirect.gather [hbm4b:s4+s8], $0x80, s25, s8, $0xb8;
	[tilespmem:$0x1DA00] =	vst v63  }
0xdd: {  	v1 =	vld [tilespmem:s23+$0x16170];
	_ =	sdelay $0x4  }
0xde: {  	[tilespmem:$0x1D900] =	vst v1  }
0xdf: {  	v1 =	vld [tilespmem:s23+$0x16180];
	_ =	sdelay $0x4  }
0xe0: {  	[tilespmem:$0x1D910] =	vst v1  }
0xe1: {  	v1 =	vld [tilespmem:s23+$0x16188]  }
.Ltmp2:
0xe2: {  	_ = 	snop;
	(pc) =	sbr.rel .LBB2_4-.Ltmp2, $2  }
0xe3: {  	_ =	sdelay $0x2  }
0xe4: {  	s21 =	sadd.s32 $0x280, s21;
	[tilespmem:$0x1D918] =	vst v1  }
.LBB2_6:
0xe5: {  	_ =	swait.ge [sflag:s16], $0x1400  }
0xe6: {  	[sflag:s16] =	ssyncset.done $0x0  }
0xe7: {  	[sflag:s16] =	ssyncadd.s32 $0xFFFFEC00  }
0xe8: {  	_ =	swait.ge [sflag:s17], $0x1400  }
0xe9: {  	[sflag:s17] =	ssyncset.done $0x0  }
0xea: {  	[sflag:s17] =	ssyncadd.s32 $0xFFFFEC00  }
0xeb: {  	_ =	swait.ge [sflag:s18], $0x1400  }
0xec: {  	[sflag:s18] =	ssyncset.done $0x0  }
0xed: {  	[sflag:s18] =	ssyncadd.s32 $0xFFFFEC00  }
0xee: {  	s21 =	simm.s32 $0x280;
	_ =	swait.ge [sflag:s19], $0x1400  }
0xef: {  	s23 =	stileid.u32;
	s29 =	sadd.s32 $0x1400, s24;
	[sflag:s19] =	ssyncset.done $0x0  }
0xf0: {  	s30 =	sadd.s32 $0x0, s22;
	s23 =	sshll.u32 s23, $0x6;
	[sflag:s19] =	ssyncadd.s32 $0xFFFFEC00  }
0xf1: {  	s31 =	sshrl.u32 s24, $0x3;
	s23 =	sor.u32 $0x1C0A, s23;
	[bflag:$0x0] =	sbarrier.arrive $0xFFFF  }
.LBB2_7:
0xf2: {  	[hbm:s30], [sflag:s23] =	dma.local [spmem:s31], $0x280  }
0xf3: {  	s25 =	smov.u32 s21;
	s31 =	smov.u32 s29;
	p1 =	sne.s32 s21, $0x2300  }
.Ltmp3:
0xf4: {  	s21 =	sadd.s32 $0x280, s21;
	(pc) =	sbr.rel @p1 .LBB2_7-.Ltmp3, $3  }
0xf5: {  	_ =	sdelay $0x1  }
0xf6: {  	s29 =	sadd.s32 $0x1400, s29  }
0xf7: {  	s30 =	sadd.s32 s25, s22;
	s31 =	sshrl.u32 s31, $0x3  }
0xf8: {  	[hbm:s30], [sflag:s23] =	dma.local [spmem:s31], $0x280  }
0xf9: {  	s21 =	rddreg [dreg:$0x6]  }
0xfa: {  	s25 =	rddreg [dreg:$0x14]  }
0xfb: {  	[hbm:s21], [sflag:s23] =	dma.local @!p0 [spmem:s25], $0x280  }
0xfc: {  	_ =	swait.ge [sflag:s20], $0x280  }
0xfd: {  	[sflag:s20] =	ssyncset.done $0x0  }
0xfe: {  	[sflag:s20] =	ssyncadd.s32 $0xFFFFFD80  }
0xff: {  	_ =	swait.ge [sflag:s20], $0x280  }
0x100: {  	[sflag:s20] =	ssyncset.done $0x0  }
0x101: {  	[sflag:s20] =	ssyncadd.s32 $0xFFFFFD80  }
0x102: {  	_ =	swait.ge [sflag:s20], $0x280  }
0x103: {  	[sflag:s20] =	ssyncset.done $0x0  }
0x104: {  	[sflag:s20] =	ssyncadd.s32 $0xFFFFFD80  }
0x105: {  	_ =	swait.ge [sflag:s20], $0x280  }
0x106: {  	[sflag:s20] =	ssyncset.done $0x0  }
0x107: {  	[sflag:s20] =	ssyncadd.s32 $0xFFFFFD80  }
0x108: {  	_ =	swait.ge [sflag:s20], $0x280  }
0x109: {  	[sflag:s20] =	ssyncset.done $0x0  }
0x10a: {  	[sflag:s20] =	ssyncadd.s32 $0xFFFFFD80  }
0x10b: {  	_ =	swait.ge [sflag:s20], $0x280  }
0x10c: {  	[sflag:s20] =	ssyncset.done $0x0  }
0x10d: {  	[sflag:s20] =	ssyncadd.s32 $0xFFFFFD80  }
0x10e: {  	_ =	swait.ge [sflag:s20], $0x280  }
0x10f: {  	[sflag:s20] =	ssyncset.done $0x0  }
0x110: {  	[sflag:s20] =	ssyncadd.s32 $0xFFFFFD80  }
0x111: {  	_ =	swait.ge [sflag:s20], $0x280  }
0x112: {  	[sflag:s20] =	ssyncset.done $0x0  }
0x113: {  	[sflag:s20] =	ssyncadd.s32 $0xFFFFFD80  }
0x114: {  	_ =	swait.ge [sflag:s20], $0x280  }
0x115: {  	[sflag:s20] =	ssyncset.done $0x0  }
0x116: {  	[sflag:s20] =	ssyncadd.s32 $0xFFFFFD80  }
0x117: {  	_ =	swait.ge [sflag:s20], $0x280  }
0x118: {  	[sflag:s20] =	ssyncset.done $0x0  }
0x119: {  	[sflag:s20] =	ssyncadd.s32 $0xFFFFFD80  }
0x11a: {  	_ =	swait.ge [sflag:s20], $0x280  }
0x11b: {  	[sflag:s20] =	ssyncset.done $0x0  }
0x11c: {  	[sflag:s20] =	ssyncadd.s32 $0xFFFFFD80  }
0x11d: {  	_ =	swait.ge [sflag:s20], $0x280  }
0x11e: {  	[sflag:s20] =	ssyncset.done $0x0  }
0x11f: {  	[sflag:s20] =	ssyncadd.s32 $0xFFFFFD80  }
0x120: {  	_ =	swait.ge [sflag:s20], $0x280  }
0x121: {  	[sflag:s20] =	ssyncset.done $0x0  }
0x122: {  	[sflag:s20] =	ssyncadd.s32 $0xFFFFFD80  }
0x123: {  	_ =	swait.ge [sflag:s20], $0x280  }
0x124: {  	[sflag:s20] =	ssyncset.done $0x0  }
0x125: {  	[sflag:s20] =	ssyncadd.s32 $0xFFFFFD80  }
0x126: {  	_ =	swait.ge [sflag:s20], $0x280  }
0x127: {  	[sflag:s20] =	ssyncset.done $0x0  }
0x128: {  	s21 =	simm.s32 @!p0 $0xA;
	[sflag:s20] =	ssyncadd.s32 $0xFFFFFD80  }
0x129: {  	_ =	swait.ge @!p0 [sflag:s21], $0x280  }
0x12a: {  	s3 =	sadd.s32 $0x1, s3;
	s31 =	rddreg [dreg:$0x7]  }
0x12b: {  	p1 =	sne.s32 s3, s31  }
.Ltmp4:
0x12c: {  	_ = 	snop;
	(pc) =	sbr.rel @p1 .LBB2_1-.Ltmp4, $3  }
0x12d: {  	_ =	sdelay $0x1  }
0x12e: {  	[sflag:s21] =	ssyncset.done @!p0 $0x0  }
0x12f: {  	s29 =	simm.s32 $0x13900;
	[sflag:s21] =	ssyncadd.s32 @!p0 $0xFFFFFD80  }
0x130: {  	_ =	sfence.sel $0x180000  }
0x131: {  	[bflag:$0x0] =	sbarrier.arrive $0xFFFF  }
0x132: {  	_ =	strace $0x9000004A  }
0x133: {  	s0 =	stileid.u32;
	[bflag:$0x2] =	sbarrier.arrive $0xFFFF  }
0x134: {  	p0 =	sne.s32 s0, $0x0;
	s0 =	rddreg [dreg:$0x2]  }
0x135: {  	s0 =	sadd.s32 @!p0 $0x100000, s0  }
0x136: {  	[sflag:s0] =	ssyncadd.tile.s32 @!p0 $0x1;
	_ =	shalt  }
.Lfunc_end2:
_tile_overlayer_lowered:
.L_overlay_start_2:
0x137: {  	(tag) =	ssettag $0x2  }
0x138: {  	s0 =	rddreg [dreg:$0x0];
	s2 =	stileid.u32  }
0x139: {  	s1 =	rddreg [dreg:$0x1];
	p0 =	sne.s32 s2, $0x0  }
0x13a: {  	s3 =	rddreg [dreg:$0x2];
	[bflag:$0x3] =	sbarrier.arrive $0xFFFF;
	s2 =	simm.s32 @!p0 $0x1C0B  }
0x13b: {  	[timem:s3], [sflag:s2] =	dma.local @!p0 [hbm:s0], s1  }
0x13c: {  	s0 =	simm.s32 @!p0 $0xB  }
0x13d: {  	_ =	swait.ge @!p0 [sflag:s0], s1  }
0x13e: {  	s1 =	ssub.s32 @!p0 $0x0, s1;
	[sflag:s0] =	ssyncset.done @!p0 $0x0  }
0x13f: {  	[sflag:s0] =	ssyncadd.s32 @!p0 s1  }
0x140: {  	[bflag:$0x3] =	sbarrier.arrive $0xFFFF  }
0x141: {  	_ =	shalt  }

// kernel: kernel.18.cloned.1.call-start
scs
__scs_entry_jumppad:
0x0: {  	(pc) =	sbr.rel $0x88, $3  }
0x1: {  	(tag) =	ssettag $0x0;
	lr =	simm.s32 $0x1  }
0x2: {  	[smem:$0x3F97] =	sst lr;
	_ =	strace $0xD0000000  }
0x3: {  	_ = 	snop  }
0x4: {  	_ = 	snop  }
0x5: {  	_ = 	snop  }
0x6: {  	_ = 	snop  }
0x7: {  	_ = 	snop  }
__scs_overlays_trampoline_lowered:
0x8: {  	[smem:$0x3FA6] =	sst s0  }
0x9: {  	[smem:$0x3FA7] =	sst s1  }
0xa: {  	[smem:$0x3FA8] =	sst s2  }
0xb: {  	[smem:$0x3FA9] =	sst s3  }
0xc: {  	[smem:$0x3FAA] =	sst s4  }
0xd: {  	[smem:$0x3FAB] =	sst s5  }
0xe: {  	[smem:$0x3FAC] =	sst s6  }
0xf: {  	[smem:$0x3FAD] =	sst s7  }
0x10: {  	[smem:$0x3FAE] =	sst s8  }
0x11: {  	[smem:$0x3FAF] =	sst s9;
	s0 =	simm.s32 @!p0 $0x0  }
0x12: {  	s1 =	sld [smem:$0x3F95];
	s0 =	simm.s32 @p0 $0x1  }
0x13: {  	[smem:$0x3FB0] =	sst s0;
	s0 =	simm.s32 @!p1 $0x0  }
0x14: {  	s2 =	sld [smem:$0x3F94];
	s0 =	simm.s32 @p1 $0x1  }
0x15: {  	[smem:$0x3FB1] =	sst s0;
	s0 =	simm.s32 @!p2 $0x0  }
0x16: {  	s3 =	sld [smem:$0x3FDB];
	s0 =	simm.s32 @p2 $0x1  }
0x17: {  	s4 =	simm.s32 $0x1BF5;
	[smem:$0x3FB3] =	sst s0  }
0x18: {  	s0 =	sld [smem:$0x3F96];
	_ =	swait.ge [sflag:s4], $0x0  }
0x19: {  	s7 =	sld [smem:$0x3F97]  }
0x1a: {  	s8 =	sadd.s32 $0xFFFFE003, lr  }
0x1b: {  	s9 =	sadd.s32 $0xFFFFFEF7, lr;
	s5 =	simm.s32 $0xFFFFFFFF;
	p2 =	slt.u32 s8, $0xFFFFF086  }
0x1c: {  	p1 =	slt.u32 s9, $0xF7A;
	s5 =	simm.s32 @!p2 $0x0  }
0x1d: {  	s5 =	simm.s32 @p1 $0x1;
	p0 =	seq.s32 s7, s2  }
0x1e: {  	s7 =	smul.u32 @!p0 $0xF7A, s2;
	p2 =	seq.s32 @!p0 s5, $0x0  }
0x1f: {  	s9 =	smul.u32 $0xF7A, s1;
	s8 =	simm.s32 @!p0 $0x1BF5;
	p2 =	por !p2, p0  }
0x20: {  	[sflag:s8] =	ssyncset.s32 @!p0 $0xFFFFF086;
	s6 =	sadd.s32 @!p0 s3, s7;
	s7 =	simm.s32 @!p0 $0x108  }
0x21: {  	s3 =	sadd.s32 s3, s9;
	s6 =	sadd.s32 @!p0 $0x88, s6;
	s7 =	simm.s32 @p2 $0x1082  }
0x22: {  	[simem:s7], [sflag:s8] =	dma.local @!p0 [hbm:s6], $0xF7A  }
0x23: {  	s9 =	sor.u32 $0xD0000000, s2;
	s6 =	simm.s32 $0x108;
	_ =	swait.ge @!p0 [sflag:s8], $0x0  }
0x24: {  	s3 =	sadd.s32 $0x88, s3;
	s6 =	simm.s32 @!p1 $0x1082;
	[sflag:s4] =	ssyncset.s32 $0xFFFFF086  }
0x25: {  	[simem:s6], [sflag:s4] =	dma.local [hbm:s3], $0xF7A  }
0x26: {  	[smem:$0x3F97] =	sst s1;
	(tag) =	ssettag s2;
	_ =	strace s9  }
0x27: {  	s1 =	sld [smem:$0x3FA7]  }
0x28: {  	s2 =	sld [smem:$0x3FA8]  }
0x29: {  	s4 =	sld [smem:$0x3FAA]  }
0x2a: {  	p0 =	seq.s32 s5, $0x0;
	s5 =	sld [smem:$0x3FAB]  }
0x2b: {  	s6 =	sld [smem:$0x3FAC]  }
0x2c: {  	s7 =	sld [smem:$0x3FAD]  }
0x2d: {  	s3 =	simm.s32 $0x108;
	s8 =	sld [smem:$0x3FAE]  }
0x2e: {  	s3 =	simm.s32 @!p0 $0x1082;
	s9 =	sld [smem:$0x3FAF]  }
0x2f: {  	lr =	sadd.s32 s0, s3;
	s0 =	sld [smem:$0x3FA6]  }
0x30: {  	s3 =	sld [smem:$0x3FA9]  }
0x31: {  	[smem:$0x3FB2] =	sst s10  }
0x32: {  	s10 =	sld [smem:$0x3FB0];
	_ =	sdelay $0x3  }
0x33: {  	p0 =	seq.s32 s10, $0x1;
	s10 =	sld [smem:$0x3FB2];
	_ =	sdelay $0x3  }
0x34: {  	[smem:$0x3FB2] =	sst s10  }
0x35: {  	s10 =	sld [smem:$0x3FB1];
	_ =	sdelay $0x3  }
0x36: {  	p1 =	seq.s32 s10, $0x1;
	s10 =	sld [smem:$0x3FB2];
	_ =	sdelay $0x3  }
0x37: {  	[smem:$0x3FB2] =	sst s10  }
0x38: {  	s10 =	sld [smem:$0x3FB3]  }
0x39: {  	_ = 	snop;
	(pc) =	sbr.ind lr, $3  }
0x3a: {  	_ = 	snop  }
0x3b: {  	_ = 	snop  }
0x3c: {  	p2 =	seq.s32 s10, $0x1;
	s10 =	sld [smem:$0x3FB2]  }
0x3d: {  	_ =	shalt  }
0x3e: {  	_ =	shalt  }
0x3f: {  	_ =	shalt  }
0x40: {  	_ =	shalt  }
0x41: {  	_ =	shalt  }
0x42: {  	_ =	shalt  }
0x43: {  	_ =	shalt  }
0x44: {  	_ =	shalt  }
0x45: {  	_ =	shalt  }
0x46: {  	_ =	shalt  }
0x47: {  	_ =	shalt  }
0x48: {  	_ =	shalt  }
0x49: {  	_ =	shalt  }
0x4a: {  	_ =	shalt  }
0x4b: {  	_ =	shalt  }
0x4c: {  	_ =	shalt  }
0x4d: {  	_ =	shalt  }
0x4e: {  	_ =	shalt  }
0x4f: {  	_ =	shalt  }
0x50: {  	_ =	shalt  }
0x51: {  	_ =	shalt  }
0x52: {  	_ =	shalt  }
0x53: {  	_ =	shalt  }
0x54: {  	_ =	shalt  }
0x55: {  	_ =	shalt  }
0x56: {  	_ =	shalt  }
0x57: {  	_ =	shalt  }
0x58: {  	_ =	shalt  }
0x59: {  	_ =	shalt  }
0x5a: {  	_ =	shalt  }
0x5b: {  	_ =	shalt  }
0x5c: {  	_ =	shalt  }
0x5d: {  	_ =	shalt  }
0x5e: {  	_ =	shalt  }
0x5f: {  	_ =	shalt  }
0x60: {  	_ =	shalt  }
0x61: {  	_ =	shalt  }
0x62: {  	_ =	shalt  }
0x63: {  	_ =	shalt  }
0x64: {  	_ =	shalt  }
0x65: {  	_ =	shalt  }
0x66: {  	_ =	shalt  }
0x67: {  	_ =	shalt  }
0x68: {  	_ =	shalt  }
0x69: {  	_ =	shalt  }
0x6a: {  	_ =	shalt  }
0x6b: {  	_ =	shalt  }
0x6c: {  	_ =	shalt  }
0x6d: {  	_ =	shalt  }
0x6e: {  	_ =	shalt  }
0x6f: {  	_ =	shalt  }
0x70: {  	_ =	shalt  }
0x71: {  	_ =	shalt  }
0x72: {  	_ =	shalt  }
0x73: {  	_ =	shalt  }
0x74: {  	_ =	shalt  }
0x75: {  	_ =	shalt  }
0x76: {  	_ =	shalt  }
0x77: {  	_ =	shalt  }
0x78: {  	_ =	shalt  }
0x79: {  	_ =	shalt  }
0x7a: {  	_ =	shalt  }
0x7b: {  	_ =	shalt  }
0x7c: {  	_ =	shalt  }
0x7d: {  	_ =	shalt  }
0x7e: {  	_ =	shalt  }
0x7f: {  	_ =	shalt  }
0x80: {  	_ =	shalt  }
0x81: {  	_ =	shalt  }
0x82: {  	_ =	shalt  }
0x83: {  	_ =	shalt  }
0x84: {  	_ =	shalt  }
0x85: {  	_ =	shalt  }
0x86: {  	_ =	shalt  }
0x87: {  	_ =	shalt  }
.Lfunc_end0:
.L_simem_size_0:
called_computation.2_lowered:
.L_overlay_start_0:
0x88: {  	s2 =	sld [smem:$0x3FD9]  }
0x89: {  	s3 =	sld [smem:$0x3FFE];
	_ =	sdelay $0x1  }
0x8a: {  	s1 =	srdreg.scid  }
0x8b: {  	s0 =	sand.u32 $0x1, s1  }
0x8c: {  	s16 =	sshll.u32 s0, $0xA;
	s2 =	sadd.s32 s3, s2  }
0x8d: {  	s2 =	sadd.s32 s2, s16  }
0x8e: {  	[smem:$0x3FBE] =	sst s2  }
0x8f: {  	_ = 	snop  }
0x90: {  	(tm) =	ssettm $0x1  }
0x91: {  	s17 =	sld [smem:$0x3FFB];
	_ =	sdelay $0x3  }
0x92: {  	_ =	strace s17  }
0x93: {  	s2 =	sld [smem:$0x3FFC];
	_ =	sdelay $0x3  }
0x94: {  	_ =	strace s2  }
0x95: {  	s2 =	sld [smem:$0x3FFD];
	_ =	sdelay $0x3  }
0x96: {  	_ =	strace s2  }
0x97: {  	_ =	strace $0x8FFFFFFF  }
0x98: {  	s18 =	sld [smem:$0x3FDB];
	_ =	sdelay $0x1  }
0x99: {  	s19 =	simm.s32 $_scs_section_size  }
0x9a: {  	s4 =	simm.s32 $_size__tile_overlayer_lowered;
	s5 =	simm.s32 $_tile_overlayer_lowered  }
0x9b: {  	s22 =	simm.s32 $0x1BFF;
	s21 =	sshll.u32 s5, $0x1;
	s2 =	sadd.s32 s19, s18  }
0x9c: {  	s6 =	simm.s32 $0x0;
	s20 =	sshll.u32 s4, $0x1;
	s4 =	sadd.s32 s21, s2  }
0x9d: {  	[timem:s6], [sflag:s22] =	dma.local [hbm:s4], s20  }
0x9e: {  	_ =	swait.ge [sflag:s22], s20  }
0x9f: {  	s3 =	ssub.s32 $0x0, s20;
	[sflag:s22] =	ssyncset.done $0x0  }
0xa0: {  	[sflag:s22] =	ssyncadd.s32 s3;
	_ =	sdelay $0x1  }
0xa1: {  	s23 =	simm.s32 $0x1B8B  }
0xa2: {  	_ =	swait.ge [sflag:s23], $0x1  }
0xa3: {  	[sflag:s23] =	ssyncset.done $0x0  }
0xa4: {  	s25 =	simm.s32 $0x1B8E;
	s24 =	sld [smem:$0x3FFE];
	[sflag:s23] =	ssyncadd.s32 $0xFFFFFFFF  }
0xa5: {  	s26 =	simm.s32 $execute0_lowered;
	[smem:$0x3FD2] =	sst s25  }
0xa6: {  	s4 =	sshll.u32 s26, $0x1;
	_ =	strace $0x8000004C;
	[dreg:$0x1] =	wrdreg $0xFFFFFFFF  }
0xa7: {  	s28 =	simm.s32 $_size_execute0_lowered;
	s2 =	sadd.s32 s2, s4;
	[dreg:$0x0] =	wrdreg $0x0  }
0xa8: {  	s4 =	sshll.u32 s28, $0x1;
	[dreg:$0x2] =	wrdreg s2  }
0xa9: {  	[dreg:$0x3] =	wrdreg s4  }
0xaa: {  	[dreg:$0x4] =	wrdreg $0xC0  }
0xab: {  	_ =	task [dreg:s6], $0x5FFFF  }
0xac: {  	[dreg:$0x1] =	wrdreg $0xFFFFFFFF  }
0xad: {  	[dreg:$0x0] =	wrdreg $0x60  }
0xae: {  	[dreg:$0x2] =	wrdreg s24  }
0xaf: {  	[dreg:$0x3] =	wrdreg $0x0  }
0xb0: {  	[dreg:$0x4] =	wrdreg $0x9  }
0xb1: {  	_ =	task.clear_ibuf [dreg:s6], $0x5FFFF;
	_ =	strace $0x9000004C  }
0xb2: {  	s29 =	simm.s32 $0x9;
	_ =	strace $0x8000004E  }
0xb3: {  	_ =	swait.ge [sflag:s29], $0x1  }
0xb4: {  	[sflag:s29] =	ssyncadd.s32 $0xFFFFFFFF  }
0xb5: {  	_ =	strace $0x9000004E  }
0xb6: {  	_ =	sfence  }
0xb7: {  	s30 =	sld [smem:$0x0];
	_ =	sdelay $0x2  }
0xb8: {  	s31 =	sshll.u32 s1, $0xD;
	s1 =	sshrl.u32 s1, $0x2  }
0xb9: {  	s3 =	sand.u32 $0x4000, s31;
	s1 =	sadd.s32 s1, s30  }
0xba: {  	s0 =	sor.u32 s3, s0;
	s1 =	sshll.u32 s1, $0x11  }
0xbb: {  	s0 =	sor.u32 s1, s0  }
0xbc: {  	s0 =	sadd.s32 $0x8F2B, s0  }
0xbd: {  	[sflag:s0] =	ssyncadd.remote.s32 $0x1  }
0xbe: {  	_ =	sfence.sel $0xFFFF  }
0xbf: {  	[dreg:$0x0] =	wrdreg $0xFFFFFFFF;
	(pc) =	sbr.abs _section_cstart, $3  }
0xc0: {  	[dreg:$0x1] =	wrdreg $0xFFFFFFFF  }
0xc1: {  	_ =	task.clear_ibuf [dreg:s6], $0x2FFFF;
	_ =	strace $0x9FFFFFFF  }
0xc2: {  	(tm) =	ssettm $0x7FFFFFFF  }
0xc3: {  	_ =	shalt  }
tec
execute0_lowered:
.L_overlay_start_1:
0x0: {  	(tag) =	ssettag $0x1  }
0x1: {  	s0 =	rddreg [dreg:$0x0]  }
0x2: {  	s2 =	rddreg [dreg:$0x1];
	s11 =	stileid.u32  }
0x3: {  	s3 =	simm.s32 $0x0;
	s4 =	srdreg.scid;
	s6 =	smul.u32 $0xF, s11  }
0x4: {  	s29 =	simm.s32 $0x13900;
	[smem:$0x7FF] =	sst s3;
	s16 =	smul.u32 $0x12C00, s11  }
0x5: {  	s1 =	sshrl.u32 s11, $0x2;
	s5 =	sand.u32 $0x1, s4;
	s21 =	smul.u32 $0x4B000, s11  }
0x6: {  	s23 =	sshll.u32 s11, $0x8;
	s8 =	smin.u32 s11, $0xA;
	s1 =	smul.u32 $0x13C00, s1  }
0x7: {  	s7 =	sshll.u32 s5, $0x7;
	s9 =	ssub.s32 $0x2, s5;
	s5 =	smul.u32 $0x138800, s5  }
0x8: {  	p0 =	sgt.u32 s11, $0x9;
	s11 =	simm.s32 $0x1D800;
	s19 =	smul.u32 $0x1400, s8  }
0x9: {  	s4 =	sand.u32 $0x300, s23;
	_ =	strace $0x8000004D;
	s23 =	smul.u32 $0x5000, s8  }
0xa: {  	s7 =	sor.u32 s7, s4;
	s6 =	sadd.s32 s8, s6;
	s4 =	sadd.s32 $0x41800, s0  }
0xb: {  	s10 =	sshrl.u32 s9, $0x1;
	s8 =	simm.s32 $0x28;
	s1 =	sor.u32 s1, s7  }
0xc: {  	s24 =	smul.u32 $0x5000, s6;
	s9 =	ssub.s32 s9, s10;
	s1 =	sshrl.u32 s1, $0x3  }
0xd: {  	s6 =	smul.u32 $0x1400, s6;
	s10 =	smax.u32 s9, $0x1;
	s1 =	sadd.s32 s1, s0  }
0xe: {  	s7 =	sshrl.u32 s24, $0x2;
	[dreg:$0x7] =	wrdreg s10;
	s25 =	sadd.s32 $0x10800, s1  }
0xf: {  	s1 =	sadd.s32 $0x6000, s1;
	s7 =	sadd.s32 s7, s2;
	[dreg:$0x3] =	wrdreg s25  }
0x10: {  	s9 =	simm.s32 $0x19C00;
	[dreg:$0x4] =	wrdreg s1;
	s31 =	sadd.s32 $0x12C00, s7  }
0x11: {  	s0 =	sadd.s32 $0x68A00, s0;
	s12 =	sadd.s32 $0x1400, s7;
	[dreg:$0x5] =	wrdreg s31  }
0x12: {  	s6 =	sadd.s32 $0x12C00, s6;
	s13 =	sadd.s32 $0x2800, s7;
	[dreg:$0x8] =	wrdreg s12  }
0x13: {  	s10 =	simm.s32 $0x1B000;
	s14 =	sadd.s32 $0x3C00, s7;
	[dreg:$0x9] =	wrdreg s13  }
0x14: {  	s26 =	sadd.s32 s5, s6;
	s15 =	sadd.s32 $0x5000, s7;
	[dreg:$0xa] =	wrdreg s14  }
0x15: {  	s5 =	sadd.s32 s16, s5;
	s17 =	sadd.s32 $0x6400, s7;
	[dreg:$0xb] =	wrdreg s15  }
0x16: {  	s16 =	simm.s32 $0x5;
	s18 =	sadd.s32 $0x7800, s7;
	[dreg:$0xc] =	wrdreg s17  }
0x17: {  	s30 =	sshrl.u32 s26, $0x3;
	s20 =	sadd.s32 $0x8C00, s7;
	[dreg:$0xd] =	wrdreg s18  }
0x18: {  	s22 =	sadd.s32 $0xA000, s7;
	s5 =	sadd.s32 s19, s5;
	[dreg:$0xe] =	wrdreg s20  }
0x19: {  	s24 =	sadd.s32 $0xB400, s7;
	s25 =	sadd.s32 $0xC800, s7;
	[dreg:$0xf] =	wrdreg s22  }
0x1a: {  	s26 =	sadd.s32 $0xDC00, s7;
	s28 =	sadd.s32 $0x11800, s7;
	[dreg:$0x10] =	wrdreg s24  }
0x1b: {  	s19 =	simm.s32 $0x8;
	s1 =	sadd.s32 s0, s30;
	[dreg:$0x11] =	wrdreg s25  }
0x1c: {  	s5 =	sshrl.u32 s5, $0x3;
	[dreg:$0x12] =	wrdreg s26;
	s30 =	sadd.s32 $0xF000, s7  }
0x1d: {  	s26 =	sadd.s32 $0x10400, s7;
	s12 =	simm.s32 $0x1C400;
	s13 =	simm.s32 $0x1D880  }
0x1e: {  	s14 =	simm.s32 $0x4;
	s15 =	simm.s32 $0x1D980;
	s17 =	simm.s32 $0x6  }
0x1f: {  	s18 =	simm.s32 $0x7;
	s20 =	simm.s32 $0xA;
	[dreg:$0x6] =	wrdreg s1  }
0x20: {  	s1 =	sadd.s32 s6, s2;
	s6 =	sadd.s32 s23, s21;
	s22 =	sadd.s32 s5, s0  }
0x21: {  	[dreg:$0x13] =	wrdreg s30;
	s5 =	simm.s32 $0x1;
	s31 =	sshrl.u32 s6, $0x2  }
0x22: {  	s0 =	sshrl.u32 @!p0 s1, $0x3;
	s1 =	simm.s32 $0x9;
	s6 =	simm.s32 $0x2  }
0x23: {  	v0 =	vimm.f32 $0.0e+00;
	s24 =	sadd.s32 s31, s2;
	[dreg:$0x14] =	wrdreg s0;
	s0 =	simm.s32 $0x18800  }
.LBB2_1:
0x24: {  	s21 =	rddreg [dreg:$0x3];
	s23 =	simm.s32 $0x80;
	s25 =	simm.s32 $0x400  }
0x25: {  	[tilespmem:s29], [sflag:$0x1] =	stream.strided.gather [hbm4b:s21+s23], $0x2780, s25, s23, $0x38;
	[tilespmem:$0x1DA00] =	vst v63  }
0x26: {  	s31 =	rddreg [dreg:$0x4];
	s30 =	simm.s32 $0x16080  }
0x27: {  	[tilespmem:s30], [sflag:$0x2] =	stream.strided.gather [hbm4b:s31+s23], $0x2780, s25, s23, $0x38;
	[tilespmem:$0x1DA00] =	vst v63  }
0x28: {  	s21 =	simm.s32 $0x70;
	s23 =	simm.s32 $0x3C0  }
.LBB2_2:
0x29: {  	p1 =	sne.s32 s23, $0x4FC0;
	[tilespmem:s21+$0x18800] =	vst v0  }
0x2a: {  	[tilespmem:s21+$0x18790] =	vst v0  }
0x2b: {  	[tilespmem:s21+$0x187A0] =	vst v0  }
.Ltmp0:
0x2c: {  	[tilespmem:s21+$0x187B0] =	vst v0;
	(pc) =	sbr.rel @p1 .LBB2_2-.Ltmp0, $4  }
0x2d: {  	[tilespmem:s21+$0x187C0] =	vst v0  }
0x2e: {  	[tilespmem:s21+$0x187D0] =	vst v0  }
0x2f: {  	[tilespmem:s21+$0x187E0] =	vst v0  }
0x30: {  	[tilespmem:s21+$0x187F0] =	vst v0;
	s21 =	sshra.s32 s23, $0x2;
	s23 =	sadd.s32 $0x200, s23  }
0x31: {  	[tilespmem:s21+$0x18800] =	vst v0  }
0x32: {  	[tilespmem:s21+$0x18790] =	vst v0  }
0x33: {  	[tilespmem:s21+$0x187A0] =	vst v0  }
0x34: {  	[tilespmem:s21+$0x187B0] =	vst v0  }
0x35: {  	[tilespmem:s21+$0x187C0] =	vst v0  }
0x36: {  	[tilespmem:s21+$0x187D0] =	vst v0  }
0x37: {  	[tilespmem:s21+$0x187E0] =	vst v0  }
0x38: {  	[tilespmem:s21+$0x187F0] =	vst v0  }
0x39: {  	[spmem:s7] =	stream.linear.scatter [tilespmem:s0], [sflag:$0x9], $0x1400, $0x38;
	[tilespmem:$0x1DA00] =	vst v63  }
0x3a: {  	s30 =	rddreg [dreg:$0x8]  }
0x3b: {  	[spmem:s30] =	stream.linear.scatter [tilespmem:s0], [sflag:$0x9], $0x1400, $0x38;
	[tilespmem:$0x1DA00] =	vst v63  }
0x3c: {  	s31 =	rddreg [dreg:$0x9]  }
0x3d: {  	[spmem:s31] =	stream.linear.scatter [tilespmem:s0], [sflag:$0x9], $0x1400, $0x38;
	[tilespmem:$0x1DA00] =	vst v63  }
0x3e: {  	s23 =	rddreg [dreg:$0xa]  }
0x3f: {  	[spmem:s23] =	stream.linear.scatter [tilespmem:s0], [sflag:$0x9], $0x1400, $0x38;
	[tilespmem:$0x1DA00] =	vst v63  }
0x40: {  	s25 =	rddreg [dreg:$0xb]  }
0x41: {  	[spmem:s25] =	stream.linear.scatter [tilespmem:s0], [sflag:$0x9], $0x1400, $0x38;
	[tilespmem:$0x1DA00] =	vst v63  }
0x42: {  	s30 =	rddreg [dreg:$0xc]  }
0x43: {  	[spmem:s30] =	stream.linear.scatter [tilespmem:s0], [sflag:$0x9], $0x1400, $0x38;
	[tilespmem:$0x1DA00] =	vst v63  }
0x44: {  	s31 =	rddreg [dreg:$0xd]  }
0x45: {  	[spmem:s31] =	stream.linear.scatter [tilespmem:s0], [sflag:$0x9], $0x1400, $0x38;
	[tilespmem:$0x1DA00] =	vst v63  }
0x46: {  	s23 =	rddreg [dreg:$0xe]  }
0x47: {  	[spmem:s23] =	stream.linear.scatter [tilespmem:s0], [sflag:$0x9], $0x1400, $0x38;
	[tilespmem:$0x1DA00] =	vst v63  }
0x48: {  	s25 =	rddreg [dreg:$0xf]  }
0x49: {  	[spmem:s25] =	stream.linear.scatter [tilespmem:s0], [sflag:$0x9], $0x1400, $0x38;
	[tilespmem:$0x1DA00] =	vst v63  }
0x4a: {  	s30 =	rddreg [dreg:$0x10]  }
0x4b: {  	[spmem:s30] =	stream.linear.scatter [tilespmem:s0], [sflag:$0x9], $0x1400, $0x38;
	[tilespmem:$0x1DA00] =	vst v63  }
0x4c: {  	s31 =	rddreg [dreg:$0x11]  }
0x4d: {  	[spmem:s31] =	stream.linear.scatter [tilespmem:s0], [sflag:$0x9], $0x1400, $0x38;
	[tilespmem:$0x1DA00] =	vst v63  }
0x4e: {  	s23 =	rddreg [dreg:$0x12]  }
0x4f: {  	[spmem:s23] =	stream.linear.scatter [tilespmem:s0], [sflag:$0x9], $0x1400, $0x38;
	[tilespmem:$0x1DA00] =	vst v63  }
0x50: {  	s25 =	rddreg [dreg:$0x13]  }
0x51: {  	[spmem:s25] =	stream.linear.scatter [tilespmem:s0], [sflag:$0x9], $0x1400, $0x38;
	[tilespmem:$0x1DA00] =	vst v63  }
0x52: {  	_ = 	snop  }
0x53: {  	[spmem:s26] =	stream.linear.scatter [tilespmem:s0], [sflag:$0x9], $0x1400, $0x38;
	[tilespmem:$0x1DA00] =	vst v63  }
0x54: {  	_ = 	snop  }
0x55: {  	[spmem:s28] =	stream.linear.scatter [tilespmem:s0], [sflag:$0x9], $0x1400, $0x38;
	[tilespmem:$0x1DA00] =	vst v63  }
0x56: {  	s21 =	simm.s32 @!p0 $0x18800;
	s23 =	rddreg [dreg:$0x5]  }
0x57: {  	[spmem:s23] =	stream.linear.scatter @!p0 [tilespmem:s21], [sflag:$0x9], $0x1400, $0x38;
	[tilespmem:$0x1DA00] =	vst v63  }
0x58: {  	_ =	swait.ge [sflag:s1], $0x1400  }
0x59: {  	[sflag:s1] =	ssyncset.done $0x0  }
0x5a: {  	[sflag:s1] =	ssyncadd.s32 $0xFFFFEC00  }
0x5b: {  	_ =	swait.ge [sflag:s1], $0x1400  }
0x5c: {  	[sflag:s1] =	ssyncset.done $0x0  }
0x5d: {  	[sflag:s1] =	ssyncadd.s32 $0xFFFFEC00  }
0x5e: {  	_ =	swait.ge [sflag:s1], $0x1400  }
0x5f: {  	[sflag:s1] =	ssyncset.done $0x0  }
0x60: {  	[sflag:s1] =	ssyncadd.s32 $0xFFFFEC00  }
0x61: {  	_ =	swait.ge [sflag:s1], $0x1400  }
0x62: {  	[sflag:s1] =	ssyncset.done $0x0  }
0x63: {  	[sflag:s1] =	ssyncadd.s32 $0xFFFFEC00  }
0x64: {  	_ =	swait.ge [sflag:s1], $0x1400  }
0x65: {  	[sflag:s1] =	ssyncset.done $0x0  }
0x66: {  	[sflag:s1] =	ssyncadd.s32 $0xFFFFEC00  }
0x67: {  	_ =	swait.ge [sflag:s1], $0x1400  }
0x68: {  	[sflag:s1] =	ssyncset.done $0x0  }
0x69: {  	[sflag:s1] =	ssyncadd.s32 $0xFFFFEC00  }
0x6a: {  	_ =	swait.ge [sflag:s1], $0x1400  }
0x6b: {  	[sflag:s1] =	ssyncset.done $0x0  }
0x6c: {  	[sflag:s1] =	ssyncadd.s32 $0xFFFFEC00  }
0x6d: {  	_ =	swait.ge [sflag:s1], $0x1400  }
0x6e: {  	[sflag:s1] =	ssyncset.done $0x0  }
0x6f: {  	[sflag:s1] =	ssyncadd.s32 $0xFFFFEC00  }
0x70: {  	_ =	swait.ge [sflag:s1], $0x1400  }
0x71: {  	[sflag:s1] =	ssyncset.done $0x0  }
0x72: {  	[sflag:s1] =	ssyncadd.s32 $0xFFFFEC00  }
0x73: {  	_ =	swait.ge [sflag:s1], $0x1400  }
0x74: {  	[sflag:s1] =	ssyncset.done $0x0  }
0x75: {  	[sflag:s1] =	ssyncadd.s32 $0xFFFFEC00  }
0x76: {  	_ =	swait.ge [sflag:s1], $0x1400  }
0x77: {  	[sflag:s1] =	ssyncset.done $0x0  }
0x78: {  	[sflag:s1] =	ssyncadd.s32 $0xFFFFEC00  }
0x79: {  	_ =	swait.ge [sflag:s1], $0x1400  }
0x7a: {  	[sflag:s1] =	ssyncset.done $0x0  }
0x7b: {  	[sflag:s1] =	ssyncadd.s32 $0xFFFFEC00  }
0x7c: {  	_ =	swait.ge [sflag:s1], $0x1400  }
0x7d: {  	[sflag:s1] =	ssyncset.done $0x0  }
0x7e: {  	[sflag:s1] =	ssyncadd.s32 $0xFFFFEC00  }
0x7f: {  	_ =	swait.ge [sflag:s1], $0x1400  }
0x80: {  	[sflag:s1] =	ssyncset.done $0x0  }
0x81: {  	[sflag:s1] =	ssyncadd.s32 $0xFFFFEC00  }
0x82: {  	_ =	swait.ge [sflag:s1], $0x1400  }
0x83: {  	[sflag:s1] =	ssyncset.done $0x0  }
0x84: {  	s21 =	simm.s32 @!p0 $0x9;
	[sflag:s1] =	ssyncadd.s32 $0xFFFFEC00  }
0x85: {  	_ =	swait.ge @!p0 [sflag:s21], $0x1400  }
0x86: {  	[sflag:s21] =	ssyncset.done @!p0 $0x0  }
0x87: {  	[sflag:s21] =	ssyncadd.s32 @!p0 $0xFFFFEC00  }
0x88: {  	_ =	swait.ge [sflag:s5], $0x2780  }
0x89: {  	[sflag:s5] =	ssyncset.done $0x0  }
0x8a: {  	[sflag:s5] =	ssyncadd.s32 $0xFFFFD880  }
0x8b: {  	_ =	swait.ge [sflag:s6], $0x2780  }
0x8c: {  	[sflag:s6] =	ssyncset.done $0x0  }
0x8d: {  	[sflag:s6] =	ssyncadd.s32 $0xFFFFD880  }
0x8e: {  	[bflag:$0x0] =	sbarrier.arrive $0xFFFF  }
0x8f: {  	[tilespmem:s0], [sflag:$0x1] =	stream.indirect.gather [hbm4b:s4+s8], $0x80, s29, s8, $0xb8;
	[tilespmem:$0x1DA00] =	vst v63  }
0x90: {  	v1 =	vld [tilespmem:$0x16080]  }
0x91: {  	v2 =	vld [tilespmem:$0x16090]  }
0x92: {  	v3 =	vld [tilespmem:$0x16098];
	_ =	sdelay $0x2  }
0x93: {  	[tilespmem:$0x1D800] =	vst v1  }
0x94: {  	[tilespmem:$0x1D810] =	vst v2  }
0x95: {  	s30 =	simm.s32 $0x13928;
	[tilespmem:$0x1D818] =	vst v3  }
0x96: {  	[tilespmem:s9], [sflag:$0x2] =	stream.indirect.gather [hbm4b:s4+s8], $0x80, s30, s8, $0xb8;
	[tilespmem:$0x1DA00] =	vst v63  }
0x97: {  	v1 =	vld [tilespmem:$0x160A8]  }
0x98: {  	v2 =	vld [tilespmem:$0x160B8]  }
0x99: {  	v3 =	vld [tilespmem:$0x160C0];
	_ =	sdelay $0x2  }
0x9a: {  	[tilespmem:$0x1D880] =	vst v1  }
0x9b: {  	[tilespmem:$0x1D890] =	vst v2  }
0x9c: {  	s31 =	simm.s32 $0x13950;
	[tilespmem:$0x1D898] =	vst v3  }
0x9d: {  	[tilespmem:s10], [sflag:$0x3] =	stream.indirect.gather [hbm4b:s4+s8], $0x80, s31, s8, $0xb8;
	[tilespmem:$0x1DA00] =	vst v63  }
0x9e: {  	v1 =	vld [tilespmem:$0x160D0]  }
0x9f: {  	v2 =	vld [tilespmem:$0x160E0]  }
0xa0: {  	v3 =	vld [tilespmem:$0x160E8];
	_ =	sdelay $0x2  }
0xa1: {  	[tilespmem:$0x1D900] =	vst v1  }
0xa2: {  	[tilespmem:$0x1D910] =	vst v2  }
0xa3: {  	s21 =	simm.s32 $0x0;
	[tilespmem:$0x1D918] =	vst v3  }
.LBB2_4:
0xa4: {  	_ =	swait.ge [sflag:s5], $0x1400  }
0xa5: {  	p1 =	seq.s32 s21, $0x0;
	[sflag:s5] =	ssyncset.done $0x0  }
0xa6: {  	s29 =	simm.s32 @!p1 $0x8;
	[sflag:s5] =	ssyncadd.s32 $0xFFFFEC00  }
0xa7: {  	[spmem:s2] =	stream.indirect.scatter.add.f32 [tilespmem:s0], [sflag:$0x5], $0x80, s11, s8, $0xb8;
	[tilespmem:$0x1DA00] =	vst v63  }
0xa8: {  	_ =	swait.ge @!p1 [sflag:s29], $0x1400  }
0xa9: {  	s23 =	sshra.s32 s21, $0x2;
	[sflag:s29] =	ssyncset.done @!p1 $0x0  }
0xaa: {  	s31 =	sadd.s32 $0x13978, s23;
	[sflag:s29] =	ssyncadd.s32 @!p1 $0xFFFFEC00  }
0xab: {  	[tilespmem:s12], [sflag:$0x4] =	stream.indirect.gather [hbm4b:s4+s8], $0x80, s31, s8, $0xb8;
	[tilespmem:$0x1DA00] =	vst v63  }
0xac: {  	v1 =	vld [tilespmem:s23+$0x160F8];
	_ =	sdelay $0x4  }
0xad: {  	[tilespmem:$0x1D980] =	vst v1  }
0xae: {  	v1 =	vld [tilespmem:s23+$0x16108];
	_ =	sdelay $0x4  }
0xaf: {  	[tilespmem:$0x1D990] =	vst v1  }
0xb0: {  	v1 =	vld [tilespmem:s23+$0x16110];
	_ =	sdelay $0x4  }
0xb1: {  	[tilespmem:$0x1D998] =	vst v1  }
0xb2: {  	_ =	swait.ge [sflag:s6], $0x1400  }
0xb3: {  	p1 =	seq.s32 s21, $0x9B00;
	[sflag:s6] =	ssyncset.done $0x0  }
0xb4: {  	s29 =	simm.s32 @p1 $0x3;
	[sflag:s6] =	ssyncadd.s32 $0xFFFFEC00  }
0xb5: {  	[spmem:s2] =	stream.indirect.scatter.add.f32 [tilespmem:s9], [sflag:$0x6], $0x80, s13, s8, $0xb8;
	[tilespmem:$0x1DA00] =	vst v63  }
0xb6: {  	_ =	swait.ge @p1 [sflag:s29], $0x1400  }
0xb7: {  	s30 =	simm.s32 @p1 $0x1D900;
	[sflag:s29] =	ssyncset.done @p1 $0x0  }
0xb8: {  	s31 =	simm.s32 @p1 $0x1B000;
	[sflag:s29] =	ssyncadd.s32 @p1 $0xFFFFEC00;
	s29 =	simm.s32 @p1 $0x28  }
0xb9: {  	[spmem:s2] =	stream.indirect.scatter.add.f32 @p1 [tilespmem:s31], [sflag:$0x7], $0x80, s30, s29, $0xb8;
	[tilespmem:$0x1DA00] =	vst v63  }
0xba: {  	s29 =	simm.s32 @!p1 $0x5  }
0xbb: {  	_ =	swait.ge @!p1 [sflag:s29], $0x1400  }
0xbc: {  	[sflag:s29] =	ssyncset.done @!p1 $0x0  }
0xbd: {  	[sflag:s29] =	ssyncadd.s32 @!p1 $0xFFFFEC00;
	s29 =	sshra.s32 @!p1 s21, $0x2  }
0xbe: {  	s25 =	simm.s32 @!p1 $0x18800;
	s31 =	simm.s32 @!p1 $0x28;
	s30 =	sadd.s32 @!p1 $0x139A0, s29  }
0xbf: {  	[tilespmem:s25], [sflag:$0x1] =	stream.indirect.gather @!p1 [hbm4b:s4+s31], $0x80, s30, s31, $0xb8;
	[tilespmem:$0x1DA00] =	vst v63  }
0xc0: {  	v1 =	vld @!p1 [tilespmem:s29+$0x16120];
	_ =	sdelay $0x4  }
0xc1: {  	[tilespmem:$0x1D800] =	vst @!p1 v1  }
0xc2: {  	v1 =	vld @!p1 [tilespmem:s29+$0x16130];
	_ =	sdelay $0x4  }
0xc3: {  	[tilespmem:$0x1D810] =	vst @!p1 v1  }
0xc4: {  	v1 =	vld @!p1 [tilespmem:s29+$0x16138];
	_ =	sdelay $0x4  }
0xc5: {  	s25 =	simm.s32 @!p1 $0x3;
	[tilespmem:$0x1D818] =	vst @!p1 v1  }
0xc6: {  	_ =	swait.ge @!p1 [sflag:s25], $0x1400  }
0xc7: {  	[sflag:s25] =	ssyncset.done @!p1 $0x0  }
0xc8: {  	s30 =	simm.s32 @!p1 $0x1B000;
	[sflag:s25] =	ssyncadd.s32 @!p1 $0xFFFFEC00;
	s25 =	simm.s32 @!p1 $0x1D900  }
0xc9: {  	[spmem:s2] =	stream.indirect.scatter.add.f32 @!p1 [tilespmem:s30], [sflag:$0x7], $0x80, s25, s31, $0xb8;
	[tilespmem:$0x1DA00] =	vst v63  }
0xca: {  	s25 =	simm.s32 @!p1 $0x6  }
0xcb: {  	_ =	swait.ge @!p1 [sflag:s25], $0x1400  }
0xcc: {  	[sflag:s25] =	ssyncset.done @!p1 $0x0  }
0xcd: {  	s30 =	simm.s32 @!p1 $0x19C00;
	[sflag:s25] =	ssyncadd.s32 @!p1 $0xFFFFEC00;
	s25 =	sadd.s32 @!p1 $0x139C8, s29  }
0xce: {  	[tilespmem:s30], [sflag:$0x2] =	stream.indirect.gather @!p1 [hbm4b:s4+s31], $0x80, s25, s31, $0xb8;
	[tilespmem:$0x1DA00] =	vst v63  }
0xcf: {  	v1 =	vld @!p1 [tilespmem:s29+$0x16148];
	_ =	sdelay $0x4  }
0xd0: {  	[tilespmem:$0x1D880] =	vst @!p1 v1  }
0xd1: {  	v1 =	vld @!p1 [tilespmem:s29+$0x16158];
	_ =	sdelay $0x4  }
0xd2: {  	[tilespmem:$0x1D890] =	vst @!p1 v1  }
0xd3: {  	v1 =	vld @!p1 [tilespmem:s29+$0x16160];
	_ =	sdelay $0x4  }
.Ltmp1:
0xd4: {  	[tilespmem:$0x1D898] =	vst @!p1 v1;
	(pc) =	sbr.rel @p1 .LBB2_6-.Ltmp1, $4  }
0xd5: {  	_ =	swait.ge [sflag:s14], $0x1400  }
0xd6: {  	[sflag:s14] =	ssyncset.done $0x0  }
0xd7: {  	[sflag:s14] =	ssyncadd.s32 $0xFFFFEC00  }
0xd8: {  	[spmem:s2] =	stream.indirect.scatter.add.f32 [tilespmem:s12], [sflag:$0x8], $0x80, s15, s8, $0xb8;
	[tilespmem:$0x1DA00] =	vst v63  }
0xd9: {  	_ =	swait.ge [sflag:s18], $0x1400  }
0xda: {  	[sflag:s18] =	ssyncset.done $0x0  }
0xdb: {  	s25 =	sadd.s32 $0x139F0, s23;
	[sflag:s18] =	ssyncadd.s32 $0xFFFFEC00  }
0xdc: {  	[tilespmem:s10], [sflag:$0x3] =	stream.indirect.gather [hbm4b:s4+s8], $0x80, s25, s8, $0xb8;
	[tilespmem:$0x1DA00] =	vst v63  }
0xdd: {  	v1 =	vld [tilespmem:s23+$0x16170];
	_ =	sdelay $0x4  }
0xde: {  	[tilespmem:$0x1D900] =	vst v1  }
0xdf: {  	v1 =	vld [tilespmem:s23+$0x16180];
	_ =	sdelay $0x4  }
0xe0: {  	[tilespmem:$0x1D910] =	vst v1  }
0xe1: {  	v1 =	vld [tilespmem:s23+$0x16188]  }
.Ltmp2:
0xe2: {  	_ = 	snop;
	(pc) =	sbr.rel .LBB2_4-.Ltmp2, $2  }
0xe3: {  	_ =	sdelay $0x2  }
0xe4: {  	s21 =	sadd.s32 $0x280, s21;
	[tilespmem:$0x1D918] =	vst v1  }
.LBB2_6:
0xe5: {  	_ =	swait.ge [sflag:s16], $0x1400  }
0xe6: {  	[sflag:s16] =	ssyncset.done $0x0  }
0xe7: {  	[sflag:s16] =	ssyncadd.s32 $0xFFFFEC00  }
0xe8: {  	_ =	swait.ge [sflag:s17], $0x1400  }
0xe9: {  	[sflag:s17] =	ssyncset.done $0x0  }
0xea: {  	[sflag:s17] =	ssyncadd.s32 $0xFFFFEC00  }
0xeb: {  	_ =	swait.ge [sflag:s18], $0x1400  }
0xec: {  	[sflag:s18] =	ssyncset.done $0x0  }
0xed: {  	[sflag:s18] =	ssyncadd.s32 $0xFFFFEC00  }
0xee: {  	s21 =	simm.s32 $0x280;
	_ =	swait.ge [sflag:s19], $0x1400  }
0xef: {  	s23 =	stileid.u32;
	s29 =	sadd.s32 $0x1400, s24;
	[sflag:s19] =	ssyncset.done $0x0  }
0xf0: {  	s30 =	sadd.s32 $0x0, s22;
	s23 =	sshll.u32 s23, $0x6;
	[sflag:s19] =	ssyncadd.s32 $0xFFFFEC00  }
0xf1: {  	s31 =	sshrl.u32 s24, $0x3;
	s23 =	sor.u32 $0x1C0A, s23;
	[bflag:$0x0] =	sbarrier.arrive $0xFFFF  }
.LBB2_7:
0xf2: {  	[hbm:s30], [sflag:s23] =	dma.local [spmem:s31], $0x280  }
0xf3: {  	s25 =	smov.u32 s21;
	s31 =	smov.u32 s29;
	p1 =	sne.s32 s21, $0x2300  }
.Ltmp3:
0xf4: {  	s21 =	sadd.s32 $0x280, s21;
	(pc) =	sbr.rel @p1 .LBB2_7-.Ltmp3, $3  }
0xf5: {  	_ =	sdelay $0x1  }
0xf6: {  	s29 =	sadd.s32 $0x1400, s29  }
0xf7: {  	s30 =	sadd.s32 s25, s22;
	s31 =	sshrl.u32 s31, $0x3  }
0xf8: {  	[hbm:s30], [sflag:s23] =	dma.local [spmem:s31], $0x280  }
0xf9: {  	s21 =	rddreg [dreg:$0x6]  }
0xfa: {  	s25 =	rddreg [dreg:$0x14]  }
0xfb: {  	[hbm:s21], [sflag:s23] =	dma.local @!p0 [spmem:s25], $0x280  }
0xfc: {  	_ =	swait.ge [sflag:s20], $0x280  }
0xfd: {  	[sflag:s20] =	ssyncset.done $0x0  }
0xfe: {  	[sflag:s20] =	ssyncadd.s32 $0xFFFFFD80  }
0xff: {  	_ =	swait.ge [sflag:s20], $0x280  }
0x100: {  	[sflag:s20] =	ssyncset.done $0x0  }
0x101: {  	[sflag:s20] =	ssyncadd.s32 $0xFFFFFD80  }
0x102: {  	_ =	swait.ge [sflag:s20], $0x280  }
0x103: {  	[sflag:s20] =	ssyncset.done $0x0  }
0x104: {  	[sflag:s20] =	ssyncadd.s32 $0xFFFFFD80  }
0x105: {  	_ =	swait.ge [sflag:s20], $0x280  }
0x106: {  	[sflag:s20] =	ssyncset.done $0x0  }
0x107: {  	[sflag:s20] =	ssyncadd.s32 $0xFFFFFD80  }
0x108: {  	_ =	swait.ge [sflag:s20], $0x280  }
0x109: {  	[sflag:s20] =	ssyncset.done $0x0  }
0x10a: {  	[sflag:s20] =	ssyncadd.s32 $0xFFFFFD80  }
0x10b: {  	_ =	swait.ge [sflag:s20], $0x280  }
0x10c: {  	[sflag:s20] =	ssyncset.done $0x0  }
0x10d: {  	[sflag:s20] =	ssyncadd.s32 $0xFFFFFD80  }
0x10e: {  	_ =	swait.ge [sflag:s20], $0x280  }
0x10f: {  	[sflag:s20] =	ssyncset.done $0x0  }
0x110: {  	[sflag:s20] =	ssyncadd.s32 $0xFFFFFD80  }
0x111: {  	_ =	swait.ge [sflag:s20], $0x280  }
0x112: {  	[sflag:s20] =	ssyncset.done $0x0  }
0x113: {  	[sflag:s20] =	ssyncadd.s32 $0xFFFFFD80  }
0x114: {  	_ =	swait.ge [sflag:s20], $0x280  }
0x115: {  	[sflag:s20] =	ssyncset.done $0x0  }
0x116: {  	[sflag:s20] =	ssyncadd.s32 $0xFFFFFD80  }
0x117: {  	_ =	swait.ge [sflag:s20], $0x280  }
0x118: {  	[sflag:s20] =	ssyncset.done $0x0  }
0x119: {  	[sflag:s20] =	ssyncadd.s32 $0xFFFFFD80  }
0x11a: {  	_ =	swait.ge [sflag:s20], $0x280  }
0x11b: {  	[sflag:s20] =	ssyncset.done $0x0  }
0x11c: {  	[sflag:s20] =	ssyncadd.s32 $0xFFFFFD80  }
0x11d: {  	_ =	swait.ge [sflag:s20], $0x280  }
0x11e: {  	[sflag:s20] =	ssyncset.done $0x0  }
0x11f: {  	[sflag:s20] =	ssyncadd.s32 $0xFFFFFD80  }
0x120: {  	_ =	swait.ge [sflag:s20], $0x280  }
0x121: {  	[sflag:s20] =	ssyncset.done $0x0  }
0x122: {  	[sflag:s20] =	ssyncadd.s32 $0xFFFFFD80  }
0x123: {  	_ =	swait.ge [sflag:s20], $0x280  }
0x124: {  	[sflag:s20] =	ssyncset.done $0x0  }
0x125: {  	[sflag:s20] =	ssyncadd.s32 $0xFFFFFD80  }
0x126: {  	_ =	swait.ge [sflag:s20], $0x280  }
0x127: {  	[sflag:s20] =	ssyncset.done $0x0  }
0x128: {  	s21 =	simm.s32 @!p0 $0xA;
	[sflag:s20] =	ssyncadd.s32 $0xFFFFFD80  }
0x129: {  	_ =	swait.ge @!p0 [sflag:s21], $0x280  }
0x12a: {  	s3 =	sadd.s32 $0x1, s3;
	s31 =	rddreg [dreg:$0x7]  }
0x12b: {  	p1 =	sne.s32 s3, s31  }
.Ltmp4:
0x12c: {  	_ = 	snop;
	(pc) =	sbr.rel @p1 .LBB2_1-.Ltmp4, $3  }
0x12d: {  	_ =	sdelay $0x1  }
0x12e: {  	[sflag:s21] =	ssyncset.done @!p0 $0x0  }
0x12f: {  	s29 =	simm.s32 $0x13900;
	[sflag:s21] =	ssyncadd.s32 @!p0 $0xFFFFFD80  }
0x130: {  	_ =	sfence.sel $0x180000  }
0x131: {  	[bflag:$0x0] =	sbarrier.arrive $0xFFFF  }
0x132: {  	_ =	strace $0x9000004D  }
0x133: {  	s0 =	stileid.u32;
	[bflag:$0x2] =	sbarrier.arrive $0xFFFF  }
0x134: {  	p0 =	sne.s32 s0, $0x0;
	s0 =	rddreg [dreg:$0x2]  }
0x135: {  	s0 =	sadd.s32 @!p0 $0x100000, s0  }
0x136: {  	[sflag:s0] =	ssyncadd.tile.s32 @!p0 $0x1;
	_ =	shalt  }
.Lfunc_end2:
_tile_overlayer_lowered:
.L_overlay_start_2:
0x137: {  	(tag) =	ssettag $0x2  }
0x138: {  	s0 =	rddreg [dreg:$0x0];
	s2 =	stileid.u32  }
0x139: {  	s1 =	rddreg [dreg:$0x1];
	p0 =	sne.s32 s2, $0x0  }
0x13a: {  	s3 =	rddreg [dreg:$0x2];
	[bflag:$0x3] =	sbarrier.arrive $0xFFFF;
	s2 =	simm.s32 @!p0 $0x1C0B  }
0x13b: {  	[timem:s3], [sflag:s2] =	dma.local @!p0 [hbm:s0], s1  }
0x13c: {  	s0 =	simm.s32 @!p0 $0xB  }
0x13d: {  	_ =	swait.ge @!p0 [sflag:s0], s1  }
0x13e: {  	s1 =	ssub.s32 @!p0 $0x0, s1;
	[sflag:s0] =	ssyncset.done @!p0 $0x0  }
0x13f: {  	[sflag:s0] =	ssyncadd.s32 @!p0 s1  }
0x140: {  	[bflag:$0x3] =	sbarrier.arrive $0xFFFF  }
0x141: {  	_ =	shalt  }

// kernel: kernel.21.cloned.1.call-start
scs
__scs_entry_jumppad:
0x0: {  	(pc) =	sbr.rel $0x88, $3  }
0x1: {  	(tag) =	ssettag $0x0;
	lr =	simm.s32 $0x1  }
0x2: {  	[smem:$0x3F97] =	sst lr;
	_ =	strace $0xD0000000  }
0x3: {  	_ = 	snop  }
0x4: {  	_ = 	snop  }
0x5: {  	_ = 	snop  }
0x6: {  	_ = 	snop  }
0x7: {  	_ = 	snop  }
__scs_overlays_trampoline_lowered:
0x8: {  	[smem:$0x3FA6] =	sst s0  }
0x9: {  	[smem:$0x3FA7] =	sst s1  }
0xa: {  	[smem:$0x3FA8] =	sst s2  }
0xb: {  	[smem:$0x3FA9] =	sst s3  }
0xc: {  	[smem:$0x3FAA] =	sst s4  }
0xd: {  	[smem:$0x3FAB] =	sst s5  }
0xe: {  	[smem:$0x3FAC] =	sst s6  }
0xf: {  	[smem:$0x3FAD] =	sst s7  }
0x10: {  	[smem:$0x3FAE] =	sst s8  }
0x11: {  	[smem:$0x3FAF] =	sst s9;
	s0 =	simm.s32 @!p0 $0x0  }
0x12: {  	s1 =	sld [smem:$0x3F95];
	s0 =	simm.s32 @p0 $0x1  }
0x13: {  	[smem:$0x3FB0] =	sst s0;
	s0 =	simm.s32 @!p1 $0x0  }
0x14: {  	s2 =	sld [smem:$0x3F94];
	s0 =	simm.s32 @p1 $0x1  }
0x15: {  	[smem:$0x3FB1] =	sst s0;
	s0 =	simm.s32 @!p2 $0x0  }
0x16: {  	s3 =	sld [smem:$0x3FDB];
	s0 =	simm.s32 @p2 $0x1  }
0x17: {  	s4 =	simm.s32 $0x1BF5;
	[smem:$0x3FB3] =	sst s0  }
0x18: {  	s0 =	sld [smem:$0x3F96];
	_ =	swait.ge [sflag:s4], $0x0  }
0x19: {  	s7 =	sld [smem:$0x3F97]  }
0x1a: {  	s8 =	sadd.s32 $0xFFFFE003, lr  }
0x1b: {  	s9 =	sadd.s32 $0xFFFFFEF7, lr;
	s5 =	simm.s32 $0xFFFFFFFF;
	p2 =	slt.u32 s8, $0xFFFFF086  }
0x1c: {  	p1 =	slt.u32 s9, $0xF7A;
	s5 =	simm.s32 @!p2 $0x0  }
0x1d: {  	s5 =	simm.s32 @p1 $0x1;
	p0 =	seq.s32 s7, s2  }
0x1e: {  	s7 =	smul.u32 @!p0 $0xF7A, s2;
	p2 =	seq.s32 @!p0 s5, $0x0  }
0x1f: {  	s9 =	smul.u32 $0xF7A, s1;
	s8 =	simm.s32 @!p0 $0x1BF5;
	p2 =	por !p2, p0  }
0x20: {  	[sflag:s8] =	ssyncset.s32 @!p0 $0xFFFFF086;
	s6 =	sadd.s32 @!p0 s3, s7;
	s7 =	simm.s32 @!p0 $0x108  }
0x21: {  	s3 =	sadd.s32 s3, s9;
	s6 =	sadd.s32 @!p0 $0x88, s6;
	s7 =	simm.s32 @p2 $0x1082  }
0x22: {  	[simem:s7], [sflag:s8] =	dma.local @!p0 [hbm:s6], $0xF7A  }
0x23: {  	s9 =	sor.u32 $0xD0000000, s2;
	s6 =	simm.s32 $0x108;
	_ =	swait.ge @!p0 [sflag:s8], $0x0  }
0x24: {  	s3 =	sadd.s32 $0x88, s3;
	s6 =	simm.s32 @!p1 $0x1082;
	[sflag:s4] =	ssyncset.s32 $0xFFFFF086  }
0x25: {  	[simem:s6], [sflag:s4] =	dma.local [hbm:s3], $0xF7A  }
0x26: {  	[smem:$0x3F97] =	sst s1;
	(tag) =	ssettag s2;
	_ =	strace s9  }
0x27: {  	s1 =	sld [smem:$0x3FA7]  }
0x28: {  	s2 =	sld [smem:$0x3FA8]  }
0x29: {  	s4 =	sld [smem:$0x3FAA]  }
0x2a: {  	p0 =	seq.s32 s5, $0x0;
	s5 =	sld [smem:$0x3FAB]  }
0x2b: {  	s6 =	sld [smem:$0x3FAC]  }
0x2c: {  	s7 =	sld [smem:$0x3FAD]  }
0x2d: {  	s3 =	simm.s32 $0x108;
	s8 =	sld [smem:$0x3FAE]  }
0x2e: {  	s3 =	simm.s32 @!p0 $0x1082;
	s9 =	sld [smem:$0x3FAF]  }
0x2f: {  	lr =	sadd.s32 s0, s3;
	s0 =	sld [smem:$0x3FA6]  }
0x30: {  	s3 =	sld [smem:$0x3FA9]  }
0x31: {  	[smem:$0x3FB2] =	sst s10  }
0x32: {  	s10 =	sld [smem:$0x3FB0];
	_ =	sdelay $0x3  }
0x33: {  	p0 =	seq.s32 s10, $0x1;
	s10 =	sld [smem:$0x3FB2];
	_ =	sdelay $0x3  }
0x34: {  	[smem:$0x3FB2] =	sst s10  }
0x35: {  	s10 =	sld [smem:$0x3FB1];
	_ =	sdelay $0x3  }
0x36: {  	p1 =	seq.s32 s10, $0x1;
	s10 =	sld [smem:$0x3FB2];
	_ =	sdelay $0x3  }
0x37: {  	[smem:$0x3FB2] =	sst s10  }
0x38: {  	s10 =	sld [smem:$0x3FB3]  }
0x39: {  	_ = 	snop;
	(pc) =	sbr.ind lr, $3  }
0x3a: {  	_ = 	snop  }
0x3b: {  	_ = 	snop  }
0x3c: {  	p2 =	seq.s32 s10, $0x1;
	s10 =	sld [smem:$0x3FB2]  }
0x3d: {  	_ =	shalt  }
0x3e: {  	_ =	shalt  }
0x3f: {  	_ =	shalt  }
0x40: {  	_ =	shalt  }
0x41: {  	_ =	shalt  }
0x42: {  	_ =	shalt  }
0x43: {  	_ =	shalt  }
0x44: {  	_ =	shalt  }
0x45: {  	_ =	shalt  }
0x46: {  	_ =	shalt  }
0x47: {  	_ =	shalt  }
0x48: {  	_ =	shalt  }
0x49: {  	_ =	shalt  }
0x4a: {  	_ =	shalt  }
0x4b: {  	_ =	shalt  }
0x4c: {  	_ =	shalt  }
0x4d: {  	_ =	shalt  }
0x4e: {  	_ =	shalt  }
0x4f: {  	_ =	shalt  }
0x50: {  	_ =	shalt  }
0x51: {  	_ =	shalt  }
0x52: {  	_ =	shalt  }
0x53: {  	_ =	shalt  }
0x54: {  	_ =	shalt  }
0x55: {  	_ =	shalt  }
0x56: {  	_ =	shalt  }
0x57: {  	_ =	shalt  }
0x58: {  	_ =	shalt  }
0x59: {  	_ =	shalt  }
0x5a: {  	_ =	shalt  }
0x5b: {  	_ =	shalt  }
0x5c: {  	_ =	shalt  }
0x5d: {  	_ =	shalt  }
0x5e: {  	_ =	shalt  }
0x5f: {  	_ =	shalt  }
0x60: {  	_ =	shalt  }
0x61: {  	_ =	shalt  }
0x62: {  	_ =	shalt  }
0x63: {  	_ =	shalt  }
0x64: {  	_ =	shalt  }
0x65: {  	_ =	shalt  }
0x66: {  	_ =	shalt  }
0x67: {  	_ =	shalt  }
0x68: {  	_ =	shalt  }
0x69: {  	_ =	shalt  }
0x6a: {  	_ =	shalt  }
0x6b: {  	_ =	shalt  }
0x6c: {  	_ =	shalt  }
0x6d: {  	_ =	shalt  }
0x6e: {  	_ =	shalt  }
0x6f: {  	_ =	shalt  }
0x70: {  	_ =	shalt  }
0x71: {  	_ =	shalt  }
0x72: {  	_ =	shalt  }
0x73: {  	_ =	shalt  }
0x74: {  	_ =	shalt  }
0x75: {  	_ =	shalt  }
0x76: {  	_ =	shalt  }
0x77: {  	_ =	shalt  }
0x78: {  	_ =	shalt  }
0x79: {  	_ =	shalt  }
0x7a: {  	_ =	shalt  }
0x7b: {  	_ =	shalt  }
0x7c: {  	_ =	shalt  }
0x7d: {  	_ =	shalt  }
0x7e: {  	_ =	shalt  }
0x7f: {  	_ =	shalt  }
0x80: {  	_ =	shalt  }
0x81: {  	_ =	shalt  }
0x82: {  	_ =	shalt  }
0x83: {  	_ =	shalt  }
0x84: {  	_ =	shalt  }
0x85: {  	_ =	shalt  }
0x86: {  	_ =	shalt  }
0x87: {  	_ =	shalt  }
.Lfunc_end0:
.L_simem_size_0:
called_computation.3_lowered:
.L_overlay_start_0:
0x88: {  	s2 =	sld [smem:$0x3FD9]  }
0x89: {  	s3 =	sld [smem:$0x3FFE];
	_ =	sdelay $0x1  }
0x8a: {  	s1 =	srdreg.scid  }
0x8b: {  	s0 =	sand.u32 $0x1, s1  }
0x8c: {  	s16 =	sshll.u32 s0, $0xA;
	s2 =	sadd.s32 s3, s2  }
0x8d: {  	s2 =	sadd.s32 s2, s16  }
0x8e: {  	[smem:$0x3FBE] =	sst s2  }
0x8f: {  	_ = 	snop  }
0x90: {  	(tm) =	ssettm $0x1  }
0x91: {  	s17 =	sld [smem:$0x3FFB];
	_ =	sdelay $0x3  }
0x92: {  	_ =	strace s17  }
0x93: {  	s2 =	sld [smem:$0x3FFC];
	_ =	sdelay $0x3  }
0x94: {  	_ =	strace s2  }
0x95: {  	s2 =	sld [smem:$0x3FFD];
	_ =	sdelay $0x3  }
0x96: {  	_ =	strace s2  }
0x97: {  	_ =	strace $0x8FFFFFFF  }
0x98: {  	s18 =	sld [smem:$0x3FDB];
	_ =	sdelay $0x1  }
0x99: {  	s19 =	simm.s32 $_scs_section_size  }
0x9a: {  	s4 =	simm.s32 $_size__tile_overlayer_lowered;
	s5 =	simm.s32 $_tile_overlayer_lowered  }
0x9b: {  	s22 =	simm.s32 $0x1BFF;
	s21 =	sshll.u32 s5, $0x1;
	s2 =	sadd.s32 s19, s18  }
0x9c: {  	s6 =	simm.s32 $0x0;
	s20 =	sshll.u32 s4, $0x1;
	s4 =	sadd.s32 s21, s2  }
0x9d: {  	[timem:s6], [sflag:s22] =	dma.local [hbm:s4], s20  }
0x9e: {  	_ =	swait.ge [sflag:s22], s20  }
0x9f: {  	s3 =	ssub.s32 $0x0, s20;
	[sflag:s22] =	ssyncset.done $0x0  }
0xa0: {  	[sflag:s22] =	ssyncadd.s32 s3;
	_ =	sdelay $0x1  }
0xa1: {  	s23 =	simm.s32 $0x1B8B  }
0xa2: {  	_ =	swait.ge [sflag:s23], $0x1  }
0xa3: {  	[sflag:s23] =	ssyncset.done $0x0  }
0xa4: {  	s25 =	simm.s32 $0x1B8E;
	s24 =	sld [smem:$0x3FFE];
	[sflag:s23] =	ssyncadd.s32 $0xFFFFFFFF  }
0xa5: {  	s26 =	simm.s32 $execute0_lowered;
	[smem:$0x3FD2] =	sst s25  }
0xa6: {  	s4 =	sshll.u32 s26, $0x1;
	_ =	strace $0x8000004F;
	[dreg:$0x1] =	wrdreg $0xFFFFFFFF  }
0xa7: {  	s28 =	simm.s32 $_size_execute0_lowered;
	s2 =	sadd.s32 s2, s4;
	[dreg:$0x0] =	wrdreg $0x0  }
0xa8: {  	s4 =	sshll.u32 s28, $0x1;
	[dreg:$0x2] =	wrdreg s2  }
0xa9: {  	[dreg:$0x3] =	wrdreg s4  }
0xaa: {  	[dreg:$0x4] =	wrdreg $0xC0  }
0xab: {  	_ =	task [dreg:s6], $0x5FFFF  }
0xac: {  	[dreg:$0x1] =	wrdreg $0xFFFFFFFF  }
0xad: {  	[dreg:$0x0] =	wrdreg $0x60  }
0xae: {  	[dreg:$0x2] =	wrdreg s24  }
0xaf: {  	[dreg:$0x3] =	wrdreg $0x0  }
0xb0: {  	[dreg:$0x4] =	wrdreg $0x9  }
0xb1: {  	_ =	task.clear_ibuf [dreg:s6], $0x5FFFF;
	_ =	strace $0x9000004F  }
0xb2: {  	s29 =	simm.s32 $0x9;
	_ =	strace $0x80000051  }
0xb3: {  	_ =	swait.ge [sflag:s29], $0x1  }
0xb4: {  	[sflag:s29] =	ssyncadd.s32 $0xFFFFFFFF  }
0xb5: {  	_ =	strace $0x90000051  }
0xb6: {  	_ =	sfence  }
0xb7: {  	s30 =	sld [smem:$0x0];
	_ =	sdelay $0x2  }
0xb8: {  	s31 =	sshll.u32 s1, $0xD;
	s1 =	sshrl.u32 s1, $0x2  }
0xb9: {  	s3 =	sand.u32 $0x4000, s31;
	s1 =	sadd.s32 s1, s30  }
0xba: {  	s0 =	sor.u32 s3, s0;
	s1 =	sshll.u32 s1, $0x11  }
0xbb: {  	s0 =	sor.u32 s1, s0  }
0xbc: {  	s0 =	sadd.s32 $0x8F2B, s0  }
0xbd: {  	[sflag:s0] =	ssyncadd.remote.s32 $0x1  }
0xbe: {  	_ =	sfence.sel $0xFFFF  }
0xbf: {  	[dreg:$0x0] =	wrdreg $0xFFFFFFFF;
	(pc) =	sbr.abs _section_cstart, $3  }
0xc0: {  	[dreg:$0x1] =	wrdreg $0xFFFFFFFF  }
0xc1: {  	_ =	task.clear_ibuf [dreg:s6], $0x2FFFF;
	_ =	strace $0x9FFFFFFF  }
0xc2: {  	(tm) =	ssettm $0x7FFFFFFF  }
0xc3: {  	_ =	shalt  }
tec
execute0_lowered:
.L_overlay_start_1:
0x0: {  	(tag) =	ssettag $0x1  }
0x1: {  	s0 =	rddreg [dreg:$0x0]  }
0x2: {  	s2 =	rddreg [dreg:$0x1];
	s11 =	stileid.u32  }
0x3: {  	s3 =	simm.s32 $0x0;
	s4 =	srdreg.scid;
	s6 =	smul.u32 $0xF, s11  }
0x4: {  	s29 =	simm.s32 $0x13900;
	[smem:$0x7FF] =	sst s3;
	s16 =	smul.u32 $0x12C00, s11  }
0x5: {  	s1 =	sshrl.u32 s11, $0x2;
	s5 =	sand.u32 $0x1, s4;
	s21 =	smul.u32 $0x4B000, s11  }
0x6: {  	s23 =	sshll.u32 s11, $0x8;
	s8 =	smin.u32 s11, $0xA;
	s1 =	smul.u32 $0x13C00, s1  }
0x7: {  	s7 =	sshll.u32 s5, $0x7;
	s9 =	ssub.s32 $0x2, s5;
	s5 =	smul.u32 $0x138800, s5  }
0x8: {  	p0 =	sgt.u32 s11, $0x9;
	s11 =	simm.s32 $0x1D800;
	s19 =	smul.u32 $0x1400, s8  }
0x9: {  	s4 =	sand.u32 $0x300, s23;
	_ =	strace $0x80000050;
	s23 =	smul.u32 $0x5000, s8  }
0xa: {  	s7 =	sor.u32 s7, s4;
	s6 =	sadd.s32 s8, s6;
	s4 =	sadd.s32 $0x41800, s0  }
0xb: {  	s10 =	sshrl.u32 s9, $0x1;
	s8 =	simm.s32 $0x28;
	s1 =	sor.u32 s1, s7  }
0xc: {  	s24 =	smul.u32 $0x5000, s6;
	s9 =	ssub.s32 s9, s10;
	s1 =	sshrl.u32 s1, $0x3  }
0xd: {  	s6 =	smul.u32 $0x1400, s6;
	s10 =	smax.u32 s9, $0x1;
	s1 =	sadd.s32 s1, s0  }
0xe: {  	s7 =	sshrl.u32 s24, $0x2;
	[dreg:$0x7] =	wrdreg s10;
	s25 =	sadd.s32 $0x10800, s1  }
0xf: {  	s1 =	sadd.s32 $0x6000, s1;
	s7 =	sadd.s32 s7, s2;
	[dreg:$0x3] =	wrdreg s25  }
0x10: {  	s9 =	simm.s32 $0x19C00;
	[dreg:$0x4] =	wrdreg s1;
	s31 =	sadd.s32 $0x12C00, s7  }
0x11: {  	s0 =	sadd.s32 $0x68A00, s0;
	s12 =	sadd.s32 $0x1400, s7;
	[dreg:$0x5] =	wrdreg s31  }
0x12: {  	s6 =	sadd.s32 $0x12C00, s6;
	s13 =	sadd.s32 $0x2800, s7;
	[dreg:$0x8] =	wrdreg s12  }
0x13: {  	s10 =	simm.s32 $0x1B000;
	s14 =	sadd.s32 $0x3C00, s7;
	[dreg:$0x9] =	wrdreg s13  }
0x14: {  	s26 =	sadd.s32 s5, s6;
	s15 =	sadd.s32 $0x5000, s7;
	[dreg:$0xa] =	wrdreg s14  }
0x15: {  	s5 =	sadd.s32 s16, s5;
	s17 =	sadd.s32 $0x6400, s7;
	[dreg:$0xb] =	wrdreg s15  }
0x16: {  	s16 =	simm.s32 $0x5;
	s18 =	sadd.s32 $0x7800, s7;
	[dreg:$0xc] =	wrdreg s17  }
0x17: {  	s30 =	sshrl.u32 s26, $0x3;
	s20 =	sadd.s32 $0x8C00, s7;
	[dreg:$0xd] =	wrdreg s18  }
0x18: {  	s22 =	sadd.s32 $0xA000, s7;
	s5 =	sadd.s32 s19, s5;
	[dreg:$0xe] =	wrdreg s20  }
0x19: {  	s24 =	sadd.s32 $0xB400, s7;
	s25 =	sadd.s32 $0xC800, s7;
	[dreg:$0xf] =	wrdreg s22  }
0x1a: {  	s26 =	sadd.s32 $0xDC00, s7;
	s28 =	sadd.s32 $0x11800, s7;
	[dreg:$0x10] =	wrdreg s24  }
0x1b: {  	s19 =	simm.s32 $0x8;
	s1 =	sadd.s32 s0, s30;
	[dreg:$0x11] =	wrdreg s25  }
0x1c: {  	s5 =	sshrl.u32 s5, $0x3;
	[dreg:$0x12] =	wrdreg s26;
	s30 =	sadd.s32 $0xF000, s7  }
0x1d: {  	s26 =	sadd.s32 $0x10400, s7;
	s12 =	simm.s32 $0x1C400;
	s13 =	simm.s32 $0x1D880  }
0x1e: {  	s14 =	simm.s32 $0x4;
	s15 =	simm.s32 $0x1D980;
	s17 =	simm.s32 $0x6  }
0x1f: {  	s18 =	simm.s32 $0x7;
	s20 =	simm.s32 $0xA;
	[dreg:$0x6] =	wrdreg s1  }
0x20: {  	s1 =	sadd.s32 s6, s2;
	s6 =	sadd.s32 s23, s21;
	s22 =	sadd.s32 s5, s0  }
0x21: {  	[dreg:$0x13] =	wrdreg s30;
	s5 =	simm.s32 $0x1;
	s31 =	sshrl.u32 s6, $0x2  }
0x22: {  	s0 =	sshrl.u32 @!p0 s1, $0x3;
	s1 =	simm.s32 $0x9;
	s6 =	simm.s32 $0x2  }
0x23: {  	v0 =	vimm.f32 $0.0e+00;
	s24 =	sadd.s32 s31, s2;
	[dreg:$0x14] =	wrdreg s0;
	s0 =	simm.s32 $0x18800  }
.LBB2_1:
0x24: {  	s21 =	rddreg [dreg:$0x3];
	s23 =	simm.s32 $0x80;
	s25 =	simm.s32 $0x400  }
0x25: {  	[tilespmem:s29], [sflag:$0x1] =	stream.strided.gather [hbm4b:s21+s23], $0x2780, s25, s23, $0x38;
	[tilespmem:$0x1DA00] =	vst v63  }
0x26: {  	s31 =	rddreg [dreg:$0x4];
	s30 =	simm.s32 $0x16080  }
0x27: {  	[tilespmem:s30], [sflag:$0x2] =	stream.strided.gather [hbm4b:s31+s23], $0x2780, s25, s23, $0x38;
	[tilespmem:$0x1DA00] =	vst v63  }
0x28: {  	s21 =	simm.s32 $0x70;
	s23 =	simm.s32 $0x3C0  }
.LBB2_2:
0x29: {  	p1 =	sne.s32 s23, $0x4FC0;
	[tilespmem:s21+$0x18800] =	vst v0  }
0x2a: {  	[tilespmem:s21+$0x18790] =	vst v0  }
0x2b: {  	[tilespmem:s21+$0x187A0] =	vst v0  }
.Ltmp0:
0x2c: {  	[tilespmem:s21+$0x187B0] =	vst v0;
	(pc) =	sbr.rel @p1 .LBB2_2-.Ltmp0, $4  }
0x2d: {  	[tilespmem:s21+$0x187C0] =	vst v0  }
0x2e: {  	[tilespmem:s21+$0x187D0] =	vst v0  }
0x2f: {  	[tilespmem:s21+$0x187E0] =	vst v0  }
0x30: {  	[tilespmem:s21+$0x187F0] =	vst v0;
	s21 =	sshra.s32 s23, $0x2;
	s23 =	sadd.s32 $0x200, s23  }
0x31: {  	[tilespmem:s21+$0x18800] =	vst v0  }
0x32: {  	[tilespmem:s21+$0x18790] =	vst v0  }
0x33: {  	[tilespmem:s21+$0x187A0] =	vst v0  }
0x34: {  	[tilespmem:s21+$0x187B0] =	vst v0  }
0x35: {  	[tilespmem:s21+$0x187C0] =	vst v0  }
0x36: {  	[tilespmem:s21+$0x187D0] =	vst v0  }
0x37: {  	[tilespmem:s21+$0x187E0] =	vst v0  }
0x38: {  	[tilespmem:s21+$0x187F0] =	vst v0  }
0x39: {  	[spmem:s7] =	stream.linear.scatter [tilespmem:s0], [sflag:$0x9], $0x1400, $0x38;
	[tilespmem:$0x1DA00] =	vst v63  }
0x3a: {  	s30 =	rddreg [dreg:$0x8]  }
0x3b: {  	[spmem:s30] =	stream.linear.scatter [tilespmem:s0], [sflag:$0x9], $0x1400, $0x38;
	[tilespmem:$0x1DA00] =	vst v63  }
0x3c: {  	s31 =	rddreg [dreg:$0x9]  }
0x3d: {  	[spmem:s31] =	stream.linear.scatter [tilespmem:s0], [sflag:$0x9], $0x1400, $0x38;
	[tilespmem:$0x1DA00] =	vst v63  }
0x3e: {  	s23 =	rddreg [dreg:$0xa]  }
0x3f: {  	[spmem:s23] =	stream.linear.scatter [tilespmem:s0], [sflag:$0x9], $0x1400, $0x38;
	[tilespmem:$0x1DA00] =	vst v63  }
0x40: {  	s25 =	rddreg [dreg:$0xb]  }
0x41: {  	[spmem:s25] =	stream.linear.scatter [tilespmem:s0], [sflag:$0x9], $0x1400, $0x38;
	[tilespmem:$0x1DA00] =	vst v63  }
0x42: {  	s30 =	rddreg [dreg:$0xc]  }
0x43: {  	[spmem:s30] =	stream.linear.scatter [tilespmem:s0], [sflag:$0x9], $0x1400, $0x38;
	[tilespmem:$0x1DA00] =	vst v63  }
0x44: {  	s31 =	rddreg [dreg:$0xd]  }
0x45: {  	[spmem:s31] =	stream.linear.scatter [tilespmem:s0], [sflag:$0x9], $0x1400, $0x38;
	[tilespmem:$0x1DA00] =	vst v63  }
0x46: {  	s23 =	rddreg [dreg:$0xe]  }
0x47: {  	[spmem:s23] =	stream.linear.scatter [tilespmem:s0], [sflag:$0x9], $0x1400, $0x38;
	[tilespmem:$0x1DA00] =	vst v63  }
0x48: {  	s25 =	rddreg [dreg:$0xf]  }
0x49: {  	[spmem:s25] =	stream.linear.scatter [tilespmem:s0], [sflag:$0x9], $0x1400, $0x38;
	[tilespmem:$0x1DA00] =	vst v63  }
0x4a: {  	s30 =	rddreg [dreg:$0x10]  }
0x4b: {  	[spmem:s30] =	stream.linear.scatter [tilespmem:s0], [sflag:$0x9], $0x1400, $0x38;
	[tilespmem:$0x1DA00] =	vst v63  }
0x4c: {  	s31 =	rddreg [dreg:$0x11]  }
0x4d: {  	[spmem:s31] =	stream.linear.scatter [tilespmem:s0], [sflag:$0x9], $0x1400, $0x38;
	[tilespmem:$0x1DA00] =	vst v63  }
0x4e: {  	s23 =	rddreg [dreg:$0x12]  }
0x4f: {  	[spmem:s23] =	stream.linear.scatter [tilespmem:s0], [sflag:$0x9], $0x1400, $0x38;
	[tilespmem:$0x1DA00] =	vst v63  }
0x50: {  	s25 =	rddreg [dreg:$0x13]  }
0x51: {  	[spmem:s25] =	stream.linear.scatter [tilespmem:s0], [sflag:$0x9], $0x1400, $0x38;
	[tilespmem:$0x1DA00] =	vst v63  }
0x52: {  	_ = 	snop  }
0x53: {  	[spmem:s26] =	stream.linear.scatter [tilespmem:s0], [sflag:$0x9], $0x1400, $0x38;
	[tilespmem:$0x1DA00] =	vst v63  }
0x54: {  	_ = 	snop  }
0x55: {  	[spmem:s28] =	stream.linear.scatter [tilespmem:s0], [sflag:$0x9], $0x1400, $0x38;
	[tilespmem:$0x1DA00] =	vst v63  }
0x56: {  	s21 =	simm.s32 @!p0 $0x18800;
	s23 =	rddreg [dreg:$0x5]  }
0x57: {  	[spmem:s23] =	stream.linear.scatter @!p0 [tilespmem:s21], [sflag:$0x9], $0x1400, $0x38;
	[tilespmem:$0x1DA00] =	vst v63  }
0x58: {  	_ =	swait.ge [sflag:s1], $0x1400  }
0x59: {  	[sflag:s1] =	ssyncset.done $0x0  }
0x5a: {  	[sflag:s1] =	ssyncadd.s32 $0xFFFFEC00  }
0x5b: {  	_ =	swait.ge [sflag:s1], $0x1400  }
0x5c: {  	[sflag:s1] =	ssyncset.done $0x0  }
0x5d: {  	[sflag:s1] =	ssyncadd.s32 $0xFFFFEC00  }
0x5e: {  	_ =	swait.ge [sflag:s1], $0x1400  }
0x5f: {  	[sflag:s1] =	ssyncset.done $0x0  }
0x60: {  	[sflag:s1] =	ssyncadd.s32 $0xFFFFEC00  }
0x61: {  	_ =	swait.ge [sflag:s1], $0x1400  }
0x62: {  	[sflag:s1] =	ssyncset.done $0x0  }
0x63: {  	[sflag:s1] =	ssyncadd.s32 $0xFFFFEC00  }
0x64: {  	_ =	swait.ge [sflag:s1], $0x1400  }
0x65: {  	[sflag:s1] =	ssyncset.done $0x0  }
0x66: {  	[sflag:s1] =	ssyncadd.s32 $0xFFFFEC00  }
0x67: {  	_ =	swait.ge [sflag:s1], $0x1400  }
0x68: {  	[sflag:s1] =	ssyncset.done $0x0  }
0x69: {  	[sflag:s1] =	ssyncadd.s32 $0xFFFFEC00  }
0x6a: {  	_ =	swait.ge [sflag:s1], $0x1400  }
0x6b: {  	[sflag:s1] =	ssyncset.done $0x0  }
0x6c: {  	[sflag:s1] =	ssyncadd.s32 $0xFFFFEC00  }
0x6d: {  	_ =	swait.ge [sflag:s1], $0x1400  }
0x6e: {  	[sflag:s1] =	ssyncset.done $0x0  }
0x6f: {  	[sflag:s1] =	ssyncadd.s32 $0xFFFFEC00  }
0x70: {  	_ =	swait.ge [sflag:s1], $0x1400  }
0x71: {  	[sflag:s1] =	ssyncset.done $0x0  }
0x72: {  	[sflag:s1] =	ssyncadd.s32 $0xFFFFEC00  }
0x73: {  	_ =	swait.ge [sflag:s1], $0x1400  }
0x74: {  	[sflag:s1] =	ssyncset.done $0x0  }
0x75: {  	[sflag:s1] =	ssyncadd.s32 $0xFFFFEC00  }
0x76: {  	_ =	swait.ge [sflag:s1], $0x1400  }
0x77: {  	[sflag:s1] =	ssyncset.done $0x0  }
0x78: {  	[sflag:s1] =	ssyncadd.s32 $0xFFFFEC00  }
0x79: {  	_ =	swait.ge [sflag:s1], $0x1400  }
0x7a: {  	[sflag:s1] =	ssyncset.done $0x0  }
0x7b: {  	[sflag:s1] =	ssyncadd.s32 $0xFFFFEC00  }
0x7c: {  	_ =	swait.ge [sflag:s1], $0x1400  }
0x7d: {  	[sflag:s1] =	ssyncset.done $0x0  }
0x7e: {  	[sflag:s1] =	ssyncadd.s32 $0xFFFFEC00  }
0x7f: {  	_ =	swait.ge [sflag:s1], $0x1400  }
0x80: {  	[sflag:s1] =	ssyncset.done $0x0  }
0x81: {  	[sflag:s1] =	ssyncadd.s32 $0xFFFFEC00  }
0x82: {  	_ =	swait.ge [sflag:s1], $0x1400  }
0x83: {  	[sflag:s1] =	ssyncset.done $0x0  }
0x84: {  	s21 =	simm.s32 @!p0 $0x9;
	[sflag:s1] =	ssyncadd.s32 $0xFFFFEC00  }
0x85: {  	_ =	swait.ge @!p0 [sflag:s21], $0x1400  }
0x86: {  	[sflag:s21] =	ssyncset.done @!p0 $0x0  }
0x87: {  	[sflag:s21] =	ssyncadd.s32 @!p0 $0xFFFFEC00  }
0x88: {  	_ =	swait.ge [sflag:s5], $0x2780  }
0x89: {  	[sflag:s5] =	ssyncset.done $0x0  }
0x8a: {  	[sflag:s5] =	ssyncadd.s32 $0xFFFFD880  }
0x8b: {  	_ =	swait.ge [sflag:s6], $0x2780  }
0x8c: {  	[sflag:s6] =	ssyncset.done $0x0  }
0x8d: {  	[sflag:s6] =	ssyncadd.s32 $0xFFFFD880  }
0x8e: {  	[bflag:$0x0] =	sbarrier.arrive $0xFFFF  }
0x8f: {  	[tilespmem:s0], [sflag:$0x1] =	stream.indirect.gather [hbm4b:s4+s8], $0x80, s29, s8, $0xb8;
	[tilespmem:$0x1DA00] =	vst v63  }
0x90: {  	v1 =	vld [tilespmem:$0x16080]  }
0x91: {  	v2 =	vld [tilespmem:$0x16090]  }
0x92: {  	v3 =	vld [tilespmem:$0x16098];
	_ =	sdelay $0x2  }
0x93: {  	[tilespmem:$0x1D800] =	vst v1  }
0x94: {  	[tilespmem:$0x1D810] =	vst v2  }
0x95: {  	s30 =	simm.s32 $0x13928;
	[tilespmem:$0x1D818] =	vst v3  }
0x96: {  	[tilespmem:s9], [sflag:$0x2] =	stream.indirect.gather [hbm4b:s4+s8], $0x80, s30, s8, $0xb8;
	[tilespmem:$0x1DA00] =	vst v63  }
0x97: {  	v1 =	vld [tilespmem:$0x160A8]  }
0x98: {  	v2 =	vld [tilespmem:$0x160B8]  }
0x99: {  	v3 =	vld [tilespmem:$0x160C0];
	_ =	sdelay $0x2  }
0x9a: {  	[tilespmem:$0x1D880] =	vst v1  }
0x9b: {  	[tilespmem:$0x1D890] =	vst v2  }
0x9c: {  	s31 =	simm.s32 $0x13950;
	[tilespmem:$0x1D898] =	vst v3  }
0x9d: {  	[tilespmem:s10], [sflag:$0x3] =	stream.indirect.gather [hbm4b:s4+s8], $0x80, s31, s8, $0xb8;
	[tilespmem:$0x1DA00] =	vst v63  }
0x9e: {  	v1 =	vld [tilespmem:$0x160D0]  }
0x9f: {  	v2 =	vld [tilespmem:$0x160E0]  }
0xa0: {  	v3 =	vld [tilespmem:$0x160E8];
	_ =	sdelay $0x2  }
0xa1: {  	[tilespmem:$0x1D900] =	vst v1  }
0xa2: {  	[tilespmem:$0x1D910] =	vst v2  }
0xa3: {  	s21 =	simm.s32 $0x0;
	[tilespmem:$0x1D918] =	vst v3  }
.LBB2_4:
0xa4: {  	_ =	swait.ge [sflag:s5], $0x1400  }
0xa5: {  	p1 =	seq.s32 s21, $0x0;
	[sflag:s5] =	ssyncset.done $0x0  }
0xa6: {  	s29 =	simm.s32 @!p1 $0x8;
	[sflag:s5] =	ssyncadd.s32 $0xFFFFEC00  }
0xa7: {  	[spmem:s2] =	stream.indirect.scatter.add.f32 [tilespmem:s0], [sflag:$0x5], $0x80, s11, s8, $0xb8;
	[tilespmem:$0x1DA00] =	vst v63  }
0xa8: {  	_ =	swait.ge @!p1 [sflag:s29], $0x1400  }
0xa9: {  	s23 =	sshra.s32 s21, $0x2;
	[sflag:s29] =	ssyncset.done @!p1 $0x0  }
0xaa: {  	s31 =	sadd.s32 $0x13978, s23;
	[sflag:s29] =	ssyncadd.s32 @!p1 $0xFFFFEC00  }
0xab: {  	[tilespmem:s12], [sflag:$0x4] =	stream.indirect.gather [hbm4b:s4+s8], $0x80, s31, s8, $0xb8;
	[tilespmem:$0x1DA00] =	vst v63  }
0xac: {  	v1 =	vld [tilespmem:s23+$0x160F8];
	_ =	sdelay $0x4  }
0xad: {  	[tilespmem:$0x1D980] =	vst v1  }
0xae: {  	v1 =	vld [tilespmem:s23+$0x16108];
	_ =	sdelay $0x4  }
0xaf: {  	[tilespmem:$0x1D990] =	vst v1  }
0xb0: {  	v1 =	vld [tilespmem:s23+$0x16110];
	_ =	sdelay $0x4  }
0xb1: {  	[tilespmem:$0x1D998] =	vst v1  }
0xb2: {  	_ =	swait.ge [sflag:s6], $0x1400  }
0xb3: {  	p1 =	seq.s32 s21, $0x9B00;
	[sflag:s6] =	ssyncset.done $0x0  }
0xb4: {  	s29 =	simm.s32 @p1 $0x3;
	[sflag:s6] =	ssyncadd.s32 $0xFFFFEC00  }
0xb5: {  	[spmem:s2] =	stream.indirect.scatter.add.f32 [tilespmem:s9], [sflag:$0x6], $0x80, s13, s8, $0xb8;
	[tilespmem:$0x1DA00] =	vst v63  }
0xb6: {  	_ =	swait.ge @p1 [sflag:s29], $0x1400  }
0xb7: {  	s30 =	simm.s32 @p1 $0x1D900;
	[sflag:s29] =	ssyncset.done @p1 $0x0  }
0xb8: {  	s31 =	simm.s32 @p1 $0x1B000;
	[sflag:s29] =	ssyncadd.s32 @p1 $0xFFFFEC00;
	s29 =	simm.s32 @p1 $0x28  }
0xb9: {  	[spmem:s2] =	stream.indirect.scatter.add.f32 @p1 [tilespmem:s31], [sflag:$0x7], $0x80, s30, s29, $0xb8;
	[tilespmem:$0x1DA00] =	vst v63  }
0xba: {  	s29 =	simm.s32 @!p1 $0x5  }
0xbb: {  	_ =	swait.ge @!p1 [sflag:s29], $0x1400  }
0xbc: {  	[sflag:s29] =	ssyncset.done @!p1 $0x0  }
0xbd: {  	[sflag:s29] =	ssyncadd.s32 @!p1 $0xFFFFEC00;
	s29 =	sshra.s32 @!p1 s21, $0x2  }
0xbe: {  	s25 =	simm.s32 @!p1 $0x18800;
	s31 =	simm.s32 @!p1 $0x28;
	s30 =	sadd.s32 @!p1 $0x139A0, s29  }
0xbf: {  	[tilespmem:s25], [sflag:$0x1] =	stream.indirect.gather @!p1 [hbm4b:s4+s31], $0x80, s30, s31, $0xb8;
	[tilespmem:$0x1DA00] =	vst v63  }
0xc0: {  	v1 =	vld @!p1 [tilespmem:s29+$0x16120];
	_ =	sdelay $0x4  }
0xc1: {  	[tilespmem:$0x1D800] =	vst @!p1 v1  }
0xc2: {  	v1 =	vld @!p1 [tilespmem:s29+$0x16130];
	_ =	sdelay $0x4  }
0xc3: {  	[tilespmem:$0x1D810] =	vst @!p1 v1  }
0xc4: {  	v1 =	vld @!p1 [tilespmem:s29+$0x16138];
	_ =	sdelay $0x4  }
0xc5: {  	s25 =	simm.s32 @!p1 $0x3;
	[tilespmem:$0x1D818] =	vst @!p1 v1  }
0xc6: {  	_ =	swait.ge @!p1 [sflag:s25], $0x1400  }
0xc7: {  	[sflag:s25] =	ssyncset.done @!p1 $0x0  }
0xc8: {  	s30 =	simm.s32 @!p1 $0x1B000;
	[sflag:s25] =	ssyncadd.s32 @!p1 $0xFFFFEC00;
	s25 =	simm.s32 @!p1 $0x1D900  }
0xc9: {  	[spmem:s2] =	stream.indirect.scatter.add.f32 @!p1 [tilespmem:s30], [sflag:$0x7], $0x80, s25, s31, $0xb8;
	[tilespmem:$0x1DA00] =	vst v63  }
0xca: {  	s25 =	simm.s32 @!p1 $0x6  }
0xcb: {  	_ =	swait.ge @!p1 [sflag:s25], $0x1400  }
0xcc: {  	[sflag:s25] =	ssyncset.done @!p1 $0x0  }
0xcd: {  	s30 =	simm.s32 @!p1 $0x19C00;
	[sflag:s25] =	ssyncadd.s32 @!p1 $0xFFFFEC00;
	s25 =	sadd.s32 @!p1 $0x139C8, s29  }
0xce: {  	[tilespmem:s30], [sflag:$0x2] =	stream.indirect.gather @!p1 [hbm4b:s4+s31], $0x80, s25, s31, $0xb8;
	[tilespmem:$0x1DA00] =	vst v63  }
0xcf: {  	v1 =	vld @!p1 [tilespmem:s29+$0x16148];
	_ =	sdelay $0x4  }
0xd0: {  	[tilespmem:$0x1D880] =	vst @!p1 v1  }
0xd1: {  	v1 =	vld @!p1 [tilespmem:s29+$0x16158];
	_ =	sdelay $0x4  }
0xd2: {  	[tilespmem:$0x1D890] =	vst @!p1 v1  }
0xd3: {  	v1 =	vld @!p1 [tilespmem:s29+$0x16160];
	_ =	sdelay $0x4  }
.Ltmp1:
0xd4: {  	[tilespmem:$0x1D898] =	vst @!p1 v1;
	(pc) =	sbr.rel @p1 .LBB2_6-.Ltmp1, $4  }
0xd5: {  	_ =	swait.ge [sflag:s14], $0x1400  }
0xd6: {  	[sflag:s14] =	ssyncset.done $0x0  }
0xd7: {  	[sflag:s14] =	ssyncadd.s32 $0xFFFFEC00  }
0xd8: {  	[spmem:s2] =	stream.indirect.scatter.add.f32 [tilespmem:s12], [sflag:$0x8], $0x80, s15, s8, $0xb8;
	[tilespmem:$0x1DA00] =	vst v63  }
0xd9: {  	_ =	swait.ge [sflag:s18], $0x1400  }
0xda: {  	[sflag:s18] =	ssyncset.done $0x0  }
0xdb: {  	s25 =	sadd.s32 $0x139F0, s23;
	[sflag:s18] =	ssyncadd.s32 $0xFFFFEC00  }
0xdc: {  	[tilespmem:s10], [sflag:$0x3] =	stream.indirect.gather [hbm4b:s4+s8], $0x80, s25, s8, $0xb8;
	[tilespmem:$0x1DA00] =	vst v63  }
0xdd: {  	v1 =	vld [tilespmem:s23+$0x16170];
	_ =	sdelay $0x4  }
0xde: {  	[tilespmem:$0x1D900] =	vst v1  }
0xdf: {  	v1 =	vld [tilespmem:s23+$0x16180];
	_ =	sdelay $0x4  }
0xe0: {  	[tilespmem:$0x1D910] =	vst v1  }
0xe1: {  	v1 =	vld [tilespmem:s23+$0x16188]  }
.Ltmp2:
0xe2: {  	_ = 	snop;
	(pc) =	sbr.rel .LBB2_4-.Ltmp2, $2  }
0xe3: {  	_ =	sdelay $0x2  }
0xe4: {  	s21 =	sadd.s32 $0x280, s21;
	[tilespmem:$0x1D918] =	vst v1  }
.LBB2_6:
0xe5: {  	_ =	swait.ge [sflag:s16], $0x1400  }
0xe6: {  	[sflag:s16] =	ssyncset.done $0x0  }
0xe7: {  	[sflag:s16] =	ssyncadd.s32 $0xFFFFEC00  }
0xe8: {  	_ =	swait.ge [sflag:s17], $0x1400  }
0xe9: {  	[sflag:s17] =	ssyncset.done $0x0  }
0xea: {  	[sflag:s17] =	ssyncadd.s32 $0xFFFFEC00  }
0xeb: {  	_ =	swait.ge [sflag:s18], $0x1400  }
0xec: {  	[sflag:s18] =	ssyncset.done $0x0  }
0xed: {  	[sflag:s18] =	ssyncadd.s32 $0xFFFFEC00  }
0xee: {  	s21 =	simm.s32 $0x280;
	_ =	swait.ge [sflag:s19], $0x1400  }
0xef: {  	s23 =	stileid.u32;
	s29 =	sadd.s32 $0x1400, s24;
	[sflag:s19] =	ssyncset.done $0x0  }
0xf0: {  	s30 =	sadd.s32 $0x0, s22;
	s23 =	sshll.u32 s23, $0x6;
	[sflag:s19] =	ssyncadd.s32 $0xFFFFEC00  }
0xf1: {  	s31 =	sshrl.u32 s24, $0x3;
	s23 =	sor.u32 $0x1C0A, s23;
	[bflag:$0x0] =	sbarrier.arrive $0xFFFF  }
.LBB2_7:
0xf2: {  	[hbm:s30], [sflag:s23] =	dma.local [spmem:s31], $0x280  }
0xf3: {  	s25 =	smov.u32 s21;
	s31 =	smov.u32 s29;
	p1 =	sne.s32 s21, $0x2300  }
.Ltmp3:
0xf4: {  	s21 =	sadd.s32 $0x280, s21;
	(pc) =	sbr.rel @p1 .LBB2_7-.Ltmp3, $3  }
0xf5: {  	_ =	sdelay $0x1  }
0xf6: {  	s29 =	sadd.s32 $0x1400, s29  }
0xf7: {  	s30 =	sadd.s32 s25, s22;
	s31 =	sshrl.u32 s31, $0x3  }
0xf8: {  	[hbm:s30], [sflag:s23] =	dma.local [spmem:s31], $0x280  }
0xf9: {  	s21 =	rddreg [dreg:$0x6]  }
0xfa: {  	s25 =	rddreg [dreg:$0x14]  }
0xfb: {  	[hbm:s21], [sflag:s23] =	dma.local @!p0 [spmem:s25], $0x280  }
0xfc: {  	_ =	swait.ge [sflag:s20], $0x280  }
0xfd: {  	[sflag:s20] =	ssyncset.done $0x0  }
0xfe: {  	[sflag:s20] =	ssyncadd.s32 $0xFFFFFD80  }
0xff: {  	_ =	swait.ge [sflag:s20], $0x280  }
0x100: {  	[sflag:s20] =	ssyncset.done $0x0  }
0x101: {  	[sflag:s20] =	ssyncadd.s32 $0xFFFFFD80  }
0x102: {  	_ =	swait.ge [sflag:s20], $0x280  }
0x103: {  	[sflag:s20] =	ssyncset.done $0x0  }
0x104: {  	[sflag:s20] =	ssyncadd.s32 $0xFFFFFD80  }
0x105: {  	_ =	swait.ge [sflag:s20], $0x280  }
0x106: {  	[sflag:s20] =	ssyncset.done $0x0  }
0x107: {  	[sflag:s20] =	ssyncadd.s32 $0xFFFFFD80  }
0x108: {  	_ =	swait.ge [sflag:s20], $0x280  }
0x109: {  	[sflag:s20] =	ssyncset.done $0x0  }
0x10a: {  	[sflag:s20] =	ssyncadd.s32 $0xFFFFFD80  }
0x10b: {  	_ =	swait.ge [sflag:s20], $0x280  }
0x10c: {  	[sflag:s20] =	ssyncset.done $0x0  }
0x10d: {  	[sflag:s20] =	ssyncadd.s32 $0xFFFFFD80  }
0x10e: {  	_ =	swait.ge [sflag:s20], $0x280  }
0x10f: {  	[sflag:s20] =	ssyncset.done $0x0  }
0x110: {  	[sflag:s20] =	ssyncadd.s32 $0xFFFFFD80  }
0x111: {  	_ =	swait.ge [sflag:s20], $0x280  }
0x112: {  	[sflag:s20] =	ssyncset.done $0x0  }
0x113: {  	[sflag:s20] =	ssyncadd.s32 $0xFFFFFD80  }
0x114: {  	_ =	swait.ge [sflag:s20], $0x280  }
0x115: {  	[sflag:s20] =	ssyncset.done $0x0  }
0x116: {  	[sflag:s20] =	ssyncadd.s32 $0xFFFFFD80  }
0x117: {  	_ =	swait.ge [sflag:s20], $0x280  }
0x118: {  	[sflag:s20] =	ssyncset.done $0x0  }
0x119: {  	[sflag:s20] =	ssyncadd.s32 $0xFFFFFD80  }
0x11a: {  	_ =	swait.ge [sflag:s20], $0x280  }
0x11b: {  	[sflag:s20] =	ssyncset.done $0x0  }
0x11c: {  	[sflag:s20] =	ssyncadd.s32 $0xFFFFFD80  }
0x11d: {  	_ =	swait.ge [sflag:s20], $0x280  }
0x11e: {  	[sflag:s20] =	ssyncset.done $0x0  }
0x11f: {  	[sflag:s20] =	ssyncadd.s32 $0xFFFFFD80  }
0x120: {  	_ =	swait.ge [sflag:s20], $0x280  }
0x121: {  	[sflag:s20] =	ssyncset.done $0x0  }
0x122: {  	[sflag:s20] =	ssyncadd.s32 $0xFFFFFD80  }
0x123: {  	_ =	swait.ge [sflag:s20], $0x280  }
0x124: {  	[sflag:s20] =	ssyncset.done $0x0  }
0x125: {  	[sflag:s20] =	ssyncadd.s32 $0xFFFFFD80  }
0x126: {  	_ =	swait.ge [sflag:s20], $0x280  }
0x127: {  	[sflag:s20] =	ssyncset.done $0x0  }
0x128: {  	s21 =	simm.s32 @!p0 $0xA;
	[sflag:s20] =	ssyncadd.s32 $0xFFFFFD80  }
0x129: {  	_ =	swait.ge @!p0 [sflag:s21], $0x280  }
0x12a: {  	s3 =	sadd.s32 $0x1, s3;
	s31 =	rddreg [dreg:$0x7]  }
0x12b: {  	p1 =	sne.s32 s3, s31  }
.Ltmp4:
0x12c: {  	_ = 	snop;
	(pc) =	sbr.rel @p1 .LBB2_1-.Ltmp4, $3  }
0x12d: {  	_ =	sdelay $0x1  }
0x12e: {  	[sflag:s21] =	ssyncset.done @!p0 $0x0  }
0x12f: {  	s29 =	simm.s32 $0x13900;
	[sflag:s21] =	ssyncadd.s32 @!p0 $0xFFFFFD80  }
0x130: {  	_ =	sfence.sel $0x180000  }
0x131: {  	[bflag:$0x0] =	sbarrier.arrive $0xFFFF  }
0x132: {  	_ =	strace $0x90000050  }
0x133: {  	s0 =	stileid.u32;
	[bflag:$0x2] =	sbarrier.arrive $0xFFFF  }
0x134: {  	p0 =	sne.s32 s0, $0x0;
	s0 =	rddreg [dreg:$0x2]  }
0x135: {  	s0 =	sadd.s32 @!p0 $0x100000, s0  }
0x136: {  	[sflag:s0] =	ssyncadd.tile.s32 @!p0 $0x1;
	_ =	shalt  }
.Lfunc_end2:
_tile_overlayer_lowered:
.L_overlay_start_2:
0x137: {  	(tag) =	ssettag $0x2  }
0x138: {  	s0 =	rddreg [dreg:$0x0];
	s2 =	stileid.u32  }
0x139: {  	s1 =	rddreg [dreg:$0x1];
	p0 =	sne.s32 s2, $0x0  }
0x13a: {  	s3 =	rddreg [dreg:$0x2];
	[bflag:$0x3] =	sbarrier.arrive $0xFFFF;
	s2 =	simm.s32 @!p0 $0x1C0B  }
0x13b: {  	[timem:s3], [sflag:s2] =	dma.local @!p0 [hbm:s0], s1  }
0x13c: {  	s0 =	simm.s32 @!p0 $0xB  }
0x13d: {  	_ =	swait.ge @!p0 [sflag:s0], s1  }
0x13e: {  	s1 =	ssub.s32 @!p0 $0x0, s1;
	[sflag:s0] =	ssyncset.done @!p0 $0x0  }
0x13f: {  	[sflag:s0] =	ssyncadd.s32 @!p0 s1  }
0x140: {  	[bflag:$0x3] =	sbarrier.arrive $0xFFFF  }
0x141: {  	_ =	shalt  }

// kernel: kernel.24.cloned.1.call-start
scs
__scs_entry_jumppad:
0x0: {  	(pc) =	sbr.rel $0x88, $3  }
0x1: {  	(tag) =	ssettag $0x0;
	lr =	simm.s32 $0x1  }
0x2: {  	[smem:$0x3F97] =	sst lr;
	_ =	strace $0xD0000000  }
0x3: {  	_ = 	snop  }
0x4: {  	_ = 	snop  }
0x5: {  	_ = 	snop  }
0x6: {  	_ = 	snop  }
0x7: {  	_ = 	snop  }
__scs_overlays_trampoline_lowered:
0x8: {  	[smem:$0x3FA6] =	sst s0  }
0x9: {  	[smem:$0x3FA7] =	sst s1  }
0xa: {  	[smem:$0x3FA8] =	sst s2  }
0xb: {  	[smem:$0x3FA9] =	sst s3  }
0xc: {  	[smem:$0x3FAA] =	sst s4  }
0xd: {  	[smem:$0x3FAB] =	sst s5  }
0xe: {  	[smem:$0x3FAC] =	sst s6  }
0xf: {  	[smem:$0x3FAD] =	sst s7  }
0x10: {  	[smem:$0x3FAE] =	sst s8  }
0x11: {  	[smem:$0x3FAF] =	sst s9;
	s0 =	simm.s32 @!p0 $0x0  }
0x12: {  	s1 =	sld [smem:$0x3F95];
	s0 =	simm.s32 @p0 $0x1  }
0x13: {  	[smem:$0x3FB0] =	sst s0;
	s0 =	simm.s32 @!p1 $0x0  }
0x14: {  	s2 =	sld [smem:$0x3F94];
	s0 =	simm.s32 @p1 $0x1  }
0x15: {  	[smem:$0x3FB1] =	sst s0;
	s0 =	simm.s32 @!p2 $0x0  }
0x16: {  	s3 =	sld [smem:$0x3FDB];
	s0 =	simm.s32 @p2 $0x1  }
0x17: {  	s4 =	simm.s32 $0x1BF5;
	[smem:$0x3FB3] =	sst s0  }
0x18: {  	s0 =	sld [smem:$0x3F96];
	_ =	swait.ge [sflag:s4], $0x0  }
0x19: {  	s7 =	sld [smem:$0x3F97]  }
0x1a: {  	s8 =	sadd.s32 $0xFFFFE003, lr  }
0x1b: {  	s9 =	sadd.s32 $0xFFFFFEF7, lr;
	s5 =	simm.s32 $0xFFFFFFFF;
	p2 =	slt.u32 s8, $0xFFFFF086  }
0x1c: {  	p1 =	slt.u32 s9, $0xF7A;
	s5 =	simm.s32 @!p2 $0x0  }
0x1d: {  	s5 =	simm.s32 @p1 $0x1;
	p0 =	seq.s32 s7, s2  }
0x1e: {  	s7 =	smul.u32 @!p0 $0xF7A, s2;
	p2 =	seq.s32 @!p0 s5, $0x0  }
0x1f: {  	s9 =	smul.u32 $0xF7A, s1;
	s8 =	simm.s32 @!p0 $0x1BF5;
	p2 =	por !p2, p0  }
0x20: {  	[sflag:s8] =	ssyncset.s32 @!p0 $0xFFFFF086;
	s6 =	sadd.s32 @!p0 s3, s7;
	s7 =	simm.s32 @!p0 $0x108  }
0x21: {  	s3 =	sadd.s32 s3, s9;
	s6 =	sadd.s32 @!p0 $0x88, s6;
	s7 =	simm.s32 @p2 $0x1082  }
0x22: {  	[simem:s7], [sflag:s8] =	dma.local @!p0 [hbm:s6], $0xF7A  }
0x23: {  	s9 =	sor.u32 $0xD0000000, s2;
	s6 =	simm.s32 $0x108;
	_ =	swait.ge @!p0 [sflag:s8], $0x0  }
0x24: {  	s3 =	sadd.s32 $0x88, s3;
	s6 =	simm.s32 @!p1 $0x1082;
	[sflag:s4] =	ssyncset.s32 $0xFFFFF086  }
0x25: {  	[simem:s6], [sflag:s4] =	dma.local [hbm:s3], $0xF7A  }
0x26: {  	[smem:$0x3F97] =	sst s1;
	(tag) =	ssettag s2;
	_ =	strace s9  }
0x27: {  	s1 =	sld [smem:$0x3FA7]  }
0x28: {  	s2 =	sld [smem:$0x3FA8]  }
0x29: {  	s4 =	sld [smem:$0x3FAA]  }
0x2a: {  	p0 =	seq.s32 s5, $0x0;
	s5 =	sld [smem:$0x3FAB]  }
0x2b: {  	s6 =	sld [smem:$0x3FAC]  }
0x2c: {  	s7 =	sld [smem:$0x3FAD]  }
0x2d: {  	s3 =	simm.s32 $0x108;
	s8 =	sld [smem:$0x3FAE]  }
0x2e: {  	s3 =	simm.s32 @!p0 $0x1082;
	s9 =	sld [smem:$0x3FAF]  }
0x2f: {  	lr =	sadd.s32 s0, s3;
	s0 =	sld [smem:$0x3FA6]  }
0x30: {  	s3 =	sld [smem:$0x3FA9]  }
0x31: {  	[smem:$0x3FB2] =	sst s10  }
0x32: {  	s10 =	sld [smem:$0x3FB0];
	_ =	sdelay $0x3  }
0x33: {  	p0 =	seq.s32 s10, $0x1;
	s10 =	sld [smem:$0x3FB2];
	_ =	sdelay $0x3  }
0x34: {  	[smem:$0x3FB2] =	sst s10  }
0x35: {  	s10 =	sld [smem:$0x3FB1];
	_ =	sdelay $0x3  }
0x36: {  	p1 =	seq.s32 s10, $0x1;
	s10 =	sld [smem:$0x3FB2];
	_ =	sdelay $0x3  }
0x37: {  	[smem:$0x3FB2] =	sst s10  }
0x38: {  	s10 =	sld [smem:$0x3FB3]  }
0x39: {  	_ = 	snop;
	(pc) =	sbr.ind lr, $3  }
0x3a: {  	_ = 	snop  }
0x3b: {  	_ = 	snop  }
0x3c: {  	p2 =	seq.s32 s10, $0x1;
	s10 =	sld [smem:$0x3FB2]  }
0x3d: {  	_ =	shalt  }
0x3e: {  	_ =	shalt  }
0x3f: {  	_ =	shalt  }
0x40: {  	_ =	shalt  }
0x41: {  	_ =	shalt  }
0x42: {  	_ =	shalt  }
0x43: {  	_ =	shalt  }
0x44: {  	_ =	shalt  }
0x45: {  	_ =	shalt  }
0x46: {  	_ =	shalt  }
0x47: {  	_ =	shalt  }
0x48: {  	_ =	shalt  }
0x49: {  	_ =	shalt  }
0x4a: {  	_ =	shalt  }
0x4b: {  	_ =	shalt  }
0x4c: {  	_ =	shalt  }
0x4d: {  	_ =	shalt  }
0x4e: {  	_ =	shalt  }
0x4f: {  	_ =	shalt  }
0x50: {  	_ =	shalt  }
0x51: {  	_ =	shalt  }
0x52: {  	_ =	shalt  }
0x53: {  	_ =	shalt  }
0x54: {  	_ =	shalt  }
0x55: {  	_ =	shalt  }
0x56: {  	_ =	shalt  }
0x57: {  	_ =	shalt  }
0x58: {  	_ =	shalt  }
0x59: {  	_ =	shalt  }
0x5a: {  	_ =	shalt  }
0x5b: {  	_ =	shalt  }
0x5c: {  	_ =	shalt  }
0x5d: {  	_ =	shalt  }
0x5e: {  	_ =	shalt  }
0x5f: {  	_ =	shalt  }
0x60: {  	_ =	shalt  }
0x61: {  	_ =	shalt  }
0x62: {  	_ =	shalt  }
0x63: {  	_ =	shalt  }
0x64: {  	_ =	shalt  }
0x65: {  	_ =	shalt  }
0x66: {  	_ =	shalt  }
0x67: {  	_ =	shalt  }
0x68: {  	_ =	shalt  }
0x69: {  	_ =	shalt  }
0x6a: {  	_ =	shalt  }
0x6b: {  	_ =	shalt  }
0x6c: {  	_ =	shalt  }
0x6d: {  	_ =	shalt  }
0x6e: {  	_ =	shalt  }
0x6f: {  	_ =	shalt  }
0x70: {  	_ =	shalt  }
0x71: {  	_ =	shalt  }
0x72: {  	_ =	shalt  }
0x73: {  	_ =	shalt  }
0x74: {  	_ =	shalt  }
0x75: {  	_ =	shalt  }
0x76: {  	_ =	shalt  }
0x77: {  	_ =	shalt  }
0x78: {  	_ =	shalt  }
0x79: {  	_ =	shalt  }
0x7a: {  	_ =	shalt  }
0x7b: {  	_ =	shalt  }
0x7c: {  	_ =	shalt  }
0x7d: {  	_ =	shalt  }
0x7e: {  	_ =	shalt  }
0x7f: {  	_ =	shalt  }
0x80: {  	_ =	shalt  }
0x81: {  	_ =	shalt  }
0x82: {  	_ =	shalt  }
0x83: {  	_ =	shalt  }
0x84: {  	_ =	shalt  }
0x85: {  	_ =	shalt  }
0x86: {  	_ =	shalt  }
0x87: {  	_ =	shalt  }
.Lfunc_end0:
.L_simem_size_0:
called_computation.4_lowered:
.L_overlay_start_0:
0x88: {  	s2 =	sld [smem:$0x3FD9]  }
0x89: {  	s3 =	sld [smem:$0x3FFE];
	_ =	sdelay $0x1  }
0x8a: {  	s1 =	srdreg.scid  }
0x8b: {  	s0 =	sand.u32 $0x1, s1  }
0x8c: {  	s16 =	sshll.u32 s0, $0xA;
	s2 =	sadd.s32 s3, s2  }
0x8d: {  	s2 =	sadd.s32 s2, s16  }
0x8e: {  	[smem:$0x3FBE] =	sst s2  }
0x8f: {  	_ = 	snop  }
0x90: {  	(tm) =	ssettm $0x1  }
0x91: {  	s17 =	sld [smem:$0x3FFB];
	_ =	sdelay $0x3  }
0x92: {  	_ =	strace s17  }
0x93: {  	s2 =	sld [smem:$0x3FFC];
	_ =	sdelay $0x3  }
0x94: {  	_ =	strace s2  }
0x95: {  	s2 =	sld [smem:$0x3FFD];
	_ =	sdelay $0x3  }
0x96: {  	_ =	strace s2  }
0x97: {  	_ =	strace $0x8FFFFFFF  }
0x98: {  	s18 =	sld [smem:$0x3FDB];
	_ =	sdelay $0x1  }
0x99: {  	s19 =	simm.s32 $_scs_section_size  }
0x9a: {  	s4 =	simm.s32 $_size__tile_overlayer_lowered;
	s5 =	simm.s32 $_tile_overlayer_lowered  }
0x9b: {  	s22 =	simm.s32 $0x1BFF;
	s21 =	sshll.u32 s5, $0x1;
	s2 =	sadd.s32 s19, s18  }
0x9c: {  	s6 =	simm.s32 $0x0;
	s20 =	sshll.u32 s4, $0x1;
	s4 =	sadd.s32 s21, s2  }
0x9d: {  	[timem:s6], [sflag:s22] =	dma.local [hbm:s4], s20  }
0x9e: {  	_ =	swait.ge [sflag:s22], s20  }
0x9f: {  	s3 =	ssub.s32 $0x0, s20;
	[sflag:s22] =	ssyncset.done $0x0  }
0xa0: {  	[sflag:s22] =	ssyncadd.s32 s3;
	_ =	sdelay $0x1  }
0xa1: {  	s23 =	simm.s32 $0x1B8B  }
0xa2: {  	_ =	swait.ge [sflag:s23], $0x1  }
0xa3: {  	[sflag:s23] =	ssyncset.done $0x0  }
0xa4: {  	s25 =	simm.s32 $0x1B8E;
	s24 =	sld [smem:$0x3FFE];
	[sflag:s23] =	ssyncadd.s32 $0xFFFFFFFF  }
0xa5: {  	s26 =	simm.s32 $execute0_lowered;
	[smem:$0x3FD2] =	sst s25  }
0xa6: {  	s4 =	sshll.u32 s26, $0x1;
	_ =	strace $0x80000052;
	[dreg:$0x1] =	wrdreg $0xFFFFFFFF  }
0xa7: {  	s28 =	simm.s32 $_size_execute0_lowered;
	s2 =	sadd.s32 s2, s4;
	[dreg:$0x0] =	wrdreg $0x0  }
0xa8: {  	s4 =	sshll.u32 s28, $0x1;
	[dreg:$0x2] =	wrdreg s2  }
0xa9: {  	[dreg:$0x3] =	wrdreg s4  }
0xaa: {  	[dreg:$0x4] =	wrdreg $0xC0  }
0xab: {  	_ =	task [dreg:s6], $0x5FFFF  }
0xac: {  	[dreg:$0x1] =	wrdreg $0xFFFFFFFF  }
0xad: {  	[dreg:$0x0] =	wrdreg $0x60  }
0xae: {  	[dreg:$0x2] =	wrdreg s24  }
0xaf: {  	[dreg:$0x3] =	wrdreg $0x0  }
0xb0: {  	[dreg:$0x4] =	wrdreg $0x9  }
0xb1: {  	_ =	task.clear_ibuf [dreg:s6], $0x5FFFF;
	_ =	strace $0x90000052  }
0xb2: {  	s29 =	simm.s32 $0x9;
	_ =	strace $0x80000054  }
0xb3: {  	_ =	swait.ge [sflag:s29], $0x1  }
0xb4: {  	[sflag:s29] =	ssyncadd.s32 $0xFFFFFFFF  }
0xb5: {  	_ =	strace $0x90000054  }
0xb6: {  	_ =	sfence  }
0xb7: {  	s30 =	sld [smem:$0x0];
	_ =	sdelay $0x2  }
0xb8: {  	s31 =	sshll.u32 s1, $0xD;
	s1 =	sshrl.u32 s1, $0x2  }
0xb9: {  	s3 =	sand.u32 $0x4000, s31;
	s1 =	sadd.s32 s1, s30  }
0xba: {  	s0 =	sor.u32 s3, s0;
	s1 =	sshll.u32 s1, $0x11  }
0xbb: {  	s0 =	sor.u32 s1, s0  }
0xbc: {  	s0 =	sadd.s32 $0x8F2B, s0  }
0xbd: {  	[sflag:s0] =	ssyncadd.remote.s32 $0x1  }
0xbe: {  	_ =	sfence.sel $0xFFFF  }
0xbf: {  	[dreg:$0x0] =	wrdreg $0xFFFFFFFF;
	(pc) =	sbr.abs _section_cstart, $3  }
0xc0: {  	[dreg:$0x1] =	wrdreg $0xFFFFFFFF  }
0xc1: {  	_ =	task.clear_ibuf [dreg:s6], $0x2FFFF;
	_ =	strace $0x9FFFFFFF  }
0xc2: {  	(tm) =	ssettm $0x7FFFFFFF  }
0xc3: {  	_ =	shalt  }
tec
execute0_lowered:
.L_overlay_start_1:
0x0: {  	(tag) =	ssettag $0x1  }
0x1: {  	s0 =	rddreg [dreg:$0x0]  }
0x2: {  	s2 =	rddreg [dreg:$0x1];
	s11 =	stileid.u32  }
0x3: {  	s3 =	simm.s32 $0x0;
	s4 =	srdreg.scid;
	s6 =	smul.u32 $0xF, s11  }
0x4: {  	s29 =	simm.s32 $0x13900;
	[smem:$0x7FF] =	sst s3;
	s16 =	smul.u32 $0x12C00, s11  }
0x5: {  	s1 =	sshrl.u32 s11, $0x2;
	s5 =	sand.u32 $0x1, s4;
	s21 =	smul.u32 $0x4B000, s11  }
0x6: {  	s23 =	sshll.u32 s11, $0x8;
	s8 =	smin.u32 s11, $0xA;
	s1 =	smul.u32 $0x13C00, s1  }
0x7: {  	s7 =	sshll.u32 s5, $0x7;
	s9 =	ssub.s32 $0x2, s5;
	s5 =	smul.u32 $0x138800, s5  }
0x8: {  	p0 =	sgt.u32 s11, $0x9;
	s11 =	simm.s32 $0x1D800;
	s19 =	smul.u32 $0x1400, s8  }
0x9: {  	s4 =	sand.u32 $0x300, s23;
	_ =	strace $0x80000053;
	s23 =	smul.u32 $0x5000, s8  }
0xa: {  	s7 =	sor.u32 s7, s4;
	s6 =	sadd.s32 s8, s6;
	s4 =	sadd.s32 $0x41800, s0  }
0xb: {  	s10 =	sshrl.u32 s9, $0x1;
	s8 =	simm.s32 $0x28;
	s1 =	sor.u32 s1, s7  }
0xc: {  	s24 =	smul.u32 $0x5000, s6;
	s9 =	ssub.s32 s9, s10;
	s1 =	sshrl.u32 s1, $0x3  }
0xd: {  	s6 =	smul.u32 $0x1400, s6;
	s10 =	smax.u32 s9, $0x1;
	s1 =	sadd.s32 s1, s0  }
0xe: {  	s7 =	sshrl.u32 s24, $0x2;
	[dreg:$0x7] =	wrdreg s10;
	s25 =	sadd.s32 $0x10800, s1  }
0xf: {  	s1 =	sadd.s32 $0x6000, s1;
	s7 =	sadd.s32 s7, s2;
	[dreg:$0x3] =	wrdreg s25  }
0x10: {  	s9 =	simm.s32 $0x19C00;
	[dreg:$0x4] =	wrdreg s1;
	s31 =	sadd.s32 $0x12C00, s7  }
0x11: {  	s0 =	sadd.s32 $0x68A00, s0;
	s12 =	sadd.s32 $0x1400, s7;
	[dreg:$0x5] =	wrdreg s31  }
0x12: {  	s6 =	sadd.s32 $0x12C00, s6;
	s13 =	sadd.s32 $0x2800, s7;
	[dreg:$0x8] =	wrdreg s12  }
0x13: {  	s10 =	simm.s32 $0x1B000;
	s14 =	sadd.s32 $0x3C00, s7;
	[dreg:$0x9] =	wrdreg s13  }
0x14: {  	s26 =	sadd.s32 s5, s6;
	s15 =	sadd.s32 $0x5000, s7;
	[dreg:$0xa] =	wrdreg s14  }
0x15: {  	s5 =	sadd.s32 s16, s5;
	s17 =	sadd.s32 $0x6400, s7;
	[dreg:$0xb] =	wrdreg s15  }
0x16: {  	s16 =	simm.s32 $0x5;
	s18 =	sadd.s32 $0x7800, s7;
	[dreg:$0xc] =	wrdreg s17  }
0x17: {  	s30 =	sshrl.u32 s26, $0x3;
	s20 =	sadd.s32 $0x8C00, s7;
	[dreg:$0xd] =	wrdreg s18  }
0x18: {  	s22 =	sadd.s32 $0xA000, s7;
	s5 =	sadd.s32 s19, s5;
	[dreg:$0xe] =	wrdreg s20  }
0x19: {  	s24 =	sadd.s32 $0xB400, s7;
	s25 =	sadd.s32 $0xC800, s7;
	[dreg:$0xf] =	wrdreg s22  }
0x1a: {  	s26 =	sadd.s32 $0xDC00, s7;
	s28 =	sadd.s32 $0x11800, s7;
	[dreg:$0x10] =	wrdreg s24  }
0x1b: {  	s19 =	simm.s32 $0x8;
	s1 =	sadd.s32 s0, s30;
	[dreg:$0x11] =	wrdreg s25  }
0x1c: {  	s5 =	sshrl.u32 s5, $0x3;
	[dreg:$0x12] =	wrdreg s26;
	s30 =	sadd.s32 $0xF000, s7  }
0x1d: {  	s26 =	sadd.s32 $0x10400, s7;
	s12 =	simm.s32 $0x1C400;
	s13 =	simm.s32 $0x1D880  }
0x1e: {  	s14 =	simm.s32 $0x4;
	s15 =	simm.s32 $0x1D980;
	s17 =	simm.s32 $0x6  }
0x1f: {  	s18 =	simm.s32 $0x7;
	s20 =	simm.s32 $0xA;
	[dreg:$0x6] =	wrdreg s1  }
0x20: {  	s1 =	sadd.s32 s6, s2;
	s6 =	sadd.s32 s23, s21;
	s22 =	sadd.s32 s5, s0  }
0x21: {  	[dreg:$0x13] =	wrdreg s30;
	s5 =	simm.s32 $0x1;
	s31 =	sshrl.u32 s6, $0x2  }
0x22: {  	s0 =	sshrl.u32 @!p0 s1, $0x3;
	s1 =	simm.s32 $0x9;
	s6 =	simm.s32 $0x2  }
0x23: {  	v0 =	vimm.f32 $0.0e+00;
	s24 =	sadd.s32 s31, s2;
	[dreg:$0x14] =	wrdreg s0;
	s0 =	simm.s32 $0x18800  }
.LBB2_1:
0x24: {  	s21 =	rddreg [dreg:$0x3];
	s23 =	simm.s32 $0x80;
	s25 =	simm.s32 $0x400  }
0x25: {  	[tilespmem:s29], [sflag:$0x1] =	stream.strided.gather [hbm4b:s21+s23], $0x2780, s25, s23, $0x38;
	[tilespmem:$0x1DA00] =	vst v63  }
0x26: {  	s31 =	rddreg [dreg:$0x4];
	s30 =	simm.s32 $0x16080  }
0x27: {  	[tilespmem:s30], [sflag:$0x2] =	stream.strided.gather [hbm4b:s31+s23], $0x2780, s25, s23, $0x38;
	[tilespmem:$0x1DA00] =	vst v63  }
0x28: {  	s21 =	simm.s32 $0x70;
	s23 =	simm.s32 $0x3C0  }
.LBB2_2:
0x29: {  	p1 =	sne.s32 s23, $0x4FC0;
	[tilespmem:s21+$0x18800] =	vst v0  }
0x2a: {  	[tilespmem:s21+$0x18790] =	vst v0  }
0x2b: {  	[tilespmem:s21+$0x187A0] =	vst v0  }
.Ltmp0:
0x2c: {  	[tilespmem:s21+$0x187B0] =	vst v0;
	(pc) =	sbr.rel @p1 .LBB2_2-.Ltmp0, $4  }
0x2d: {  	[tilespmem:s21+$0x187C0] =	vst v0  }
0x2e: {  	[tilespmem:s21+$0x187D0] =	vst v0  }
0x2f: {  	[tilespmem:s21+$0x187E0] =	vst v0  }
0x30: {  	[tilespmem:s21+$0x187F0] =	vst v0;
	s21 =	sshra.s32 s23, $0x2;
	s23 =	sadd.s32 $0x200, s23  }
0x31: {  	[tilespmem:s21+$0x18800] =	vst v0  }
0x32: {  	[tilespmem:s21+$0x18790] =	vst v0  }
0x33: {  	[tilespmem:s21+$0x187A0] =	vst v0  }
0x34: {  	[tilespmem:s21+$0x187B0] =	vst v0  }
0x35: {  	[tilespmem:s21+$0x187C0] =	vst v0  }
0x36: {  	[tilespmem:s21+$0x187D0] =	vst v0  }
0x37: {  	[tilespmem:s21+$0x187E0] =	vst v0  }
0x38: {  	[tilespmem:s21+$0x187F0] =	vst v0  }
0x39: {  	[spmem:s7] =	stream.linear.scatter [tilespmem:s0], [sflag:$0x9], $0x1400, $0x38;
	[tilespmem:$0x1DA00] =	vst v63  }
0x3a: {  	s30 =	rddreg [dreg:$0x8]  }
0x3b: {  	[spmem:s30] =	stream.linear.scatter [tilespmem:s0], [sflag:$0x9], $0x1400, $0x38;
	[tilespmem:$0x1DA00] =	vst v63  }
0x3c: {  	s31 =	rddreg [dreg:$0x9]  }
0x3d: {  	[spmem:s31] =	stream.linear.scatter [tilespmem:s0], [sflag:$0x9], $0x1400, $0x38;
	[tilespmem:$0x1DA00] =	vst v63  }
0x3e: {  	s23 =	rddreg [dreg:$0xa]  }
0x3f: {  	[spmem:s23] =	stream.linear.scatter [tilespmem:s0], [sflag:$0x9], $0x1400, $0x38;
	[tilespmem:$0x1DA00] =	vst v63  }
0x40: {  	s25 =	rddreg [dreg:$0xb]  }
0x41: {  	[spmem:s25] =	stream.linear.scatter [tilespmem:s0], [sflag:$0x9], $0x1400, $0x38;
	[tilespmem:$0x1DA00] =	vst v63  }
0x42: {  	s30 =	rddreg [dreg:$0xc]  }
0x43: {  	[spmem:s30] =	stream.linear.scatter [tilespmem:s0], [sflag:$0x9], $0x1400, $0x38;
	[tilespmem:$0x1DA00] =	vst v63  }
0x44: {  	s31 =	rddreg [dreg:$0xd]  }
0x45: {  	[spmem:s31] =	stream.linear.scatter [tilespmem:s0], [sflag:$0x9], $0x1400, $0x38;
	[tilespmem:$0x1DA00] =	vst v63  }
0x46: {  	s23 =	rddreg [dreg:$0xe]  }
0x47: {  	[spmem:s23] =	stream.linear.scatter [tilespmem:s0], [sflag:$0x9], $0x1400, $0x38;
	[tilespmem:$0x1DA00] =	vst v63  }
0x48: {  	s25 =	rddreg [dreg:$0xf]  }
0x49: {  	[spmem:s25] =	stream.linear.scatter [tilespmem:s0], [sflag:$0x9], $0x1400, $0x38;
	[tilespmem:$0x1DA00] =	vst v63  }
0x4a: {  	s30 =	rddreg [dreg:$0x10]  }
0x4b: {  	[spmem:s30] =	stream.linear.scatter [tilespmem:s0], [sflag:$0x9], $0x1400, $0x38;
	[tilespmem:$0x1DA00] =	vst v63  }
0x4c: {  	s31 =	rddreg [dreg:$0x11]  }
0x4d: {  	[spmem:s31] =	stream.linear.scatter [tilespmem:s0], [sflag:$0x9], $0x1400, $0x38;
	[tilespmem:$0x1DA00] =	vst v63  }
0x4e: {  	s23 =	rddreg [dreg:$0x12]  }
0x4f: {  	[spmem:s23] =	stream.linear.scatter [tilespmem:s0], [sflag:$0x9], $0x1400, $0x38;
	[tilespmem:$0x1DA00] =	vst v63  }
0x50: {  	s25 =	rddreg [dreg:$0x13]  }
0x51: {  	[spmem:s25] =	stream.linear.scatter [tilespmem:s0], [sflag:$0x9], $0x1400, $0x38;
	[tilespmem:$0x1DA00] =	vst v63  }
0x52: {  	_ = 	snop  }
0x53: {  	[spmem:s26] =	stream.linear.scatter [tilespmem:s0], [sflag:$0x9], $0x1400, $0x38;
	[tilespmem:$0x1DA00] =	vst v63  }
0x54: {  	_ = 	snop  }
0x55: {  	[spmem:s28] =	stream.linear.scatter [tilespmem:s0], [sflag:$0x9], $0x1400, $0x38;
	[tilespmem:$0x1DA00] =	vst v63  }
0x56: {  	s21 =	simm.s32 @!p0 $0x18800;
	s23 =	rddreg [dreg:$0x5]  }
0x57: {  	[spmem:s23] =	stream.linear.scatter @!p0 [tilespmem:s21], [sflag:$0x9], $0x1400, $0x38;
	[tilespmem:$0x1DA00] =	vst v63  }
0x58: {  	_ =	swait.ge [sflag:s1], $0x1400  }
0x59: {  	[sflag:s1] =	ssyncset.done $0x0  }
0x5a: {  	[sflag:s1] =	ssyncadd.s32 $0xFFFFEC00  }
0x5b: {  	_ =	swait.ge [sflag:s1], $0x1400  }
0x5c: {  	[sflag:s1] =	ssyncset.done $0x0  }
0x5d: {  	[sflag:s1] =	ssyncadd.s32 $0xFFFFEC00  }
0x5e: {  	_ =	swait.ge [sflag:s1], $0x1400  }
0x5f: {  	[sflag:s1] =	ssyncset.done $0x0  }
0x60: {  	[sflag:s1] =	ssyncadd.s32 $0xFFFFEC00  }
0x61: {  	_ =	swait.ge [sflag:s1], $0x1400  }
0x62: {  	[sflag:s1] =	ssyncset.done $0x0  }
0x63: {  	[sflag:s1] =	ssyncadd.s32 $0xFFFFEC00  }
0x64: {  	_ =	swait.ge [sflag:s1], $0x1400  }
0x65: {  	[sflag:s1] =	ssyncset.done $0x0  }
0x66: {  	[sflag:s1] =	ssyncadd.s32 $0xFFFFEC00  }
0x67: {  	_ =	swait.ge [sflag:s1], $0x1400  }
0x68: {  	[sflag:s1] =	ssyncset.done $0x0  }
0x69: {  	[sflag:s1] =	ssyncadd.s32 $0xFFFFEC00  }
0x6a: {  	_ =	swait.ge [sflag:s1], $0x1400  }
0x6b: {  	[sflag:s1] =	ssyncset.done $0x0  }
0x6c: {  	[sflag:s1] =	ssyncadd.s32 $0xFFFFEC00  }
0x6d: {  	_ =	swait.ge [sflag:s1], $0x1400  }
0x6e: {  	[sflag:s1] =	ssyncset.done $0x0  }
0x6f: {  	[sflag:s1] =	ssyncadd.s32 $0xFFFFEC00  }
0x70: {  	_ =	swait.ge [sflag:s1], $0x1400  }
0x71: {  	[sflag:s1] =	ssyncset.done $0x0  }
0x72: {  	[sflag:s1] =	ssyncadd.s32 $0xFFFFEC00  }
0x73: {  	_ =	swait.ge [sflag:s1], $0x1400  }
0x74: {  	[sflag:s1] =	ssyncset.done $0x0  }
0x75: {  	[sflag:s1] =	ssyncadd.s32 $0xFFFFEC00  }
0x76: {  	_ =	swait.ge [sflag:s1], $0x1400  }
0x77: {  	[sflag:s1] =	ssyncset.done $0x0  }
0x78: {  	[sflag:s1] =	ssyncadd.s32 $0xFFFFEC00  }
0x79: {  	_ =	swait.ge [sflag:s1], $0x1400  }
0x7a: {  	[sflag:s1] =	ssyncset.done $0x0  }
0x7b: {  	[sflag:s1] =	ssyncadd.s32 $0xFFFFEC00  }
0x7c: {  	_ =	swait.ge [sflag:s1], $0x1400  }
0x7d: {  	[sflag:s1] =	ssyncset.done $0x0  }
0x7e: {  	[sflag:s1] =	ssyncadd.s32 $0xFFFFEC00  }
0x7f: {  	_ =	swait.ge [sflag:s1], $0x1400  }
0x80: {  	[sflag:s1] =	ssyncset.done $0x0  }
0x81: {  	[sflag:s1] =	ssyncadd.s32 $0xFFFFEC00  }
0x82: {  	_ =	swait.ge [sflag:s1], $0x1400  }
0x83: {  	[sflag:s1] =	ssyncset.done $0x0  }
0x84: {  	s21 =	simm.s32 @!p0 $0x9;
	[sflag:s1] =	ssyncadd.s32 $0xFFFFEC00  }
0x85: {  	_ =	swait.ge @!p0 [sflag:s21], $0x1400  }
0x86: {  	[sflag:s21] =	ssyncset.done @!p0 $0x0  }
0x87: {  	[sflag:s21] =	ssyncadd.s32 @!p0 $0xFFFFEC00  }
0x88: {  	_ =	swait.ge [sflag:s5], $0x2780  }
0x89: {  	[sflag:s5] =	ssyncset.done $0x0  }
0x8a: {  	[sflag:s5] =	ssyncadd.s32 $0xFFFFD880  }
0x8b: {  	_ =	swait.ge [sflag:s6], $0x2780  }
0x8c: {  	[sflag:s6] =	ssyncset.done $0x0  }
0x8d: {  	[sflag:s6] =	ssyncadd.s32 $0xFFFFD880  }
0x8e: {  	[bflag:$0x0] =	sbarrier.arrive $0xFFFF  }
0x8f: {  	[tilespmem:s0], [sflag:$0x1] =	stream.indirect.gather [hbm4b:s4+s8], $0x80, s29, s8, $0xb8;
	[tilespmem:$0x1DA00] =	vst v63  }
0x90: {  	v1 =	vld [tilespmem:$0x16080]  }
0x91: {  	v2 =	vld [tilespmem:$0x16090]  }
0x92: {  	v3 =	vld [tilespmem:$0x16098];
	_ =	sdelay $0x2  }
0x93: {  	[tilespmem:$0x1D800] =	vst v1  }
0x94: {  	[tilespmem:$0x1D810] =	vst v2  }
0x95: {  	s30 =	simm.s32 $0x13928;
	[tilespmem:$0x1D818] =	vst v3  }
0x96: {  	[tilespmem:s9], [sflag:$0x2] =	stream.indirect.gather [hbm4b:s4+s8], $0x80, s30, s8, $0xb8;
	[tilespmem:$0x1DA00] =	vst v63  }
0x97: {  	v1 =	vld [tilespmem:$0x160A8]  }
0x98: {  	v2 =	vld [tilespmem:$0x160B8]  }
0x99: {  	v3 =	vld [tilespmem:$0x160C0];
	_ =	sdelay $0x2  }
0x9a: {  	[tilespmem:$0x1D880] =	vst v1  }
0x9b: {  	[tilespmem:$0x1D890] =	vst v2  }
0x9c: {  	s31 =	simm.s32 $0x13950;
	[tilespmem:$0x1D898] =	vst v3  }
0x9d: {  	[tilespmem:s10], [sflag:$0x3] =	stream.indirect.gather [hbm4b:s4+s8], $0x80, s31, s8, $0xb8;
	[tilespmem:$0x1DA00] =	vst v63  }
0x9e: {  	v1 =	vld [tilespmem:$0x160D0]  }
0x9f: {  	v2 =	vld [tilespmem:$0x160E0]  }
0xa0: {  	v3 =	vld [tilespmem:$0x160E8];
	_ =	sdelay $0x2  }
0xa1: {  	[tilespmem:$0x1D900] =	vst v1  }
0xa2: {  	[tilespmem:$0x1D910] =	vst v2  }
0xa3: {  	s21 =	simm.s32 $0x0;
	[tilespmem:$0x1D918] =	vst v3  }
.LBB2_4:
0xa4: {  	_ =	swait.ge [sflag:s5], $0x1400  }
0xa5: {  	p1 =	seq.s32 s21, $0x0;
	[sflag:s5] =	ssyncset.done $0x0  }
0xa6: {  	s29 =	simm.s32 @!p1 $0x8;
	[sflag:s5] =	ssyncadd.s32 $0xFFFFEC00  }
0xa7: {  	[spmem:s2] =	stream.indirect.scatter.add.f32 [tilespmem:s0], [sflag:$0x5], $0x80, s11, s8, $0xb8;
	[tilespmem:$0x1DA00] =	vst v63  }
0xa8: {  	_ =	swait.ge @!p1 [sflag:s29], $0x1400  }
0xa9: {  	s23 =	sshra.s32 s21, $0x2;
	[sflag:s29] =	ssyncset.done @!p1 $0x0  }
0xaa: {  	s31 =	sadd.s32 $0x13978, s23;
	[sflag:s29] =	ssyncadd.s32 @!p1 $0xFFFFEC00  }
0xab: {  	[tilespmem:s12], [sflag:$0x4] =	stream.indirect.gather [hbm4b:s4+s8], $0x80, s31, s8, $0xb8;
	[tilespmem:$0x1DA00] =	vst v63  }
0xac: {  	v1 =	vld [tilespmem:s23+$0x160F8];
	_ =	sdelay $0x4  }
0xad: {  	[tilespmem:$0x1D980] =	vst v1  }
0xae: {  	v1 =	vld [tilespmem:s23+$0x16108];
	_ =	sdelay $0x4  }
0xaf: {  	[tilespmem:$0x1D990] =	vst v1  }
0xb0: {  	v1 =	vld [tilespmem:s23+$0x16110];
	_ =	sdelay $0x4  }
0xb1: {  	[tilespmem:$0x1D998] =	vst v1  }
0xb2: {  	_ =	swait.ge [sflag:s6], $0x1400  }
0xb3: {  	p1 =	seq.s32 s21, $0x9B00;
	[sflag:s6] =	ssyncset.done $0x0  }
0xb4: {  	s29 =	simm.s32 @p1 $0x3;
	[sflag:s6] =	ssyncadd.s32 $0xFFFFEC00  }
0xb5: {  	[spmem:s2] =	stream.indirect.scatter.add.f32 [tilespmem:s9], [sflag:$0x6], $0x80, s13, s8, $0xb8;
	[tilespmem:$0x1DA00] =	vst v63  }
0xb6: {  	_ =	swait.ge @p1 [sflag:s29], $0x1400  }
0xb7: {  	s30 =	simm.s32 @p1 $0x1D900;
	[sflag:s29] =	ssyncset.done @p1 $0x0  }
0xb8: {  	s31 =	simm.s32 @p1 $0x1B000;
	[sflag:s29] =	ssyncadd.s32 @p1 $0xFFFFEC00;
	s29 =	simm.s32 @p1 $0x28  }
0xb9: {  	[spmem:s2] =	stream.indirect.scatter.add.f32 @p1 [tilespmem:s31], [sflag:$0x7], $0x80, s30, s29, $0xb8;
	[tilespmem:$0x1DA00] =	vst v63  }
0xba: {  	s29 =	simm.s32 @!p1 $0x5  }
0xbb: {  	_ =	swait.ge @!p1 [sflag:s29], $0x1400  }
0xbc: {  	[sflag:s29] =	ssyncset.done @!p1 $0x0  }
0xbd: {  	[sflag:s29] =	ssyncadd.s32 @!p1 $0xFFFFEC00;
	s29 =	sshra.s32 @!p1 s21, $0x2  }
0xbe: {  	s25 =	simm.s32 @!p1 $0x18800;
	s31 =	simm.s32 @!p1 $0x28;
	s30 =	sadd.s32 @!p1 $0x139A0, s29  }
0xbf: {  	[tilespmem:s25], [sflag:$0x1] =	stream.indirect.gather @!p1 [hbm4b:s4+s31], $0x80, s30, s31, $0xb8;
	[tilespmem:$0x1DA00] =	vst v63  }
0xc0: {  	v1 =	vld @!p1 [tilespmem:s29+$0x16120];
	_ =	sdelay $0x4  }
0xc1: {  	[tilespmem:$0x1D800] =	vst @!p1 v1  }
0xc2: {  	v1 =	vld @!p1 [tilespmem:s29+$0x16130];
	_ =	sdelay $0x4  }
0xc3: {  	[tilespmem:$0x1D810] =	vst @!p1 v1  }
0xc4: {  	v1 =	vld @!p1 [tilespmem:s29+$0x16138];
	_ =	sdelay $0x4  }
0xc5: {  	s25 =	simm.s32 @!p1 $0x3;
	[tilespmem:$0x1D818] =	vst @!p1 v1  }
0xc6: {  	_ =	swait.ge @!p1 [sflag:s25], $0x1400  }
0xc7: {  	[sflag:s25] =	ssyncset.done @!p1 $0x0  }
0xc8: {  	s30 =	simm.s32 @!p1 $0x1B000;
	[sflag:s25] =	ssyncadd.s32 @!p1 $0xFFFFEC00;
	s25 =	simm.s32 @!p1 $0x1D900  }
0xc9: {  	[spmem:s2] =	stream.indirect.scatter.add.f32 @!p1 [tilespmem:s30], [sflag:$0x7], $0x80, s25, s31, $0xb8;
	[tilespmem:$0x1DA00] =	vst v63  }
0xca: {  	s25 =	simm.s32 @!p1 $0x6  }
0xcb: {  	_ =	swait.ge @!p1 [sflag:s25], $0x1400  }
0xcc: {  	[sflag:s25] =	ssyncset.done @!p1 $0x0  }
0xcd: {  	s30 =	simm.s32 @!p1 $0x19C00;
	[sflag:s25] =	ssyncadd.s32 @!p1 $0xFFFFEC00;
	s25 =	sadd.s32 @!p1 $0x139C8, s29  }
0xce: {  	[tilespmem:s30], [sflag:$0x2] =	stream.indirect.gather @!p1 [hbm4b:s4+s31], $0x80, s25, s31, $0xb8;
	[tilespmem:$0x1DA00] =	vst v63  }
0xcf: {  	v1 =	vld @!p1 [tilespmem:s29+$0x16148];
	_ =	sdelay $0x4  }
0xd0: {  	[tilespmem:$0x1D880] =	vst @!p1 v1  }
0xd1: {  	v1 =	vld @!p1 [tilespmem:s29+$0x16158];
	_ =	sdelay $0x4  }
0xd2: {  	[tilespmem:$0x1D890] =	vst @!p1 v1  }
0xd3: {  	v1 =	vld @!p1 [tilespmem:s29+$0x16160];
	_ =	sdelay $0x4  }
.Ltmp1:
0xd4: {  	[tilespmem:$0x1D898] =	vst @!p1 v1;
	(pc) =	sbr.rel @p1 .LBB2_6-.Ltmp1, $4  }
0xd5: {  	_ =	swait.ge [sflag:s14], $0x1400  }
0xd6: {  	[sflag:s14] =	ssyncset.done $0x0  }
0xd7: {  	[sflag:s14] =	ssyncadd.s32 $0xFFFFEC00  }
0xd8: {  	[spmem:s2] =	stream.indirect.scatter.add.f32 [tilespmem:s12], [sflag:$0x8], $0x80, s15, s8, $0xb8;
	[tilespmem:$0x1DA00] =	vst v63  }
0xd9: {  	_ =	swait.ge [sflag:s18], $0x1400  }
0xda: {  	[sflag:s18] =	ssyncset.done $0x0  }
0xdb: {  	s25 =	sadd.s32 $0x139F0, s23;
	[sflag:s18] =	ssyncadd.s32 $0xFFFFEC00  }
0xdc: {  	[tilespmem:s10], [sflag:$0x3] =	stream.indirect.gather [hbm4b:s4+s8], $0x80, s25, s8, $0xb8;
	[tilespmem:$0x1DA00] =	vst v63  }
0xdd: {  	v1 =	vld [tilespmem:s23+$0x16170];
	_ =	sdelay $0x4  }
0xde: {  	[tilespmem:$0x1D900] =	vst v1  }
0xdf: {  	v1 =	vld [tilespmem:s23+$0x16180];
	_ =	sdelay $0x4  }
0xe0: {  	[tilespmem:$0x1D910] =	vst v1  }
0xe1: {  	v1 =	vld [tilespmem:s23+$0x16188]  }
.Ltmp2:
0xe2: {  	_ = 	snop;
	(pc) =	sbr.rel .LBB2_4-.Ltmp2, $2  }
0xe3: {  	_ =	sdelay $0x2  }
0xe4: {  	s21 =	sadd.s32 $0x280, s21;
	[tilespmem:$0x1D918] =	vst v1  }
.LBB2_6:
0xe5: {  	_ =	swait.ge [sflag:s16], $0x1400  }
0xe6: {  	[sflag:s16] =	ssyncset.done $0x0  }
0xe7: {  	[sflag:s16] =	ssyncadd.s32 $0xFFFFEC00  }
0xe8: {  	_ =	swait.ge [sflag:s17], $0x1400  }
0xe9: {  	[sflag:s17] =	ssyncset.done $0x0  }
0xea: {  	[sflag:s17] =	ssyncadd.s32 $0xFFFFEC00  }
0xeb: {  	_ =	swait.ge [sflag:s18], $0x1400  }
0xec: {  	[sflag:s18] =	ssyncset.done $0x0  }
0xed: {  	[sflag:s18] =	ssyncadd.s32 $0xFFFFEC00  }
0xee: {  	s21 =	simm.s32 $0x280;
	_ =	swait.ge [sflag:s19], $0x1400  }
0xef: {  	s23 =	stileid.u32;
	s29 =	sadd.s32 $0x1400, s24;
	[sflag:s19] =	ssyncset.done $0x0  }
0xf0: {  	s30 =	sadd.s32 $0x0, s22;
	s23 =	sshll.u32 s23, $0x6;
	[sflag:s19] =	ssyncadd.s32 $0xFFFFEC00  }
0xf1: {  	s31 =	sshrl.u32 s24, $0x3;
	s23 =	sor.u32 $0x1C0A, s23;
	[bflag:$0x0] =	sbarrier.arrive $0xFFFF  }
.LBB2_7:
0xf2: {  	[hbm:s30], [sflag:s23] =	dma.local [spmem:s31], $0x280  }
0xf3: {  	s25 =	smov.u32 s21;
	s31 =	smov.u32 s29;
	p1 =	sne.s32 s21, $0x2300  }
.Ltmp3:
0xf4: {  	s21 =	sadd.s32 $0x280, s21;
	(pc) =	sbr.rel @p1 .LBB2_7-.Ltmp3, $3  }
0xf5: {  	_ =	sdelay $0x1  }
0xf6: {  	s29 =	sadd.s32 $0x1400, s29  }
0xf7: {  	s30 =	sadd.s32 s25, s22;
	s31 =	sshrl.u32 s31, $0x3  }
0xf8: {  	[hbm:s30], [sflag:s23] =	dma.local [spmem:s31], $0x280  }
0xf9: {  	s21 =	rddreg [dreg:$0x6]  }
0xfa: {  	s25 =	rddreg [dreg:$0x14]  }
0xfb: {  	[hbm:s21], [sflag:s23] =	dma.local @!p0 [spmem:s25], $0x280  }
0xfc: {  	_ =	swait.ge [sflag:s20], $0x280  }
0xfd: {  	[sflag:s20] =	ssyncset.done $0x0  }
0xfe: {  	[sflag:s20] =	ssyncadd.s32 $0xFFFFFD80  }
0xff: {  	_ =	swait.ge [sflag:s20], $0x280  }
0x100: {  	[sflag:s20] =	ssyncset.done $0x0  }
0x101: {  	[sflag:s20] =	ssyncadd.s32 $0xFFFFFD80  }
0x102: {  	_ =	swait.ge [sflag:s20], $0x280  }
0x103: {  	[sflag:s20] =	ssyncset.done $0x0  }
0x104: {  	[sflag:s20] =	ssyncadd.s32 $0xFFFFFD80  }
0x105: {  	_ =	swait.ge [sflag:s20], $0x280  }
0x106: {  	[sflag:s20] =	ssyncset.done $0x0  }
0x107: {  	[sflag:s20] =	ssyncadd.s32 $0xFFFFFD80  }
0x108: {  	_ =	swait.ge [sflag:s20], $0x280  }
0x109: {  	[sflag:s20] =	ssyncset.done $0x0  }
0x10a: {  	[sflag:s20] =	ssyncadd.s32 $0xFFFFFD80  }
0x10b: {  	_ =	swait.ge [sflag:s20], $0x280  }
0x10c: {  	[sflag:s20] =	ssyncset.done $0x0  }
0x10d: {  	[sflag:s20] =	ssyncadd.s32 $0xFFFFFD80  }
0x10e: {  	_ =	swait.ge [sflag:s20], $0x280  }
0x10f: {  	[sflag:s20] =	ssyncset.done $0x0  }
0x110: {  	[sflag:s20] =	ssyncadd.s32 $0xFFFFFD80  }
0x111: {  	_ =	swait.ge [sflag:s20], $0x280  }
0x112: {  	[sflag:s20] =	ssyncset.done $0x0  }
0x113: {  	[sflag:s20] =	ssyncadd.s32 $0xFFFFFD80  }
0x114: {  	_ =	swait.ge [sflag:s20], $0x280  }
0x115: {  	[sflag:s20] =	ssyncset.done $0x0  }
0x116: {  	[sflag:s20] =	ssyncadd.s32 $0xFFFFFD80  }
0x117: {  	_ =	swait.ge [sflag:s20], $0x280  }
0x118: {  	[sflag:s20] =	ssyncset.done $0x0  }
0x119: {  	[sflag:s20] =	ssyncadd.s32 $0xFFFFFD80  }
0x11a: {  	_ =	swait.ge [sflag:s20], $0x280  }
0x11b: {  	[sflag:s20] =	ssyncset.done $0x0  }
0x11c: {  	[sflag:s20] =	ssyncadd.s32 $0xFFFFFD80  }
0x11d: {  	_ =	swait.ge [sflag:s20], $0x280  }
0x11e: {  	[sflag:s20] =	ssyncset.done $0x0  }
0x11f: {  	[sflag:s20] =	ssyncadd.s32 $0xFFFFFD80  }
0x120: {  	_ =	swait.ge [sflag:s20], $0x280  }
0x121: {  	[sflag:s20] =	ssyncset.done $0x0  }
0x122: {  	[sflag:s20] =	ssyncadd.s32 $0xFFFFFD80  }
0x123: {  	_ =	swait.ge [sflag:s20], $0x280  }
0x124: {  	[sflag:s20] =	ssyncset.done $0x0  }
0x125: {  	[sflag:s20] =	ssyncadd.s32 $0xFFFFFD80  }
0x126: {  	_ =	swait.ge [sflag:s20], $0x280  }
0x127: {  	[sflag:s20] =	ssyncset.done $0x0  }
0x128: {  	s21 =	simm.s32 @!p0 $0xA;
	[sflag:s20] =	ssyncadd.s32 $0xFFFFFD80  }
0x129: {  	_ =	swait.ge @!p0 [sflag:s21], $0x280  }
0x12a: {  	s3 =	sadd.s32 $0x1, s3;
	s31 =	rddreg [dreg:$0x7]  }
0x12b: {  	p1 =	sne.s32 s3, s31  }
.Ltmp4:
0x12c: {  	_ = 	snop;
	(pc) =	sbr.rel @p1 .LBB2_1-.Ltmp4, $3  }
0x12d: {  	_ =	sdelay $0x1  }
0x12e: {  	[sflag:s21] =	ssyncset.done @!p0 $0x0  }
0x12f: {  	s29 =	simm.s32 $0x13900;
	[sflag:s21] =	ssyncadd.s32 @!p0 $0xFFFFFD80  }
0x130: {  	_ =	sfence.sel $0x180000  }
0x131: {  	[bflag:$0x0] =	sbarrier.arrive $0xFFFF  }
0x132: {  	_ =	strace $0x90000053  }
0x133: {  	s0 =	stileid.u32;
	[bflag:$0x2] =	sbarrier.arrive $0xFFFF  }
0x134: {  	p0 =	sne.s32 s0, $0x0;
	s0 =	rddreg [dreg:$0x2]  }
0x135: {  	s0 =	sadd.s32 @!p0 $0x100000, s0  }
0x136: {  	[sflag:s0] =	ssyncadd.tile.s32 @!p0 $0x1;
	_ =	shalt  }
.Lfunc_end2:
_tile_overlayer_lowered:
.L_overlay_start_2:
0x137: {  	(tag) =	ssettag $0x2  }
0x138: {  	s0 =	rddreg [dreg:$0x0];
	s2 =	stileid.u32  }
0x139: {  	s1 =	rddreg [dreg:$0x1];
	p0 =	sne.s32 s2, $0x0  }
0x13a: {  	s3 =	rddreg [dreg:$0x2];
	[bflag:$0x3] =	sbarrier.arrive $0xFFFF;
	s2 =	simm.s32 @!p0 $0x1C0B  }
0x13b: {  	[timem:s3], [sflag:s2] =	dma.local @!p0 [hbm:s0], s1  }
0x13c: {  	s0 =	simm.s32 @!p0 $0xB  }
0x13d: {  	_ =	swait.ge @!p0 [sflag:s0], s1  }
0x13e: {  	s1 =	ssub.s32 @!p0 $0x0, s1;
	[sflag:s0] =	ssyncset.done @!p0 $0x0  }
0x13f: {  	[sflag:s0] =	ssyncadd.s32 @!p0 s1  }
0x140: {  	[bflag:$0x3] =	sbarrier.arrive $0xFFFF  }
0x141: {  	_ =	shalt  }

</sc_bundles>
